<compile_context>
chip_gen: v7x
topology: tpu7x:2x2x1
jax: 0.10.2.dev20260603
libtpu: 0.0.44.dev20260713+nightly
codegen_flags: <defaults>
</compile_context>

<pallas_src>
import functools

import jax
import jax.numpy as jnp
from jax import lax
from jax.experimental import pallas as pl
from jax.experimental.pallas import tpu as pltpu
from jax.experimental.pallas import tpu_sc as plsc

N = 10000
E = 320000
D = 128
H = 64

NC = 2
NS = 16
NW = NC * NS

NPAD = 10240
SLICE = NPAD // NS
CB = 128
CHUNKS = 80
EPW = CHUNKS * CB
EPAD = NW * EPW
NB = 8

R = 2048


def _mesh():
    return plsc.VectorSubcoreMesh(core_axis_name="c", subcore_axis_name="s")



def _sc_deg(dst3, ones_h, zeros_h):

    @functools.partial(
        pl.kernel,
        out_type=jax.ShapeDtypeStruct((NC, NPAD), jnp.float32),
        mesh=_mesh(),
        compiler_params=pltpu.CompilerParams(use_tc_tiling_on_sc=False),
        scratch_types=[
            pltpu.VMEM((CHUNKS + 1, CB), jnp.int32),
            pltpu.VMEM((CB,), jnp.float32),
            pltpu.VMEM((SLICE,), jnp.float32),
            pltpu.VMEM_SHARED((NPAD,), jnp.float32),
            pltpu.SemaphoreType.DMA,
        ],
    )
    def k(dst_h, ones_hbm, zeros_hbm, out_h, dst_v, ones_v, zbuf, acc_sh,
          ssem):
        cid = lax.axis_index("c")
        sid = lax.axis_index("s")
        wid = cid * NS + sid
        pltpu.sync_copy(dst_h.at[wid], dst_v)
        pltpu.sync_copy(ones_hbm, ones_v)
        pltpu.sync_copy(zeros_hbm, zbuf)
        pltpu.sync_copy(zbuf, acc_sh.at[pl.ds(sid * SLICE, SLICE)])
        plsc.subcore_barrier()

        zrows = zbuf.at[pl.ds(0, CB)]
        for _ in range(8):
            pltpu.async_copy(zrows, acc_sh.at[dst_v.at[0]], ssem, add=True)

        def body(j, carry):
            pltpu.async_copy(ones_v, acc_sh.at[dst_v.at[j]], ssem, add=True)
            pltpu.make_async_copy(
                zrows, acc_sh.at[dst_v.at[0]], ssem).wait()
            return carry

        lax.fori_loop(0, CHUNKS, body, 0)
        for _ in range(8):
            pltpu.make_async_copy(
                zrows, acc_sh.at[dst_v.at[0]], ssem).wait()
        plsc.subcore_barrier()
        pltpu.sync_copy(acc_sh.at[pl.ds(sid * SLICE, SLICE)], zbuf)
        pltpu.sync_copy(zbuf, out_h.at[cid, pl.ds(sid * SLICE, SLICE)])

    return k(dst3, ones_h, zeros_h)


def _agg_schedule(tbl_h, src_v, dst_v, bufs, zrows, acc_sh, gsem, ssem,
                  nbuf, look):
    lag = nbuf - look
    for b in range(look):
        pltpu.async_copy(tbl_h.at[src_v.at[b]], bufs.at[b], gsem)
    for _ in range(lag):
        pltpu.async_copy(zrows, acc_sh.at[dst_v.at[CHUNKS]], ssem, add=True)

    def body(g, carry):
        for b in range(nbuf):
            j = g * nbuf + b
            pltpu.make_async_copy(
                tbl_h.at[src_v.at[j]], bufs.at[b], gsem).wait()
            pltpu.async_copy(bufs.at[b], acc_sh.at[dst_v.at[j]], ssem,
                             add=True)
            bb = (b + look) % nbuf
            pltpu.make_async_copy(
                zrows, acc_sh.at[dst_v.at[CHUNKS]], ssem).wait()
            pltpu.async_copy(tbl_h.at[src_v.at[j + look]], bufs.at[bb], gsem)
        return carry

    lax.fori_loop(0, CHUNKS // nbuf, body, 0)
    for b in range(look):
        pltpu.make_async_copy(
            tbl_h.at[src_v.at[CHUNKS]], bufs.at[b], gsem).wait()
    for _ in range(lag):
        pltpu.make_async_copy(
            zrows, acc_sh.at[dst_v.at[CHUNKS]], ssem).wait()


def _sc_agg_rows(y_pad, src3, dst3, zeros_h):

    @functools.partial(
        pl.kernel,
        out_type=jax.ShapeDtypeStruct((NC, NPAD, H), jnp.float32),
        mesh=_mesh(),
        compiler_params=pltpu.CompilerParams(use_tc_tiling_on_sc=False),
        scratch_types=[
            pltpu.VMEM((CHUNKS + 8, CB), jnp.int32),
            pltpu.VMEM((CHUNKS + 1, CB), jnp.int32),
            pltpu.VMEM((5, CB, H), jnp.float32),
            pltpu.VMEM((SLICE // 2, H), jnp.float32),
            pltpu.VMEM_SHARED((NPAD, H), jnp.float32),
            pltpu.SemaphoreType.DMA,
            pltpu.SemaphoreType.DMA,
        ],
    )
    def k(y_h, src_h, dst_h, zeros_hbm, out_h,
          src_v, dst_v, rows_v, zbuf, acc_sh, gsem, ssem):
        cid = lax.axis_index("c")
        sid = lax.axis_index("s")
        wid = cid * NS + sid
        pltpu.sync_copy(src_h.at[wid], src_v)
        pltpu.sync_copy(dst_h.at[wid], dst_v)
        pltpu.sync_copy(zeros_hbm, zbuf)
        half = SLICE // 2
        pltpu.sync_copy(zbuf, acc_sh.at[pl.ds(sid * SLICE, half)])
        pltpu.sync_copy(zbuf, acc_sh.at[pl.ds(sid * SLICE + half, half)])
        plsc.subcore_barrier()

        _agg_schedule(y_h, src_v, dst_v, rows_v, zbuf.at[pl.ds(0, CB)],
                      acc_sh, gsem, ssem, nbuf=5, look=3)

        plsc.subcore_barrier()
        pltpu.sync_copy(acc_sh.at[pl.ds(sid * SLICE, half)], zbuf)
        pltpu.sync_copy(zbuf, out_h.at[cid, pl.ds(sid * SLICE, half)])
        pltpu.sync_copy(acc_sh.at[pl.ds(sid * SLICE + half, half)], zbuf)
        pltpu.sync_copy(zbuf, out_h.at[cid, pl.ds(sid * SLICE + half, half)])

    return k(y_pad, src3, dst3, zeros_h)


def _sc_agg_scalar(z_pad, src3, dst3, zeros_h):

    @functools.partial(
        pl.kernel,
        out_type=jax.ShapeDtypeStruct((NC, NPAD), jnp.float32),
        mesh=_mesh(),
        compiler_params=pltpu.CompilerParams(use_tc_tiling_on_sc=False),
        scratch_types=[
            pltpu.VMEM((CHUNKS + 8, CB), jnp.int32),
            pltpu.VMEM((CHUNKS + 1, CB), jnp.int32),
            pltpu.VMEM((16, CB), jnp.float32),
            pltpu.VMEM((SLICE,), jnp.float32),
            pltpu.VMEM_SHARED((NPAD,), jnp.float32),
            pltpu.SemaphoreType.DMA,
            pltpu.SemaphoreType.DMA,
        ],
    )
    def k(z_h, src_h, dst_h, zeros_hbm, out_h,
          src_v, dst_v, vals_v, zbuf, acc_sh, gsem, ssem):
        cid = lax.axis_index("c")
        sid = lax.axis_index("s")
        wid = cid * NS + sid
        pltpu.sync_copy(src_h.at[wid], src_v)
        pltpu.sync_copy(dst_h.at[wid], dst_v)
        pltpu.sync_copy(zeros_hbm, zbuf)
        pltpu.sync_copy(zbuf, acc_sh.at[pl.ds(sid * SLICE, SLICE)])
        plsc.subcore_barrier()

        _agg_schedule(z_h, src_v, dst_v, vals_v, zbuf.at[pl.ds(0, CB)],
                      acc_sh, gsem, ssem, nbuf=16, look=8)

        plsc.subcore_barrier()
        pltpu.sync_copy(acc_sh.at[pl.ds(sid * SLICE, SLICE)], zbuf)
        pltpu.sync_copy(zbuf, out_h.at[cid, pl.ds(sid * SLICE, SLICE)])

    return k(z_pad, src3, dst3, zeros_h)



def _tc_a_body(x_ref, w_ref, p_ref, y_ref, dis_ref):
    deg = p_ref[:, 0:1] + p_ref[:, 1:2] + 1.0
    dis = lax.rsqrt(deg)
    xw = jnp.dot(x_ref[...], w_ref[...], preferred_element_type=jnp.float32)
    y_ref[...] = xw * dis
    dis_ref[...] = dis


def _tc_a(x_pad, W1, pT):
    return pl.pallas_call(
        _tc_a_body,
        grid=(NPAD // R,),
        in_specs=[
            pl.BlockSpec((R, D), lambda i: (i, 0)),
            pl.BlockSpec((D, H), lambda i: (0, 0)),
            pl.BlockSpec((R, NC), lambda i: (i, 0)),
        ],
        out_specs=[
            pl.BlockSpec((R, H), lambda i: (i, 0)),
            pl.BlockSpec((R, 1), lambda i: (i, 0)),
        ],
        out_shape=[
            jax.ShapeDtypeStruct((NPAD, H), jnp.float32),
            jax.ShapeDtypeStruct((NPAD, 1), jnp.float32),
        ],
    )(x_pad, W1, pT)


def _tc_b_body(a_ref, y_ref, dis_ref, w2_ref, b1_ref, z_ref):
    s = a_ref[0] + a_ref[1] + y_ref[...]
    dis = dis_ref[...]
    h = jnp.maximum(dis * s + b1_ref[...], 0.0)
    z_ref[...] = dis * jnp.dot(h, w2_ref[...],
                               preferred_element_type=jnp.float32)


def _tc_b(acc1, y, dis, W2, b1r):
    return pl.pallas_call(
        _tc_b_body,
        grid=(NPAD // R,),
        in_specs=[
            pl.BlockSpec((NC, R, H), lambda i: (0, i, 0)),
            pl.BlockSpec((R, H), lambda i: (i, 0)),
            pl.BlockSpec((R, 1), lambda i: (i, 0)),
            pl.BlockSpec((H, 1), lambda i: (0, 0)),
            pl.BlockSpec((1, H), lambda i: (0, 0)),
        ],
        out_specs=pl.BlockSpec((R, 1), lambda i: (i, 0)),
        out_shape=jax.ShapeDtypeStruct((NPAD, 1), jnp.float32),
    )(acc1, y, dis, W2, b1r)


def _tc_c_body(aT_ref, z_ref, dis_ref, b2_ref, out_ref):
    s = aT_ref[:, 0:1] + aT_ref[:, 1:2] + z_ref[...]
    out_ref[...] = dis_ref[...] * s + b2_ref[...]


def _tc_c(a2T, z, dis, b2r):
    return pl.pallas_call(
        _tc_c_body,
        grid=(NPAD // R,),
        in_specs=[
            pl.BlockSpec((R, NC), lambda i: (i, 0)),
            pl.BlockSpec((R, 1), lambda i: (i, 0)),
            pl.BlockSpec((R, 1), lambda i: (i, 0)),
            pl.BlockSpec((1, 1), lambda i: (0, 0)),
        ],
        out_specs=pl.BlockSpec((R, 1), lambda i: (i, 0)),
        out_shape=jax.ShapeDtypeStruct((NPAD, 1), jnp.float32),
    )(a2T, z, dis, b2r)



def kernel(x, edge_index, W1, b1, W2, b2):
    src = edge_index[0].astype(jnp.int32)
    dst = edge_index[1].astype(jnp.int32)
    npd = NPAD - N
    pad = EPAD - E
    pad_idx = jnp.arange(pad, dtype=jnp.int32)
    src3 = jnp.concatenate([src, pad_idx % N]).reshape(NW, CHUNKS, CB)
    src3 = jnp.concatenate([src3, src3[:, :8, :]], axis=1)
    dst3 = jnp.concatenate([dst, N + pad_idx % npd]).reshape(NW, CHUNKS, CB)
    dummy_dst = jnp.broadcast_to(N + jnp.arange(CB, dtype=jnp.int32) % npd,
                                 (NW, 1, CB))
    dst3 = jnp.concatenate([dst3, dummy_dst], axis=1)

    ones_h = jnp.ones((CB,), jnp.float32)
    zeros1 = jnp.zeros((SLICE,), jnp.float32)
    zeros2 = jnp.zeros((SLICE // 2, H), jnp.float32)

    degp = _sc_deg(dst3, ones_h, zeros1)
    x_pad = jnp.pad(x, ((0, npd), (0, 0)))
    y, dis = _tc_a(x_pad, W1, degp.T)
    acc1 = _sc_agg_rows(y, src3, dst3, zeros2)
    z = _tc_b(acc1, y, dis, W2, b1.reshape(1, H))
    acc2 = _sc_agg_scalar(z.reshape(NPAD), src3, dst3, zeros1)
    out = _tc_c(acc2.T, z, dis, b2.reshape(1, 1))
    return out[:N]

# --- scband reference (transcript-rebuilt; emitter-appended) ---
"""Pipeline reference for scband-correlation-gnn-38130719653939 (READ-ONLY COPY).

The authoritative reference and input builder live on the scoring server;
editing this copy changes nothing except your own understanding.
"""

import jax, jax.numpy as jnp
import numpy as np

N_NODES = 10000
N_EDGES = 320000
D_FEAT = 128
HIDDEN = 64


def gcn_conv(x, edge_index, W, b):
    N = x.shape[0]
    src = edge_index[0]
    dst = edge_index[1]
    # add self loops (PyG GCNConv default add_self_loops=True)
    loop = jnp.arange(N, dtype=edge_index.dtype)
    src = jnp.concatenate([src, loop])
    dst = jnp.concatenate([dst, loop])
    # symmetric normalization D^{-1/2} (A+I) D^{-1/2}
    deg = jnp.zeros((N,), dtype=x.dtype).at[dst].add(1.0)
    deg_inv_sqrt = jnp.where(deg > 0, deg ** -0.5, 0.0)
    norm = deg_inv_sqrt[src] * deg_inv_sqrt[dst]
    # linear transform first (in_dim >= out_dim ordering as in PyG)
    xw = x @ W
    msgs = xw[src] * norm[:, None]
    out = jnp.zeros((N, W.shape[1]), dtype=x.dtype).at[dst].add(msgs)
    return out + b


def setup_inputs(seed: int = 0) -> dict:
    key = jax.random.key(seed)
    k_x, k_e, k_w1, k_b1, k_w2, k_b2 = jax.random.split(key, 6)
    x = jax.random.normal(k_x, (N_NODES, D_FEAT), dtype=jnp.float32)
    edge_index = jax.random.randint(k_e, (2, N_EDGES), 0, N_NODES, dtype=jnp.int64)
    # Glorot-style init for GCN weights, zeros for bias (PyG default)
    s1 = float(np.sqrt(6.0 / (D_FEAT + HIDDEN)))
    W1 = jax.random.uniform(k_w1, (D_FEAT, HIDDEN), dtype=jnp.float32, minval=-s1, maxval=s1)
    b1 = jnp.zeros((HIDDEN,), dtype=jnp.float32)
    s2 = float(np.sqrt(6.0 / (HIDDEN + 1)))
    W2 = jax.random.uniform(k_w2, (HIDDEN, 1), dtype=jnp.float32, minval=-s2, maxval=s2)
    b2 = jnp.zeros((1,), dtype=jnp.float32)
    return {"x": x, "edge_index": edge_index, "W1": W1, "b1": b1, "W2": W2, "b2": b2}


def reference(x, edge_index, W1, b1, W2, b2):
    h = gcn_conv(x, edge_index, W1, b1)
    h = jax.nn.relu(h)
    out = gcn_conv(h, edge_index, W2, b2)
    return out

if __name__ == "__main__":
    import jax
    _d = setup_inputs()
    print(jax.jit(kernel)(*tuple(_d.values())))

</pallas_src>

<mosaic_0001>
#map = affine_map<(d0, d1) -> (0)>
#map1 = affine_map<(d0, d1) -> (0, 0, 0)>
#map2 = affine_map<(d0, d1) -> (0, 0)>
module attributes {stable_mosaic.version = 14 : i64} {
  func.func @k(%arg0: i32, %arg1: i32, %arg2: memref<10240xf32, #tpu.memory_space<hbm>>, %arg3: memref<32x88x128xi32, #tpu.memory_space<hbm>>, %arg4: memref<32x81x128xi32, #tpu.memory_space<hbm>>, %arg5: memref<640xf32, #tpu.memory_space<hbm>>, %arg6: memref<2x10240xf32, #tpu.memory_space<hbm>>, %arg7: memref<88x128xi32, #tpu.memory_space<vmem>>, %arg8: memref<81x128xi32, #tpu.memory_space<vmem>>, %arg9: memref<16x128xf32, #tpu.memory_space<vmem>>, %arg10: memref<640xf32, #tpu.memory_space<vmem>>, %arg11: memref<10240xf32, #tpu.memory_space<vmem_shared>>, %arg12: memref<!tpu.dma_semaphore, #tpu.memory_space<semaphore_mem>>, %arg13: memref<!tpu.dma_semaphore, #tpu.memory_space<semaphore_mem>>) attributes {dimension_semantics = [#tpu.dimension_semantics<core_parallel>, #tpu.dimension_semantics<subcore_parallel>], iteration_bounds = array<i64: 2, 16>, scalar_prefetch = 0 : i64, scratch_operands = 7 : i64, tpu.core_type = #tpu.core_type<sc_vector_subcore>, window_params = [{transform_indices = #map}, {transform_indices = #map1}, {transform_indices = #map1}, {transform_indices = #map}, {transform_indices = #map2}]} {
    %mul3A = arith.constant 16 : i32
    %mul3A_0 = arith.muli %arg0, %mul3A : i32
    %add3A = arith.addi %mul3A_0, %arg1 : i32
    "tpu.region"() ({
      %run_scoped3A = tpu.sem_alloc : memref<!tpu.dma_semaphore, #tpu.memory_space<semaphore_mem>>
      %dma_start3A_299 = arith.constant 0 : i32
      %dma_start3A_300 = arith.constant 0 : i32
      %dma_start3A_301 = tpu.memref_slice %arg3[%add3A, %dma_start3A_299, %dma_start3A_300] : memref<32x88x128xi32, #tpu.memory_space<hbm>> -> memref<1x88x128xi32, #tpu.memory_space<hbm>>
      %dma_start3A_302 = tpu.memref_squeeze %dma_start3A_301 : memref<1x88x128xi32, #tpu.memory_space<hbm>> -> memref<88x128xi32, #tpu.memory_space<hbm>>
      %dma_start3A_303 = arith.constant 0 : i32
      %dma_start3A_304 = arith.constant 0 : i32
      %dma_start3A_305 = tpu.memref_slice %arg3[%add3A, %dma_start3A_303, %dma_start3A_304] : memref<32x88x128xi32, #tpu.memory_space<hbm>> -> memref<1x88x128xi32, #tpu.memory_space<hbm>>
      %dma_start3A_306 = tpu.memref_squeeze %dma_start3A_305 : memref<1x88x128xi32, #tpu.memory_space<hbm>> -> memref<88x128xi32, #tpu.memory_space<hbm>>
      tpu.enqueue_dma source(%dma_start3A_306 : memref<88x128xi32, #tpu.memory_space<hbm>>) target(%arg7 : memref<88x128xi32, #tpu.memory_space<vmem>>) target_semaphore(%run_scoped3A : memref<!tpu.dma_semaphore, #tpu.memory_space<semaphore_mem>>)
      %dma_wait3A_307 = arith.constant 0 : i32
      %dma_wait3A_308 = arith.constant 0 : i32
      %dma_wait3A_309 = tpu.memref_slice %arg3[%add3A, %dma_wait3A_307, %dma_wait3A_308] : memref<32x88x128xi32, #tpu.memory_space<hbm>> -> memref<1x88x128xi32, #tpu.memory_space<hbm>>
      %dma_wait3A_310 = tpu.memref_squeeze %dma_wait3A_309 : memref<1x88x128xi32, #tpu.memory_space<hbm>> -> memref<88x128xi32, #tpu.memory_space<hbm>>
      %dma_wait3A_311 = arith.constant 0 : i32
      %dma_wait3A_312 = arith.constant 0 : i32
      %dma_wait3A_313 = tpu.memref_slice %arg3[%add3A, %dma_wait3A_311, %dma_wait3A_312] : memref<32x88x128xi32, #tpu.memory_space<hbm>> -> memref<1x88x128xi32, #tpu.memory_space<hbm>>
      %dma_wait3A_314 = tpu.memref_squeeze %dma_wait3A_313 : memref<1x88x128xi32, #tpu.memory_space<hbm>> -> memref<88x128xi32, #tpu.memory_space<hbm>>
      tpu.wait_dma2 semaphore(%run_scoped3A : memref<!tpu.dma_semaphore, #tpu.memory_space<semaphore_mem>>) src(%dma_wait3A_314 : memref<88x128xi32, #tpu.memory_space<hbm>>) dst(%arg7 : memref<88x128xi32, #tpu.memory_space<vmem>>)
      tpu.yield
    }) : () -> ()
    "tpu.region"() ({
      %run_scoped3A = tpu.sem_alloc : memref<!tpu.dma_semaphore, #tpu.memory_space<semaphore_mem>>
      %dma_start3A_299 = arith.constant 0 : i32
      %dma_start3A_300 = arith.constant 0 : i32
      %dma_start3A_301 = tpu.memref_slice %arg4[%add3A, %dma_start3A_299, %dma_start3A_300] : memref<32x81x128xi32, #tpu.memory_space<hbm>> -> memref<1x81x128xi32, #tpu.memory_space<hbm>>
      %dma_start3A_302 = tpu.memref_squeeze %dma_start3A_301 : memref<1x81x128xi32, #tpu.memory_space<hbm>> -> memref<81x128xi32, #tpu.memory_space<hbm>>
      %dma_start3A_303 = arith.constant 0 : i32
      %dma_start3A_304 = arith.constant 0 : i32
      %dma_start3A_305 = tpu.memref_slice %arg4[%add3A, %dma_start3A_303, %dma_start3A_304] : memref<32x81x128xi32, #tpu.memory_space<hbm>> -> memref<1x81x128xi32, #tpu.memory_space<hbm>>
      %dma_start3A_306 = tpu.memref_squeeze %dma_start3A_305 : memref<1x81x128xi32, #tpu.memory_space<hbm>> -> memref<81x128xi32, #tpu.memory_space<hbm>>
      tpu.enqueue_dma source(%dma_start3A_306 : memref<81x128xi32, #tpu.memory_space<hbm>>) target(%arg8 : memref<81x128xi32, #tpu.memory_space<vmem>>) target_semaphore(%run_scoped3A : memref<!tpu.dma_semaphore, #tpu.memory_space<semaphore_mem>>)
      %dma_wait3A_307 = arith.constant 0 : i32
      %dma_wait3A_308 = arith.constant 0 : i32
      %dma_wait3A_309 = tpu.memref_slice %arg4[%add3A, %dma_wait3A_307, %dma_wait3A_308] : memref<32x81x128xi32, #tpu.memory_space<hbm>> -> memref<1x81x128xi32, #tpu.memory_space<hbm>>
      %dma_wait3A_310 = tpu.memref_squeeze %dma_wait3A_309 : memref<1x81x128xi32, #tpu.memory_space<hbm>> -> memref<81x128xi32, #tpu.memory_space<hbm>>
      %dma_wait3A_311 = arith.constant 0 : i32
      %dma_wait3A_312 = arith.constant 0 : i32
      %dma_wait3A_313 = tpu.memref_slice %arg4[%add3A, %dma_wait3A_311, %dma_wait3A_312] : memref<32x81x128xi32, #tpu.memory_space<hbm>> -> memref<1x81x128xi32, #tpu.memory_space<hbm>>
      %dma_wait3A_314 = tpu.memref_squeeze %dma_wait3A_313 : memref<1x81x128xi32, #tpu.memory_space<hbm>> -> memref<81x128xi32, #tpu.memory_space<hbm>>
      tpu.wait_dma2 semaphore(%run_scoped3A : memref<!tpu.dma_semaphore, #tpu.memory_space<semaphore_mem>>) src(%dma_wait3A_314 : memref<81x128xi32, #tpu.memory_space<hbm>>) dst(%arg8 : memref<81x128xi32, #tpu.memory_space<vmem>>)
      tpu.yield
    }) : () -> ()
    "tpu.region"() ({
      %run_scoped3A = tpu.sem_alloc : memref<!tpu.dma_semaphore, #tpu.memory_space<semaphore_mem>>
      tpu.enqueue_dma source(%arg5 : memref<640xf32, #tpu.memory_space<hbm>>) target(%arg10 : memref<640xf32, #tpu.memory_space<vmem>>) target_semaphore(%run_scoped3A : memref<!tpu.dma_semaphore, #tpu.memory_space<semaphore_mem>>)
      tpu.wait_dma2 semaphore(%run_scoped3A : memref<!tpu.dma_semaphore, #tpu.memory_space<semaphore_mem>>) src(%arg5 : memref<640xf32, #tpu.memory_space<hbm>>) dst(%arg10 : memref<640xf32, #tpu.memory_space<vmem>>)
      tpu.yield
    }) : () -> ()
    %mul3A_1 = arith.constant 640 : i32
    %mul3A_2 = arith.muli %arg1, %mul3A_1 : i32
    "tpu.region"() ({
      %run_scoped3A = tpu.sem_alloc : memref<!tpu.dma_semaphore, #tpu.memory_space<semaphore_mem>>
      %dma_start3A_299 = tpu.memref_slice %arg11[%mul3A_2] : memref<10240xf32, #tpu.memory_space<vmem_shared>> -> memref<640xf32, #tpu.memory_space<vmem_shared>>
      %dma_start3A_300 = tpu.memref_slice %arg11[%mul3A_2] : memref<10240xf32, #tpu.memory_space<vmem_shared>> -> memref<640xf32, #tpu.memory_space<vmem_shared>>
      tpu.enqueue_dma source(%arg10 : memref<640xf32, #tpu.memory_space<vmem>>) target(%dma_start3A_300 : memref<640xf32, #tpu.memory_space<vmem_shared>>) target_semaphore(%run_scoped3A : memref<!tpu.dma_semaphore, #tpu.memory_space<semaphore_mem>>)
      %dma_wait3A_301 = tpu.memref_slice %arg11[%mul3A_2] : memref<10240xf32, #tpu.memory_space<vmem_shared>> -> memref<640xf32, #tpu.memory_space<vmem_shared>>
      %dma_wait3A_302 = tpu.memref_slice %arg11[%mul3A_2] : memref<10240xf32, #tpu.memory_space<vmem_shared>> -> memref<640xf32, #tpu.memory_space<vmem_shared>>
      tpu.wait_dma2 semaphore(%run_scoped3A : memref<!tpu.dma_semaphore, #tpu.memory_space<semaphore_mem>>) src(%arg10 : memref<640xf32, #tpu.memory_space<vmem>>) dst(%dma_wait3A_302 : memref<640xf32, #tpu.memory_space<vmem_shared>>)
      tpu.yield
    }) : () -> ()
    %barrier3A = arith.constant 0 : index
    tpu.barrier barrier_id(%barrier3A)
    %dma_start3A = arith.constant 0 : i32
    %dma_start3A_3 = arith.constant 0 : i32
    %dma_start3A_4 = arith.constant 0 : i32
    %dma_start3A_5 = tpu.memref_slice %arg9[%dma_start3A_3, %dma_start3A_4] : memref<16x128xf32, #tpu.memory_space<vmem>> -> memref<1x128xf32, #tpu.memory_space<vmem>>
    %dma_start3A_6 = tpu.memref_squeeze %dma_start3A_5 : memref<1x128xf32, #tpu.memory_space<vmem>> -> memref<128xf32, #tpu.memory_space<vmem>>
    %dma_start3A_7 = arith.constant 0 : i32
    %dma_start3A_8 = tpu.memref_slice %arg7[%dma_start3A, %dma_start3A_7] : memref<88x128xi32, #tpu.memory_space<vmem>> -> memref<1x128xi32, #tpu.memory_space<vmem>>
    %dma_start3A_9 = tpu.memref_squeeze %dma_start3A_8 : memref<1x128xi32, #tpu.memory_space<vmem>> -> memref<128xi32, #tpu.memory_space<vmem>>
    %dma_start3A_10 = arith.constant 0 : i32
    %dma_start3A_11 = tpu.memref_slice %arg2[%dma_start3A_10] : memref<10240xf32, #tpu.memory_space<hbm>> -> memref<10240xf32, #tpu.memory_space<hbm>>
    tpu.enqueue_indirect_dma source(%dma_start3A_11 : memref<10240xf32, #tpu.memory_space<hbm>>) target(%dma_start3A_6 : memref<128xf32, #tpu.memory_space<vmem>>) offsets(%dma_start3A_9 : memref<128xi32, #tpu.memory_space<vmem>>) semaphore(%arg12 : memref<!tpu.dma_semaphore, #tpu.memory_space<semaphore_mem>>)
    %dma_start3A_12 = arith.constant 1 : i32
    %dma_start3A_13 = arith.constant 1 : i32
    %dma_start3A_14 = arith.constant 0 : i32
    %dma_start3A_15 = tpu.memref_slice %arg9[%dma_start3A_13, %dma_start3A_14] : memref<16x128xf32, #tpu.memory_space<vmem>> -> memref<1x128xf32, #tpu.memory_space<vmem>>
    %dma_start3A_16 = tpu.memref_squeeze %dma_start3A_15 : memref<1x128xf32, #tpu.memory_space<vmem>> -> memref<128xf32, #tpu.memory_space<vmem>>
    %dma_start3A_17 = arith.constant 0 : i32
    %dma_start3A_18 = tpu.memref_slice %arg7[%dma_start3A_12, %dma_start3A_17] : memref<88x128xi32, #tpu.memory_space<vmem>> -> memref<1x128xi32, #tpu.memory_space<vmem>>
    %dma_start3A_19 = tpu.memref_squeeze %dma_start3A_18 : memref<1x128xi32, #tpu.memory_space<vmem>> -> memref<128xi32, #tpu.memory_space<vmem>>
    %dma_start3A_20 = arith.constant 0 : i32
    %dma_start3A_21 = tpu.memref_slice %arg2[%dma_start3A_20] : memref<10240xf32, #tpu.memory_space<hbm>> -> memref<10240xf32, #tpu.memory_space<hbm>>
    tpu.enqueue_indirect_dma source(%dma_start3A_21 : memref<10240xf32, #tpu.memory_space<hbm>>) target(%dma_start3A_16 : memref<128xf32, #tpu.memory_space<vmem>>) offsets(%dma_start3A_19 : memref<128xi32, #tpu.memory_space<vmem>>) semaphore(%arg12 : memref<!tpu.dma_semaphore, #tpu.memory_space<semaphore_mem>>)
    %dma_start3A_22 = arith.constant 2 : i32
    %dma_start3A_23 = arith.constant 2 : i32
    %dma_start3A_24 = arith.constant 0 : i32
    %dma_start3A_25 = tpu.memref_slice %arg9[%dma_start3A_23, %dma_start3A_24] : memref<16x128xf32, #tpu.memory_space<vmem>> -> memref<1x128xf32, #tpu.memory_space<vmem>>
    %dma_start3A_26 = tpu.memref_squeeze %dma_start3A_25 : memref<1x128xf32, #tpu.memory_space<vmem>> -> memref<128xf32, #tpu.memory_space<vmem>>
    %dma_start3A_27 = arith.constant 0 : i32
    %dma_start3A_28 = tpu.memref_slice %arg7[%dma_start3A_22, %dma_start3A_27] : memref<88x128xi32, #tpu.memory_space<vmem>> -> memref<1x128xi32, #tpu.memory_space<vmem>>
    %dma_start3A_29 = tpu.memref_squeeze %dma_start3A_28 : memref<1x128xi32, #tpu.memory_space<vmem>> -> memref<128xi32, #tpu.memory_space<vmem>>
    %dma_start3A_30 = arith.constant 0 : i32
    %dma_start3A_31 = tpu.memref_slice %arg2[%dma_start3A_30] : memref<10240xf32, #tpu.memory_space<hbm>> -> memref<10240xf32, #tpu.memory_space<hbm>>
    tpu.enqueue_indirect_dma source(%dma_start3A_31 : memref<10240xf32, #tpu.memory_space<hbm>>) target(%dma_start3A_26 : memref<128xf32, #tpu.memory_space<vmem>>) offsets(%dma_start3A_29 : memref<128xi32, #tpu.memory_space<vmem>>) semaphore(%arg12 : memref<!tpu.dma_semaphore, #tpu.memory_space<semaphore_mem>>)
    %dma_start3A_32 = arith.constant 3 : i32
    %dma_start3A_33 = arith.constant 3 : i32
    %dma_start3A_34 = arith.constant 0 : i32
    %dma_start3A_35 = tpu.memref_slice %arg9[%dma_start3A_33, %dma_start3A_34] : memref<16x128xf32, #tpu.memory_space<vmem>> -> memref<1x128xf32, #tpu.memory_space<vmem>>
    %dma_start3A_36 = tpu.memref_squeeze %dma_start3A_35 : memref<1x128xf32, #tpu.memory_space<vmem>> -> memref<128xf32, #tpu.memory_space<vmem>>
    %dma_start3A_37 = arith.constant 0 : i32
    %dma_start3A_38 = tpu.memref_slice %arg7[%dma_start3A_32, %dma_start3A_37] : memref<88x128xi32, #tpu.memory_space<vmem>> -> memref<1x128xi32, #tpu.memory_space<vmem>>
    %dma_start3A_39 = tpu.memref_squeeze %dma_start3A_38 : memref<1x128xi32, #tpu.memory_space<vmem>> -> memref<128xi32, #tpu.memory_space<vmem>>
    %dma_start3A_40 = arith.constant 0 : i32
    %dma_start3A_41 = tpu.memref_slice %arg2[%dma_start3A_40] : memref<10240xf32, #tpu.memory_space<hbm>> -> memref<10240xf32, #tpu.memory_space<hbm>>
    tpu.enqueue_indirect_dma source(%dma_start3A_41 : memref<10240xf32, #tpu.memory_space<hbm>>) target(%dma_start3A_36 : memref<128xf32, #tpu.memory_space<vmem>>) offsets(%dma_start3A_39 : memref<128xi32, #tpu.memory_space<vmem>>) semaphore(%arg12 : memref<!tpu.dma_semaphore, #tpu.memory_space<semaphore_mem>>)
    %dma_start3A_42 = arith.constant 4 : i32
    %dma_start3A_43 = arith.constant 4 : i32
    %dma_start3A_44 = arith.constant 0 : i32
    %dma_start3A_45 = tpu.memref_slice %arg9[%dma_start3A_43, %dma_start3A_44] : memref<16x128xf32, #tpu.memory_space<vmem>> -> memref<1x128xf32, #tpu.memory_space<vmem>>
    %dma_start3A_46 = tpu.memref_squeeze %dma_start3A_45 : memref<1x128xf32, #tpu.memory_space<vmem>> -> memref<128xf32, #tpu.memory_space<vmem>>
    %dma_start3A_47 = arith.constant 0 : i32
    %dma_start3A_48 = tpu.memref_slice %arg7[%dma_start3A_42, %dma_start3A_47] : memref<88x128xi32, #tpu.memory_space<vmem>> -> memref<1x128xi32, #tpu.memory_space<vmem>>
    %dma_start3A_49 = tpu.memref_squeeze %dma_start3A_48 : memref<1x128xi32, #tpu.memory_space<vmem>> -> memref<128xi32, #tpu.memory_space<vmem>>
    %dma_start3A_50 = arith.constant 0 : i32
    %dma_start3A_51 = tpu.memref_slice %arg2[%dma_start3A_50] : memref<10240xf32, #tpu.memory_space<hbm>> -> memref<10240xf32, #tpu.memory_space<hbm>>
    tpu.enqueue_indirect_dma source(%dma_start3A_51 : memref<10240xf32, #tpu.memory_space<hbm>>) target(%dma_start3A_46 : memref<128xf32, #tpu.memory_space<vmem>>) offsets(%dma_start3A_49 : memref<128xi32, #tpu.memory_space<vmem>>) semaphore(%arg12 : memref<!tpu.dma_semaphore, #tpu.memory_space<semaphore_mem>>)
    %dma_start3A_52 = arith.constant 5 : i32
    %dma_start3A_53 = arith.constant 5 : i32
    %dma_start3A_54 = arith.constant 0 : i32
    %dma_start3A_55 = tpu.memref_slice %arg9[%dma_start3A_53, %dma_start3A_54] : memref<16x128xf32, #tpu.memory_space<vmem>> -> memref<1x128xf32, #tpu.memory_space<vmem>>
    %dma_start3A_56 = tpu.memref_squeeze %dma_start3A_55 : memref<1x128xf32, #tpu.memory_space<vmem>> -> memref<128xf32, #tpu.memory_space<vmem>>
    %dma_start3A_57 = arith.constant 0 : i32
    %dma_start3A_58 = tpu.memref_slice %arg7[%dma_start3A_52, %dma_start3A_57] : memref<88x128xi32, #tpu.memory_space<vmem>> -> memref<1x128xi32, #tpu.memory_space<vmem>>
    %dma_start3A_59 = tpu.memref_squeeze %dma_start3A_58 : memref<1x128xi32, #tpu.memory_space<vmem>> -> memref<128xi32, #tpu.memory_space<vmem>>
    %dma_start3A_60 = arith.constant 0 : i32
    %dma_start3A_61 = tpu.memref_slice %arg2[%dma_start3A_60] : memref<10240xf32, #tpu.memory_space<hbm>> -> memref<10240xf32, #tpu.memory_space<hbm>>
    tpu.enqueue_indirect_dma source(%dma_start3A_61 : memref<10240xf32, #tpu.memory_space<hbm>>) target(%dma_start3A_56 : memref<128xf32, #tpu.memory_space<vmem>>) offsets(%dma_start3A_59 : memref<128xi32, #tpu.memory_space<vmem>>) semaphore(%arg12 : memref<!tpu.dma_semaphore, #tpu.memory_space<semaphore_mem>>)
    %dma_start3A_62 = arith.constant 6 : i32
    %dma_start3A_63 = arith.constant 6 : i32
    %dma_start3A_64 = arith.constant 0 : i32
    %dma_start3A_65 = tpu.memref_slice %arg9[%dma_start3A_63, %dma_start3A_64] : memref<16x128xf32, #tpu.memory_space<vmem>> -> memref<1x128xf32, #tpu.memory_space<vmem>>
    %dma_start3A_66 = tpu.memref_squeeze %dma_start3A_65 : memref<1x128xf32, #tpu.memory_space<vmem>> -> memref<128xf32, #tpu.memory_space<vmem>>
    %dma_start3A_67 = arith.constant 0 : i32
    %dma_start3A_68 = tpu.memref_slice %arg7[%dma_start3A_62, %dma_start3A_67] : memref<88x128xi32, #tpu.memory_space<vmem>> -> memref<1x128xi32, #tpu.memory_space<vmem>>
    %dma_start3A_69 = tpu.memref_squeeze %dma_start3A_68 : memref<1x128xi32, #tpu.memory_space<vmem>> -> memref<128xi32, #tpu.memory_space<vmem>>
    %dma_start3A_70 = arith.constant 0 : i32
    %dma_start3A_71 = tpu.memref_slice %arg2[%dma_start3A_70] : memref<10240xf32, #tpu.memory_space<hbm>> -> memref<10240xf32, #tpu.memory_space<hbm>>
    tpu.enqueue_indirect_dma source(%dma_start3A_71 : memref<10240xf32, #tpu.memory_space<hbm>>) target(%dma_start3A_66 : memref<128xf32, #tpu.memory_space<vmem>>) offsets(%dma_start3A_69 : memref<128xi32, #tpu.memory_space<vmem>>) semaphore(%arg12 : memref<!tpu.dma_semaphore, #tpu.memory_space<semaphore_mem>>)
    %dma_start3A_72 = arith.constant 7 : i32
    %dma_start3A_73 = arith.constant 7 : i32
    %dma_start3A_74 = arith.constant 0 : i32
    %dma_start3A_75 = tpu.memref_slice %arg9[%dma_start3A_73, %dma_start3A_74] : memref<16x128xf32, #tpu.memory_space<vmem>> -> memref<1x128xf32, #tpu.memory_space<vmem>>
    %dma_start3A_76 = tpu.memref_squeeze %dma_start3A_75 : memref<1x128xf32, #tpu.memory_space<vmem>> -> memref<128xf32, #tpu.memory_space<vmem>>
    %dma_start3A_77 = arith.constant 0 : i32
    %dma_start3A_78 = tpu.memref_slice %arg7[%dma_start3A_72, %dma_start3A_77] : memref<88x128xi32, #tpu.memory_space<vmem>> -> memref<1x128xi32, #tpu.memory_space<vmem>>
    %dma_start3A_79 = tpu.memref_squeeze %dma_start3A_78 : memref<1x128xi32, #tpu.memory_space<vmem>> -> memref<128xi32, #tpu.memory_space<vmem>>
    %dma_start3A_80 = arith.constant 0 : i32
    %dma_start3A_81 = tpu.memref_slice %arg2[%dma_start3A_80] : memref<10240xf32, #tpu.memory_space<hbm>> -> memref<10240xf32, #tpu.memory_space<hbm>>
    tpu.enqueue_indirect_dma source(%dma_start3A_81 : memref<10240xf32, #tpu.memory_space<hbm>>) target(%dma_start3A_76 : memref<128xf32, #tpu.memory_space<vmem>>) offsets(%dma_start3A_79 : memref<128xi32, #tpu.memory_space<vmem>>) semaphore(%arg12 : memref<!tpu.dma_semaphore, #tpu.memory_space<semaphore_mem>>)
    %dma_start3A_82 = arith.constant 80 : i32
    %dma_start3A_83 = arith.constant 0 : i32
    %dma_start3A_84 = tpu.memref_slice %arg10[%dma_start3A_83] : memref<640xf32, #tpu.memory_space<vmem>> -> memref<128xf32, #tpu.memory_space<vmem>>
    %dma_start3A_85 = arith.constant 0 : i32
    %dma_start3A_86 = tpu.memref_slice %arg8[%dma_start3A_82, %dma_start3A_85] : memref<81x128xi32, #tpu.memory_space<vmem>> -> memref<1x128xi32, #tpu.memory_space<vmem>>
    %dma_start3A_87 = tpu.memref_squeeze %dma_start3A_86 : memref<1x128xi32, #tpu.memory_space<vmem>> -> memref<128xi32, #tpu.memory_space<vmem>>
    %dma_start3A_88 = arith.constant 0 : i32
    %dma_start3A_89 = tpu.memref_slice %arg11[%dma_start3A_88] : memref<10240xf32, #tpu.memory_space<vmem_shared>> -> memref<10240xf32, #tpu.memory_space<vmem_shared>>
    tpu.enqueue_indirect_dma source(%dma_start3A_84 : memref<128xf32, #tpu.memory_space<vmem>>) target(%dma_start3A_89 : memref<10240xf32, #tpu.memory_space<vmem_shared>>) offsets(%dma_start3A_87 : memref<128xi32, #tpu.memory_space<vmem>>) semaphore(%arg13 : memref<!tpu.dma_semaphore, #tpu.memory_space<semaphore_mem>>) {add = true}
    %dma_start3A_90 = arith.constant 80 : i32
    %dma_start3A_91 = arith.constant 0 : i32
    %dma_start3A_92 = tpu.memref_slice %arg10[%dma_start3A_91] : memref<640xf32, #tpu.memory_space<vmem>> -> memref<128xf32, #tpu.memory_space<vmem>>
    %dma_start3A_93 = arith.constant 0 : i32
    %dma_start3A_94 = tpu.memref_slice %arg8[%dma_start3A_90, %dma_start3A_93] : memref<81x128xi32, #tpu.memory_space<vmem>> -> memref<1x128xi32, #tpu.memory_space<vmem>>
    %dma_start3A_95 = tpu.memref_squeeze %dma_start3A_94 : memref<1x128xi32, #tpu.memory_space<vmem>> -> memref<128xi32, #tpu.memory_space<vmem>>
    %dma_start3A_96 = arith.constant 0 : i32
    %dma_start3A_97 = tpu.memref_slice %arg11[%dma_start3A_96] : memref<10240xf32, #tpu.memory_space<vmem_shared>> -> memref<10240xf32, #tpu.memory_space<vmem_shared>>
    tpu.enqueue_indirect_dma source(%dma_start3A_92 : memref<128xf32, #tpu.memory_space<vmem>>) target(%dma_start3A_97 : memref<10240xf32, #tpu.memory_space<vmem_shared>>) offsets(%dma_start3A_95 : memref<128xi32, #tpu.memory_space<vmem>>) semaphore(%arg13 : memref<!tpu.dma_semaphore, #tpu.memory_space<semaphore_mem>>) {add = true}
    %dma_start3A_98 = arith.constant 80 : i32
    %dma_start3A_99 = arith.constant 0 : i32
    %dma_start3A_100 = tpu.memref_slice %arg10[%dma_start3A_99] : memref<640xf32, #tpu.memory_space<vmem>> -> memref<128xf32, #tpu.memory_space<vmem>>
    %dma_start3A_101 = arith.constant 0 : i32
    %dma_start3A_102 = tpu.memref_slice %arg8[%dma_start3A_98, %dma_start3A_101] : memref<81x128xi32, #tpu.memory_space<vmem>> -> memref<1x128xi32, #tpu.memory_space<vmem>>
    %dma_start3A_103 = tpu.memref_squeeze %dma_start3A_102 : memref<1x128xi32, #tpu.memory_space<vmem>> -> memref<128xi32, #tpu.memory_space<vmem>>
    %dma_start3A_104 = arith.constant 0 : i32
    %dma_start3A_105 = tpu.memref_slice %arg11[%dma_start3A_104] : memref<10240xf32, #tpu.memory_space<vmem_shared>> -> memref<10240xf32, #tpu.memory_space<vmem_shared>>
    tpu.enqueue_indirect_dma source(%dma_start3A_100 : memref<128xf32, #tpu.memory_space<vmem>>) target(%dma_start3A_105 : memref<10240xf32, #tpu.memory_space<vmem_shared>>) offsets(%dma_start3A_103 : memref<128xi32, #tpu.memory_space<vmem>>) semaphore(%arg13 : memref<!tpu.dma_semaphore, #tpu.memory_space<semaphore_mem>>) {add = true}
    %dma_start3A_106 = arith.constant 80 : i32
    %dma_start3A_107 = arith.constant 0 : i32
    %dma_start3A_108 = tpu.memref_slice %arg10[%dma_start3A_107] : memref<640xf32, #tpu.memory_space<vmem>> -> memref<128xf32, #tpu.memory_space<vmem>>
    %dma_start3A_109 = arith.constant 0 : i32
    %dma_start3A_110 = tpu.memref_slice %arg8[%dma_start3A_106, %dma_start3A_109] : memref<81x128xi32, #tpu.memory_space<vmem>> -> memref<1x128xi32, #tpu.memory_space<vmem>>
    %dma_start3A_111 = tpu.memref_squeeze %dma_start3A_110 : memref<1x128xi32, #tpu.memory_space<vmem>> -> memref<128xi32, #tpu.memory_space<vmem>>
    %dma_start3A_112 = arith.constant 0 : i32
    %dma_start3A_113 = tpu.memref_slice %arg11[%dma_start3A_112] : memref<10240xf32, #tpu.memory_space<vmem_shared>> -> memref<10240xf32, #tpu.memory_space<vmem_shared>>
    tpu.enqueue_indirect_dma source(%dma_start3A_108 : memref<128xf32, #tpu.memory_space<vmem>>) target(%dma_start3A_113 : memref<10240xf32, #tpu.memory_space<vmem_shared>>) offsets(%dma_start3A_111 : memref<128xi32, #tpu.memory_space<vmem>>) semaphore(%arg13 : memref<!tpu.dma_semaphore, #tpu.memory_space<semaphore_mem>>) {add = true}
    %dma_start3A_114 = arith.constant 80 : i32
    %dma_start3A_115 = arith.constant 0 : i32
    %dma_start3A_116 = tpu.memref_slice %arg10[%dma_start3A_115] : memref<640xf32, #tpu.memory_space<vmem>> -> memref<128xf32, #tpu.memory_space<vmem>>
    %dma_start3A_117 = arith.constant 0 : i32
    %dma_start3A_118 = tpu.memref_slice %arg8[%dma_start3A_114, %dma_start3A_117] : memref<81x128xi32, #tpu.memory_space<vmem>> -> memref<1x128xi32, #tpu.memory_space<vmem>>
    %dma_start3A_119 = tpu.memref_squeeze %dma_start3A_118 : memref<1x128xi32, #tpu.memory_space<vmem>> -> memref<128xi32, #tpu.memory_space<vmem>>
    %dma_start3A_120 = arith.constant 0 : i32
    %dma_start3A_121 = tpu.memref_slice %arg11[%dma_start3A_120] : memref<10240xf32, #tpu.memory_space<vmem_shared>> -> memref<10240xf32, #tpu.memory_space<vmem_shared>>
    tpu.enqueue_indirect_dma source(%dma_start3A_116 : memref<128xf32, #tpu.memory_space<vmem>>) target(%dma_start3A_121 : memref<10240xf32, #tpu.memory_space<vmem_shared>>) offsets(%dma_start3A_119 : memref<128xi32, #tpu.memory_space<vmem>>) semaphore(%arg13 : memref<!tpu.dma_semaphore, #tpu.memory_space<semaphore_mem>>) {add = true}
    %dma_start3A_122 = arith.constant 80 : i32
    %dma_start3A_123 = arith.constant 0 : i32
    %dma_start3A_124 = tpu.memref_slice %arg10[%dma_start3A_123] : memref<640xf32, #tpu.memory_space<vmem>> -> memref<128xf32, #tpu.memory_space<vmem>>
    %dma_start3A_125 = arith.constant 0 : i32
    %dma_start3A_126 = tpu.memref_slice %arg8[%dma_start3A_122, %dma_start3A_125] : memref<81x128xi32, #tpu.memory_space<vmem>> -> memref<1x128xi32, #tpu.memory_space<vmem>>
    %dma_start3A_127 = tpu.memref_squeeze %dma_start3A_126 : memref<1x128xi32, #tpu.memory_space<vmem>> -> memref<128xi32, #tpu.memory_space<vmem>>
    %dma_start3A_128 = arith.constant 0 : i32
    %dma_start3A_129 = tpu.memref_slice %arg11[%dma_start3A_128] : memref<10240xf32, #tpu.memory_space<vmem_shared>> -> memref<10240xf32, #tpu.memory_space<vmem_shared>>
    tpu.enqueue_indirect_dma source(%dma_start3A_124 : memref<128xf32, #tpu.memory_space<vmem>>) target(%dma_start3A_129 : memref<10240xf32, #tpu.memory_space<vmem_shared>>) offsets(%dma_start3A_127 : memref<128xi32, #tpu.memory_space<vmem>>) semaphore(%arg13 : memref<!tpu.dma_semaphore, #tpu.memory_space<semaphore_mem>>) {add = true}
    %dma_start3A_130 = arith.constant 80 : i32
    %dma_start3A_131 = arith.constant 0 : i32
    %dma_start3A_132 = tpu.memref_slice %arg10[%dma_start3A_131] : memref<640xf32, #tpu.memory_space<vmem>> -> memref<128xf32, #tpu.memory_space<vmem>>
    %dma_start3A_133 = arith.constant 0 : i32
    %dma_start3A_134 = tpu.memref_slice %arg8[%dma_start3A_130, %dma_start3A_133] : memref<81x128xi32, #tpu.memory_space<vmem>> -> memref<1x128xi32, #tpu.memory_space<vmem>>
    %dma_start3A_135 = tpu.memref_squeeze %dma_start3A_134 : memref<1x128xi32, #tpu.memory_space<vmem>> -> memref<128xi32, #tpu.memory_space<vmem>>
    %dma_start3A_136 = arith.constant 0 : i32
    %dma_start3A_137 = tpu.memref_slice %arg11[%dma_start3A_136] : memref<10240xf32, #tpu.memory_space<vmem_shared>> -> memref<10240xf32, #tpu.memory_space<vmem_shared>>
    tpu.enqueue_indirect_dma source(%dma_start3A_132 : memref<128xf32, #tpu.memory_space<vmem>>) target(%dma_start3A_137 : memref<10240xf32, #tpu.memory_space<vmem_shared>>) offsets(%dma_start3A_135 : memref<128xi32, #tpu.memory_space<vmem>>) semaphore(%arg13 : memref<!tpu.dma_semaphore, #tpu.memory_space<semaphore_mem>>) {add = true}
    %dma_start3A_138 = arith.constant 80 : i32
    %dma_start3A_139 = arith.constant 0 : i32
    %dma_start3A_140 = tpu.memref_slice %arg10[%dma_start3A_139] : memref<640xf32, #tpu.memory_space<vmem>> -> memref<128xf32, #tpu.memory_space<vmem>>
    %dma_start3A_141 = arith.constant 0 : i32
    %dma_start3A_142 = tpu.memref_slice %arg8[%dma_start3A_138, %dma_start3A_141] : memref<81x128xi32, #tpu.memory_space<vmem>> -> memref<1x128xi32, #tpu.memory_space<vmem>>
    %dma_start3A_143 = tpu.memref_squeeze %dma_start3A_142 : memref<1x128xi32, #tpu.memory_space<vmem>> -> memref<128xi32, #tpu.memory_space<vmem>>
    %dma_start3A_144 = arith.constant 0 : i32
    %dma_start3A_145 = tpu.memref_slice %arg11[%dma_start3A_144] : memref<10240xf32, #tpu.memory_space<vmem_shared>> -> memref<10240xf32, #tpu.memory_space<vmem_shared>>
    tpu.enqueue_indirect_dma source(%dma_start3A_140 : memref<128xf32, #tpu.memory_space<vmem>>) target(%dma_start3A_145 : memref<10240xf32, #tpu.memory_space<vmem_shared>>) offsets(%dma_start3A_143 : memref<128xi32, #tpu.memory_space<vmem>>) semaphore(%arg13 : memref<!tpu.dma_semaphore, #tpu.memory_space<semaphore_mem>>) {add = true}
    %scan3A = arith.constant 0 : i32
    %scan3A_146 = arith.constant 0 : i32
    %scan3A_147 = arith.constant 5 : i32
    %scan3A_148 = arith.addi %scan3A_146, %scan3A_147 : i32
    %scan3A_149 = arith.constant 1 : i32
    scf.for %scan3A_299 = %scan3A_146 to %scan3A_148 step %scan3A_149  : i32 {
      %mul3A_300 = arith.constant 16 : i32
      %mul3A_301 = arith.muli %scan3A_299, %mul3A_300 : i32
      %add3A_302 = arith.constant 0 : i32
      %add3A_303 = arith.addi %mul3A_301, %add3A_302 : i32
      %dma_wait3A_304 = arith.constant 0 : i32
      %dma_wait3A_305 = arith.constant 0 : i32
      %dma_wait3A_306 = tpu.memref_slice %arg9[%dma_wait3A_304, %dma_wait3A_305] : memref<16x128xf32, #tpu.memory_space<vmem>> -> memref<1x128xf32, #tpu.memory_space<vmem>>
      %dma_wait3A_307 = tpu.memref_squeeze %dma_wait3A_306 : memref<1x128xf32, #tpu.memory_space<vmem>> -> memref<128xf32, #tpu.memory_space<vmem>>
      %dma_wait3A_308 = arith.constant 0 : i32
      %dma_wait3A_309 = tpu.memref_slice %arg7[%add3A_303, %dma_wait3A_308] : memref<88x128xi32, #tpu.memory_space<vmem>> -> memref<1x128xi32, #tpu.memory_space<vmem>>
      %dma_wait3A_310 = tpu.memref_squeeze %dma_wait3A_309 : memref<1x128xi32, #tpu.memory_space<vmem>> -> memref<128xi32, #tpu.memory_space<vmem>>
      %dma_wait3A_311 = arith.constant 0 : i32
      %dma_wait3A_312 = tpu.memref_slice %arg2[%dma_wait3A_311] : memref<10240xf32, #tpu.memory_space<hbm>> -> memref<10240xf32, #tpu.memory_space<hbm>>
      tpu.wait_indirect_dma semaphore(%arg12 : memref<!tpu.dma_semaphore, #tpu.memory_space<semaphore_mem>>) src(%dma_wait3A_312 : memref<10240xf32, #tpu.memory_space<hbm>>) dst(%dma_wait3A_307 : memref<128xf32, #tpu.memory_space<vmem>>)
      %dma_start3A_313 = arith.constant 0 : i32
      %dma_start3A_314 = arith.constant 0 : i32
      %dma_start3A_315 = tpu.memref_slice %arg9[%dma_start3A_313, %dma_start3A_314] : memref<16x128xf32, #tpu.memory_space<vmem>> -> memref<1x128xf32, #tpu.memory_space<vmem>>
      %dma_start3A_316 = tpu.memref_squeeze %dma_start3A_315 : memref<1x128xf32, #tpu.memory_space<vmem>> -> memref<128xf32, #tpu.memory_space<vmem>>
      %dma_start3A_317 = arith.constant 0 : i32
      %dma_start3A_318 = tpu.memref_slice %arg8[%add3A_303, %dma_start3A_317] : memref<81x128xi32, #tpu.memory_space<vmem>> -> memref<1x128xi32, #tpu.memory_space<vmem>>
      %dma_start3A_319 = tpu.memref_squeeze %dma_start3A_318 : memref<1x128xi32, #tpu.memory_space<vmem>> -> memref<128xi32, #tpu.memory_space<vmem>>
      %dma_start3A_320 = arith.constant 0 : i32
      %dma_start3A_321 = tpu.memref_slice %arg11[%dma_start3A_320] : memref<10240xf32, #tpu.memory_space<vmem_shared>> -> memref<10240xf32, #tpu.memory_space<vmem_shared>>
      tpu.enqueue_indirect_dma source(%dma_start3A_316 : memref<128xf32, #tpu.memory_space<vmem>>) target(%dma_start3A_321 : memref<10240xf32, #tpu.memory_space<vmem_shared>>) offsets(%dma_start3A_319 : memref<128xi32, #tpu.memory_space<vmem>>) semaphore(%arg13 : memref<!tpu.dma_semaphore, #tpu.memory_space<semaphore_mem>>) {add = true}
      %dma_wait3A_322 = arith.constant 80 : i32
      %dma_wait3A_323 = arith.constant 0 : i32
      %dma_wait3A_324 = tpu.memref_slice %arg10[%dma_wait3A_323] : memref<640xf32, #tpu.memory_space<vmem>> -> memref<128xf32, #tpu.memory_space<vmem>>
      %dma_wait3A_325 = arith.constant 0 : i32
      %dma_wait3A_326 = tpu.memref_slice %arg8[%dma_wait3A_322, %dma_wait3A_325] : memref<81x128xi32, #tpu.memory_space<vmem>> -> memref<1x128xi32, #tpu.memory_space<vmem>>
      %dma_wait3A_327 = tpu.memref_squeeze %dma_wait3A_326 : memref<1x128xi32, #tpu.memory_space<vmem>> -> memref<128xi32, #tpu.memory_space<vmem>>
      %dma_wait3A_328 = arith.constant 0 : i32
      %dma_wait3A_329 = tpu.memref_slice %arg11[%dma_wait3A_328] : memref<10240xf32, #tpu.memory_space<vmem_shared>> -> memref<10240xf32, #tpu.memory_space<vmem_shared>>
      tpu.wait_indirect_dma semaphore(%arg13 : memref<!tpu.dma_semaphore, #tpu.memory_space<semaphore_mem>>) src(%dma_wait3A_324 : memref<128xf32, #tpu.memory_space<vmem>>) dst(%dma_wait3A_329 : memref<10240xf32, #tpu.memory_space<vmem_shared>>)
      %add3A_330 = arith.constant 8 : i32
      %add3A_331 = arith.addi %add3A_303, %add3A_330 : i32
      %dma_start3A_332 = arith.constant 8 : i32
      %dma_start3A_333 = arith.constant 0 : i32
      %dma_start3A_334 = tpu.memref_slice %arg9[%dma_start3A_332, %dma_start3A_333] : memref<16x128xf32, #tpu.memory_space<vmem>> -> memref<1x128xf32, #tpu.memory_space<vmem>>
      %dma_start3A_335 = tpu.memref_squeeze %dma_start3A_334 : memref<1x128xf32, #tpu.memory_space<vmem>> -> memref<128xf32, #tpu.memory_space<vmem>>
      %dma_start3A_336 = arith.constant 0 : i32
      %dma_start3A_337 = tpu.memref_slice %arg7[%add3A_331, %dma_start3A_336] : memref<88x128xi32, #tpu.memory_space<vmem>> -> memref<1x128xi32, #tpu.memory_space<vmem>>
      %dma_start3A_338 = tpu.memref_squeeze %dma_start3A_337 : memref<1x128xi32, #tpu.memory_space<vmem>> -> memref<128xi32, #tpu.memory_space<vmem>>
      %dma_start3A_339 = arith.constant 0 : i32
      %dma_start3A_340 = tpu.memref_slice %arg2[%dma_start3A_339] : memref<10240xf32, #tpu.memory_space<hbm>> -> memref<10240xf32, #tpu.memory_space<hbm>>
      tpu.enqueue_indirect_dma source(%dma_start3A_340 : memref<10240xf32, #tpu.memory_space<hbm>>) target(%dma_start3A_335 : memref<128xf32, #tpu.memory_space<vmem>>) offsets(%dma_start3A_338 : memref<128xi32, #tpu.memory_space<vmem>>) semaphore(%arg12 : memref<!tpu.dma_semaphore, #tpu.memory_space<semaphore_mem>>)
      %mul3A_341 = arith.constant 16 : i32
      %mul3A_342 = arith.muli %scan3A_299, %mul3A_341 : i32
      %add3A_343 = arith.constant 1 : i32
      %add3A_344 = arith.addi %mul3A_342, %add3A_343 : i32
      %dma_wait3A_345 = arith.constant 1 : i32
      %dma_wait3A_346 = arith.constant 0 : i32
      %dma_wait3A_347 = tpu.memref_slice %arg9[%dma_wait3A_345, %dma_wait3A_346] : memref<16x128xf32, #tpu.memory_space<vmem>> -> memref<1x128xf32, #tpu.memory_space<vmem>>
      %dma_wait3A_348 = tpu.memref_squeeze %dma_wait3A_347 : memref<1x128xf32, #tpu.memory_space<vmem>> -> memref<128xf32, #tpu.memory_space<vmem>>
      %dma_wait3A_349 = arith.constant 0 : i32
      %dma_wait3A_350 = tpu.memref_slice %arg7[%add3A_344, %dma_wait3A_349] : memref<88x128xi32, #tpu.memory_space<vmem>> -> memref<1x128xi32, #tpu.memory_space<vmem>>
      %dma_wait3A_351 = tpu.memref_squeeze %dma_wait3A_350 : memref<1x128xi32, #tpu.memory_space<vmem>> -> memref<128xi32, #tpu.memory_space<vmem>>
      %dma_wait3A_352 = arith.constant 0 : i32
      %dma_wait3A_353 = tpu.memref_slice %arg2[%dma_wait3A_352] : memref<10240xf32, #tpu.memory_space<hbm>> -> memref<10240xf32, #tpu.memory_space<hbm>>
      tpu.wait_indirect_dma semaphore(%arg12 : memref<!tpu.dma_semaphore, #tpu.memory_space<semaphore_mem>>) src(%dma_wait3A_353 : memref<10240xf32, #tpu.memory_space<hbm>>) dst(%dma_wait3A_348 : memref<128xf32, #tpu.memory_space<vmem>>)
      %dma_start3A_354 = arith.constant 1 : i32
      %dma_start3A_355 = arith.constant 0 : i32
      %dma_start3A_356 = tpu.memref_slice %arg9[%dma_start3A_354, %dma_start3A_355] : memref<16x128xf32, #tpu.memory_space<vmem>> -> memref<1x128xf32, #tpu.memory_space<vmem>>
      %dma_start3A_357 = tpu.memref_squeeze %dma_start3A_356 : memref<1x128xf32, #tpu.memory_space<vmem>> -> memref<128xf32, #tpu.memory_space<vmem>>
      %dma_start3A_358 = arith.constant 0 : i32
      %dma_start3A_359 = tpu.memref_slice %arg8[%add3A_344, %dma_start3A_358] : memref<81x128xi32, #tpu.memory_space<vmem>> -> memref<1x128xi32, #tpu.memory_space<vmem>>
      %dma_start3A_360 = tpu.memref_squeeze %dma_start3A_359 : memref<1x128xi32, #tpu.memory_space<vmem>> -> memref<128xi32, #tpu.memory_space<vmem>>
      %dma_start3A_361 = arith.constant 0 : i32
      %dma_start3A_362 = tpu.memref_slice %arg11[%dma_start3A_361] : memref<10240xf32, #tpu.memory_space<vmem_shared>> -> memref<10240xf32, #tpu.memory_space<vmem_shared>>
      tpu.enqueue_indirect_dma source(%dma_start3A_357 : memref<128xf32, #tpu.memory_space<vmem>>) target(%dma_start3A_362 : memref<10240xf32, #tpu.memory_space<vmem_shared>>) offsets(%dma_start3A_360 : memref<128xi32, #tpu.memory_space<vmem>>) semaphore(%arg13 : memref<!tpu.dma_semaphore, #tpu.memory_space<semaphore_mem>>) {add = true}
      %dma_wait3A_363 = arith.constant 80 : i32
      %dma_wait3A_364 = arith.constant 0 : i32
      %dma_wait3A_365 = tpu.memref_slice %arg10[%dma_wait3A_364] : memref<640xf32, #tpu.memory_space<vmem>> -> memref<128xf32, #tpu.memory_space<vmem>>
      %dma_wait3A_366 = arith.constant 0 : i32
      %dma_wait3A_367 = tpu.memref_slice %arg8[%dma_wait3A_363, %dma_wait3A_366] : memref<81x128xi32, #tpu.memory_space<vmem>> -> memref<1x128xi32, #tpu.memory_space<vmem>>
      %dma_wait3A_368 = tpu.memref_squeeze %dma_wait3A_367 : memref<1x128xi32, #tpu.memory_space<vmem>> -> memref<128xi32, #tpu.memory_space<vmem>>
      %dma_wait3A_369 = arith.constant 0 : i32
      %dma_wait3A_370 = tpu.memref_slice %arg11[%dma_wait3A_369] : memref<10240xf32, #tpu.memory_space<vmem_shared>> -> memref<10240xf32, #tpu.memory_space<vmem_shared>>
      tpu.wait_indirect_dma semaphore(%arg13 : memref<!tpu.dma_semaphore, #tpu.memory_space<semaphore_mem>>) src(%dma_wait3A_365 : memref<128xf32, #tpu.memory_space<vmem>>) dst(%dma_wait3A_370 : memref<10240xf32, #tpu.memory_space<vmem_shared>>)
      %add3A_371 = arith.constant 8 : i32
      %add3A_372 = arith.addi %add3A_344, %add3A_371 : i32
      %dma_start3A_373 = arith.constant 9 : i32
      %dma_start3A_374 = arith.constant 0 : i32
      %dma_start3A_375 = tpu.memref_slice %arg9[%dma_start3A_373, %dma_start3A_374] : memref<16x128xf32, #tpu.memory_space<vmem>> -> memref<1x128xf32, #tpu.memory_space<vmem>>
      %dma_start3A_376 = tpu.memref_squeeze %dma_start3A_375 : memref<1x128xf32, #tpu.memory_space<vmem>> -> memref<128xf32, #tpu.memory_space<vmem>>
      %dma_start3A_377 = arith.constant 0 : i32
      %dma_start3A_378 = tpu.memref_slice %arg7[%add3A_372, %dma_start3A_377] : memref<88x128xi32, #tpu.memory_space<vmem>> -> memref<1x128xi32, #tpu.memory_space<vmem>>
      %dma_start3A_379 = tpu.memref_squeeze %dma_start3A_378 : memref<1x128xi32, #tpu.memory_space<vmem>> -> memref<128xi32, #tpu.memory_space<vmem>>
      %dma_start3A_380 = arith.constant 0 : i32
      %dma_start3A_381 = tpu.memref_slice %arg2[%dma_start3A_380] : memref<10240xf32, #tpu.memory_space<hbm>> -> memref<10240xf32, #tpu.memory_space<hbm>>
      tpu.enqueue_indirect_dma source(%dma_start3A_381 : memref<10240xf32, #tpu.memory_space<hbm>>) target(%dma_start3A_376 : memref<128xf32, #tpu.memory_space<vmem>>) offsets(%dma_start3A_379 : memref<128xi32, #tpu.memory_space<vmem>>) semaphore(%arg12 : memref<!tpu.dma_semaphore, #tpu.memory_space<semaphore_mem>>)
      %mul3A_382 = arith.constant 16 : i32
      %mul3A_383 = arith.muli %scan3A_299, %mul3A_382 : i32
      %add3A_384 = arith.constant 2 : i32
      %add3A_385 = arith.addi %mul3A_383, %add3A_384 : i32
      %dma_wait3A_386 = arith.constant 2 : i32
      %dma_wait3A_387 = arith.constant 0 : i32
      %dma_wait3A_388 = tpu.memref_slice %arg9[%dma_wait3A_386, %dma_wait3A_387] : memref<16x128xf32, #tpu.memory_space<vmem>> -> memref<1x128xf32, #tpu.memory_space<vmem>>
      %dma_wait3A_389 = tpu.memref_squeeze %dma_wait3A_388 : memref<1x128xf32, #tpu.memory_space<vmem>> -> memref<128xf32, #tpu.memory_space<vmem>>
      %dma_wait3A_390 = arith.constant 0 : i32
      %dma_wait3A_391 = tpu.memref_slice %arg7[%add3A_385, %dma_wait3A_390] : memref<88x128xi32, #tpu.memory_space<vmem>> -> memref<1x128xi32, #tpu.memory_space<vmem>>
      %dma_wait3A_392 = tpu.memref_squeeze %dma_wait3A_391 : memref<1x128xi32, #tpu.memory_space<vmem>> -> memref<128xi32, #tpu.memory_space<vmem>>
      %dma_wait3A_393 = arith.constant 0 : i32
      %dma_wait3A_394 = tpu.memref_slice %arg2[%dma_wait3A_393] : memref<10240xf32, #tpu.memory_space<hbm>> -> memref<10240xf32, #tpu.memory_space<hbm>>
      tpu.wait_indirect_dma semaphore(%arg12 : memref<!tpu.dma_semaphore, #tpu.memory_space<semaphore_mem>>) src(%dma_wait3A_394 : memref<10240xf32, #tpu.memory_space<hbm>>) dst(%dma_wait3A_389 : memref<128xf32, #tpu.memory_space<vmem>>)
      %dma_start3A_395 = arith.constant 2 : i32
      %dma_start3A_396 = arith.constant 0 : i32
      %dma_start3A_397 = tpu.memref_slice %arg9[%dma_start3A_395, %dma_start3A_396] : memref<16x128xf32, #tpu.memory_space<vmem>> -> memref<1x128xf32, #tpu.memory_space<vmem>>
      %dma_start3A_398 = tpu.memref_squeeze %dma_start3A_397 : memref<1x128xf32, #tpu.memory_space<vmem>> -> memref<128xf32, #tpu.memory_space<vmem>>
      %dma_start3A_399 = arith.constant 0 : i32
      %dma_start3A_400 = tpu.memref_slice %arg8[%add3A_385, %dma_start3A_399] : memref<81x128xi32, #tpu.memory_space<vmem>> -> memref<1x128xi32, #tpu.memory_space<vmem>>
      %dma_start3A_401 = tpu.memref_squeeze %dma_start3A_400 : memref<1x128xi32, #tpu.memory_space<vmem>> -> memref<128xi32, #tpu.memory_space<vmem>>
      %dma_start3A_402 = arith.constant 0 : i32
      %dma_start3A_403 = tpu.memref_slice %arg11[%dma_start3A_402] : memref<10240xf32, #tpu.memory_space<vmem_shared>> -> memref<10240xf32, #tpu.memory_space<vmem_shared>>
      tpu.enqueue_indirect_dma source(%dma_start3A_398 : memref<128xf32, #tpu.memory_space<vmem>>) target(%dma_start3A_403 : memref<10240xf32, #tpu.memory_space<vmem_shared>>) offsets(%dma_start3A_401 : memref<128xi32, #tpu.memory_space<vmem>>) semaphore(%arg13 : memref<!tpu.dma_semaphore, #tpu.memory_space<semaphore_mem>>) {add = true}
      %dma_wait3A_404 = arith.constant 80 : i32
      %dma_wait3A_405 = arith.constant 0 : i32
      %dma_wait3A_406 = tpu.memref_slice %arg10[%dma_wait3A_405] : memref<640xf32, #tpu.memory_space<vmem>> -> memref<128xf32, #tpu.memory_space<vmem>>
      %dma_wait3A_407 = arith.constant 0 : i32
      %dma_wait3A_408 = tpu.memref_slice %arg8[%dma_wait3A_404, %dma_wait3A_407] : memref<81x128xi32, #tpu.memory_space<vmem>> -> memref<1x128xi32, #tpu.memory_space<vmem>>
      %dma_wait3A_409 = tpu.memref_squeeze %dma_wait3A_408 : memref<1x128xi32, #tpu.memory_space<vmem>> -> memref<128xi32, #tpu.memory_space<vmem>>
      %dma_wait3A_410 = arith.constant 0 : i32
      %dma_wait3A_411 = tpu.memref_slice %arg11[%dma_wait3A_410] : memref<10240xf32, #tpu.memory_space<vmem_shared>> -> memref<10240xf32, #tpu.memory_space<vmem_shared>>
      tpu.wait_indirect_dma semaphore(%arg13 : memref<!tpu.dma_semaphore, #tpu.memory_space<semaphore_mem>>) src(%dma_wait3A_406 : memref<128xf32, #tpu.memory_space<vmem>>) dst(%dma_wait3A_411 : memref<10240xf32, #tpu.memory_space<vmem_shared>>)
      %add3A_412 = arith.constant 8 : i32
      %add3A_413 = arith.addi %add3A_385, %add3A_412 : i32
      %dma_start3A_414 = arith.constant 10 : i32
      %dma_start3A_415 = arith.constant 0 : i32
      %dma_start3A_416 = tpu.memref_slice %arg9[%dma_start3A_414, %dma_start3A_415] : memref<16x128xf32, #tpu.memory_space<vmem>> -> memref<1x128xf32, #tpu.memory_space<vmem>>
      %dma_start3A_417 = tpu.memref_squeeze %dma_start3A_416 : memref<1x128xf32, #tpu.memory_space<vmem>> -> memref<128xf32, #tpu.memory_space<vmem>>
      %dma_start3A_418 = arith.constant 0 : i32
      %dma_start3A_419 = tpu.memref_slice %arg7[%add3A_413, %dma_start3A_418] : memref<88x128xi32, #tpu.memory_space<vmem>> -> memref<1x128xi32, #tpu.memory_space<vmem>>
      %dma_start3A_420 = tpu.memref_squeeze %dma_start3A_419 : memref<1x128xi32, #tpu.memory_space<vmem>> -> memref<128xi32, #tpu.memory_space<vmem>>
      %dma_start3A_421 = arith.constant 0 : i32
      %dma_start3A_422 = tpu.memref_slice %arg2[%dma_start3A_421] : memref<10240xf32, #tpu.memory_space<hbm>> -> memref<10240xf32, #tpu.memory_space<hbm>>
      tpu.enqueue_indirect_dma source(%dma_start3A_422 : memref<10240xf32, #tpu.memory_space<hbm>>) target(%dma_start3A_417 : memref<128xf32, #tpu.memory_space<vmem>>) offsets(%dma_start3A_420 : memref<128xi32, #tpu.memory_space<vmem>>) semaphore(%arg12 : memref<!tpu.dma_semaphore, #tpu.memory_space<semaphore_mem>>)
      %mul3A_423 = arith.constant 16 : i32
      %mul3A_424 = arith.muli %scan3A_299, %mul3A_423 : i32
      %add3A_425 = arith.constant 3 : i32
      %add3A_426 = arith.addi %mul3A_424, %add3A_425 : i32
      %dma_wait3A_427 = arith.constant 3 : i32
      %dma_wait3A_428 = arith.constant 0 : i32
      %dma_wait3A_429 = tpu.memref_slice %arg9[%dma_wait3A_427, %dma_wait3A_428] : memref<16x128xf32, #tpu.memory_space<vmem>> -> memref<1x128xf32, #tpu.memory_space<vmem>>
      %dma_wait3A_430 = tpu.memref_squeeze %dma_wait3A_429 : memref<1x128xf32, #tpu.memory_space<vmem>> -> memref<128xf32, #tpu.memory_space<vmem>>
      %dma_wait3A_431 = arith.constant 0 : i32
      %dma_wait3A_432 = tpu.memref_slice %arg7[%add3A_426, %dma_wait3A_431] : memref<88x128xi32, #tpu.memory_space<vmem>> -> memref<1x128xi32, #tpu.memory_space<vmem>>
      %dma_wait3A_433 = tpu.memref_squeeze %dma_wait3A_432 : memref<1x128xi32, #tpu.memory_space<vmem>> -> memref<128xi32, #tpu.memory_space<vmem>>
      %dma_wait3A_434 = arith.constant 0 : i32
      %dma_wait3A_435 = tpu.memref_slice %arg2[%dma_wait3A_434] : memref<10240xf32, #tpu.memory_space<hbm>> -> memref<10240xf32, #tpu.memory_space<hbm>>
      tpu.wait_indirect_dma semaphore(%arg12 : memref<!tpu.dma_semaphore, #tpu.memory_space<semaphore_mem>>) src(%dma_wait3A_435 : memref<10240xf32, #tpu.memory_space<hbm>>) dst(%dma_wait3A_430 : memref<128xf32, #tpu.memory_space<vmem>>)
      %dma_start3A_436 = arith.constant 3 : i32
      %dma_start3A_437 = arith.constant 0 : i32
      %dma_start3A_438 = tpu.memref_slice %arg9[%dma_start3A_436, %dma_start3A_437] : memref<16x128xf32, #tpu.memory_space<vmem>> -> memref<1x128xf32, #tpu.memory_space<vmem>>
      %dma_start3A_439 = tpu.memref_squeeze %dma_start3A_438 : memref<1x128xf32, #tpu.memory_space<vmem>> -> memref<128xf32, #tpu.memory_space<vmem>>
      %dma_start3A_440 = arith.constant 0 : i32
      %dma_start3A_441 = tpu.memref_slice %arg8[%add3A_426, %dma_start3A_440] : memref<81x128xi32, #tpu.memory_space<vmem>> -> memref<1x128xi32, #tpu.memory_space<vmem>>
      %dma_start3A_442 = tpu.memref_squeeze %dma_start3A_441 : memref<1x128xi32, #tpu.memory_space<vmem>> -> memref<128xi32, #tpu.memory_space<vmem>>
      %dma_start3A_443 = arith.constant 0 : i32
      %dma_start3A_444 = tpu.memref_slice %arg11[%dma_start3A_443] : memref<10240xf32, #tpu.memory_space<vmem_shared>> -> memref<10240xf32, #tpu.memory_space<vmem_shared>>
      tpu.enqueue_indirect_dma source(%dma_start3A_439 : memref<128xf32, #tpu.memory_space<vmem>>) target(%dma_start3A_444 : memref<10240xf32, #tpu.memory_space<vmem_shared>>) offsets(%dma_start3A_442 : memref<128xi32, #tpu.memory_space<vmem>>) semaphore(%arg13 : memref<!tpu.dma_semaphore, #tpu.memory_space<semaphore_mem>>) {add = true}
      %dma_wait3A_445 = arith.constant 80 : i32
      %dma_wait3A_446 = arith.constant 0 : i32
      %dma_wait3A_447 = tpu.memref_slice %arg10[%dma_wait3A_446] : memref<640xf32, #tpu.memory_space<vmem>> -> memref<128xf32, #tpu.memory_space<vmem>>
      %dma_wait3A_448 = arith.constant 0 : i32
      %dma_wait3A_449 = tpu.memref_slice %arg8[%dma_wait3A_445, %dma_wait3A_448] : memref<81x128xi32, #tpu.memory_space<vmem>> -> memref<1x128xi32, #tpu.memory_space<vmem>>
      %dma_wait3A_450 = tpu.memref_squeeze %dma_wait3A_449 : memref<1x128xi32, #tpu.memory_space<vmem>> -> memref<128xi32, #tpu.memory_space<vmem>>
      %dma_wait3A_451 = arith.constant 0 : i32
      %dma_wait3A_452 = tpu.memref_slice %arg11[%dma_wait3A_451] : memref<10240xf32, #tpu.memory_space<vmem_shared>> -> memref<10240xf32, #tpu.memory_space<vmem_shared>>
      tpu.wait_indirect_dma semaphore(%arg13 : memref<!tpu.dma_semaphore, #tpu.memory_space<semaphore_mem>>) src(%dma_wait3A_447 : memref<128xf32, #tpu.memory_space<vmem>>) dst(%dma_wait3A_452 : memref<10240xf32, #tpu.memory_space<vmem_shared>>)
      %add3A_453 = arith.constant 8 : i32
      %add3A_454 = arith.addi %add3A_426, %add3A_453 : i32
      %dma_start3A_455 = arith.constant 11 : i32
      %dma_start3A_456 = arith.constant 0 : i32
      %dma_start3A_457 = tpu.memref_slice %arg9[%dma_start3A_455, %dma_start3A_456] : memref<16x128xf32, #tpu.memory_space<vmem>> -> memref<1x128xf32, #tpu.memory_space<vmem>>
      %dma_start3A_458 = tpu.memref_squeeze %dma_start3A_457 : memref<1x128xf32, #tpu.memory_space<vmem>> -> memref<128xf32, #tpu.memory_space<vmem>>
      %dma_start3A_459 = arith.constant 0 : i32
      %dma_start3A_460 = tpu.memref_slice %arg7[%add3A_454, %dma_start3A_459] : memref<88x128xi32, #tpu.memory_space<vmem>> -> memref<1x128xi32, #tpu.memory_space<vmem>>
      %dma_start3A_461 = tpu.memref_squeeze %dma_start3A_460 : memref<1x128xi32, #tpu.memory_space<vmem>> -> memref<128xi32, #tpu.memory_space<vmem>>
      %dma_start3A_462 = arith.constant 0 : i32
      %dma_start3A_463 = tpu.memref_slice %arg2[%dma_start3A_462] : memref<10240xf32, #tpu.memory_space<hbm>> -> memref<10240xf32, #tpu.memory_space<hbm>>
      tpu.enqueue_indirect_dma source(%dma_start3A_463 : memref<10240xf32, #tpu.memory_space<hbm>>) target(%dma_start3A_458 : memref<128xf32, #tpu.memory_space<vmem>>) offsets(%dma_start3A_461 : memref<128xi32, #tpu.memory_space<vmem>>) semaphore(%arg12 : memref<!tpu.dma_semaphore, #tpu.memory_space<semaphore_mem>>)
      %mul3A_464 = arith.constant 16 : i32
      %mul3A_465 = arith.muli %scan3A_299, %mul3A_464 : i32
      %add3A_466 = arith.constant 4 : i32
      %add3A_467 = arith.addi %mul3A_465, %add3A_466 : i32
      %dma_wait3A_468 = arith.constant 4 : i32
      %dma_wait3A_469 = arith.constant 0 : i32
      %dma_wait3A_470 = tpu.memref_slice %arg9[%dma_wait3A_468, %dma_wait3A_469] : memref<16x128xf32, #tpu.memory_space<vmem>> -> memref<1x128xf32, #tpu.memory_space<vmem>>
      %dma_wait3A_471 = tpu.memref_squeeze %dma_wait3A_470 : memref<1x128xf32, #tpu.memory_space<vmem>> -> memref<128xf32, #tpu.memory_space<vmem>>
      %dma_wait3A_472 = arith.constant 0 : i32
      %dma_wait3A_473 = tpu.memref_slice %arg7[%add3A_467, %dma_wait3A_472] : memref<88x128xi32, #tpu.memory_space<vmem>> -> memref<1x128xi32, #tpu.memory_space<vmem>>
      %dma_wait3A_474 = tpu.memref_squeeze %dma_wait3A_473 : memref<1x128xi32, #tpu.memory_space<vmem>> -> memref<128xi32, #tpu.memory_space<vmem>>
      %dma_wait3A_475 = arith.constant 0 : i32
      %dma_wait3A_476 = tpu.memref_slice %arg2[%dma_wait3A_475] : memref<10240xf32, #tpu.memory_space<hbm>> -> memref<10240xf32, #tpu.memory_space<hbm>>
      tpu.wait_indirect_dma semaphore(%arg12 : memref<!tpu.dma_semaphore, #tpu.memory_space<semaphore_mem>>) src(%dma_wait3A_476 : memref<10240xf32, #tpu.memory_space<hbm>>) dst(%dma_wait3A_471 : memref<128xf32, #tpu.memory_space<vmem>>)
      %dma_start3A_477 = arith.constant 4 : i32
      %dma_start3A_478 = arith.constant 0 : i32
      %dma_start3A_479 = tpu.memref_slice %arg9[%dma_start3A_477, %dma_start3A_478] : memref<16x128xf32, #tpu.memory_space<vmem>> -> memref<1x128xf32, #tpu.memory_space<vmem>>
      %dma_start3A_480 = tpu.memref_squeeze %dma_start3A_479 : memref<1x128xf32, #tpu.memory_space<vmem>> -> memref<128xf32, #tpu.memory_space<vmem>>
      %dma_start3A_481 = arith.constant 0 : i32
      %dma_start3A_482 = tpu.memref_slice %arg8[%add3A_467, %dma_start3A_481] : memref<81x128xi32, #tpu.memory_space<vmem>> -> memref<1x128xi32, #tpu.memory_space<vmem>>
      %dma_start3A_483 = tpu.memref_squeeze %dma_start3A_482 : memref<1x128xi32, #tpu.memory_space<vmem>> -> memref<128xi32, #tpu.memory_space<vmem>>
      %dma_start3A_484 = arith.constant 0 : i32
      %dma_start3A_485 = tpu.memref_slice %arg11[%dma_start3A_484] : memref<10240xf32, #tpu.memory_space<vmem_shared>> -> memref<10240xf32, #tpu.memory_space<vmem_shared>>
      tpu.enqueue_indirect_dma source(%dma_start3A_480 : memref<128xf32, #tpu.memory_space<vmem>>) target(%dma_start3A_485 : memref<10240xf32, #tpu.memory_space<vmem_shared>>) offsets(%dma_start3A_483 : memref<128xi32, #tpu.memory_space<vmem>>) semaphore(%arg13 : memref<!tpu.dma_semaphore, #tpu.memory_space<semaphore_mem>>) {add = true}
      %dma_wait3A_486 = arith.constant 80 : i32
      %dma_wait3A_487 = arith.constant 0 : i32
      %dma_wait3A_488 = tpu.memref_slice %arg10[%dma_wait3A_487] : memref<640xf32, #tpu.memory_space<vmem>> -> memref<128xf32, #tpu.memory_space<vmem>>
      %dma_wait3A_489 = arith.constant 0 : i32
      %dma_wait3A_490 = tpu.memref_slice %arg8[%dma_wait3A_486, %dma_wait3A_489] : memref<81x128xi32, #tpu.memory_space<vmem>> -> memref<1x128xi32, #tpu.memory_space<vmem>>
      %dma_wait3A_491 = tpu.memref_squeeze %dma_wait3A_490 : memref<1x128xi32, #tpu.memory_space<vmem>> -> memref<128xi32, #tpu.memory_space<vmem>>
      %dma_wait3A_492 = arith.constant 0 : i32
      %dma_wait3A_493 = tpu.memref_slice %arg11[%dma_wait3A_492] : memref<10240xf32, #tpu.memory_space<vmem_shared>> -> memref<10240xf32, #tpu.memory_space<vmem_shared>>
      tpu.wait_indirect_dma semaphore(%arg13 : memref<!tpu.dma_semaphore, #tpu.memory_space<semaphore_mem>>) src(%dma_wait3A_488 : memref<128xf32, #tpu.memory_space<vmem>>) dst(%dma_wait3A_493 : memref<10240xf32, #tpu.memory_space<vmem_shared>>)
      %add3A_494 = arith.constant 8 : i32
      %add3A_495 = arith.addi %add3A_467, %add3A_494 : i32
      %dma_start3A_496 = arith.constant 12 : i32
      %dma_start3A_497 = arith.constant 0 : i32
      %dma_start3A_498 = tpu.memref_slice %arg9[%dma_start3A_496, %dma_start3A_497] : memref<16x128xf32, #tpu.memory_space<vmem>> -> memref<1x128xf32, #tpu.memory_space<vmem>>
      %dma_start3A_499 = tpu.memref_squeeze %dma_start3A_498 : memref<1x128xf32, #tpu.memory_space<vmem>> -> memref<128xf32, #tpu.memory_space<vmem>>
      %dma_start3A_500 = arith.constant 0 : i32
      %dma_start3A_501 = tpu.memref_slice %arg7[%add3A_495, %dma_start3A_500] : memref<88x128xi32, #tpu.memory_space<vmem>> -> memref<1x128xi32, #tpu.memory_space<vmem>>
      %dma_start3A_502 = tpu.memref_squeeze %dma_start3A_501 : memref<1x128xi32, #tpu.memory_space<vmem>> -> memref<128xi32, #tpu.memory_space<vmem>>
      %dma_start3A_503 = arith.constant 0 : i32
      %dma_start3A_504 = tpu.memref_slice %arg2[%dma_start3A_503] : memref<10240xf32, #tpu.memory_space<hbm>> -> memref<10240xf32, #tpu.memory_space<hbm>>
      tpu.enqueue_indirect_dma source(%dma_start3A_504 : memref<10240xf32, #tpu.memory_space<hbm>>) target(%dma_start3A_499 : memref<128xf32, #tpu.memory_space<vmem>>) offsets(%dma_start3A_502 : memref<128xi32, #tpu.memory_space<vmem>>) semaphore(%arg12 : memref<!tpu.dma_semaphore, #tpu.memory_space<semaphore_mem>>)
      %mul3A_505 = arith.constant 16 : i32
      %mul3A_506 = arith.muli %scan3A_299, %mul3A_505 : i32
      %add3A_507 = arith.constant 5 : i32
      %add3A_508 = arith.addi %mul3A_506, %add3A_507 : i32
      %dma_wait3A_509 = arith.constant 5 : i32
      %dma_wait3A_510 = arith.constant 0 : i32
      %dma_wait3A_511 = tpu.memref_slice %arg9[%dma_wait3A_509, %dma_wait3A_510] : memref<16x128xf32, #tpu.memory_space<vmem>> -> memref<1x128xf32, #tpu.memory_space<vmem>>
      %dma_wait3A_512 = tpu.memref_squeeze %dma_wait3A_511 : memref<1x128xf32, #tpu.memory_space<vmem>> -> memref<128xf32, #tpu.memory_space<vmem>>
      %dma_wait3A_513 = arith.constant 0 : i32
      %dma_wait3A_514 = tpu.memref_slice %arg7[%add3A_508, %dma_wait3A_513] : memref<88x128xi32, #tpu.memory_space<vmem>> -> memref<1x128xi32, #tpu.memory_space<vmem>>
      %dma_wait3A_515 = tpu.memref_squeeze %dma_wait3A_514 : memref<1x128xi32, #tpu.memory_space<vmem>> -> memref<128xi32, #tpu.memory_space<vmem>>
      %dma_wait3A_516 = arith.constant 0 : i32
      %dma_wait3A_517 = tpu.memref_slice %arg2[%dma_wait3A_516] : memref<10240xf32, #tpu.memory_space<hbm>> -> memref<10240xf32, #tpu.memory_space<hbm>>
      tpu.wait_indirect_dma semaphore(%arg12 : memref<!tpu.dma_semaphore, #tpu.memory_space<semaphore_mem>>) src(%dma_wait3A_517 : memref<10240xf32, #tpu.memory_space<hbm>>) dst(%dma_wait3A_512 : memref<128xf32, #tpu.memory_space<vmem>>)
      %dma_start3A_518 = arith.constant 5 : i32
      %dma_start3A_519 = arith.constant 0 : i32
      %dma_start3A_520 = tpu.memref_slice %arg9[%dma_start3A_518, %dma_start3A_519] : memref<16x128xf32, #tpu.memory_space<vmem>> -> memref<1x128xf32, #tpu.memory_space<vmem>>
      %dma_start3A_521 = tpu.memref_squeeze %dma_start3A_520 : memref<1x128xf32, #tpu.memory_space<vmem>> -> memref<128xf32, #tpu.memory_space<vmem>>
      %dma_start3A_522 = arith.constant 0 : i32
      %dma_start3A_523 = tpu.memref_slice %arg8[%add3A_508, %dma_start3A_522] : memref<81x128xi32, #tpu.memory_space<vmem>> -> memref<1x128xi32, #tpu.memory_space<vmem>>
      %dma_start3A_524 = tpu.memref_squeeze %dma_start3A_523 : memref<1x128xi32, #tpu.memory_space<vmem>> -> memref<128xi32, #tpu.memory_space<vmem>>
      %dma_start3A_525 = arith.constant 0 : i32
      %dma_start3A_526 = tpu.memref_slice %arg11[%dma_start3A_525] : memref<10240xf32, #tpu.memory_space<vmem_shared>> -> memref<10240xf32, #tpu.memory_space<vmem_shared>>
      tpu.enqueue_indirect_dma source(%dma_start3A_521 : memref<128xf32, #tpu.memory_space<vmem>>) target(%dma_start3A_526 : memref<10240xf32, #tpu.memory_space<vmem_shared>>) offsets(%dma_start3A_524 : memref<128xi32, #tpu.memory_space<vmem>>) semaphore(%arg13 : memref<!tpu.dma_semaphore, #tpu.memory_space<semaphore_mem>>) {add = true}
      %dma_wait3A_527 = arith.constant 80 : i32
      %dma_wait3A_528 = arith.constant 0 : i32
      %dma_wait3A_529 = tpu.memref_slice %arg10[%dma_wait3A_528] : memref<640xf32, #tpu.memory_space<vmem>> -> memref<128xf32, #tpu.memory_space<vmem>>
      %dma_wait3A_530 = arith.constant 0 : i32
      %dma_wait3A_531 = tpu.memref_slice %arg8[%dma_wait3A_527, %dma_wait3A_530] : memref<81x128xi32, #tpu.memory_space<vmem>> -> memref<1x128xi32, #tpu.memory_space<vmem>>
      %dma_wait3A_532 = tpu.memref_squeeze %dma_wait3A_531 : memref<1x128xi32, #tpu.memory_space<vmem>> -> memref<128xi32, #tpu.memory_space<vmem>>
      %dma_wait3A_533 = arith.constant 0 : i32
      %dma_wait3A_534 = tpu.memref_slice %arg11[%dma_wait3A_533] : memref<10240xf32, #tpu.memory_space<vmem_shared>> -> memref<10240xf32, #tpu.memory_space<vmem_shared>>
      tpu.wait_indirect_dma semaphore(%arg13 : memref<!tpu.dma_semaphore, #tpu.memory_space<semaphore_mem>>) src(%dma_wait3A_529 : memref<128xf32, #tpu.memory_space<vmem>>) dst(%dma_wait3A_534 : memref<10240xf32, #tpu.memory_space<vmem_shared>>)
      %add3A_535 = arith.constant 8 : i32
      %add3A_536 = arith.addi %add3A_508, %add3A_535 : i32
      %dma_start3A_537 = arith.constant 13 : i32
      %dma_start3A_538 = arith.constant 0 : i32
      %dma_start3A_539 = tpu.memref_slice %arg9[%dma_start3A_537, %dma_start3A_538] : memref<16x128xf32, #tpu.memory_space<vmem>> -> memref<1x128xf32, #tpu.memory_space<vmem>>
      %dma_start3A_540 = tpu.memref_squeeze %dma_start3A_539 : memref<1x128xf32, #tpu.memory_space<vmem>> -> memref<128xf32, #tpu.memory_space<vmem>>
      %dma_start3A_541 = arith.constant 0 : i32
      %dma_start3A_542 = tpu.memref_slice %arg7[%add3A_536, %dma_start3A_541] : memref<88x128xi32, #tpu.memory_space<vmem>> -> memref<1x128xi32, #tpu.memory_space<vmem>>
      %dma_start3A_543 = tpu.memref_squeeze %dma_start3A_542 : memref<1x128xi32, #tpu.memory_space<vmem>> -> memref<128xi32, #tpu.memory_space<vmem>>
      %dma_start3A_544 = arith.constant 0 : i32
      %dma_start3A_545 = tpu.memref_slice %arg2[%dma_start3A_544] : memref<10240xf32, #tpu.memory_space<hbm>> -> memref<10240xf32, #tpu.memory_space<hbm>>
      tpu.enqueue_indirect_dma source(%dma_start3A_545 : memref<10240xf32, #tpu.memory_space<hbm>>) target(%dma_start3A_540 : memref<128xf32, #tpu.memory_space<vmem>>) offsets(%dma_start3A_543 : memref<128xi32, #tpu.memory_space<vmem>>) semaphore(%arg12 : memref<!tpu.dma_semaphore, #tpu.memory_space<semaphore_mem>>)
      %mul3A_546 = arith.constant 16 : i32
      %mul3A_547 = arith.muli %scan3A_299, %mul3A_546 : i32
      %add3A_548 = arith.constant 6 : i32
      %add3A_549 = arith.addi %mul3A_547, %add3A_548 : i32
      %dma_wait3A_550 = arith.constant 6 : i32
      %dma_wait3A_551 = arith.constant 0 : i32
      %dma_wait3A_552 = tpu.memref_slice %arg9[%dma_wait3A_550, %dma_wait3A_551] : memref<16x128xf32, #tpu.memory_space<vmem>> -> memref<1x128xf32, #tpu.memory_space<vmem>>
      %dma_wait3A_553 = tpu.memref_squeeze %dma_wait3A_552 : memref<1x128xf32, #tpu.memory_space<vmem>> -> memref<128xf32, #tpu.memory_space<vmem>>
      %dma_wait3A_554 = arith.constant 0 : i32
      %dma_wait3A_555 = tpu.memref_slice %arg7[%add3A_549, %dma_wait3A_554] : memref<88x128xi32, #tpu.memory_space<vmem>> -> memref<1x128xi32, #tpu.memory_space<vmem>>
      %dma_wait3A_556 = tpu.memref_squeeze %dma_wait3A_555 : memref<1x128xi32, #tpu.memory_space<vmem>> -> memref<128xi32, #tpu.memory_space<vmem>>
      %dma_wait3A_557 = arith.constant 0 : i32
      %dma_wait3A_558 = tpu.memref_slice %arg2[%dma_wait3A_557] : memref<10240xf32, #tpu.memory_space<hbm>> -> memref<10240xf32, #tpu.memory_space<hbm>>
      tpu.wait_indirect_dma semaphore(%arg12 : memref<!tpu.dma_semaphore, #tpu.memory_space<semaphore_mem>>) src(%dma_wait3A_558 : memref<10240xf32, #tpu.memory_space<hbm>>) dst(%dma_wait3A_553 : memref<128xf32, #tpu.memory_space<vmem>>)
      %dma_start3A_559 = arith.constant 6 : i32
      %dma_start3A_560 = arith.constant 0 : i32
      %dma_start3A_561 = tpu.memref_slice %arg9[%dma_start3A_559, %dma_start3A_560] : memref<16x128xf32, #tpu.memory_space<vmem>> -> memref<1x128xf32, #tpu.memory_space<vmem>>
      %dma_start3A_562 = tpu.memref_squeeze %dma_start3A_561 : memref<1x128xf32, #tpu.memory_space<vmem>> -> memref<128xf32, #tpu.memory_space<vmem>>
      %dma_start3A_563 = arith.constant 0 : i32
      %dma_start3A_564 = tpu.memref_slice %arg8[%add3A_549, %dma_start3A_563] : memref<81x128xi32, #tpu.memory_space<vmem>> -> memref<1x128xi32, #tpu.memory_space<vmem>>
      %dma_start3A_565 = tpu.memref_squeeze %dma_start3A_564 : memref<1x128xi32, #tpu.memory_space<vmem>> -> memref<128xi32, #tpu.memory_space<vmem>>
      %dma_start3A_566 = arith.constant 0 : i32
      %dma_start3A_567 = tpu.memref_slice %arg11[%dma_start3A_566] : memref<10240xf32, #tpu.memory_space<vmem_shared>> -> memref<10240xf32, #tpu.memory_space<vmem_shared>>
      tpu.enqueue_indirect_dma source(%dma_start3A_562 : memref<128xf32, #tpu.memory_space<vmem>>) target(%dma_start3A_567 : memref<10240xf32, #tpu.memory_space<vmem_shared>>) offsets(%dma_start3A_565 : memref<128xi32, #tpu.memory_space<vmem>>) semaphore(%arg13 : memref<!tpu.dma_semaphore, #tpu.memory_space<semaphore_mem>>) {add = true}
      %dma_wait3A_568 = arith.constant 80 : i32
      %dma_wait3A_569 = arith.constant 0 : i32
      %dma_wait3A_570 = tpu.memref_slice %arg10[%dma_wait3A_569] : memref<640xf32, #tpu.memory_space<vmem>> -> memref<128xf32, #tpu.memory_space<vmem>>
      %dma_wait3A_571 = arith.constant 0 : i32
      %dma_wait3A_572 = tpu.memref_slice %arg8[%dma_wait3A_568, %dma_wait3A_571] : memref<81x128xi32, #tpu.memory_space<vmem>> -> memref<1x128xi32, #tpu.memory_space<vmem>>
      %dma_wait3A_573 = tpu.memref_squeeze %dma_wait3A_572 : memref<1x128xi32, #tpu.memory_space<vmem>> -> memref<128xi32, #tpu.memory_space<vmem>>
      %dma_wait3A_574 = arith.constant 0 : i32
      %dma_wait3A_575 = tpu.memref_slice %arg11[%dma_wait3A_574] : memref<10240xf32, #tpu.memory_space<vmem_shared>> -> memref<10240xf32, #tpu.memory_space<vmem_shared>>
      tpu.wait_indirect_dma semaphore(%arg13 : memref<!tpu.dma_semaphore, #tpu.memory_space<semaphore_mem>>) src(%dma_wait3A_570 : memref<128xf32, #tpu.memory_space<vmem>>) dst(%dma_wait3A_575 : memref<10240xf32, #tpu.memory_space<vmem_shared>>)
      %add3A_576 = arith.constant 8 : i32
      %add3A_577 = arith.addi %add3A_549, %add3A_576 : i32
      %dma_start3A_578 = arith.constant 14 : i32
      %dma_start3A_579 = arith.constant 0 : i32
      %dma_start3A_580 = tpu.memref_slice %arg9[%dma_start3A_578, %dma_start3A_579] : memref<16x128xf32, #tpu.memory_space<vmem>> -> memref<1x128xf32, #tpu.memory_space<vmem>>
      %dma_start3A_581 = tpu.memref_squeeze %dma_start3A_580 : memref<1x128xf32, #tpu.memory_space<vmem>> -> memref<128xf32, #tpu.memory_space<vmem>>
      %dma_start3A_582 = arith.constant 0 : i32
      %dma_start3A_583 = tpu.memref_slice %arg7[%add3A_577, %dma_start3A_582] : memref<88x128xi32, #tpu.memory_space<vmem>> -> memref<1x128xi32, #tpu.memory_space<vmem>>
      %dma_start3A_584 = tpu.memref_squeeze %dma_start3A_583 : memref<1x128xi32, #tpu.memory_space<vmem>> -> memref<128xi32, #tpu.memory_space<vmem>>
      %dma_start3A_585 = arith.constant 0 : i32
      %dma_start3A_586 = tpu.memref_slice %arg2[%dma_start3A_585] : memref<10240xf32, #tpu.memory_space<hbm>> -> memref<10240xf32, #tpu.memory_space<hbm>>
      tpu.enqueue_indirect_dma source(%dma_start3A_586 : memref<10240xf32, #tpu.memory_space<hbm>>) target(%dma_start3A_581 : memref<128xf32, #tpu.memory_space<vmem>>) offsets(%dma_start3A_584 : memref<128xi32, #tpu.memory_space<vmem>>) semaphore(%arg12 : memref<!tpu.dma_semaphore, #tpu.memory_space<semaphore_mem>>)
      %mul3A_587 = arith.constant 16 : i32
      %mul3A_588 = arith.muli %scan3A_299, %mul3A_587 : i32
      %add3A_589 = arith.constant 7 : i32
      %add3A_590 = arith.addi %mul3A_588, %add3A_589 : i32
      %dma_wait3A_591 = arith.constant 7 : i32
      %dma_wait3A_592 = arith.constant 0 : i32
      %dma_wait3A_593 = tpu.memref_slice %arg9[%dma_wait3A_591, %dma_wait3A_592] : memref<16x128xf32, #tpu.memory_space<vmem>> -> memref<1x128xf32, #tpu.memory_space<vmem>>
      %dma_wait3A_594 = tpu.memref_squeeze %dma_wait3A_593 : memref<1x128xf32, #tpu.memory_space<vmem>> -> memref<128xf32, #tpu.memory_space<vmem>>
      %dma_wait3A_595 = arith.constant 0 : i32
      %dma_wait3A_596 = tpu.memref_slice %arg7[%add3A_590, %dma_wait3A_595] : memref<88x128xi32, #tpu.memory_space<vmem>> -> memref<1x128xi32, #tpu.memory_space<vmem>>
      %dma_wait3A_597 = tpu.memref_squeeze %dma_wait3A_596 : memref<1x128xi32, #tpu.memory_space<vmem>> -> memref<128xi32, #tpu.memory_space<vmem>>
      %dma_wait3A_598 = arith.constant 0 : i32
      %dma_wait3A_599 = tpu.memref_slice %arg2[%dma_wait3A_598] : memref<10240xf32, #tpu.memory_space<hbm>> -> memref<10240xf32, #tpu.memory_space<hbm>>
      tpu.wait_indirect_dma semaphore(%arg12 : memref<!tpu.dma_semaphore, #tpu.memory_space<semaphore_mem>>) src(%dma_wait3A_599 : memref<10240xf32, #tpu.memory_space<hbm>>) dst(%dma_wait3A_594 : memref<128xf32, #tpu.memory_space<vmem>>)
      %dma_start3A_600 = arith.constant 7 : i32
      %dma_start3A_601 = arith.constant 0 : i32
      %dma_start3A_602 = tpu.memref_slice %arg9[%dma_start3A_600, %dma_start3A_601] : memref<16x128xf32, #tpu.memory_space<vmem>> -> memref<1x128xf32, #tpu.memory_space<vmem>>
      %dma_start3A_603 = tpu.memref_squeeze %dma_start3A_602 : memref<1x128xf32, #tpu.memory_space<vmem>> -> memref<128xf32, #tpu.memory_space<vmem>>
      %dma_start3A_604 = arith.constant 0 : i32
      %dma_start3A_605 = tpu.memref_slice %arg8[%add3A_590, %dma_start3A_604] : memref<81x128xi32, #tpu.memory_space<vmem>> -> memref<1x128xi32, #tpu.memory_space<vmem>>
      %dma_start3A_606 = tpu.memref_squeeze %dma_start3A_605 : memref<1x128xi32, #tpu.memory_space<vmem>> -> memref<128xi32, #tpu.memory_space<vmem>>
      %dma_start3A_607 = arith.constant 0 : i32
      %dma_start3A_608 = tpu.memref_slice %arg11[%dma_start3A_607] : memref<10240xf32, #tpu.memory_space<vmem_shared>> -> memref<10240xf32, #tpu.memory_space<vmem_shared>>
      tpu.enqueue_indirect_dma source(%dma_start3A_603 : memref<128xf32, #tpu.memory_space<vmem>>) target(%dma_start3A_608 : memref<10240xf32, #tpu.memory_space<vmem_shared>>) offsets(%dma_start3A_606 : memref<128xi32, #tpu.memory_space<vmem>>) semaphore(%arg13 : memref<!tpu.dma_semaphore, #tpu.memory_space<semaphore_mem>>) {add = true}
      %dma_wait3A_609 = arith.constant 80 : i32
      %dma_wait3A_610 = arith.constant 0 : i32
      %dma_wait3A_611 = tpu.memref_slice %arg10[%dma_wait3A_610] : memref<640xf32, #tpu.memory_space<vmem>> -> memref<128xf32, #tpu.memory_space<vmem>>
      %dma_wait3A_612 = arith.constant 0 : i32
      %dma_wait3A_613 = tpu.memref_slice %arg8[%dma_wait3A_609, %dma_wait3A_612] : memref<81x128xi32, #tpu.memory_space<vmem>> -> memref<1x128xi32, #tpu.memory_space<vmem>>
      %dma_wait3A_614 = tpu.memref_squeeze %dma_wait3A_613 : memref<1x128xi32, #tpu.memory_space<vmem>> -> memref<128xi32, #tpu.memory_space<vmem>>
      %dma_wait3A_615 = arith.constant 0 : i32
      %dma_wait3A_616 = tpu.memref_slice %arg11[%dma_wait3A_615] : memref<10240xf32, #tpu.memory_space<vmem_shared>> -> memref<10240xf32, #tpu.memory_space<vmem_shared>>
      tpu.wait_indirect_dma semaphore(%arg13 : memref<!tpu.dma_semaphore, #tpu.memory_space<semaphore_mem>>) src(%dma_wait3A_611 : memref<128xf32, #tpu.memory_space<vmem>>) dst(%dma_wait3A_616 : memref<10240xf32, #tpu.memory_space<vmem_shared>>)
      %add3A_617 = arith.constant 8 : i32
      %add3A_618 = arith.addi %add3A_590, %add3A_617 : i32
      %dma_start3A_619 = arith.constant 15 : i32
      %dma_start3A_620 = arith.constant 0 : i32
      %dma_start3A_621 = tpu.memref_slice %arg9[%dma_start3A_619, %dma_start3A_620] : memref<16x128xf32, #tpu.memory_space<vmem>> -> memref<1x128xf32, #tpu.memory_space<vmem>>
      %dma_start3A_622 = tpu.memref_squeeze %dma_start3A_621 : memref<1x128xf32, #tpu.memory_space<vmem>> -> memref<128xf32, #tpu.memory_space<vmem>>
      %dma_start3A_623 = arith.constant 0 : i32
      %dma_start3A_624 = tpu.memref_slice %arg7[%add3A_618, %dma_start3A_623] : memref<88x128xi32, #tpu.memory_space<vmem>> -> memref<1x128xi32, #tpu.memory_space<vmem>>
      %dma_start3A_625 = tpu.memref_squeeze %dma_start3A_624 : memref<1x128xi32, #tpu.memory_space<vmem>> -> memref<128xi32, #tpu.memory_space<vmem>>
      %dma_start3A_626 = arith.constant 0 : i32
      %dma_start3A_627 = tpu.memref_slice %arg2[%dma_start3A_626] : memref<10240xf32, #tpu.memory_space<hbm>> -> memref<10240xf32, #tpu.memory_space<hbm>>
      tpu.enqueue_indirect_dma source(%dma_start3A_627 : memref<10240xf32, #tpu.memory_space<hbm>>) target(%dma_start3A_622 : memref<128xf32, #tpu.memory_space<vmem>>) offsets(%dma_start3A_625 : memref<128xi32, #tpu.memory_space<vmem>>) semaphore(%arg12 : memref<!tpu.dma_semaphore, #tpu.memory_space<semaphore_mem>>)
      %mul3A_628 = arith.constant 16 : i32
      %mul3A_629 = arith.muli %scan3A_299, %mul3A_628 : i32
      %add3A_630 = arith.constant 8 : i32
      %add3A_631 = arith.addi %mul3A_629, %add3A_630 : i32
      %dma_wait3A_632 = arith.constant 8 : i32
      %dma_wait3A_633 = arith.constant 0 : i32
      %dma_wait3A_634 = tpu.memref_slice %arg9[%dma_wait3A_632, %dma_wait3A_633] : memref<16x128xf32, #tpu.memory_space<vmem>> -> memref<1x128xf32, #tpu.memory_space<vmem>>
      %dma_wait3A_635 = tpu.memref_squeeze %dma_wait3A_634 : memref<1x128xf32, #tpu.memory_space<vmem>> -> memref<128xf32, #tpu.memory_space<vmem>>
      %dma_wait3A_636 = arith.constant 0 : i32
      %dma_wait3A_637 = tpu.memref_slice %arg7[%add3A_631, %dma_wait3A_636] : memref<88x128xi32, #tpu.memory_space<vmem>> -> memref<1x128xi32, #tpu.memory_space<vmem>>
      %dma_wait3A_638 = tpu.memref_squeeze %dma_wait3A_637 : memref<1x128xi32, #tpu.memory_space<vmem>> -> memref<128xi32, #tpu.memory_space<vmem>>
      %dma_wait3A_639 = arith.constant 0 : i32
      %dma_wait3A_640 = tpu.memref_slice %arg2[%dma_wait3A_639] : memref<10240xf32, #tpu.memory_space<hbm>> -> memref<10240xf32, #tpu.memory_space<hbm>>
      tpu.wait_indirect_dma semaphore(%arg12 : memref<!tpu.dma_semaphore, #tpu.memory_space<semaphore_mem>>) src(%dma_wait3A_640 : memref<10240xf32, #tpu.memory_space<hbm>>) dst(%dma_wait3A_635 : memref<128xf32, #tpu.memory_space<vmem>>)
      %dma_start3A_641 = arith.constant 8 : i32
      %dma_start3A_642 = arith.constant 0 : i32
      %dma_start3A_643 = tpu.memref_slice %arg9[%dma_start3A_641, %dma_start3A_642] : memref<16x128xf32, #tpu.memory_space<vmem>> -> memref<1x128xf32, #tpu.memory_space<vmem>>
      %dma_start3A_644 = tpu.memref_squeeze %dma_start3A_643 : memref<1x128xf32, #tpu.memory_space<vmem>> -> memref<128xf32, #tpu.memory_space<vmem>>
      %dma_start3A_645 = arith.constant 0 : i32
      %dma_start3A_646 = tpu.memref_slice %arg8[%add3A_631, %dma_start3A_645] : memref<81x128xi32, #tpu.memory_space<vmem>> -> memref<1x128xi32, #tpu.memory_space<vmem>>
      %dma_start3A_647 = tpu.memref_squeeze %dma_start3A_646 : memref<1x128xi32, #tpu.memory_space<vmem>> -> memref<128xi32, #tpu.memory_space<vmem>>
      %dma_start3A_648 = arith.constant 0 : i32
      %dma_start3A_649 = tpu.memref_slice %arg11[%dma_start3A_648] : memref<10240xf32, #tpu.memory_space<vmem_shared>> -> memref<10240xf32, #tpu.memory_space<vmem_shared>>
      tpu.enqueue_indirect_dma source(%dma_start3A_644 : memref<128xf32, #tpu.memory_space<vmem>>) target(%dma_start3A_649 : memref<10240xf32, #tpu.memory_space<vmem_shared>>) offsets(%dma_start3A_647 : memref<128xi32, #tpu.memory_space<vmem>>) semaphore(%arg13 : memref<!tpu.dma_semaphore, #tpu.memory_space<semaphore_mem>>) {add = true}
      %dma_wait3A_650 = arith.constant 80 : i32
      %dma_wait3A_651 = arith.constant 0 : i32
      %dma_wait3A_652 = tpu.memref_slice %arg10[%dma_wait3A_651] : memref<640xf32, #tpu.memory_space<vmem>> -> memref<128xf32, #tpu.memory_space<vmem>>
      %dma_wait3A_653 = arith.constant 0 : i32
      %dma_wait3A_654 = tpu.memref_slice %arg8[%dma_wait3A_650, %dma_wait3A_653] : memref<81x128xi32, #tpu.memory_space<vmem>> -> memref<1x128xi32, #tpu.memory_space<vmem>>
      %dma_wait3A_655 = tpu.memref_squeeze %dma_wait3A_654 : memref<1x128xi32, #tpu.memory_space<vmem>> -> memref<128xi32, #tpu.memory_space<vmem>>
      %dma_wait3A_656 = arith.constant 0 : i32
      %dma_wait3A_657 = tpu.memref_slice %arg11[%dma_wait3A_656] : memref<10240xf32, #tpu.memory_space<vmem_shared>> -> memref<10240xf32, #tpu.memory_space<vmem_shared>>
      tpu.wait_indirect_dma semaphore(%arg13 : memref<!tpu.dma_semaphore, #tpu.memory_space<semaphore_mem>>) src(%dma_wait3A_652 : memref<128xf32, #tpu.memory_space<vmem>>) dst(%dma_wait3A_657 : memref<10240xf32, #tpu.memory_space<vmem_shared>>)
      %add3A_658 = arith.constant 8 : i32
      %add3A_659 = arith.addi %add3A_631, %add3A_658 : i32
      %dma_start3A_660 = arith.constant 0 : i32
      %dma_start3A_661 = arith.constant 0 : i32
      %dma_start3A_662 = tpu.memref_slice %arg9[%dma_start3A_660, %dma_start3A_661] : memref<16x128xf32, #tpu.memory_space<vmem>> -> memref<1x128xf32, #tpu.memory_space<vmem>>
      %dma_start3A_663 = tpu.memref_squeeze %dma_start3A_662 : memref<1x128xf32, #tpu.memory_space<vmem>> -> memref<128xf32, #tpu.memory_space<vmem>>
      %dma_start3A_664 = arith.constant 0 : i32
      %dma_start3A_665 = tpu.memref_slice %arg7[%add3A_659, %dma_start3A_664] : memref<88x128xi32, #tpu.memory_space<vmem>> -> memref<1x128xi32, #tpu.memory_space<vmem>>
      %dma_start3A_666 = tpu.memref_squeeze %dma_start3A_665 : memref<1x128xi32, #tpu.memory_space<vmem>> -> memref<128xi32, #tpu.memory_space<vmem>>
      %dma_start3A_667 = arith.constant 0 : i32
      %dma_start3A_668 = tpu.memref_slice %arg2[%dma_start3A_667] : memref<10240xf32, #tpu.memory_space<hbm>> -> memref<10240xf32, #tpu.memory_space<hbm>>
      tpu.enqueue_indirect_dma source(%dma_start3A_668 : memref<10240xf32, #tpu.memory_space<hbm>>) target(%dma_start3A_663 : memref<128xf32, #tpu.memory_space<vmem>>) offsets(%dma_start3A_666 : memref<128xi32, #tpu.memory_space<vmem>>) semaphore(%arg12 : memref<!tpu.dma_semaphore, #tpu.memory_space<semaphore_mem>>)
      %mul3A_669 = arith.constant 16 : i32
      %mul3A_670 = arith.muli %scan3A_299, %mul3A_669 : i32
      %add3A_671 = arith.constant 9 : i32
      %add3A_672 = arith.addi %mul3A_670, %add3A_671 : i32
      %dma_wait3A_673 = arith.constant 9 : i32
      %dma_wait3A_674 = arith.constant 0 : i32
      %dma_wait3A_675 = tpu.memref_slice %arg9[%dma_wait3A_673, %dma_wait3A_674] : memref<16x128xf32, #tpu.memory_space<vmem>> -> memref<1x128xf32, #tpu.memory_space<vmem>>
      %dma_wait3A_676 = tpu.memref_squeeze %dma_wait3A_675 : memref<1x128xf32, #tpu.memory_space<vmem>> -> memref<128xf32, #tpu.memory_space<vmem>>
      %dma_wait3A_677 = arith.constant 0 : i32
      %dma_wait3A_678 = tpu.memref_slice %arg7[%add3A_672, %dma_wait3A_677] : memref<88x128xi32, #tpu.memory_space<vmem>> -> memref<1x128xi32, #tpu.memory_space<vmem>>
      %dma_wait3A_679 = tpu.memref_squeeze %dma_wait3A_678 : memref<1x128xi32, #tpu.memory_space<vmem>> -> memref<128xi32, #tpu.memory_space<vmem>>
      %dma_wait3A_680 = arith.constant 0 : i32
      %dma_wait3A_681 = tpu.memref_slice %arg2[%dma_wait3A_680] : memref<10240xf32, #tpu.memory_space<hbm>> -> memref<10240xf32, #tpu.memory_space<hbm>>
      tpu.wait_indirect_dma semaphore(%arg12 : memref<!tpu.dma_semaphore, #tpu.memory_space<semaphore_mem>>) src(%dma_wait3A_681 : memref<10240xf32, #tpu.memory_space<hbm>>) dst(%dma_wait3A_676 : memref<128xf32, #tpu.memory_space<vmem>>)
      %dma_start3A_682 = arith.constant 9 : i32
      %dma_start3A_683 = arith.constant 0 : i32
      %dma_start3A_684 = tpu.memref_slice %arg9[%dma_start3A_682, %dma_start3A_683] : memref<16x128xf32, #tpu.memory_space<vmem>> -> memref<1x128xf32, #tpu.memory_space<vmem>>
      %dma_start3A_685 = tpu.memref_squeeze %dma_start3A_684 : memref<1x128xf32, #tpu.memory_space<vmem>> -> memref<128xf32, #tpu.memory_space<vmem>>
      %dma_start3A_686 = arith.constant 0 : i32
      %dma_start3A_687 = tpu.memref_slice %arg8[%add3A_672, %dma_start3A_686] : memref<81x128xi32, #tpu.memory_space<vmem>> -> memref<1x128xi32, #tpu.memory_space<vmem>>
      %dma_start3A_688 = tpu.memref_squeeze %dma_start3A_687 : memref<1x128xi32, #tpu.memory_space<vmem>> -> memref<128xi32, #tpu.memory_space<vmem>>
      %dma_start3A_689 = arith.constant 0 : i32
      %dma_start3A_690 = tpu.memref_slice %arg11[%dma_start3A_689] : memref<10240xf32, #tpu.memory_space<vmem_shared>> -> memref<10240xf32, #tpu.memory_space<vmem_shared>>
      tpu.enqueue_indirect_dma source(%dma_start3A_685 : memref<128xf32, #tpu.memory_space<vmem>>) target(%dma_start3A_690 : memref<10240xf32, #tpu.memory_space<vmem_shared>>) offsets(%dma_start3A_688 : memref<128xi32, #tpu.memory_space<vmem>>) semaphore(%arg13 : memref<!tpu.dma_semaphore, #tpu.memory_space<semaphore_mem>>) {add = true}
      %dma_wait3A_691 = arith.constant 80 : i32
      %dma_wait3A_692 = arith.constant 0 : i32
      %dma_wait3A_693 = tpu.memref_slice %arg10[%dma_wait3A_692] : memref<640xf32, #tpu.memory_space<vmem>> -> memref<128xf32, #tpu.memory_space<vmem>>
      %dma_wait3A_694 = arith.constant 0 : i32
      %dma_wait3A_695 = tpu.memref_slice %arg8[%dma_wait3A_691, %dma_wait3A_694] : memref<81x128xi32, #tpu.memory_space<vmem>> -> memref<1x128xi32, #tpu.memory_space<vmem>>
      %dma_wait3A_696 = tpu.memref_squeeze %dma_wait3A_695 : memref<1x128xi32, #tpu.memory_space<vmem>> -> memref<128xi32, #tpu.memory_space<vmem>>
      %dma_wait3A_697 = arith.constant 0 : i32
      %dma_wait3A_698 = tpu.memref_slice %arg11[%dma_wait3A_697] : memref<10240xf32, #tpu.memory_space<vmem_shared>> -> memref<10240xf32, #tpu.memory_space<vmem_shared>>
      tpu.wait_indirect_dma semaphore(%arg13 : memref<!tpu.dma_semaphore, #tpu.memory_space<semaphore_mem>>) src(%dma_wait3A_693 : memref<128xf32, #tpu.memory_space<vmem>>) dst(%dma_wait3A_698 : memref<10240xf32, #tpu.memory_space<vmem_shared>>)
      %add3A_699 = arith.constant 8 : i32
      %add3A_700 = arith.addi %add3A_672, %add3A_699 : i32
      %dma_start3A_701 = arith.constant 1 : i32
      %dma_start3A_702 = arith.constant 0 : i32
      %dma_start3A_703 = tpu.memref_slice %arg9[%dma_start3A_701, %dma_start3A_702] : memref<16x128xf32, #tpu.memory_space<vmem>> -> memref<1x128xf32, #tpu.memory_space<vmem>>
      %dma_start3A_704 = tpu.memref_squeeze %dma_start3A_703 : memref<1x128xf32, #tpu.memory_space<vmem>> -> memref<128xf32, #tpu.memory_space<vmem>>
      %dma_start3A_705 = arith.constant 0 : i32
      %dma_start3A_706 = tpu.memref_slice %arg7[%add3A_700, %dma_start3A_705] : memref<88x128xi32, #tpu.memory_space<vmem>> -> memref<1x128xi32, #tpu.memory_space<vmem>>
      %dma_start3A_707 = tpu.memref_squeeze %dma_start3A_706 : memref<1x128xi32, #tpu.memory_space<vmem>> -> memref<128xi32, #tpu.memory_space<vmem>>
      %dma_start3A_708 = arith.constant 0 : i32
      %dma_start3A_709 = tpu.memref_slice %arg2[%dma_start3A_708] : memref<10240xf32, #tpu.memory_space<hbm>> -> memref<10240xf32, #tpu.memory_space<hbm>>
      tpu.enqueue_indirect_dma source(%dma_start3A_709 : memref<10240xf32, #tpu.memory_space<hbm>>) target(%dma_start3A_704 : memref<128xf32, #tpu.memory_space<vmem>>) offsets(%dma_start3A_707 : memref<128xi32, #tpu.memory_space<vmem>>) semaphore(%arg12 : memref<!tpu.dma_semaphore, #tpu.memory_space<semaphore_mem>>)
      %mul3A_710 = arith.constant 16 : i32
      %mul3A_711 = arith.muli %scan3A_299, %mul3A_710 : i32
      %add3A_712 = arith.constant 10 : i32
      %add3A_713 = arith.addi %mul3A_711, %add3A_712 : i32
      %dma_wait3A_714 = arith.constant 10 : i32
      %dma_wait3A_715 = arith.constant 0 : i32
      %dma_wait3A_716 = tpu.memref_slice %arg9[%dma_wait3A_714, %dma_wait3A_715] : memref<16x128xf32, #tpu.memory_space<vmem>> -> memref<1x128xf32, #tpu.memory_space<vmem>>
      %dma_wait3A_717 = tpu.memref_squeeze %dma_wait3A_716 : memref<1x128xf32, #tpu.memory_space<vmem>> -> memref<128xf32, #tpu.memory_space<vmem>>
      %dma_wait3A_718 = arith.constant 0 : i32
      %dma_wait3A_719 = tpu.memref_slice %arg7[%add3A_713, %dma_wait3A_718] : memref<88x128xi32, #tpu.memory_space<vmem>> -> memref<1x128xi32, #tpu.memory_space<vmem>>
      %dma_wait3A_720 = tpu.memref_squeeze %dma_wait3A_719 : memref<1x128xi32, #tpu.memory_space<vmem>> -> memref<128xi32, #tpu.memory_space<vmem>>
      %dma_wait3A_721 = arith.constant 0 : i32
      %dma_wait3A_722 = tpu.memref_slice %arg2[%dma_wait3A_721] : memref<10240xf32, #tpu.memory_space<hbm>> -> memref<10240xf32, #tpu.memory_space<hbm>>
      tpu.wait_indirect_dma semaphore(%arg12 : memref<!tpu.dma_semaphore, #tpu.memory_space<semaphore_mem>>) src(%dma_wait3A_722 : memref<10240xf32, #tpu.memory_space<hbm>>) dst(%dma_wait3A_717 : memref<128xf32, #tpu.memory_space<vmem>>)
      %dma_start3A_723 = arith.constant 10 : i32
      %dma_start3A_724 = arith.constant 0 : i32
      %dma_start3A_725 = tpu.memref_slice %arg9[%dma_start3A_723, %dma_start3A_724] : memref<16x128xf32, #tpu.memory_space<vmem>> -> memref<1x128xf32, #tpu.memory_space<vmem>>
      %dma_start3A_726 = tpu.memref_squeeze %dma_start3A_725 : memref<1x128xf32, #tpu.memory_space<vmem>> -> memref<128xf32, #tpu.memory_space<vmem>>
      %dma_start3A_727 = arith.constant 0 : i32
      %dma_start3A_728 = tpu.memref_slice %arg8[%add3A_713, %dma_start3A_727] : memref<81x128xi32, #tpu.memory_space<vmem>> -> memref<1x128xi32, #tpu.memory_space<vmem>>
      %dma_start3A_729 = tpu.memref_squeeze %dma_start3A_728 : memref<1x128xi32, #tpu.memory_space<vmem>> -> memref<128xi32, #tpu.memory_space<vmem>>
      %dma_start3A_730 = arith.constant 0 : i32
      %dma_start3A_731 = tpu.memref_slice %arg11[%dma_start3A_730] : memref<10240xf32, #tpu.memory_space<vmem_shared>> -> memref<10240xf32, #tpu.memory_space<vmem_shared>>
      tpu.enqueue_indirect_dma source(%dma_start3A_726 : memref<128xf32, #tpu.memory_space<vmem>>) target(%dma_start3A_731 : memref<10240xf32, #tpu.memory_space<vmem_shared>>) offsets(%dma_start3A_729 : memref<128xi32, #tpu.memory_space<vmem>>) semaphore(%arg13 : memref<!tpu.dma_semaphore, #tpu.memory_space<semaphore_mem>>) {add = true}
      %dma_wait3A_732 = arith.constant 80 : i32
      %dma_wait3A_733 = arith.constant 0 : i32
      %dma_wait3A_734 = tpu.memref_slice %arg10[%dma_wait3A_733] : memref<640xf32, #tpu.memory_space<vmem>> -> memref<128xf32, #tpu.memory_space<vmem>>
      %dma_wait3A_735 = arith.constant 0 : i32
      %dma_wait3A_736 = tpu.memref_slice %arg8[%dma_wait3A_732, %dma_wait3A_735] : memref<81x128xi32, #tpu.memory_space<vmem>> -> memref<1x128xi32, #tpu.memory_space<vmem>>
      %dma_wait3A_737 = tpu.memref_squeeze %dma_wait3A_736 : memref<1x128xi32, #tpu.memory_space<vmem>> -> memref<128xi32, #tpu.memory_space<vmem>>
      %dma_wait3A_738 = arith.constant 0 : i32
      %dma_wait3A_739 = tpu.memref_slice %arg11[%dma_wait3A_738] : memref<10240xf32, #tpu.memory_space<vmem_shared>> -> memref<10240xf32, #tpu.memory_space<vmem_shared>>
      tpu.wait_indirect_dma semaphore(%arg13 : memref<!tpu.dma_semaphore, #tpu.memory_space<semaphore_mem>>) src(%dma_wait3A_734 : memref<128xf32, #tpu.memory_space<vmem>>) dst(%dma_wait3A_739 : memref<10240xf32, #tpu.memory_space<vmem_shared>>)
      %add3A_740 = arith.constant 8 : i32
      %add3A_741 = arith.addi %add3A_713, %add3A_740 : i32
      %dma_start3A_742 = arith.constant 2 : i32
      %dma_start3A_743 = arith.constant 0 : i32
      %dma_start3A_744 = tpu.memref_slice %arg9[%dma_start3A_742, %dma_start3A_743] : memref<16x128xf32, #tpu.memory_space<vmem>> -> memref<1x128xf32, #tpu.memory_space<vmem>>
      %dma_start3A_745 = tpu.memref_squeeze %dma_start3A_744 : memref<1x128xf32, #tpu.memory_space<vmem>> -> memref<128xf32, #tpu.memory_space<vmem>>
      %dma_start3A_746 = arith.constant 0 : i32
      %dma_start3A_747 = tpu.memref_slice %arg7[%add3A_741, %dma_start3A_746] : memref<88x128xi32, #tpu.memory_space<vmem>> -> memref<1x128xi32, #tpu.memory_space<vmem>>
      %dma_start3A_748 = tpu.memref_squeeze %dma_start3A_747 : memref<1x128xi32, #tpu.memory_space<vmem>> -> memref<128xi32, #tpu.memory_space<vmem>>
      %dma_start3A_749 = arith.constant 0 : i32
      %dma_start3A_750 = tpu.memref_slice %arg2[%dma_start3A_749] : memref<10240xf32, #tpu.memory_space<hbm>> -> memref<10240xf32, #tpu.memory_space<hbm>>
      tpu.enqueue_indirect_dma source(%dma_start3A_750 : memref<10240xf32, #tpu.memory_space<hbm>>) target(%dma_start3A_745 : memref<128xf32, #tpu.memory_space<vmem>>) offsets(%dma_start3A_748 : memref<128xi32, #tpu.memory_space<vmem>>) semaphore(%arg12 : memref<!tpu.dma_semaphore, #tpu.memory_space<semaphore_mem>>)
      %mul3A_751 = arith.constant 16 : i32
      %mul3A_752 = arith.muli %scan3A_299, %mul3A_751 : i32
      %add3A_753 = arith.constant 11 : i32
      %add3A_754 = arith.addi %mul3A_752, %add3A_753 : i32
      %dma_wait3A_755 = arith.constant 11 : i32
      %dma_wait3A_756 = arith.constant 0 : i32
      %dma_wait3A_757 = tpu.memref_slice %arg9[%dma_wait3A_755, %dma_wait3A_756] : memref<16x128xf32, #tpu.memory_space<vmem>> -> memref<1x128xf32, #tpu.memory_space<vmem>>
      %dma_wait3A_758 = tpu.memref_squeeze %dma_wait3A_757 : memref<1x128xf32, #tpu.memory_space<vmem>> -> memref<128xf32, #tpu.memory_space<vmem>>
      %dma_wait3A_759 = arith.constant 0 : i32
      %dma_wait3A_760 = tpu.memref_slice %arg7[%add3A_754, %dma_wait3A_759] : memref<88x128xi32, #tpu.memory_space<vmem>> -> memref<1x128xi32, #tpu.memory_space<vmem>>
      %dma_wait3A_761 = tpu.memref_squeeze %dma_wait3A_760 : memref<1x128xi32, #tpu.memory_space<vmem>> -> memref<128xi32, #tpu.memory_space<vmem>>
      %dma_wait3A_762 = arith.constant 0 : i32
      %dma_wait3A_763 = tpu.memref_slice %arg2[%dma_wait3A_762] : memref<10240xf32, #tpu.memory_space<hbm>> -> memref<10240xf32, #tpu.memory_space<hbm>>
      tpu.wait_indirect_dma semaphore(%arg12 : memref<!tpu.dma_semaphore, #tpu.memory_space<semaphore_mem>>) src(%dma_wait3A_763 : memref<10240xf32, #tpu.memory_space<hbm>>) dst(%dma_wait3A_758 : memref<128xf32, #tpu.memory_space<vmem>>)
      %dma_start3A_764 = arith.constant 11 : i32
      %dma_start3A_765 = arith.constant 0 : i32
      %dma_start3A_766 = tpu.memref_slice %arg9[%dma_start3A_764, %dma_start3A_765] : memref<16x128xf32, #tpu.memory_space<vmem>> -> memref<1x128xf32, #tpu.memory_space<vmem>>
      %dma_start3A_767 = tpu.memref_squeeze %dma_start3A_766 : memref<1x128xf32, #tpu.memory_space<vmem>> -> memref<128xf32, #tpu.memory_space<vmem>>
      %dma_start3A_768 = arith.constant 0 : i32
      %dma_start3A_769 = tpu.memref_slice %arg8[%add3A_754, %dma_start3A_768] : memref<81x128xi32, #tpu.memory_space<vmem>> -> memref<1x128xi32, #tpu.memory_space<vmem>>
      %dma_start3A_770 = tpu.memref_squeeze %dma_start3A_769 : memref<1x128xi32, #tpu.memory_space<vmem>> -> memref<128xi32, #tpu.memory_space<vmem>>
      %dma_start3A_771 = arith.constant 0 : i32
      %dma_start3A_772 = tpu.memref_slice %arg11[%dma_start3A_771] : memref<10240xf32, #tpu.memory_space<vmem_shared>> -> memref<10240xf32, #tpu.memory_space<vmem_shared>>
      tpu.enqueue_indirect_dma source(%dma_start3A_767 : memref<128xf32, #tpu.memory_space<vmem>>) target(%dma_start3A_772 : memref<10240xf32, #tpu.memory_space<vmem_shared>>) offsets(%dma_start3A_770 : memref<128xi32, #tpu.memory_space<vmem>>) semaphore(%arg13 : memref<!tpu.dma_semaphore, #tpu.memory_space<semaphore_mem>>) {add = true}
      %dma_wait3A_773 = arith.constant 80 : i32
      %dma_wait3A_774 = arith.constant 0 : i32
      %dma_wait3A_775 = tpu.memref_slice %arg10[%dma_wait3A_774] : memref<640xf32, #tpu.memory_space<vmem>> -> memref<128xf32, #tpu.memory_space<vmem>>
      %dma_wait3A_776 = arith.constant 0 : i32
      %dma_wait3A_777 = tpu.memref_slice %arg8[%dma_wait3A_773, %dma_wait3A_776] : memref<81x128xi32, #tpu.memory_space<vmem>> -> memref<1x128xi32, #tpu.memory_space<vmem>>
      %dma_wait3A_778 = tpu.memref_squeeze %dma_wait3A_777 : memref<1x128xi32, #tpu.memory_space<vmem>> -> memref<128xi32, #tpu.memory_space<vmem>>
      %dma_wait3A_779 = arith.constant 0 : i32
      %dma_wait3A_780 = tpu.memref_slice %arg11[%dma_wait3A_779] : memref<10240xf32, #tpu.memory_space<vmem_shared>> -> memref<10240xf32, #tpu.memory_space<vmem_shared>>
      tpu.wait_indirect_dma semaphore(%arg13 : memref<!tpu.dma_semaphore, #tpu.memory_space<semaphore_mem>>) src(%dma_wait3A_775 : memref<128xf32, #tpu.memory_space<vmem>>) dst(%dma_wait3A_780 : memref<10240xf32, #tpu.memory_space<vmem_shared>>)
      %add3A_781 = arith.constant 8 : i32
      %add3A_782 = arith.addi %add3A_754, %add3A_781 : i32
      %dma_start3A_783 = arith.constant 3 : i32
      %dma_start3A_784 = arith.constant 0 : i32
      %dma_start3A_785 = tpu.memref_slice %arg9[%dma_start3A_783, %dma_start3A_784] : memref<16x128xf32, #tpu.memory_space<vmem>> -> memref<1x128xf32, #tpu.memory_space<vmem>>
      %dma_start3A_786 = tpu.memref_squeeze %dma_start3A_785 : memref<1x128xf32, #tpu.memory_space<vmem>> -> memref<128xf32, #tpu.memory_space<vmem>>
      %dma_start3A_787 = arith.constant 0 : i32
      %dma_start3A_788 = tpu.memref_slice %arg7[%add3A_782, %dma_start3A_787] : memref<88x128xi32, #tpu.memory_space<vmem>> -> memref<1x128xi32, #tpu.memory_space<vmem>>
      %dma_start3A_789 = tpu.memref_squeeze %dma_start3A_788 : memref<1x128xi32, #tpu.memory_space<vmem>> -> memref<128xi32, #tpu.memory_space<vmem>>
      %dma_start3A_790 = arith.constant 0 : i32
      %dma_start3A_791 = tpu.memref_slice %arg2[%dma_start3A_790] : memref<10240xf32, #tpu.memory_space<hbm>> -> memref<10240xf32, #tpu.memory_space<hbm>>
      tpu.enqueue_indirect_dma source(%dma_start3A_791 : memref<10240xf32, #tpu.memory_space<hbm>>) target(%dma_start3A_786 : memref<128xf32, #tpu.memory_space<vmem>>) offsets(%dma_start3A_789 : memref<128xi32, #tpu.memory_space<vmem>>) semaphore(%arg12 : memref<!tpu.dma_semaphore, #tpu.memory_space<semaphore_mem>>)
      %mul3A_792 = arith.constant 16 : i32
      %mul3A_793 = arith.muli %scan3A_299, %mul3A_792 : i32
      %add3A_794 = arith.constant 12 : i32
      %add3A_795 = arith.addi %mul3A_793, %add3A_794 : i32
      %dma_wait3A_796 = arith.constant 12 : i32
      %dma_wait3A_797 = arith.constant 0 : i32
      %dma_wait3A_798 = tpu.memref_slice %arg9[%dma_wait3A_796, %dma_wait3A_797] : memref<16x128xf32, #tpu.memory_space<vmem>> -> memref<1x128xf32, #tpu.memory_space<vmem>>
      %dma_wait3A_799 = tpu.memref_squeeze %dma_wait3A_798 : memref<1x128xf32, #tpu.memory_space<vmem>> -> memref<128xf32, #tpu.memory_space<vmem>>
      %dma_wait3A_800 = arith.constant 0 : i32
      %dma_wait3A_801 = tpu.memref_slice %arg7[%add3A_795, %dma_wait3A_800] : memref<88x128xi32, #tpu.memory_space<vmem>> -> memref<1x128xi32, #tpu.memory_space<vmem>>
      %dma_wait3A_802 = tpu.memref_squeeze %dma_wait3A_801 : memref<1x128xi32, #tpu.memory_space<vmem>> -> memref<128xi32, #tpu.memory_space<vmem>>
      %dma_wait3A_803 = arith.constant 0 : i32
      %dma_wait3A_804 = tpu.memref_slice %arg2[%dma_wait3A_803] : memref<10240xf32, #tpu.memory_space<hbm>> -> memref<10240xf32, #tpu.memory_space<hbm>>
      tpu.wait_indirect_dma semaphore(%arg12 : memref<!tpu.dma_semaphore, #tpu.memory_space<semaphore_mem>>) src(%dma_wait3A_804 : memref<10240xf32, #tpu.memory_space<hbm>>) dst(%dma_wait3A_799 : memref<128xf32, #tpu.memory_space<vmem>>)
      %dma_start3A_805 = arith.constant 12 : i32
      %dma_start3A_806 = arith.constant 0 : i32
      %dma_start3A_807 = tpu.memref_slice %arg9[%dma_start3A_805, %dma_start3A_806] : memref<16x128xf32, #tpu.memory_space<vmem>> -> memref<1x128xf32, #tpu.memory_space<vmem>>
      %dma_start3A_808 = tpu.memref_squeeze %dma_start3A_807 : memref<1x128xf32, #tpu.memory_space<vmem>> -> memref<128xf32, #tpu.memory_space<vmem>>
      %dma_start3A_809 = arith.constant 0 : i32
      %dma_start3A_810 = tpu.memref_slice %arg8[%add3A_795, %dma_start3A_809] : memref<81x128xi32, #tpu.memory_space<vmem>> -> memref<1x128xi32, #tpu.memory_space<vmem>>
      %dma_start3A_811 = tpu.memref_squeeze %dma_start3A_810 : memref<1x128xi32, #tpu.memory_space<vmem>> -> memref<128xi32, #tpu.memory_space<vmem>>
      %dma_start3A_812 = arith.constant 0 : i32
      %dma_start3A_813 = tpu.memref_slice %arg11[%dma_start3A_812] : memref<10240xf32, #tpu.memory_space<vmem_shared>> -> memref<10240xf32, #tpu.memory_space<vmem_shared>>
      tpu.enqueue_indirect_dma source(%dma_start3A_808 : memref<128xf32, #tpu.memory_space<vmem>>) target(%dma_start3A_813 : memref<10240xf32, #tpu.memory_space<vmem_shared>>) offsets(%dma_start3A_811 : memref<128xi32, #tpu.memory_space<vmem>>) semaphore(%arg13 : memref<!tpu.dma_semaphore, #tpu.memory_space<semaphore_mem>>) {add = true}
      %dma_wait3A_814 = arith.constant 80 : i32
      %dma_wait3A_815 = arith.constant 0 : i32
      %dma_wait3A_816 = tpu.memref_slice %arg10[%dma_wait3A_815] : memref<640xf32, #tpu.memory_space<vmem>> -> memref<128xf32, #tpu.memory_space<vmem>>
      %dma_wait3A_817 = arith.constant 0 : i32
      %dma_wait3A_818 = tpu.memref_slice %arg8[%dma_wait3A_814, %dma_wait3A_817] : memref<81x128xi32, #tpu.memory_space<vmem>> -> memref<1x128xi32, #tpu.memory_space<vmem>>
      %dma_wait3A_819 = tpu.memref_squeeze %dma_wait3A_818 : memref<1x128xi32, #tpu.memory_space<vmem>> -> memref<128xi32, #tpu.memory_space<vmem>>
      %dma_wait3A_820 = arith.constant 0 : i32
      %dma_wait3A_821 = tpu.memref_slice %arg11[%dma_wait3A_820] : memref<10240xf32, #tpu.memory_space<vmem_shared>> -> memref<10240xf32, #tpu.memory_space<vmem_shared>>
      tpu.wait_indirect_dma semaphore(%arg13 : memref<!tpu.dma_semaphore, #tpu.memory_space<semaphore_mem>>) src(%dma_wait3A_816 : memref<128xf32, #tpu.memory_space<vmem>>) dst(%dma_wait3A_821 : memref<10240xf32, #tpu.memory_space<vmem_shared>>)
      %add3A_822 = arith.constant 8 : i32
      %add3A_823 = arith.addi %add3A_795, %add3A_822 : i32
      %dma_start3A_824 = arith.constant 4 : i32
      %dma_start3A_825 = arith.constant 0 : i32
      %dma_start3A_826 = tpu.memref_slice %arg9[%dma_start3A_824, %dma_start3A_825] : memref<16x128xf32, #tpu.memory_space<vmem>> -> memref<1x128xf32, #tpu.memory_space<vmem>>
      %dma_start3A_827 = tpu.memref_squeeze %dma_start3A_826 : memref<1x128xf32, #tpu.memory_space<vmem>> -> memref<128xf32, #tpu.memory_space<vmem>>
      %dma_start3A_828 = arith.constant 0 : i32
      %dma_start3A_829 = tpu.memref_slice %arg7[%add3A_823, %dma_start3A_828] : memref<88x128xi32, #tpu.memory_space<vmem>> -> memref<1x128xi32, #tpu.memory_space<vmem>>
      %dma_start3A_830 = tpu.memref_squeeze %dma_start3A_829 : memref<1x128xi32, #tpu.memory_space<vmem>> -> memref<128xi32, #tpu.memory_space<vmem>>
      %dma_start3A_831 = arith.constant 0 : i32
      %dma_start3A_832 = tpu.memref_slice %arg2[%dma_start3A_831] : memref<10240xf32, #tpu.memory_space<hbm>> -> memref<10240xf32, #tpu.memory_space<hbm>>
      tpu.enqueue_indirect_dma source(%dma_start3A_832 : memref<10240xf32, #tpu.memory_space<hbm>>) target(%dma_start3A_827 : memref<128xf32, #tpu.memory_space<vmem>>) offsets(%dma_start3A_830 : memref<128xi32, #tpu.memory_space<vmem>>) semaphore(%arg12 : memref<!tpu.dma_semaphore, #tpu.memory_space<semaphore_mem>>)
      %mul3A_833 = arith.constant 16 : i32
      %mul3A_834 = arith.muli %scan3A_299, %mul3A_833 : i32
      %add3A_835 = arith.constant 13 : i32
      %add3A_836 = arith.addi %mul3A_834, %add3A_835 : i32
      %dma_wait3A_837 = arith.constant 13 : i32
      %dma_wait3A_838 = arith.constant 0 : i32
      %dma_wait3A_839 = tpu.memref_slice %arg9[%dma_wait3A_837, %dma_wait3A_838] : memref<16x128xf32, #tpu.memory_space<vmem>> -> memref<1x128xf32, #tpu.memory_space<vmem>>
      %dma_wait3A_840 = tpu.memref_squeeze %dma_wait3A_839 : memref<1x128xf32, #tpu.memory_space<vmem>> -> memref<128xf32, #tpu.memory_space<vmem>>
      %dma_wait3A_841 = arith.constant 0 : i32
      %dma_wait3A_842 = tpu.memref_slice %arg7[%add3A_836, %dma_wait3A_841] : memref<88x128xi32, #tpu.memory_space<vmem>> -> memref<1x128xi32, #tpu.memory_space<vmem>>
      %dma_wait3A_843 = tpu.memref_squeeze %dma_wait3A_842 : memref<1x128xi32, #tpu.memory_space<vmem>> -> memref<128xi32, #tpu.memory_space<vmem>>
      %dma_wait3A_844 = arith.constant 0 : i32
      %dma_wait3A_845 = tpu.memref_slice %arg2[%dma_wait3A_844] : memref<10240xf32, #tpu.memory_space<hbm>> -> memref<10240xf32, #tpu.memory_space<hbm>>
      tpu.wait_indirect_dma semaphore(%arg12 : memref<!tpu.dma_semaphore, #tpu.memory_space<semaphore_mem>>) src(%dma_wait3A_845 : memref<10240xf32, #tpu.memory_space<hbm>>) dst(%dma_wait3A_840 : memref<128xf32, #tpu.memory_space<vmem>>)
      %dma_start3A_846 = arith.constant 13 : i32
      %dma_start3A_847 = arith.constant 0 : i32
      %dma_start3A_848 = tpu.memref_slice %arg9[%dma_start3A_846, %dma_start3A_847] : memref<16x128xf32, #tpu.memory_space<vmem>> -> memref<1x128xf32, #tpu.memory_space<vmem>>
      %dma_start3A_849 = tpu.memref_squeeze %dma_start3A_848 : memref<1x128xf32, #tpu.memory_space<vmem>> -> memref<128xf32, #tpu.memory_space<vmem>>
      %dma_start3A_850 = arith.constant 0 : i32
      %dma_start3A_851 = tpu.memref_slice %arg8[%add3A_836, %dma_start3A_850] : memref<81x128xi32, #tpu.memory_space<vmem>> -> memref<1x128xi32, #tpu.memory_space<vmem>>
      %dma_start3A_852 = tpu.memref_squeeze %dma_start3A_851 : memref<1x128xi32, #tpu.memory_space<vmem>> -> memref<128xi32, #tpu.memory_space<vmem>>
      %dma_start3A_853 = arith.constant 0 : i32
      %dma_start3A_854 = tpu.memref_slice %arg11[%dma_start3A_853] : memref<10240xf32, #tpu.memory_space<vmem_shared>> -> memref<10240xf32, #tpu.memory_space<vmem_shared>>
      tpu.enqueue_indirect_dma source(%dma_start3A_849 : memref<128xf32, #tpu.memory_space<vmem>>) target(%dma_start3A_854 : memref<10240xf32, #tpu.memory_space<vmem_shared>>) offsets(%dma_start3A_852 : memref<128xi32, #tpu.memory_space<vmem>>) semaphore(%arg13 : memref<!tpu.dma_semaphore, #tpu.memory_space<semaphore_mem>>) {add = true}
      %dma_wait3A_855 = arith.constant 80 : i32
      %dma_wait3A_856 = arith.constant 0 : i32
      %dma_wait3A_857 = tpu.memref_slice %arg10[%dma_wait3A_856] : memref<640xf32, #tpu.memory_space<vmem>> -> memref<128xf32, #tpu.memory_space<vmem>>
      %dma_wait3A_858 = arith.constant 0 : i32
      %dma_wait3A_859 = tpu.memref_slice %arg8[%dma_wait3A_855, %dma_wait3A_858] : memref<81x128xi32, #tpu.memory_space<vmem>> -> memref<1x128xi32, #tpu.memory_space<vmem>>
      %dma_wait3A_860 = tpu.memref_squeeze %dma_wait3A_859 : memref<1x128xi32, #tpu.memory_space<vmem>> -> memref<128xi32, #tpu.memory_space<vmem>>
      %dma_wait3A_861 = arith.constant 0 : i32
      %dma_wait3A_862 = tpu.memref_slice %arg11[%dma_wait3A_861] : memref<10240xf32, #tpu.memory_space<vmem_shared>> -> memref<10240xf32, #tpu.memory_space<vmem_shared>>
      tpu.wait_indirect_dma semaphore(%arg13 : memref<!tpu.dma_semaphore, #tpu.memory_space<semaphore_mem>>) src(%dma_wait3A_857 : memref<128xf32, #tpu.memory_space<vmem>>) dst(%dma_wait3A_862 : memref<10240xf32, #tpu.memory_space<vmem_shared>>)
      %add3A_863 = arith.constant 8 : i32
      %add3A_864 = arith.addi %add3A_836, %add3A_863 : i32
      %dma_start3A_865 = arith.constant 5 : i32
      %dma_start3A_866 = arith.constant 0 : i32
      %dma_start3A_867 = tpu.memref_slice %arg9[%dma_start3A_865, %dma_start3A_866] : memref<16x128xf32, #tpu.memory_space<vmem>> -> memref<1x128xf32, #tpu.memory_space<vmem>>
      %dma_start3A_868 = tpu.memref_squeeze %dma_start3A_867 : memref<1x128xf32, #tpu.memory_space<vmem>> -> memref<128xf32, #tpu.memory_space<vmem>>
      %dma_start3A_869 = arith.constant 0 : i32
      %dma_start3A_870 = tpu.memref_slice %arg7[%add3A_864, %dma_start3A_869] : memref<88x128xi32, #tpu.memory_space<vmem>> -> memref<1x128xi32, #tpu.memory_space<vmem>>
      %dma_start3A_871 = tpu.memref_squeeze %dma_start3A_870 : memref<1x128xi32, #tpu.memory_space<vmem>> -> memref<128xi32, #tpu.memory_space<vmem>>
      %dma_start3A_872 = arith.constant 0 : i32
      %dma_start3A_873 = tpu.memref_slice %arg2[%dma_start3A_872] : memref<10240xf32, #tpu.memory_space<hbm>> -> memref<10240xf32, #tpu.memory_space<hbm>>
      tpu.enqueue_indirect_dma source(%dma_start3A_873 : memref<10240xf32, #tpu.memory_space<hbm>>) target(%dma_start3A_868 : memref<128xf32, #tpu.memory_space<vmem>>) offsets(%dma_start3A_871 : memref<128xi32, #tpu.memory_space<vmem>>) semaphore(%arg12 : memref<!tpu.dma_semaphore, #tpu.memory_space<semaphore_mem>>)
      %mul3A_874 = arith.constant 16 : i32
      %mul3A_875 = arith.muli %scan3A_299, %mul3A_874 : i32
      %add3A_876 = arith.constant 14 : i32
      %add3A_877 = arith.addi %mul3A_875, %add3A_876 : i32
      %dma_wait3A_878 = arith.constant 14 : i32
      %dma_wait3A_879 = arith.constant 0 : i32
      %dma_wait3A_880 = tpu.memref_slice %arg9[%dma_wait3A_878, %dma_wait3A_879] : memref<16x128xf32, #tpu.memory_space<vmem>> -> memref<1x128xf32, #tpu.memory_space<vmem>>
      %dma_wait3A_881 = tpu.memref_squeeze %dma_wait3A_880 : memref<1x128xf32, #tpu.memory_space<vmem>> -> memref<128xf32, #tpu.memory_space<vmem>>
      %dma_wait3A_882 = arith.constant 0 : i32
      %dma_wait3A_883 = tpu.memref_slice %arg7[%add3A_877, %dma_wait3A_882] : memref<88x128xi32, #tpu.memory_space<vmem>> -> memref<1x128xi32, #tpu.memory_space<vmem>>
      %dma_wait3A_884 = tpu.memref_squeeze %dma_wait3A_883 : memref<1x128xi32, #tpu.memory_space<vmem>> -> memref<128xi32, #tpu.memory_space<vmem>>
      %dma_wait3A_885 = arith.constant 0 : i32
      %dma_wait3A_886 = tpu.memref_slice %arg2[%dma_wait3A_885] : memref<10240xf32, #tpu.memory_space<hbm>> -> memref<10240xf32, #tpu.memory_space<hbm>>
      tpu.wait_indirect_dma semaphore(%arg12 : memref<!tpu.dma_semaphore, #tpu.memory_space<semaphore_mem>>) src(%dma_wait3A_886 : memref<10240xf32, #tpu.memory_space<hbm>>) dst(%dma_wait3A_881 : memref<128xf32, #tpu.memory_space<vmem>>)
      %dma_start3A_887 = arith.constant 14 : i32
      %dma_start3A_888 = arith.constant 0 : i32
      %dma_start3A_889 = tpu.memref_slice %arg9[%dma_start3A_887, %dma_start3A_888] : memref<16x128xf32, #tpu.memory_space<vmem>> -> memref<1x128xf32, #tpu.memory_space<vmem>>
      %dma_start3A_890 = tpu.memref_squeeze %dma_start3A_889 : memref<1x128xf32, #tpu.memory_space<vmem>> -> memref<128xf32, #tpu.memory_space<vmem>>
      %dma_start3A_891 = arith.constant 0 : i32
      %dma_start3A_892 = tpu.memref_slice %arg8[%add3A_877, %dma_start3A_891] : memref<81x128xi32, #tpu.memory_space<vmem>> -> memref<1x128xi32, #tpu.memory_space<vmem>>
      %dma_start3A_893 = tpu.memref_squeeze %dma_start3A_892 : memref<1x128xi32, #tpu.memory_space<vmem>> -> memref<128xi32, #tpu.memory_space<vmem>>
      %dma_start3A_894 = arith.constant 0 : i32
      %dma_start3A_895 = tpu.memref_slice %arg11[%dma_start3A_894] : memref<10240xf32, #tpu.memory_space<vmem_shared>> -> memref<10240xf32, #tpu.memory_space<vmem_shared>>
      tpu.enqueue_indirect_dma source(%dma_start3A_890 : memref<128xf32, #tpu.memory_space<vmem>>) target(%dma_start3A_895 : memref<10240xf32, #tpu.memory_space<vmem_shared>>) offsets(%dma_start3A_893 : memref<128xi32, #tpu.memory_space<vmem>>) semaphore(%arg13 : memref<!tpu.dma_semaphore, #tpu.memory_space<semaphore_mem>>) {add = true}
      %dma_wait3A_896 = arith.constant 80 : i32
      %dma_wait3A_897 = arith.constant 0 : i32
      %dma_wait3A_898 = tpu.memref_slice %arg10[%dma_wait3A_897] : memref<640xf32, #tpu.memory_space<vmem>> -> memref<128xf32, #tpu.memory_space<vmem>>
      %dma_wait3A_899 = arith.constant 0 : i32
      %dma_wait3A_900 = tpu.memref_slice %arg8[%dma_wait3A_896, %dma_wait3A_899] : memref<81x128xi32, #tpu.memory_space<vmem>> -> memref<1x128xi32, #tpu.memory_space<vmem>>
      %dma_wait3A_901 = tpu.memref_squeeze %dma_wait3A_900 : memref<1x128xi32, #tpu.memory_space<vmem>> -> memref<128xi32, #tpu.memory_space<vmem>>
      %dma_wait3A_902 = arith.constant 0 : i32
      %dma_wait3A_903 = tpu.memref_slice %arg11[%dma_wait3A_902] : memref<10240xf32, #tpu.memory_space<vmem_shared>> -> memref<10240xf32, #tpu.memory_space<vmem_shared>>
      tpu.wait_indirect_dma semaphore(%arg13 : memref<!tpu.dma_semaphore, #tpu.memory_space<semaphore_mem>>) src(%dma_wait3A_898 : memref<128xf32, #tpu.memory_space<vmem>>) dst(%dma_wait3A_903 : memref<10240xf32, #tpu.memory_space<vmem_shared>>)
      %add3A_904 = arith.constant 8 : i32
      %add3A_905 = arith.addi %add3A_877, %add3A_904 : i32
      %dma_start3A_906 = arith.constant 6 : i32
      %dma_start3A_907 = arith.constant 0 : i32
      %dma_start3A_908 = tpu.memref_slice %arg9[%dma_start3A_906, %dma_start3A_907] : memref<16x128xf32, #tpu.memory_space<vmem>> -> memref<1x128xf32, #tpu.memory_space<vmem>>
      %dma_start3A_909 = tpu.memref_squeeze %dma_start3A_908 : memref<1x128xf32, #tpu.memory_space<vmem>> -> memref<128xf32, #tpu.memory_space<vmem>>
      %dma_start3A_910 = arith.constant 0 : i32
      %dma_start3A_911 = tpu.memref_slice %arg7[%add3A_905, %dma_start3A_910] : memref<88x128xi32, #tpu.memory_space<vmem>> -> memref<1x128xi32, #tpu.memory_space<vmem>>
      %dma_start3A_912 = tpu.memref_squeeze %dma_start3A_911 : memref<1x128xi32, #tpu.memory_space<vmem>> -> memref<128xi32, #tpu.memory_space<vmem>>
      %dma_start3A_913 = arith.constant 0 : i32
      %dma_start3A_914 = tpu.memref_slice %arg2[%dma_start3A_913] : memref<10240xf32, #tpu.memory_space<hbm>> -> memref<10240xf32, #tpu.memory_space<hbm>>
      tpu.enqueue_indirect_dma source(%dma_start3A_914 : memref<10240xf32, #tpu.memory_space<hbm>>) target(%dma_start3A_909 : memref<128xf32, #tpu.memory_space<vmem>>) offsets(%dma_start3A_912 : memref<128xi32, #tpu.memory_space<vmem>>) semaphore(%arg12 : memref<!tpu.dma_semaphore, #tpu.memory_space<semaphore_mem>>)
      %mul3A_915 = arith.constant 16 : i32
      %mul3A_916 = arith.muli %scan3A_299, %mul3A_915 : i32
      %add3A_917 = arith.constant 15 : i32
      %add3A_918 = arith.addi %mul3A_916, %add3A_917 : i32
      %dma_wait3A_919 = arith.constant 15 : i32
      %dma_wait3A_920 = arith.constant 0 : i32
      %dma_wait3A_921 = tpu.memref_slice %arg9[%dma_wait3A_919, %dma_wait3A_920] : memref<16x128xf32, #tpu.memory_space<vmem>> -> memref<1x128xf32, #tpu.memory_space<vmem>>
      %dma_wait3A_922 = tpu.memref_squeeze %dma_wait3A_921 : memref<1x128xf32, #tpu.memory_space<vmem>> -> memref<128xf32, #tpu.memory_space<vmem>>
      %dma_wait3A_923 = arith.constant 0 : i32
      %dma_wait3A_924 = tpu.memref_slice %arg7[%add3A_918, %dma_wait3A_923] : memref<88x128xi32, #tpu.memory_space<vmem>> -> memref<1x128xi32, #tpu.memory_space<vmem>>
      %dma_wait3A_925 = tpu.memref_squeeze %dma_wait3A_924 : memref<1x128xi32, #tpu.memory_space<vmem>> -> memref<128xi32, #tpu.memory_space<vmem>>
      %dma_wait3A_926 = arith.constant 0 : i32
      %dma_wait3A_927 = tpu.memref_slice %arg2[%dma_wait3A_926] : memref<10240xf32, #tpu.memory_space<hbm>> -> memref<10240xf32, #tpu.memory_space<hbm>>
      tpu.wait_indirect_dma semaphore(%arg12 : memref<!tpu.dma_semaphore, #tpu.memory_space<semaphore_mem>>) src(%dma_wait3A_927 : memref<10240xf32, #tpu.memory_space<hbm>>) dst(%dma_wait3A_922 : memref<128xf32, #tpu.memory_space<vmem>>)
      %dma_start3A_928 = arith.constant 15 : i32
      %dma_start3A_929 = arith.constant 0 : i32
      %dma_start3A_930 = tpu.memref_slice %arg9[%dma_start3A_928, %dma_start3A_929] : memref<16x128xf32, #tpu.memory_space<vmem>> -> memref<1x128xf32, #tpu.memory_space<vmem>>
      %dma_start3A_931 = tpu.memref_squeeze %dma_start3A_930 : memref<1x128xf32, #tpu.memory_space<vmem>> -> memref<128xf32, #tpu.memory_space<vmem>>
      %dma_start3A_932 = arith.constant 0 : i32
      %dma_start3A_933 = tpu.memref_slice %arg8[%add3A_918, %dma_start3A_932] : memref<81x128xi32, #tpu.memory_space<vmem>> -> memref<1x128xi32, #tpu.memory_space<vmem>>
      %dma_start3A_934 = tpu.memref_squeeze %dma_start3A_933 : memref<1x128xi32, #tpu.memory_space<vmem>> -> memref<128xi32, #tpu.memory_space<vmem>>
      %dma_start3A_935 = arith.constant 0 : i32
      %dma_start3A_936 = tpu.memref_slice %arg11[%dma_start3A_935] : memref<10240xf32, #tpu.memory_space<vmem_shared>> -> memref<10240xf32, #tpu.memory_space<vmem_shared>>
      tpu.enqueue_indirect_dma source(%dma_start3A_931 : memref<128xf32, #tpu.memory_space<vmem>>) target(%dma_start3A_936 : memref<10240xf32, #tpu.memory_space<vmem_shared>>) offsets(%dma_start3A_934 : memref<128xi32, #tpu.memory_space<vmem>>) semaphore(%arg13 : memref<!tpu.dma_semaphore, #tpu.memory_space<semaphore_mem>>) {add = true}
      %dma_wait3A_937 = arith.constant 80 : i32
      %dma_wait3A_938 = arith.constant 0 : i32
      %dma_wait3A_939 = tpu.memref_slice %arg10[%dma_wait3A_938] : memref<640xf32, #tpu.memory_space<vmem>> -> memref<128xf32, #tpu.memory_space<vmem>>
      %dma_wait3A_940 = arith.constant 0 : i32
      %dma_wait3A_941 = tpu.memref_slice %arg8[%dma_wait3A_937, %dma_wait3A_940] : memref<81x128xi32, #tpu.memory_space<vmem>> -> memref<1x128xi32, #tpu.memory_space<vmem>>
      %dma_wait3A_942 = tpu.memref_squeeze %dma_wait3A_941 : memref<1x128xi32, #tpu.memory_space<vmem>> -> memref<128xi32, #tpu.memory_space<vmem>>
      %dma_wait3A_943 = arith.constant 0 : i32
      %dma_wait3A_944 = tpu.memref_slice %arg11[%dma_wait3A_943] : memref<10240xf32, #tpu.memory_space<vmem_shared>> -> memref<10240xf32, #tpu.memory_space<vmem_shared>>
      tpu.wait_indirect_dma semaphore(%arg13 : memref<!tpu.dma_semaphore, #tpu.memory_space<semaphore_mem>>) src(%dma_wait3A_939 : memref<128xf32, #tpu.memory_space<vmem>>) dst(%dma_wait3A_944 : memref<10240xf32, #tpu.memory_space<vmem_shared>>)
      %add3A_945 = arith.constant 8 : i32
      %add3A_946 = arith.addi %add3A_918, %add3A_945 : i32
      %dma_start3A_947 = arith.constant 7 : i32
      %dma_start3A_948 = arith.constant 0 : i32
      %dma_start3A_949 = tpu.memref_slice %arg9[%dma_start3A_947, %dma_start3A_948] : memref<16x128xf32, #tpu.memory_space<vmem>> -> memref<1x128xf32, #tpu.memory_space<vmem>>
      %dma_start3A_950 = tpu.memref_squeeze %dma_start3A_949 : memref<1x128xf32, #tpu.memory_space<vmem>> -> memref<128xf32, #tpu.memory_space<vmem>>
      %dma_start3A_951 = arith.constant 0 : i32
      %dma_start3A_952 = tpu.memref_slice %arg7[%add3A_946, %dma_start3A_951] : memref<88x128xi32, #tpu.memory_space<vmem>> -> memref<1x128xi32, #tpu.memory_space<vmem>>
      %dma_start3A_953 = tpu.memref_squeeze %dma_start3A_952 : memref<1x128xi32, #tpu.memory_space<vmem>> -> memref<128xi32, #tpu.memory_space<vmem>>
      %dma_start3A_954 = arith.constant 0 : i32
      %dma_start3A_955 = tpu.memref_slice %arg2[%dma_start3A_954] : memref<10240xf32, #tpu.memory_space<hbm>> -> memref<10240xf32, #tpu.memory_space<hbm>>
      tpu.enqueue_indirect_dma source(%dma_start3A_955 : memref<10240xf32, #tpu.memory_space<hbm>>) target(%dma_start3A_950 : memref<128xf32, #tpu.memory_space<vmem>>) offsets(%dma_start3A_953 : memref<128xi32, #tpu.memory_space<vmem>>) semaphore(%arg12 : memref<!tpu.dma_semaphore, #tpu.memory_space<semaphore_mem>>)
    }
    %scan3A_150 = arith.constant 5 : i32
    %dma_wait3A = arith.constant 80 : i32
    %dma_wait3A_151 = arith.constant 0 : i32
    %dma_wait3A_152 = arith.constant 0 : i32
    %dma_wait3A_153 = tpu.memref_slice %arg9[%dma_wait3A_151, %dma_wait3A_152] : memref<16x128xf32, #tpu.memory_space<vmem>> -> memref<1x128xf32, #tpu.memory_space<vmem>>
    %dma_wait3A_154 = tpu.memref_squeeze %dma_wait3A_153 : memref<1x128xf32, #tpu.memory_space<vmem>> -> memref<128xf32, #tpu.memory_space<vmem>>
    %dma_wait3A_155 = arith.constant 0 : i32
    %dma_wait3A_156 = tpu.memref_slice %arg7[%dma_wait3A, %dma_wait3A_155] : memref<88x128xi32, #tpu.memory_space<vmem>> -> memref<1x128xi32, #tpu.memory_space<vmem>>
    %dma_wait3A_157 = tpu.memref_squeeze %dma_wait3A_156 : memref<1x128xi32, #tpu.memory_space<vmem>> -> memref<128xi32, #tpu.memory_space<vmem>>
    %dma_wait3A_158 = arith.constant 0 : i32
    %dma_wait3A_159 = tpu.memref_slice %arg2[%dma_wait3A_158] : memref<10240xf32, #tpu.memory_space<hbm>> -> memref<10240xf32, #tpu.memory_space<hbm>>
    tpu.wait_indirect_dma semaphore(%arg12 : memref<!tpu.dma_semaphore, #tpu.memory_space<semaphore_mem>>) src(%dma_wait3A_159 : memref<10240xf32, #tpu.memory_space<hbm>>) dst(%dma_wait3A_154 : memref<128xf32, #tpu.memory_space<vmem>>)
    %dma_wait3A_160 = arith.constant 80 : i32
    %dma_wait3A_161 = arith.constant 1 : i32
    %dma_wait3A_162 = arith.constant 0 : i32
    %dma_wait3A_163 = tpu.memref_slice %arg9[%dma_wait3A_161, %dma_wait3A_162] : memref<16x128xf32, #tpu.memory_space<vmem>> -> memref<1x128xf32, #tpu.memory_space<vmem>>
    %dma_wait3A_164 = tpu.memref_squeeze %dma_wait3A_163 : memref<1x128xf32, #tpu.memory_space<vmem>> -> memref<128xf32, #tpu.memory_space<vmem>>
    %dma_wait3A_165 = arith.constant 0 : i32
    %dma_wait3A_166 = tpu.memref_slice %arg7[%dma_wait3A_160, %dma_wait3A_165] : memref<88x128xi32, #tpu.memory_space<vmem>> -> memref<1x128xi32, #tpu.memory_space<vmem>>
    %dma_wait3A_167 = tpu.memref_squeeze %dma_wait3A_166 : memref<1x128xi32, #tpu.memory_space<vmem>> -> memref<128xi32, #tpu.memory_space<vmem>>
    %dma_wait3A_168 = arith.constant 0 : i32
    %dma_wait3A_169 = tpu.memref_slice %arg2[%dma_wait3A_168] : memref<10240xf32, #tpu.memory_space<hbm>> -> memref<10240xf32, #tpu.memory_space<hbm>>
    tpu.wait_indirect_dma semaphore(%arg12 : memref<!tpu.dma_semaphore, #tpu.memory_space<semaphore_mem>>) src(%dma_wait3A_169 : memref<10240xf32, #tpu.memory_space<hbm>>) dst(%dma_wait3A_164 : memref<128xf32, #tpu.memory_space<vmem>>)
    %dma_wait3A_170 = arith.constant 80 : i32
    %dma_wait3A_171 = arith.constant 2 : i32
    %dma_wait3A_172 = arith.constant 0 : i32
    %dma_wait3A_173 = tpu.memref_slice %arg9[%dma_wait3A_171, %dma_wait3A_172] : memref<16x128xf32, #tpu.memory_space<vmem>> -> memref<1x128xf32, #tpu.memory_space<vmem>>
    %dma_wait3A_174 = tpu.memref_squeeze %dma_wait3A_173 : memref<1x128xf32, #tpu.memory_space<vmem>> -> memref<128xf32, #tpu.memory_space<vmem>>
    %dma_wait3A_175 = arith.constant 0 : i32
    %dma_wait3A_176 = tpu.memref_slice %arg7[%dma_wait3A_170, %dma_wait3A_175] : memref<88x128xi32, #tpu.memory_space<vmem>> -> memref<1x128xi32, #tpu.memory_space<vmem>>
    %dma_wait3A_177 = tpu.memref_squeeze %dma_wait3A_176 : memref<1x128xi32, #tpu.memory_space<vmem>> -> memref<128xi32, #tpu.memory_space<vmem>>
    %dma_wait3A_178 = arith.constant 0 : i32
    %dma_wait3A_179 = tpu.memref_slice %arg2[%dma_wait3A_178] : memref<10240xf32, #tpu.memory_space<hbm>> -> memref<10240xf32, #tpu.memory_space<hbm>>
    tpu.wait_indirect_dma semaphore(%arg12 : memref<!tpu.dma_semaphore, #tpu.memory_space<semaphore_mem>>) src(%dma_wait3A_179 : memref<10240xf32, #tpu.memory_space<hbm>>) dst(%dma_wait3A_174 : memref<128xf32, #tpu.memory_space<vmem>>)
    %dma_wait3A_180 = arith.constant 80 : i32
    %dma_wait3A_181 = arith.constant 3 : i32
    %dma_wait3A_182 = arith.constant 0 : i32
    %dma_wait3A_183 = tpu.memref_slice %arg9[%dma_wait3A_181, %dma_wait3A_182] : memref<16x128xf32, #tpu.memory_space<vmem>> -> memref<1x128xf32, #tpu.memory_space<vmem>>
    %dma_wait3A_184 = tpu.memref_squeeze %dma_wait3A_183 : memref<1x128xf32, #tpu.memory_space<vmem>> -> memref<128xf32, #tpu.memory_space<vmem>>
    %dma_wait3A_185 = arith.constant 0 : i32
    %dma_wait3A_186 = tpu.memref_slice %arg7[%dma_wait3A_180, %dma_wait3A_185] : memref<88x128xi32, #tpu.memory_space<vmem>> -> memref<1x128xi32, #tpu.memory_space<vmem>>
    %dma_wait3A_187 = tpu.memref_squeeze %dma_wait3A_186 : memref<1x128xi32, #tpu.memory_space<vmem>> -> memref<128xi32, #tpu.memory_space<vmem>>
    %dma_wait3A_188 = arith.constant 0 : i32
    %dma_wait3A_189 = tpu.memref_slice %arg2[%dma_wait3A_188] : memref<10240xf32, #tpu.memory_space<hbm>> -> memref<10240xf32, #tpu.memory_space<hbm>>
    tpu.wait_indirect_dma semaphore(%arg12 : memref<!tpu.dma_semaphore, #tpu.memory_space<semaphore_mem>>) src(%dma_wait3A_189 : memref<10240xf32, #tpu.memory_space<hbm>>) dst(%dma_wait3A_184 : memref<128xf32, #tpu.memory_space<vmem>>)
    %dma_wait3A_190 = arith.constant 80 : i32
    %dma_wait3A_191 = arith.constant 4 : i32
    %dma_wait3A_192 = arith.constant 0 : i32
    %dma_wait3A_193 = tpu.memref_slice %arg9[%dma_wait3A_191, %dma_wait3A_192] : memref<16x128xf32, #tpu.memory_space<vmem>> -> memref<1x128xf32, #tpu.memory_space<vmem>>
    %dma_wait3A_194 = tpu.memref_squeeze %dma_wait3A_193 : memref<1x128xf32, #tpu.memory_space<vmem>> -> memref<128xf32, #tpu.memory_space<vmem>>
    %dma_wait3A_195 = arith.constant 0 : i32
    %dma_wait3A_196 = tpu.memref_slice %arg7[%dma_wait3A_190, %dma_wait3A_195] : memref<88x128xi32, #tpu.memory_space<vmem>> -> memref<1x128xi32, #tpu.memory_space<vmem>>
    %dma_wait3A_197 = tpu.memref_squeeze %dma_wait3A_196 : memref<1x128xi32, #tpu.memory_space<vmem>> -> memref<128xi32, #tpu.memory_space<vmem>>
    %dma_wait3A_198 = arith.constant 0 : i32
    %dma_wait3A_199 = tpu.memref_slice %arg2[%dma_wait3A_198] : memref<10240xf32, #tpu.memory_space<hbm>> -> memref<10240xf32, #tpu.memory_space<hbm>>
    tpu.wait_indirect_dma semaphore(%arg12 : memref<!tpu.dma_semaphore, #tpu.memory_space<semaphore_mem>>) src(%dma_wait3A_199 : memref<10240xf32, #tpu.memory_space<hbm>>) dst(%dma_wait3A_194 : memref<128xf32, #tpu.memory_space<vmem>>)
    %dma_wait3A_200 = arith.constant 80 : i32
    %dma_wait3A_201 = arith.constant 5 : i32
    %dma_wait3A_202 = arith.constant 0 : i32
    %dma_wait3A_203 = tpu.memref_slice %arg9[%dma_wait3A_201, %dma_wait3A_202] : memref<16x128xf32, #tpu.memory_space<vmem>> -> memref<1x128xf32, #tpu.memory_space<vmem>>
    %dma_wait3A_204 = tpu.memref_squeeze %dma_wait3A_203 : memref<1x128xf32, #tpu.memory_space<vmem>> -> memref<128xf32, #tpu.memory_space<vmem>>
    %dma_wait3A_205 = arith.constant 0 : i32
    %dma_wait3A_206 = tpu.memref_slice %arg7[%dma_wait3A_200, %dma_wait3A_205] : memref<88x128xi32, #tpu.memory_space<vmem>> -> memref<1x128xi32, #tpu.memory_space<vmem>>
    %dma_wait3A_207 = tpu.memref_squeeze %dma_wait3A_206 : memref<1x128xi32, #tpu.memory_space<vmem>> -> memref<128xi32, #tpu.memory_space<vmem>>
    %dma_wait3A_208 = arith.constant 0 : i32
    %dma_wait3A_209 = tpu.memref_slice %arg2[%dma_wait3A_208] : memref<10240xf32, #tpu.memory_space<hbm>> -> memref<10240xf32, #tpu.memory_space<hbm>>
    tpu.wait_indirect_dma semaphore(%arg12 : memref<!tpu.dma_semaphore, #tpu.memory_space<semaphore_mem>>) src(%dma_wait3A_209 : memref<10240xf32, #tpu.memory_space<hbm>>) dst(%dma_wait3A_204 : memref<128xf32, #tpu.memory_space<vmem>>)
    %dma_wait3A_210 = arith.constant 80 : i32
    %dma_wait3A_211 = arith.constant 6 : i32
    %dma_wait3A_212 = arith.constant 0 : i32
    %dma_wait3A_213 = tpu.memref_slice %arg9[%dma_wait3A_211, %dma_wait3A_212] : memref<16x128xf32, #tpu.memory_space<vmem>> -> memref<1x128xf32, #tpu.memory_space<vmem>>
    %dma_wait3A_214 = tpu.memref_squeeze %dma_wait3A_213 : memref<1x128xf32, #tpu.memory_space<vmem>> -> memref<128xf32, #tpu.memory_space<vmem>>
    %dma_wait3A_215 = arith.constant 0 : i32
    %dma_wait3A_216 = tpu.memref_slice %arg7[%dma_wait3A_210, %dma_wait3A_215] : memref<88x128xi32, #tpu.memory_space<vmem>> -> memref<1x128xi32, #tpu.memory_space<vmem>>
    %dma_wait3A_217 = tpu.memref_squeeze %dma_wait3A_216 : memref<1x128xi32, #tpu.memory_space<vmem>> -> memref<128xi32, #tpu.memory_space<vmem>>
    %dma_wait3A_218 = arith.constant 0 : i32
    %dma_wait3A_219 = tpu.memref_slice %arg2[%dma_wait3A_218] : memref<10240xf32, #tpu.memory_space<hbm>> -> memref<10240xf32, #tpu.memory_space<hbm>>
    tpu.wait_indirect_dma semaphore(%arg12 : memref<!tpu.dma_semaphore, #tpu.memory_space<semaphore_mem>>) src(%dma_wait3A_219 : memref<10240xf32, #tpu.memory_space<hbm>>) dst(%dma_wait3A_214 : memref<128xf32, #tpu.memory_space<vmem>>)
    %dma_wait3A_220 = arith.constant 80 : i32
    %dma_wait3A_221 = arith.constant 7 : i32
    %dma_wait3A_222 = arith.constant 0 : i32
    %dma_wait3A_223 = tpu.memref_slice %arg9[%dma_wait3A_221, %dma_wait3A_222] : memref<16x128xf32, #tpu.memory_space<vmem>> -> memref<1x128xf32, #tpu.memory_space<vmem>>
    %dma_wait3A_224 = tpu.memref_squeeze %dma_wait3A_223 : memref<1x128xf32, #tpu.memory_space<vmem>> -> memref<128xf32, #tpu.memory_space<vmem>>
    %dma_wait3A_225 = arith.constant 0 : i32
    %dma_wait3A_226 = tpu.memref_slice %arg7[%dma_wait3A_220, %dma_wait3A_225] : memref<88x128xi32, #tpu.memory_space<vmem>> -> memref<1x128xi32, #tpu.memory_space<vmem>>
    %dma_wait3A_227 = tpu.memref_squeeze %dma_wait3A_226 : memref<1x128xi32, #tpu.memory_space<vmem>> -> memref<128xi32, #tpu.memory_space<vmem>>
    %dma_wait3A_228 = arith.constant 0 : i32
    %dma_wait3A_229 = tpu.memref_slice %arg2[%dma_wait3A_228] : memref<10240xf32, #tpu.memory_space<hbm>> -> memref<10240xf32, #tpu.memory_space<hbm>>
    tpu.wait_indirect_dma semaphore(%arg12 : memref<!tpu.dma_semaphore, #tpu.memory_space<semaphore_mem>>) src(%dma_wait3A_229 : memref<10240xf32, #tpu.memory_space<hbm>>) dst(%dma_wait3A_224 : memref<128xf32, #tpu.memory_space<vmem>>)
    %dma_wait3A_230 = arith.constant 80 : i32
    %dma_wait3A_231 = arith.constant 0 : i32
    %dma_wait3A_232 = tpu.memref_slice %arg10[%dma_wait3A_231] : memref<640xf32, #tpu.memory_space<vmem>> -> memref<128xf32, #tpu.memory_space<vmem>>
    %dma_wait3A_233 = arith.constant 0 : i32
    %dma_wait3A_234 = tpu.memref_slice %arg8[%dma_wait3A_230, %dma_wait3A_233] : memref<81x128xi32, #tpu.memory_space<vmem>> -> memref<1x128xi32, #tpu.memory_space<vmem>>
    %dma_wait3A_235 = tpu.memref_squeeze %dma_wait3A_234 : memref<1x128xi32, #tpu.memory_space<vmem>> -> memref<128xi32, #tpu.memory_space<vmem>>
    %dma_wait3A_236 = arith.constant 0 : i32
    %dma_wait3A_237 = tpu.memref_slice %arg11[%dma_wait3A_236] : memref<10240xf32, #tpu.memory_space<vmem_shared>> -> memref<10240xf32, #tpu.memory_space<vmem_shared>>
    tpu.wait_indirect_dma semaphore(%arg13 : memref<!tpu.dma_semaphore, #tpu.memory_space<semaphore_mem>>) src(%dma_wait3A_232 : memref<128xf32, #tpu.memory_space<vmem>>) dst(%dma_wait3A_237 : memref<10240xf32, #tpu.memory_space<vmem_shared>>)
    %dma_wait3A_238 = arith.constant 80 : i32
    %dma_wait3A_239 = arith.constant 0 : i32
    %dma_wait3A_240 = tpu.memref_slice %arg10[%dma_wait3A_239] : memref<640xf32, #tpu.memory_space<vmem>> -> memref<128xf32, #tpu.memory_space<vmem>>
    %dma_wait3A_241 = arith.constant 0 : i32
    %dma_wait3A_242 = tpu.memref_slice %arg8[%dma_wait3A_238, %dma_wait3A_241] : memref<81x128xi32, #tpu.memory_space<vmem>> -> memref<1x128xi32, #tpu.memory_space<vmem>>
    %dma_wait3A_243 = tpu.memref_squeeze %dma_wait3A_242 : memref<1x128xi32, #tpu.memory_space<vmem>> -> memref<128xi32, #tpu.memory_space<vmem>>
    %dma_wait3A_244 = arith.constant 0 : i32
    %dma_wait3A_245 = tpu.memref_slice %arg11[%dma_wait3A_244] : memref<10240xf32, #tpu.memory_space<vmem_shared>> -> memref<10240xf32, #tpu.memory_space<vmem_shared>>
    tpu.wait_indirect_dma semaphore(%arg13 : memref<!tpu.dma_semaphore, #tpu.memory_space<semaphore_mem>>) src(%dma_wait3A_240 : memref<128xf32, #tpu.memory_space<vmem>>) dst(%dma_wait3A_245 : memref<10240xf32, #tpu.memory_space<vmem_shared>>)
    %dma_wait3A_246 = arith.constant 80 : i32
    %dma_wait3A_247 = arith.constant 0 : i32
    %dma_wait3A_248 = tpu.memref_slice %arg10[%dma_wait3A_247] : memref<640xf32, #tpu.memory_space<vmem>> -> memref<128xf32, #tpu.memory_space<vmem>>
    %dma_wait3A_249 = arith.constant 0 : i32
    %dma_wait3A_250 = tpu.memref_slice %arg8[%dma_wait3A_246, %dma_wait3A_249] : memref<81x128xi32, #tpu.memory_space<vmem>> -> memref<1x128xi32, #tpu.memory_space<vmem>>
    %dma_wait3A_251 = tpu.memref_squeeze %dma_wait3A_250 : memref<1x128xi32, #tpu.memory_space<vmem>> -> memref<128xi32, #tpu.memory_space<vmem>>
    %dma_wait3A_252 = arith.constant 0 : i32
    %dma_wait3A_253 = tpu.memref_slice %arg11[%dma_wait3A_252] : memref<10240xf32, #tpu.memory_space<vmem_shared>> -> memref<10240xf32, #tpu.memory_space<vmem_shared>>
    tpu.wait_indirect_dma semaphore(%arg13 : memref<!tpu.dma_semaphore, #tpu.memory_space<semaphore_mem>>) src(%dma_wait3A_248 : memref<128xf32, #tpu.memory_space<vmem>>) dst(%dma_wait3A_253 : memref<10240xf32, #tpu.memory_space<vmem_shared>>)
    %dma_wait3A_254 = arith.constant 80 : i32
    %dma_wait3A_255 = arith.constant 0 : i32
    %dma_wait3A_256 = tpu.memref_slice %arg10[%dma_wait3A_255] : memref<640xf32, #tpu.memory_space<vmem>> -> memref<128xf32, #tpu.memory_space<vmem>>
    %dma_wait3A_257 = arith.constant 0 : i32
    %dma_wait3A_258 = tpu.memref_slice %arg8[%dma_wait3A_254, %dma_wait3A_257] : memref<81x128xi32, #tpu.memory_space<vmem>> -> memref<1x128xi32, #tpu.memory_space<vmem>>
    %dma_wait3A_259 = tpu.memref_squeeze %dma_wait3A_258 : memref<1x128xi32, #tpu.memory_space<vmem>> -> memref<128xi32, #tpu.memory_space<vmem>>
    %dma_wait3A_260 = arith.constant 0 : i32
    %dma_wait3A_261 = tpu.memref_slice %arg11[%dma_wait3A_260] : memref<10240xf32, #tpu.memory_space<vmem_shared>> -> memref<10240xf32, #tpu.memory_space<vmem_shared>>
    tpu.wait_indirect_dma semaphore(%arg13 : memref<!tpu.dma_semaphore, #tpu.memory_space<semaphore_mem>>) src(%dma_wait3A_256 : memref<128xf32, #tpu.memory_space<vmem>>) dst(%dma_wait3A_261 : memref<10240xf32, #tpu.memory_space<vmem_shared>>)
    %dma_wait3A_262 = arith.constant 80 : i32
    %dma_wait3A_263 = arith.constant 0 : i32
    %dma_wait3A_264 = tpu.memref_slice %arg10[%dma_wait3A_263] : memref<640xf32, #tpu.memory_space<vmem>> -> memref<128xf32, #tpu.memory_space<vmem>>
    %dma_wait3A_265 = arith.constant 0 : i32
    %dma_wait3A_266 = tpu.memref_slice %arg8[%dma_wait3A_262, %dma_wait3A_265] : memref<81x128xi32, #tpu.memory_space<vmem>> -> memref<1x128xi32, #tpu.memory_space<vmem>>
    %dma_wait3A_267 = tpu.memref_squeeze %dma_wait3A_266 : memref<1x128xi32, #tpu.memory_space<vmem>> -> memref<128xi32, #tpu.memory_space<vmem>>
    %dma_wait3A_268 = arith.constant 0 : i32
    %dma_wait3A_269 = tpu.memref_slice %arg11[%dma_wait3A_268] : memref<10240xf32, #tpu.memory_space<vmem_shared>> -> memref<10240xf32, #tpu.memory_space<vmem_shared>>
    tpu.wait_indirect_dma semaphore(%arg13 : memref<!tpu.dma_semaphore, #tpu.memory_space<semaphore_mem>>) src(%dma_wait3A_264 : memref<128xf32, #tpu.memory_space<vmem>>) dst(%dma_wait3A_269 : memref<10240xf32, #tpu.memory_space<vmem_shared>>)
    %dma_wait3A_270 = arith.constant 80 : i32
    %dma_wait3A_271 = arith.constant 0 : i32
    %dma_wait3A_272 = tpu.memref_slice %arg10[%dma_wait3A_271] : memref<640xf32, #tpu.memory_space<vmem>> -> memref<128xf32, #tpu.memory_space<vmem>>
    %dma_wait3A_273 = arith.constant 0 : i32
    %dma_wait3A_274 = tpu.memref_slice %arg8[%dma_wait3A_270, %dma_wait3A_273] : memref<81x128xi32, #tpu.memory_space<vmem>> -> memref<1x128xi32, #tpu.memory_space<vmem>>
    %dma_wait3A_275 = tpu.memref_squeeze %dma_wait3A_274 : memref<1x128xi32, #tpu.memory_space<vmem>> -> memref<128xi32, #tpu.memory_space<vmem>>
    %dma_wait3A_276 = arith.constant 0 : i32
    %dma_wait3A_277 = tpu.memref_slice %arg11[%dma_wait3A_276] : memref<10240xf32, #tpu.memory_space<vmem_shared>> -> memref<10240xf32, #tpu.memory_space<vmem_shared>>
    tpu.wait_indirect_dma semaphore(%arg13 : memref<!tpu.dma_semaphore, #tpu.memory_space<semaphore_mem>>) src(%dma_wait3A_272 : memref<128xf32, #tpu.memory_space<vmem>>) dst(%dma_wait3A_277 : memref<10240xf32, #tpu.memory_space<vmem_shared>>)
    %dma_wait3A_278 = arith.constant 80 : i32
    %dma_wait3A_279 = arith.constant 0 : i32
    %dma_wait3A_280 = tpu.memref_slice %arg10[%dma_wait3A_279] : memref<640xf32, #tpu.memory_space<vmem>> -> memref<128xf32, #tpu.memory_space<vmem>>
    %dma_wait3A_281 = arith.constant 0 : i32
    %dma_wait3A_282 = tpu.memref_slice %arg8[%dma_wait3A_278, %dma_wait3A_281] : memref<81x128xi32, #tpu.memory_space<vmem>> -> memref<1x128xi32, #tpu.memory_space<vmem>>
    %dma_wait3A_283 = tpu.memref_squeeze %dma_wait3A_282 : memref<1x128xi32, #tpu.memory_space<vmem>> -> memref<128xi32, #tpu.memory_space<vmem>>
    %dma_wait3A_284 = arith.constant 0 : i32
    %dma_wait3A_285 = tpu.memref_slice %arg11[%dma_wait3A_284] : memref<10240xf32, #tpu.memory_space<vmem_shared>> -> memref<10240xf32, #tpu.memory_space<vmem_shared>>
    tpu.wait_indirect_dma semaphore(%arg13 : memref<!tpu.dma_semaphore, #tpu.memory_space<semaphore_mem>>) src(%dma_wait3A_280 : memref<128xf32, #tpu.memory_space<vmem>>) dst(%dma_wait3A_285 : memref<10240xf32, #tpu.memory_space<vmem_shared>>)
    %dma_wait3A_286 = arith.constant 80 : i32
    %dma_wait3A_287 = arith.constant 0 : i32
    %dma_wait3A_288 = tpu.memref_slice %arg10[%dma_wait3A_287] : memref<640xf32, #tpu.memory_space<vmem>> -> memref<128xf32, #tpu.memory_space<vmem>>
    %dma_wait3A_289 = arith.constant 0 : i32
    %dma_wait3A_290 = tpu.memref_slice %arg8[%dma_wait3A_286, %dma_wait3A_289] : memref<81x128xi32, #tpu.memory_space<vmem>> -> memref<1x128xi32, #tpu.memory_space<vmem>>
    %dma_wait3A_291 = tpu.memref_squeeze %dma_wait3A_290 : memref<1x128xi32, #tpu.memory_space<vmem>> -> memref<128xi32, #tpu.memory_space<vmem>>
    %dma_wait3A_292 = arith.constant 0 : i32
    %dma_wait3A_293 = tpu.memref_slice %arg11[%dma_wait3A_292] : memref<10240xf32, #tpu.memory_space<vmem_shared>> -> memref<10240xf32, #tpu.memory_space<vmem_shared>>
    tpu.wait_indirect_dma semaphore(%arg13 : memref<!tpu.dma_semaphore, #tpu.memory_space<semaphore_mem>>) src(%dma_wait3A_288 : memref<128xf32, #tpu.memory_space<vmem>>) dst(%dma_wait3A_293 : memref<10240xf32, #tpu.memory_space<vmem_shared>>)
    %barrier3A_294 = arith.constant 0 : index
    tpu.barrier barrier_id(%barrier3A_294)
    %mul3A_295 = arith.constant 640 : i32
    %mul3A_296 = arith.muli %arg1, %mul3A_295 : i32
    "tpu.region"() ({
      %run_scoped3A = tpu.sem_alloc : memref<!tpu.dma_semaphore, #tpu.memory_space<semaphore_mem>>
      %dma_start3A_299 = tpu.memref_slice %arg11[%mul3A_296] : memref<10240xf32, #tpu.memory_space<vmem_shared>> -> memref<640xf32, #tpu.memory_space<vmem_shared>>
      %dma_start3A_300 = tpu.memref_slice %arg11[%mul3A_296] : memref<10240xf32, #tpu.memory_space<vmem_shared>> -> memref<640xf32, #tpu.memory_space<vmem_shared>>
      tpu.enqueue_dma source(%dma_start3A_300 : memref<640xf32, #tpu.memory_space<vmem_shared>>) target(%arg10 : memref<640xf32, #tpu.memory_space<vmem>>) target_semaphore(%run_scoped3A : memref<!tpu.dma_semaphore, #tpu.memory_space<semaphore_mem>>)
      %dma_wait3A_301 = tpu.memref_slice %arg11[%mul3A_296] : memref<10240xf32, #tpu.memory_space<vmem_shared>> -> memref<640xf32, #tpu.memory_space<vmem_shared>>
      %dma_wait3A_302 = tpu.memref_slice %arg11[%mul3A_296] : memref<10240xf32, #tpu.memory_space<vmem_shared>> -> memref<640xf32, #tpu.memory_space<vmem_shared>>
      tpu.wait_dma2 semaphore(%run_scoped3A : memref<!tpu.dma_semaphore, #tpu.memory_space<semaphore_mem>>) src(%dma_wait3A_302 : memref<640xf32, #tpu.memory_space<vmem_shared>>) dst(%arg10 : memref<640xf32, #tpu.memory_space<vmem>>)
      tpu.yield
    }) : () -> ()
    %mul3A_297 = arith.constant 640 : i32
    %mul3A_298 = arith.muli %arg1, %mul3A_297 : i32
    "tpu.region"() ({
      %run_scoped3A = tpu.sem_alloc : memref<!tpu.dma_semaphore, #tpu.memory_space<semaphore_mem>>
      %dma_start3A_299 = tpu.memref_slice %arg6[%arg0, %mul3A_298] : memref<2x10240xf32, #tpu.memory_space<hbm>> -> memref<1x640xf32, #tpu.memory_space<hbm>>
      %dma_start3A_300 = tpu.memref_squeeze %dma_start3A_299 : memref<1x640xf32, #tpu.memory_space<hbm>> -> memref<640xf32, #tpu.memory_space<hbm>>
      %dma_start3A_301 = tpu.memref_slice %arg6[%arg0, %mul3A_298] : memref<2x10240xf32, #tpu.memory_space<hbm>> -> memref<1x640xf32, #tpu.memory_space<hbm>>
      %dma_start3A_302 = tpu.memref_squeeze %dma_start3A_301 : memref<1x640xf32, #tpu.memory_space<hbm>> -> memref<640xf32, #tpu.memory_space<hbm>>
      tpu.enqueue_dma source(%arg10 : memref<640xf32, #tpu.memory_space<vmem>>) target(%dma_start3A_302 : memref<640xf32, #tpu.memory_space<hbm>>) target_semaphore(%run_scoped3A : memref<!tpu.dma_semaphore, #tpu.memory_space<semaphore_mem>>)
      %dma_wait3A_303 = tpu.memref_slice %arg6[%arg0, %mul3A_298] : memref<2x10240xf32, #tpu.memory_space<hbm>> -> memref<1x640xf32, #tpu.memory_space<hbm>>
      %dma_wait3A_304 = tpu.memref_squeeze %dma_wait3A_303 : memref<1x640xf32, #tpu.memory_space<hbm>> -> memref<640xf32, #tpu.memory_space<hbm>>
      %dma_wait3A_305 = tpu.memref_slice %arg6[%arg0, %mul3A_298] : memref<2x10240xf32, #tpu.memory_space<hbm>> -> memref<1x640xf32, #tpu.memory_space<hbm>>
      %dma_wait3A_306 = tpu.memref_squeeze %dma_wait3A_305 : memref<1x640xf32, #tpu.memory_space<hbm>> -> memref<640xf32, #tpu.memory_space<hbm>>
      tpu.wait_dma2 semaphore(%run_scoped3A : memref<!tpu.dma_semaphore, #tpu.memory_space<semaphore_mem>>) src(%arg10 : memref<640xf32, #tpu.memory_space<vmem>>) dst(%dma_wait3A_306 : memref<640xf32, #tpu.memory_space<hbm>>)
      tpu.yield
    }) : () -> ()
    return
  }
}

#map = affine_map<(d0, d1) -> (0, 0, 0)>
#map1 = affine_map<(d0, d1) -> (0)>
#map2 = affine_map<(d0, d1) -> (0, 0)>
module attributes {stable_mosaic.version = 14 : i64} {
  func.func @k(%arg0: i32, %arg1: i32, %arg2: memref<32x81x128xi32, #tpu.memory_space<hbm>>, %arg3: memref<128xf32, #tpu.memory_space<hbm>>, %arg4: memref<640xf32, #tpu.memory_space<hbm>>, %arg5: memref<2x10240xf32, #tpu.memory_space<hbm>>, %arg6: memref<81x128xi32, #tpu.memory_space<vmem>>, %arg7: memref<128xf32, #tpu.memory_space<vmem>>, %arg8: memref<640xf32, #tpu.memory_space<vmem>>, %arg9: memref<10240xf32, #tpu.memory_space<vmem_shared>>, %arg10: memref<!tpu.dma_semaphore, #tpu.memory_space<semaphore_mem>>) attributes {dimension_semantics = [#tpu.dimension_semantics<core_parallel>, #tpu.dimension_semantics<subcore_parallel>], iteration_bounds = array<i64: 2, 16>, scalar_prefetch = 0 : i64, scratch_operands = 5 : i64, tpu.core_type = #tpu.core_type<sc_vector_subcore>, window_params = [{transform_indices = #map}, {transform_indices = #map1}, {transform_indices = #map1}, {transform_indices = #map2}]} {
    %mul3A = arith.constant 16 : i32
    %mul3A_0 = arith.muli %arg0, %mul3A : i32
    %add3A = arith.addi %mul3A_0, %arg1 : i32
    "tpu.region"() ({
      %run_scoped3A = tpu.sem_alloc : memref<!tpu.dma_semaphore, #tpu.memory_space<semaphore_mem>>
      %dma_start3A_139 = arith.constant 0 : i32
      %dma_start3A_140 = arith.constant 0 : i32
      %dma_start3A_141 = tpu.memref_slice %arg2[%add3A, %dma_start3A_139, %dma_start3A_140] : memref<32x81x128xi32, #tpu.memory_space<hbm>> -> memref<1x81x128xi32, #tpu.memory_space<hbm>>
      %dma_start3A_142 = tpu.memref_squeeze %dma_start3A_141 : memref<1x81x128xi32, #tpu.memory_space<hbm>> -> memref<81x128xi32, #tpu.memory_space<hbm>>
      %dma_start3A_143 = arith.constant 0 : i32
      %dma_start3A_144 = arith.constant 0 : i32
      %dma_start3A_145 = tpu.memref_slice %arg2[%add3A, %dma_start3A_143, %dma_start3A_144] : memref<32x81x128xi32, #tpu.memory_space<hbm>> -> memref<1x81x128xi32, #tpu.memory_space<hbm>>
      %dma_start3A_146 = tpu.memref_squeeze %dma_start3A_145 : memref<1x81x128xi32, #tpu.memory_space<hbm>> -> memref<81x128xi32, #tpu.memory_space<hbm>>
      tpu.enqueue_dma source(%dma_start3A_146 : memref<81x128xi32, #tpu.memory_space<hbm>>) target(%arg6 : memref<81x128xi32, #tpu.memory_space<vmem>>) target_semaphore(%run_scoped3A : memref<!tpu.dma_semaphore, #tpu.memory_space<semaphore_mem>>)
      %dma_wait3A_147 = arith.constant 0 : i32
      %dma_wait3A_148 = arith.constant 0 : i32
      %dma_wait3A_149 = tpu.memref_slice %arg2[%add3A, %dma_wait3A_147, %dma_wait3A_148] : memref<32x81x128xi32, #tpu.memory_space<hbm>> -> memref<1x81x128xi32, #tpu.memory_space<hbm>>
      %dma_wait3A_150 = tpu.memref_squeeze %dma_wait3A_149 : memref<1x81x128xi32, #tpu.memory_space<hbm>> -> memref<81x128xi32, #tpu.memory_space<hbm>>
      %dma_wait3A_151 = arith.constant 0 : i32
      %dma_wait3A_152 = arith.constant 0 : i32
      %dma_wait3A_153 = tpu.memref_slice %arg2[%add3A, %dma_wait3A_151, %dma_wait3A_152] : memref<32x81x128xi32, #tpu.memory_space<hbm>> -> memref<1x81x128xi32, #tpu.memory_space<hbm>>
      %dma_wait3A_154 = tpu.memref_squeeze %dma_wait3A_153 : memref<1x81x128xi32, #tpu.memory_space<hbm>> -> memref<81x128xi32, #tpu.memory_space<hbm>>
      tpu.wait_dma2 semaphore(%run_scoped3A : memref<!tpu.dma_semaphore, #tpu.memory_space<semaphore_mem>>) src(%dma_wait3A_154 : memref<81x128xi32, #tpu.memory_space<hbm>>) dst(%arg6 : memref<81x128xi32, #tpu.memory_space<vmem>>)
      tpu.yield
    }) : () -> ()
    "tpu.region"() ({
      %run_scoped3A = tpu.sem_alloc : memref<!tpu.dma_semaphore, #tpu.memory_space<semaphore_mem>>
      tpu.enqueue_dma source(%arg3 : memref<128xf32, #tpu.memory_space<hbm>>) target(%arg7 : memref<128xf32, #tpu.memory_space<vmem>>) target_semaphore(%run_scoped3A : memref<!tpu.dma_semaphore, #tpu.memory_space<semaphore_mem>>)
      tpu.wait_dma2 semaphore(%run_scoped3A : memref<!tpu.dma_semaphore, #tpu.memory_space<semaphore_mem>>) src(%arg3 : memref<128xf32, #tpu.memory_space<hbm>>) dst(%arg7 : memref<128xf32, #tpu.memory_space<vmem>>)
      tpu.yield
    }) : () -> ()
    "tpu.region"() ({
      %run_scoped3A = tpu.sem_alloc : memref<!tpu.dma_semaphore, #tpu.memory_space<semaphore_mem>>
      tpu.enqueue_dma source(%arg4 : memref<640xf32, #tpu.memory_space<hbm>>) target(%arg8 : memref<640xf32, #tpu.memory_space<vmem>>) target_semaphore(%run_scoped3A : memref<!tpu.dma_semaphore, #tpu.memory_space<semaphore_mem>>)
      tpu.wait_dma2 semaphore(%run_scoped3A : memref<!tpu.dma_semaphore, #tpu.memory_space<semaphore_mem>>) src(%arg4 : memref<640xf32, #tpu.memory_space<hbm>>) dst(%arg8 : memref<640xf32, #tpu.memory_space<vmem>>)
      tpu.yield
    }) : () -> ()
    %mul3A_1 = arith.constant 640 : i32
    %mul3A_2 = arith.muli %arg1, %mul3A_1 : i32
    "tpu.region"() ({
      %run_scoped3A = tpu.sem_alloc : memref<!tpu.dma_semaphore, #tpu.memory_space<semaphore_mem>>
      %dma_start3A_139 = tpu.memref_slice %arg9[%mul3A_2] : memref<10240xf32, #tpu.memory_space<vmem_shared>> -> memref<640xf32, #tpu.memory_space<vmem_shared>>
      %dma_start3A_140 = tpu.memref_slice %arg9[%mul3A_2] : memref<10240xf32, #tpu.memory_space<vmem_shared>> -> memref<640xf32, #tpu.memory_space<vmem_shared>>
      tpu.enqueue_dma source(%arg8 : memref<640xf32, #tpu.memory_space<vmem>>) target(%dma_start3A_140 : memref<640xf32, #tpu.memory_space<vmem_shared>>) target_semaphore(%run_scoped3A : memref<!tpu.dma_semaphore, #tpu.memory_space<semaphore_mem>>)
      %dma_wait3A_141 = tpu.memref_slice %arg9[%mul3A_2] : memref<10240xf32, #tpu.memory_space<vmem_shared>> -> memref<640xf32, #tpu.memory_space<vmem_shared>>
      %dma_wait3A_142 = tpu.memref_slice %arg9[%mul3A_2] : memref<10240xf32, #tpu.memory_space<vmem_shared>> -> memref<640xf32, #tpu.memory_space<vmem_shared>>
      tpu.wait_dma2 semaphore(%run_scoped3A : memref<!tpu.dma_semaphore, #tpu.memory_space<semaphore_mem>>) src(%arg8 : memref<640xf32, #tpu.memory_space<vmem>>) dst(%dma_wait3A_142 : memref<640xf32, #tpu.memory_space<vmem_shared>>)
      tpu.yield
    }) : () -> ()
    %barrier3A = arith.constant 0 : index
    tpu.barrier barrier_id(%barrier3A)
    %dma_start3A = arith.constant 0 : i32
    %dma_start3A_3 = arith.constant 0 : i32
    %dma_start3A_4 = tpu.memref_slice %arg8[%dma_start3A_3] : memref<640xf32, #tpu.memory_space<vmem>> -> memref<128xf32, #tpu.memory_space<vmem>>
    %dma_start3A_5 = arith.constant 0 : i32
    %dma_start3A_6 = tpu.memref_slice %arg6[%dma_start3A, %dma_start3A_5] : memref<81x128xi32, #tpu.memory_space<vmem>> -> memref<1x128xi32, #tpu.memory_space<vmem>>
    %dma_start3A_7 = tpu.memref_squeeze %dma_start3A_6 : memref<1x128xi32, #tpu.memory_space<vmem>> -> memref<128xi32, #tpu.memory_space<vmem>>
    %dma_start3A_8 = arith.constant 0 : i32
    %dma_start3A_9 = tpu.memref_slice %arg9[%dma_start3A_8] : memref<10240xf32, #tpu.memory_space<vmem_shared>> -> memref<10240xf32, #tpu.memory_space<vmem_shared>>
    tpu.enqueue_indirect_dma source(%dma_start3A_4 : memref<128xf32, #tpu.memory_space<vmem>>) target(%dma_start3A_9 : memref<10240xf32, #tpu.memory_space<vmem_shared>>) offsets(%dma_start3A_7 : memref<128xi32, #tpu.memory_space<vmem>>) semaphore(%arg10 : memref<!tpu.dma_semaphore, #tpu.memory_space<semaphore_mem>>) {add = true}
    %dma_start3A_10 = arith.constant 0 : i32
    %dma_start3A_11 = arith.constant 0 : i32
    %dma_start3A_12 = tpu.memref_slice %arg8[%dma_start3A_11] : memref<640xf32, #tpu.memory_space<vmem>> -> memref<128xf32, #tpu.memory_space<vmem>>
    %dma_start3A_13 = arith.constant 0 : i32
    %dma_start3A_14 = tpu.memref_slice %arg6[%dma_start3A_10, %dma_start3A_13] : memref<81x128xi32, #tpu.memory_space<vmem>> -> memref<1x128xi32, #tpu.memory_space<vmem>>
    %dma_start3A_15 = tpu.memref_squeeze %dma_start3A_14 : memref<1x128xi32, #tpu.memory_space<vmem>> -> memref<128xi32, #tpu.memory_space<vmem>>
    %dma_start3A_16 = arith.constant 0 : i32
    %dma_start3A_17 = tpu.memref_slice %arg9[%dma_start3A_16] : memref<10240xf32, #tpu.memory_space<vmem_shared>> -> memref<10240xf32, #tpu.memory_space<vmem_shared>>
    tpu.enqueue_indirect_dma source(%dma_start3A_12 : memref<128xf32, #tpu.memory_space<vmem>>) target(%dma_start3A_17 : memref<10240xf32, #tpu.memory_space<vmem_shared>>) offsets(%dma_start3A_15 : memref<128xi32, #tpu.memory_space<vmem>>) semaphore(%arg10 : memref<!tpu.dma_semaphore, #tpu.memory_space<semaphore_mem>>) {add = true}
    %dma_start3A_18 = arith.constant 0 : i32
    %dma_start3A_19 = arith.constant 0 : i32
    %dma_start3A_20 = tpu.memref_slice %arg8[%dma_start3A_19] : memref<640xf32, #tpu.memory_space<vmem>> -> memref<128xf32, #tpu.memory_space<vmem>>
    %dma_start3A_21 = arith.constant 0 : i32
    %dma_start3A_22 = tpu.memref_slice %arg6[%dma_start3A_18, %dma_start3A_21] : memref<81x128xi32, #tpu.memory_space<vmem>> -> memref<1x128xi32, #tpu.memory_space<vmem>>
    %dma_start3A_23 = tpu.memref_squeeze %dma_start3A_22 : memref<1x128xi32, #tpu.memory_space<vmem>> -> memref<128xi32, #tpu.memory_space<vmem>>
    %dma_start3A_24 = arith.constant 0 : i32
    %dma_start3A_25 = tpu.memref_slice %arg9[%dma_start3A_24] : memref<10240xf32, #tpu.memory_space<vmem_shared>> -> memref<10240xf32, #tpu.memory_space<vmem_shared>>
    tpu.enqueue_indirect_dma source(%dma_start3A_20 : memref<128xf32, #tpu.memory_space<vmem>>) target(%dma_start3A_25 : memref<10240xf32, #tpu.memory_space<vmem_shared>>) offsets(%dma_start3A_23 : memref<128xi32, #tpu.memory_space<vmem>>) semaphore(%arg10 : memref<!tpu.dma_semaphore, #tpu.memory_space<semaphore_mem>>) {add = true}
    %dma_start3A_26 = arith.constant 0 : i32
    %dma_start3A_27 = arith.constant 0 : i32
    %dma_start3A_28 = tpu.memref_slice %arg8[%dma_start3A_27] : memref<640xf32, #tpu.memory_space<vmem>> -> memref<128xf32, #tpu.memory_space<vmem>>
    %dma_start3A_29 = arith.constant 0 : i32
    %dma_start3A_30 = tpu.memref_slice %arg6[%dma_start3A_26, %dma_start3A_29] : memref<81x128xi32, #tpu.memory_space<vmem>> -> memref<1x128xi32, #tpu.memory_space<vmem>>
    %dma_start3A_31 = tpu.memref_squeeze %dma_start3A_30 : memref<1x128xi32, #tpu.memory_space<vmem>> -> memref<128xi32, #tpu.memory_space<vmem>>
    %dma_start3A_32 = arith.constant 0 : i32
    %dma_start3A_33 = tpu.memref_slice %arg9[%dma_start3A_32] : memref<10240xf32, #tpu.memory_space<vmem_shared>> -> memref<10240xf32, #tpu.memory_space<vmem_shared>>
    tpu.enqueue_indirect_dma source(%dma_start3A_28 : memref<128xf32, #tpu.memory_space<vmem>>) target(%dma_start3A_33 : memref<10240xf32, #tpu.memory_space<vmem_shared>>) offsets(%dma_start3A_31 : memref<128xi32, #tpu.memory_space<vmem>>) semaphore(%arg10 : memref<!tpu.dma_semaphore, #tpu.memory_space<semaphore_mem>>) {add = true}
    %dma_start3A_34 = arith.constant 0 : i32
    %dma_start3A_35 = arith.constant 0 : i32
    %dma_start3A_36 = tpu.memref_slice %arg8[%dma_start3A_35] : memref<640xf32, #tpu.memory_space<vmem>> -> memref<128xf32, #tpu.memory_space<vmem>>
    %dma_start3A_37 = arith.constant 0 : i32
    %dma_start3A_38 = tpu.memref_slice %arg6[%dma_start3A_34, %dma_start3A_37] : memref<81x128xi32, #tpu.memory_space<vmem>> -> memref<1x128xi32, #tpu.memory_space<vmem>>
    %dma_start3A_39 = tpu.memref_squeeze %dma_start3A_38 : memref<1x128xi32, #tpu.memory_space<vmem>> -> memref<128xi32, #tpu.memory_space<vmem>>
    %dma_start3A_40 = arith.constant 0 : i32
    %dma_start3A_41 = tpu.memref_slice %arg9[%dma_start3A_40] : memref<10240xf32, #tpu.memory_space<vmem_shared>> -> memref<10240xf32, #tpu.memory_space<vmem_shared>>
    tpu.enqueue_indirect_dma source(%dma_start3A_36 : memref<128xf32, #tpu.memory_space<vmem>>) target(%dma_start3A_41 : memref<10240xf32, #tpu.memory_space<vmem_shared>>) offsets(%dma_start3A_39 : memref<128xi32, #tpu.memory_space<vmem>>) semaphore(%arg10 : memref<!tpu.dma_semaphore, #tpu.memory_space<semaphore_mem>>) {add = true}
    %dma_start3A_42 = arith.constant 0 : i32
    %dma_start3A_43 = arith.constant 0 : i32
    %dma_start3A_44 = tpu.memref_slice %arg8[%dma_start3A_43] : memref<640xf32, #tpu.memory_space<vmem>> -> memref<128xf32, #tpu.memory_space<vmem>>
    %dma_start3A_45 = arith.constant 0 : i32
    %dma_start3A_46 = tpu.memref_slice %arg6[%dma_start3A_42, %dma_start3A_45] : memref<81x128xi32, #tpu.memory_space<vmem>> -> memref<1x128xi32, #tpu.memory_space<vmem>>
    %dma_start3A_47 = tpu.memref_squeeze %dma_start3A_46 : memref<1x128xi32, #tpu.memory_space<vmem>> -> memref<128xi32, #tpu.memory_space<vmem>>
    %dma_start3A_48 = arith.constant 0 : i32
    %dma_start3A_49 = tpu.memref_slice %arg9[%dma_start3A_48] : memref<10240xf32, #tpu.memory_space<vmem_shared>> -> memref<10240xf32, #tpu.memory_space<vmem_shared>>
    tpu.enqueue_indirect_dma source(%dma_start3A_44 : memref<128xf32, #tpu.memory_space<vmem>>) target(%dma_start3A_49 : memref<10240xf32, #tpu.memory_space<vmem_shared>>) offsets(%dma_start3A_47 : memref<128xi32, #tpu.memory_space<vmem>>) semaphore(%arg10 : memref<!tpu.dma_semaphore, #tpu.memory_space<semaphore_mem>>) {add = true}
    %dma_start3A_50 = arith.constant 0 : i32
    %dma_start3A_51 = arith.constant 0 : i32
    %dma_start3A_52 = tpu.memref_slice %arg8[%dma_start3A_51] : memref<640xf32, #tpu.memory_space<vmem>> -> memref<128xf32, #tpu.memory_space<vmem>>
    %dma_start3A_53 = arith.constant 0 : i32
    %dma_start3A_54 = tpu.memref_slice %arg6[%dma_start3A_50, %dma_start3A_53] : memref<81x128xi32, #tpu.memory_space<vmem>> -> memref<1x128xi32, #tpu.memory_space<vmem>>
    %dma_start3A_55 = tpu.memref_squeeze %dma_start3A_54 : memref<1x128xi32, #tpu.memory_space<vmem>> -> memref<128xi32, #tpu.memory_space<vmem>>
    %dma_start3A_56 = arith.constant 0 : i32
    %dma_start3A_57 = tpu.memref_slice %arg9[%dma_start3A_56] : memref<10240xf32, #tpu.memory_space<vmem_shared>> -> memref<10240xf32, #tpu.memory_space<vmem_shared>>
    tpu.enqueue_indirect_dma source(%dma_start3A_52 : memref<128xf32, #tpu.memory_space<vmem>>) target(%dma_start3A_57 : memref<10240xf32, #tpu.memory_space<vmem_shared>>) offsets(%dma_start3A_55 : memref<128xi32, #tpu.memory_space<vmem>>) semaphore(%arg10 : memref<!tpu.dma_semaphore, #tpu.memory_space<semaphore_mem>>) {add = true}
    %dma_start3A_58 = arith.constant 0 : i32
    %dma_start3A_59 = arith.constant 0 : i32
    %dma_start3A_60 = tpu.memref_slice %arg8[%dma_start3A_59] : memref<640xf32, #tpu.memory_space<vmem>> -> memref<128xf32, #tpu.memory_space<vmem>>
    %dma_start3A_61 = arith.constant 0 : i32
    %dma_start3A_62 = tpu.memref_slice %arg6[%dma_start3A_58, %dma_start3A_61] : memref<81x128xi32, #tpu.memory_space<vmem>> -> memref<1x128xi32, #tpu.memory_space<vmem>>
    %dma_start3A_63 = tpu.memref_squeeze %dma_start3A_62 : memref<1x128xi32, #tpu.memory_space<vmem>> -> memref<128xi32, #tpu.memory_space<vmem>>
    %dma_start3A_64 = arith.constant 0 : i32
    %dma_start3A_65 = tpu.memref_slice %arg9[%dma_start3A_64] : memref<10240xf32, #tpu.memory_space<vmem_shared>> -> memref<10240xf32, #tpu.memory_space<vmem_shared>>
    tpu.enqueue_indirect_dma source(%dma_start3A_60 : memref<128xf32, #tpu.memory_space<vmem>>) target(%dma_start3A_65 : memref<10240xf32, #tpu.memory_space<vmem_shared>>) offsets(%dma_start3A_63 : memref<128xi32, #tpu.memory_space<vmem>>) semaphore(%arg10 : memref<!tpu.dma_semaphore, #tpu.memory_space<semaphore_mem>>) {add = true}
    %scan3A = arith.constant 0 : i32
    %scan3A_66 = arith.constant 0 : i32
    %scan3A_67 = arith.constant 80 : i32
    %scan3A_68 = arith.addi %scan3A_66, %scan3A_67 : i32
    %scan3A_69 = arith.constant 1 : i32
    scf.for %scan3A_139 = %scan3A_66 to %scan3A_68 step %scan3A_69  : i32 {
      %dma_start3A_140 = arith.constant 0 : i32
      %dma_start3A_141 = tpu.memref_slice %arg6[%scan3A_139, %dma_start3A_140] : memref<81x128xi32, #tpu.memory_space<vmem>> -> memref<1x128xi32, #tpu.memory_space<vmem>>
      %dma_start3A_142 = tpu.memref_squeeze %dma_start3A_141 : memref<1x128xi32, #tpu.memory_space<vmem>> -> memref<128xi32, #tpu.memory_space<vmem>>
      %dma_start3A_143 = arith.constant 0 : i32
      %dma_start3A_144 = tpu.memref_slice %arg9[%dma_start3A_143] : memref<10240xf32, #tpu.memory_space<vmem_shared>> -> memref<10240xf32, #tpu.memory_space<vmem_shared>>
      tpu.enqueue_indirect_dma source(%arg7 : memref<128xf32, #tpu.memory_space<vmem>>) target(%dma_start3A_144 : memref<10240xf32, #tpu.memory_space<vmem_shared>>) offsets(%dma_start3A_142 : memref<128xi32, #tpu.memory_space<vmem>>) semaphore(%arg10 : memref<!tpu.dma_semaphore, #tpu.memory_space<semaphore_mem>>) {add = true}
      %dma_wait3A_145 = arith.constant 0 : i32
      %dma_wait3A_146 = arith.constant 0 : i32
      %dma_wait3A_147 = tpu.memref_slice %arg8[%dma_wait3A_146] : memref<640xf32, #tpu.memory_space<vmem>> -> memref<128xf32, #tpu.memory_space<vmem>>
      %dma_wait3A_148 = arith.constant 0 : i32
      %dma_wait3A_149 = tpu.memref_slice %arg6[%dma_wait3A_145, %dma_wait3A_148] : memref<81x128xi32, #tpu.memory_space<vmem>> -> memref<1x128xi32, #tpu.memory_space<vmem>>
      %dma_wait3A_150 = tpu.memref_squeeze %dma_wait3A_149 : memref<1x128xi32, #tpu.memory_space<vmem>> -> memref<128xi32, #tpu.memory_space<vmem>>
      %dma_wait3A_151 = arith.constant 0 : i32
      %dma_wait3A_152 = tpu.memref_slice %arg9[%dma_wait3A_151] : memref<10240xf32, #tpu.memory_space<vmem_shared>> -> memref<10240xf32, #tpu.memory_space<vmem_shared>>
      tpu.wait_indirect_dma semaphore(%arg10 : memref<!tpu.dma_semaphore, #tpu.memory_space<semaphore_mem>>) src(%dma_wait3A_147 : memref<128xf32, #tpu.memory_space<vmem>>) dst(%dma_wait3A_152 : memref<10240xf32, #tpu.memory_space<vmem_shared>>)
    }
    %scan3A_70 = arith.constant 80 : i32
    %dma_wait3A = arith.constant 0 : i32
    %dma_wait3A_71 = arith.constant 0 : i32
    %dma_wait3A_72 = tpu.memref_slice %arg8[%dma_wait3A_71] : memref<640xf32, #tpu.memory_space<vmem>> -> memref<128xf32, #tpu.memory_space<vmem>>
    %dma_wait3A_73 = arith.constant 0 : i32
    %dma_wait3A_74 = tpu.memref_slice %arg6[%dma_wait3A, %dma_wait3A_73] : memref<81x128xi32, #tpu.memory_space<vmem>> -> memref<1x128xi32, #tpu.memory_space<vmem>>
    %dma_wait3A_75 = tpu.memref_squeeze %dma_wait3A_74 : memref<1x128xi32, #tpu.memory_space<vmem>> -> memref<128xi32, #tpu.memory_space<vmem>>
    %dma_wait3A_76 = arith.constant 0 : i32
    %dma_wait3A_77 = tpu.memref_slice %arg9[%dma_wait3A_76] : memref<10240xf32, #tpu.memory_space<vmem_shared>> -> memref<10240xf32, #tpu.memory_space<vmem_shared>>
    tpu.wait_indirect_dma semaphore(%arg10 : memref<!tpu.dma_semaphore, #tpu.memory_space<semaphore_mem>>) src(%dma_wait3A_72 : memref<128xf32, #tpu.memory_space<vmem>>) dst(%dma_wait3A_77 : memref<10240xf32, #tpu.memory_space<vmem_shared>>)
    %dma_wait3A_78 = arith.constant 0 : i32
    %dma_wait3A_79 = arith.constant 0 : i32
    %dma_wait3A_80 = tpu.memref_slice %arg8[%dma_wait3A_79] : memref<640xf32, #tpu.memory_space<vmem>> -> memref<128xf32, #tpu.memory_space<vmem>>
    %dma_wait3A_81 = arith.constant 0 : i32
    %dma_wait3A_82 = tpu.memref_slice %arg6[%dma_wait3A_78, %dma_wait3A_81] : memref<81x128xi32, #tpu.memory_space<vmem>> -> memref<1x128xi32, #tpu.memory_space<vmem>>
    %dma_wait3A_83 = tpu.memref_squeeze %dma_wait3A_82 : memref<1x128xi32, #tpu.memory_space<vmem>> -> memref<128xi32, #tpu.memory_space<vmem>>
    %dma_wait3A_84 = arith.constant 0 : i32
    %dma_wait3A_85 = tpu.memref_slice %arg9[%dma_wait3A_84] : memref<10240xf32, #tpu.memory_space<vmem_shared>> -> memref<10240xf32, #tpu.memory_space<vmem_shared>>
    tpu.wait_indirect_dma semaphore(%arg10 : memref<!tpu.dma_semaphore, #tpu.memory_space<semaphore_mem>>) src(%dma_wait3A_80 : memref<128xf32, #tpu.memory_space<vmem>>) dst(%dma_wait3A_85 : memref<10240xf32, #tpu.memory_space<vmem_shared>>)
    %dma_wait3A_86 = arith.constant 0 : i32
    %dma_wait3A_87 = arith.constant 0 : i32
    %dma_wait3A_88 = tpu.memref_slice %arg8[%dma_wait3A_87] : memref<640xf32, #tpu.memory_space<vmem>> -> memref<128xf32, #tpu.memory_space<vmem>>
    %dma_wait3A_89 = arith.constant 0 : i32
    %dma_wait3A_90 = tpu.memref_slice %arg6[%dma_wait3A_86, %dma_wait3A_89] : memref<81x128xi32, #tpu.memory_space<vmem>> -> memref<1x128xi32, #tpu.memory_space<vmem>>
    %dma_wait3A_91 = tpu.memref_squeeze %dma_wait3A_90 : memref<1x128xi32, #tpu.memory_space<vmem>> -> memref<128xi32, #tpu.memory_space<vmem>>
    %dma_wait3A_92 = arith.constant 0 : i32
    %dma_wait3A_93 = tpu.memref_slice %arg9[%dma_wait3A_92] : memref<10240xf32, #tpu.memory_space<vmem_shared>> -> memref<10240xf32, #tpu.memory_space<vmem_shared>>
    tpu.wait_indirect_dma semaphore(%arg10 : memref<!tpu.dma_semaphore, #tpu.memory_space<semaphore_mem>>) src(%dma_wait3A_88 : memref<128xf32, #tpu.memory_space<vmem>>) dst(%dma_wait3A_93 : memref<10240xf32, #tpu.memory_space<vmem_shared>>)
    %dma_wait3A_94 = arith.constant 0 : i32
    %dma_wait3A_95 = arith.constant 0 : i32
    %dma_wait3A_96 = tpu.memref_slice %arg8[%dma_wait3A_95] : memref<640xf32, #tpu.memory_space<vmem>> -> memref<128xf32, #tpu.memory_space<vmem>>
    %dma_wait3A_97 = arith.constant 0 : i32
    %dma_wait3A_98 = tpu.memref_slice %arg6[%dma_wait3A_94, %dma_wait3A_97] : memref<81x128xi32, #tpu.memory_space<vmem>> -> memref<1x128xi32, #tpu.memory_space<vmem>>
    %dma_wait3A_99 = tpu.memref_squeeze %dma_wait3A_98 : memref<1x128xi32, #tpu.memory_space<vmem>> -> memref<128xi32, #tpu.memory_space<vmem>>
    %dma_wait3A_100 = arith.constant 0 : i32
    %dma_wait3A_101 = tpu.memref_slice %arg9[%dma_wait3A_100] : memref<10240xf32, #tpu.memory_space<vmem_shared>> -> memref<10240xf32, #tpu.memory_space<vmem_shared>>
    tpu.wait_indirect_dma semaphore(%arg10 : memref<!tpu.dma_semaphore, #tpu.memory_space<semaphore_mem>>) src(%dma_wait3A_96 : memref<128xf32, #tpu.memory_space<vmem>>) dst(%dma_wait3A_101 : memref<10240xf32, #tpu.memory_space<vmem_shared>>)
    %dma_wait3A_102 = arith.constant 0 : i32
    %dma_wait3A_103 = arith.constant 0 : i32
    %dma_wait3A_104 = tpu.memref_slice %arg8[%dma_wait3A_103] : memref<640xf32, #tpu.memory_space<vmem>> -> memref<128xf32, #tpu.memory_space<vmem>>
    %dma_wait3A_105 = arith.constant 0 : i32
    %dma_wait3A_106 = tpu.memref_slice %arg6[%dma_wait3A_102, %dma_wait3A_105] : memref<81x128xi32, #tpu.memory_space<vmem>> -> memref<1x128xi32, #tpu.memory_space<vmem>>
    %dma_wait3A_107 = tpu.memref_squeeze %dma_wait3A_106 : memref<1x128xi32, #tpu.memory_space<vmem>> -> memref<128xi32, #tpu.memory_space<vmem>>
    %dma_wait3A_108 = arith.constant 0 : i32
    %dma_wait3A_109 = tpu.memref_slice %arg9[%dma_wait3A_108] : memref<10240xf32, #tpu.memory_space<vmem_shared>> -> memref<10240xf32, #tpu.memory_space<vmem_shared>>
    tpu.wait_indirect_dma semaphore(%arg10 : memref<!tpu.dma_semaphore, #tpu.memory_space<semaphore_mem>>) src(%dma_wait3A_104 : memref<128xf32, #tpu.memory_space<vmem>>) dst(%dma_wait3A_109 : memref<10240xf32, #tpu.memory_space<vmem_shared>>)
    %dma_wait3A_110 = arith.constant 0 : i32
    %dma_wait3A_111 = arith.constant 0 : i32
    %dma_wait3A_112 = tpu.memref_slice %arg8[%dma_wait3A_111] : memref<640xf32, #tpu.memory_space<vmem>> -> memref<128xf32, #tpu.memory_space<vmem>>
    %dma_wait3A_113 = arith.constant 0 : i32
    %dma_wait3A_114 = tpu.memref_slice %arg6[%dma_wait3A_110, %dma_wait3A_113] : memref<81x128xi32, #tpu.memory_space<vmem>> -> memref<1x128xi32, #tpu.memory_space<vmem>>
    %dma_wait3A_115 = tpu.memref_squeeze %dma_wait3A_114 : memref<1x128xi32, #tpu.memory_space<vmem>> -> memref<128xi32, #tpu.memory_space<vmem>>
    %dma_wait3A_116 = arith.constant 0 : i32
    %dma_wait3A_117 = tpu.memref_slice %arg9[%dma_wait3A_116] : memref<10240xf32, #tpu.memory_space<vmem_shared>> -> memref<10240xf32, #tpu.memory_space<vmem_shared>>
    tpu.wait_indirect_dma semaphore(%arg10 : memref<!tpu.dma_semaphore, #tpu.memory_space<semaphore_mem>>) src(%dma_wait3A_112 : memref<128xf32, #tpu.memory_space<vmem>>) dst(%dma_wait3A_117 : memref<10240xf32, #tpu.memory_space<vmem_shared>>)
    %dma_wait3A_118 = arith.constant 0 : i32
    %dma_wait3A_119 = arith.constant 0 : i32
    %dma_wait3A_120 = tpu.memref_slice %arg8[%dma_wait3A_119] : memref<640xf32, #tpu.memory_space<vmem>> -> memref<128xf32, #tpu.memory_space<vmem>>
    %dma_wait3A_121 = arith.constant 0 : i32
    %dma_wait3A_122 = tpu.memref_slice %arg6[%dma_wait3A_118, %dma_wait3A_121] : memref<81x128xi32, #tpu.memory_space<vmem>> -> memref<1x128xi32, #tpu.memory_space<vmem>>
    %dma_wait3A_123 = tpu.memref_squeeze %dma_wait3A_122 : memref<1x128xi32, #tpu.memory_space<vmem>> -> memref<128xi32, #tpu.memory_space<vmem>>
    %dma_wait3A_124 = arith.constant 0 : i32
    %dma_wait3A_125 = tpu.memref_slice %arg9[%dma_wait3A_124] : memref<10240xf32, #tpu.memory_space<vmem_shared>> -> memref<10240xf32, #tpu.memory_space<vmem_shared>>
    tpu.wait_indirect_dma semaphore(%arg10 : memref<!tpu.dma_semaphore, #tpu.memory_space<semaphore_mem>>) src(%dma_wait3A_120 : memref<128xf32, #tpu.memory_space<vmem>>) dst(%dma_wait3A_125 : memref<10240xf32, #tpu.memory_space<vmem_shared>>)
    %dma_wait3A_126 = arith.constant 0 : i32
    %dma_wait3A_127 = arith.constant 0 : i32
    %dma_wait3A_128 = tpu.memref_slice %arg8[%dma_wait3A_127] : memref<640xf32, #tpu.memory_space<vmem>> -> memref<128xf32, #tpu.memory_space<vmem>>
    %dma_wait3A_129 = arith.constant 0 : i32
    %dma_wait3A_130 = tpu.memref_slice %arg6[%dma_wait3A_126, %dma_wait3A_129] : memref<81x128xi32, #tpu.memory_space<vmem>> -> memref<1x128xi32, #tpu.memory_space<vmem>>
    %dma_wait3A_131 = tpu.memref_squeeze %dma_wait3A_130 : memref<1x128xi32, #tpu.memory_space<vmem>> -> memref<128xi32, #tpu.memory_space<vmem>>
    %dma_wait3A_132 = arith.constant 0 : i32
    %dma_wait3A_133 = tpu.memref_slice %arg9[%dma_wait3A_132] : memref<10240xf32, #tpu.memory_space<vmem_shared>> -> memref<10240xf32, #tpu.memory_space<vmem_shared>>
    tpu.wait_indirect_dma semaphore(%arg10 : memref<!tpu.dma_semaphore, #tpu.memory_space<semaphore_mem>>) src(%dma_wait3A_128 : memref<128xf32, #tpu.memory_space<vmem>>) dst(%dma_wait3A_133 : memref<10240xf32, #tpu.memory_space<vmem_shared>>)
    %barrier3A_134 = arith.constant 0 : index
    tpu.barrier barrier_id(%barrier3A_134)
    %mul3A_135 = arith.constant 640 : i32
    %mul3A_136 = arith.muli %arg1, %mul3A_135 : i32
    "tpu.region"() ({
      %run_scoped3A = tpu.sem_alloc : memref<!tpu.dma_semaphore, #tpu.memory_space<semaphore_mem>>
      %dma_start3A_139 = tpu.memref_slice %arg9[%mul3A_136] : memref<10240xf32, #tpu.memory_space<vmem_shared>> -> memref<640xf32, #tpu.memory_space<vmem_shared>>
      %dma_start3A_140 = tpu.memref_slice %arg9[%mul3A_136] : memref<10240xf32, #tpu.memory_space<vmem_shared>> -> memref<640xf32, #tpu.memory_space<vmem_shared>>
      tpu.enqueue_dma source(%dma_start3A_140 : memref<640xf32, #tpu.memory_space<vmem_shared>>) target(%arg8 : memref<640xf32, #tpu.memory_space<vmem>>) target_semaphore(%run_scoped3A : memref<!tpu.dma_semaphore, #tpu.memory_space<semaphore_mem>>)
      %dma_wait3A_141 = tpu.memref_slice %arg9[%mul3A_136] : memref<10240xf32, #tpu.memory_space<vmem_shared>> -> memref<640xf32, #tpu.memory_space<vmem_shared>>
      %dma_wait3A_142 = tpu.memref_slice %arg9[%mul3A_136] : memref<10240xf32, #tpu.memory_space<vmem_shared>> -> memref<640xf32, #tpu.memory_space<vmem_shared>>
      tpu.wait_dma2 semaphore(%run_scoped3A : memref<!tpu.dma_semaphore, #tpu.memory_space<semaphore_mem>>) src(%dma_wait3A_142 : memref<640xf32, #tpu.memory_space<vmem_shared>>) dst(%arg8 : memref<640xf32, #tpu.memory_space<vmem>>)
      tpu.yield
    }) : () -> ()
    %mul3A_137 = arith.constant 640 : i32
    %mul3A_138 = arith.muli %arg1, %mul3A_137 : i32
    "tpu.region"() ({
      %run_scoped3A = tpu.sem_alloc : memref<!tpu.dma_semaphore, #tpu.memory_space<semaphore_mem>>
      %dma_start3A_139 = tpu.memref_slice %arg5[%arg0, %mul3A_138] : memref<2x10240xf32, #tpu.memory_space<hbm>> -> memref<1x640xf32, #tpu.memory_space<hbm>>
      %dma_start3A_140 = tpu.memref_squeeze %dma_start3A_139 : memref<1x640xf32, #tpu.memory_space<hbm>> -> memref<640xf32, #tpu.memory_space<hbm>>
      %dma_start3A_141 = tpu.memref_slice %arg5[%arg0, %mul3A_138] : memref<2x10240xf32, #tpu.memory_space<hbm>> -> memref<1x640xf32, #tpu.memory_space<hbm>>
      %dma_start3A_142 = tpu.memref_squeeze %dma_start3A_141 : memref<1x640xf32, #tpu.memory_space<hbm>> -> memref<640xf32, #tpu.memory_space<hbm>>
      tpu.enqueue_dma source(%arg8 : memref<640xf32, #tpu.memory_space<vmem>>) target(%dma_start3A_142 : memref<640xf32, #tpu.memory_space<hbm>>) target_semaphore(%run_scoped3A : memref<!tpu.dma_semaphore, #tpu.memory_space<semaphore_mem>>)
      %dma_wait3A_143 = tpu.memref_slice %arg5[%arg0, %mul3A_138] : memref<2x10240xf32, #tpu.memory_space<hbm>> -> memref<1x640xf32, #tpu.memory_space<hbm>>
      %dma_wait3A_144 = tpu.memref_squeeze %dma_wait3A_143 : memref<1x640xf32, #tpu.memory_space<hbm>> -> memref<640xf32, #tpu.memory_space<hbm>>
      %dma_wait3A_145 = tpu.memref_slice %arg5[%arg0, %mul3A_138] : memref<2x10240xf32, #tpu.memory_space<hbm>> -> memref<1x640xf32, #tpu.memory_space<hbm>>
      %dma_wait3A_146 = tpu.memref_squeeze %dma_wait3A_145 : memref<1x640xf32, #tpu.memory_space<hbm>> -> memref<640xf32, #tpu.memory_space<hbm>>
      tpu.wait_dma2 semaphore(%run_scoped3A : memref<!tpu.dma_semaphore, #tpu.memory_space<semaphore_mem>>) src(%arg8 : memref<640xf32, #tpu.memory_space<vmem>>) dst(%dma_wait3A_146 : memref<640xf32, #tpu.memory_space<hbm>>)
      tpu.yield
    }) : () -> ()
    return
  }
}

#map = affine_map<(d0, d1) -> (0, 0)>
#map1 = affine_map<(d0, d1) -> (0, 0, 0)>
module attributes {stable_mosaic.version = 14 : i64} {
  func.func @k(%arg0: i32, %arg1: i32, %arg2: memref<10240x64xf32, #tpu.memory_space<hbm>>, %arg3: memref<32x88x128xi32, #tpu.memory_space<hbm>>, %arg4: memref<32x81x128xi32, #tpu.memory_space<hbm>>, %arg5: memref<320x64xf32, #tpu.memory_space<hbm>>, %arg6: memref<2x10240x64xf32, #tpu.memory_space<hbm>>, %arg7: memref<88x128xi32, #tpu.memory_space<vmem>>, %arg8: memref<81x128xi32, #tpu.memory_space<vmem>>, %arg9: memref<5x128x64xf32, #tpu.memory_space<vmem>>, %arg10: memref<320x64xf32, #tpu.memory_space<vmem>>, %arg11: memref<10240x64xf32, #tpu.memory_space<vmem_shared>>, %arg12: memref<!tpu.dma_semaphore, #tpu.memory_space<semaphore_mem>>, %arg13: memref<!tpu.dma_semaphore, #tpu.memory_space<semaphore_mem>>) attributes {dimension_semantics = [#tpu.dimension_semantics<core_parallel>, #tpu.dimension_semantics<subcore_parallel>], iteration_bounds = array<i64: 2, 16>, scalar_prefetch = 0 : i64, scratch_operands = 7 : i64, tpu.core_type = #tpu.core_type<sc_vector_subcore>, window_params = [{transform_indices = #map}, {transform_indices = #map1}, {transform_indices = #map1}, {transform_indices = #map}, {transform_indices = #map1}]} {
    %mul3A = arith.constant 16 : i32
    %mul3A_0 = arith.muli %arg0, %mul3A : i32
    %add3A = arith.addi %mul3A_0, %arg1 : i32
    "tpu.region"() ({
      %run_scoped3A = tpu.sem_alloc : memref<!tpu.dma_semaphore, #tpu.memory_space<semaphore_mem>>
      %dma_start3A_135 = arith.constant 0 : i32
      %dma_start3A_136 = arith.constant 0 : i32
      %dma_start3A_137 = tpu.memref_slice %arg3[%add3A, %dma_start3A_135, %dma_start3A_136] : memref<32x88x128xi32, #tpu.memory_space<hbm>> -> memref<1x88x128xi32, #tpu.memory_space<hbm>>
      %dma_start3A_138 = tpu.memref_squeeze %dma_start3A_137 : memref<1x88x128xi32, #tpu.memory_space<hbm>> -> memref<88x128xi32, #tpu.memory_space<hbm>>
      %dma_start3A_139 = arith.constant 0 : i32
      %dma_start3A_140 = arith.constant 0 : i32
      %dma_start3A_141 = tpu.memref_slice %arg3[%add3A, %dma_start3A_139, %dma_start3A_140] : memref<32x88x128xi32, #tpu.memory_space<hbm>> -> memref<1x88x128xi32, #tpu.memory_space<hbm>>
      %dma_start3A_142 = tpu.memref_squeeze %dma_start3A_141 : memref<1x88x128xi32, #tpu.memory_space<hbm>> -> memref<88x128xi32, #tpu.memory_space<hbm>>
      tpu.enqueue_dma source(%dma_start3A_142 : memref<88x128xi32, #tpu.memory_space<hbm>>) target(%arg7 : memref<88x128xi32, #tpu.memory_space<vmem>>) target_semaphore(%run_scoped3A : memref<!tpu.dma_semaphore, #tpu.memory_space<semaphore_mem>>)
      %dma_wait3A_143 = arith.constant 0 : i32
      %dma_wait3A_144 = arith.constant 0 : i32
      %dma_wait3A_145 = tpu.memref_slice %arg3[%add3A, %dma_wait3A_143, %dma_wait3A_144] : memref<32x88x128xi32, #tpu.memory_space<hbm>> -> memref<1x88x128xi32, #tpu.memory_space<hbm>>
      %dma_wait3A_146 = tpu.memref_squeeze %dma_wait3A_145 : memref<1x88x128xi32, #tpu.memory_space<hbm>> -> memref<88x128xi32, #tpu.memory_space<hbm>>
      %dma_wait3A_147 = arith.constant 0 : i32
      %dma_wait3A_148 = arith.constant 0 : i32
      %dma_wait3A_149 = tpu.memref_slice %arg3[%add3A, %dma_wait3A_147, %dma_wait3A_148] : memref<32x88x128xi32, #tpu.memory_space<hbm>> -> memref<1x88x128xi32, #tpu.memory_space<hbm>>
      %dma_wait3A_150 = tpu.memref_squeeze %dma_wait3A_149 : memref<1x88x128xi32, #tpu.memory_space<hbm>> -> memref<88x128xi32, #tpu.memory_space<hbm>>
      tpu.wait_dma2 semaphore(%run_scoped3A : memref<!tpu.dma_semaphore, #tpu.memory_space<semaphore_mem>>) src(%dma_wait3A_150 : memref<88x128xi32, #tpu.memory_space<hbm>>) dst(%arg7 : memref<88x128xi32, #tpu.memory_space<vmem>>)
      tpu.yield
    }) : () -> ()
    "tpu.region"() ({
      %run_scoped3A = tpu.sem_alloc : memref<!tpu.dma_semaphore, #tpu.memory_space<semaphore_mem>>
      %dma_start3A_135 = arith.constant 0 : i32
      %dma_start3A_136 = arith.constant 0 : i32
      %dma_start3A_137 = tpu.memref_slice %arg4[%add3A, %dma_start3A_135, %dma_start3A_136] : memref<32x81x128xi32, #tpu.memory_space<hbm>> -> memref<1x81x128xi32, #tpu.memory_space<hbm>>
      %dma_start3A_138 = tpu.memref_squeeze %dma_start3A_137 : memref<1x81x128xi32, #tpu.memory_space<hbm>> -> memref<81x128xi32, #tpu.memory_space<hbm>>
      %dma_start3A_139 = arith.constant 0 : i32
      %dma_start3A_140 = arith.constant 0 : i32
      %dma_start3A_141 = tpu.memref_slice %arg4[%add3A, %dma_start3A_139, %dma_start3A_140] : memref<32x81x128xi32, #tpu.memory_space<hbm>> -> memref<1x81x128xi32, #tpu.memory_space<hbm>>
      %dma_start3A_142 = tpu.memref_squeeze %dma_start3A_141 : memref<1x81x128xi32, #tpu.memory_space<hbm>> -> memref<81x128xi32, #tpu.memory_space<hbm>>
      tpu.enqueue_dma source(%dma_start3A_142 : memref<81x128xi32, #tpu.memory_space<hbm>>) target(%arg8 : memref<81x128xi32, #tpu.memory_space<vmem>>) target_semaphore(%run_scoped3A : memref<!tpu.dma_semaphore, #tpu.memory_space<semaphore_mem>>)
      %dma_wait3A_143 = arith.constant 0 : i32
      %dma_wait3A_144 = arith.constant 0 : i32
      %dma_wait3A_145 = tpu.memref_slice %arg4[%add3A, %dma_wait3A_143, %dma_wait3A_144] : memref<32x81x128xi32, #tpu.memory_space<hbm>> -> memref<1x81x128xi32, #tpu.memory_space<hbm>>
      %dma_wait3A_146 = tpu.memref_squeeze %dma_wait3A_145 : memref<1x81x128xi32, #tpu.memory_space<hbm>> -> memref<81x128xi32, #tpu.memory_space<hbm>>
      %dma_wait3A_147 = arith.constant 0 : i32
      %dma_wait3A_148 = arith.constant 0 : i32
      %dma_wait3A_149 = tpu.memref_slice %arg4[%add3A, %dma_wait3A_147, %dma_wait3A_148] : memref<32x81x128xi32, #tpu.memory_space<hbm>> -> memref<1x81x128xi32, #tpu.memory_space<hbm>>
      %dma_wait3A_150 = tpu.memref_squeeze %dma_wait3A_149 : memref<1x81x128xi32, #tpu.memory_space<hbm>> -> memref<81x128xi32, #tpu.memory_space<hbm>>
      tpu.wait_dma2 semaphore(%run_scoped3A : memref<!tpu.dma_semaphore, #tpu.memory_space<semaphore_mem>>) src(%dma_wait3A_150 : memref<81x128xi32, #tpu.memory_space<hbm>>) dst(%arg8 : memref<81x128xi32, #tpu.memory_space<vmem>>)
      tpu.yield
    }) : () -> ()
    "tpu.region"() ({
      %run_scoped3A = tpu.sem_alloc : memref<!tpu.dma_semaphore, #tpu.memory_space<semaphore_mem>>
      tpu.enqueue_dma source(%arg5 : memref<320x64xf32, #tpu.memory_space<hbm>>) target(%arg10 : memref<320x64xf32, #tpu.memory_space<vmem>>) target_semaphore(%run_scoped3A : memref<!tpu.dma_semaphore, #tpu.memory_space<semaphore_mem>>)
      tpu.wait_dma2 semaphore(%run_scoped3A : memref<!tpu.dma_semaphore, #tpu.memory_space<semaphore_mem>>) src(%arg5 : memref<320x64xf32, #tpu.memory_space<hbm>>) dst(%arg10 : memref<320x64xf32, #tpu.memory_space<vmem>>)
      tpu.yield
    }) : () -> ()
    %mul3A_1 = arith.constant 640 : i32
    %mul3A_2 = arith.muli %arg1, %mul3A_1 : i32
    "tpu.region"() ({
      %run_scoped3A = tpu.sem_alloc : memref<!tpu.dma_semaphore, #tpu.memory_space<semaphore_mem>>
      %dma_start3A_135 = arith.constant 0 : i32
      %dma_start3A_136 = tpu.memref_slice %arg11[%mul3A_2, %dma_start3A_135] : memref<10240x64xf32, #tpu.memory_space<vmem_shared>> -> memref<320x64xf32, #tpu.memory_space<vmem_shared>>
      %dma_start3A_137 = arith.constant 0 : i32
      %dma_start3A_138 = tpu.memref_slice %arg11[%mul3A_2, %dma_start3A_137] : memref<10240x64xf32, #tpu.memory_space<vmem_shared>> -> memref<320x64xf32, #tpu.memory_space<vmem_shared>>
      tpu.enqueue_dma source(%arg10 : memref<320x64xf32, #tpu.memory_space<vmem>>) target(%dma_start3A_138 : memref<320x64xf32, #tpu.memory_space<vmem_shared>>) target_semaphore(%run_scoped3A : memref<!tpu.dma_semaphore, #tpu.memory_space<semaphore_mem>>)
      %dma_wait3A_139 = arith.constant 0 : i32
      %dma_wait3A_140 = tpu.memref_slice %arg11[%mul3A_2, %dma_wait3A_139] : memref<10240x64xf32, #tpu.memory_space<vmem_shared>> -> memref<320x64xf32, #tpu.memory_space<vmem_shared>>
      %dma_wait3A_141 = arith.constant 0 : i32
      %dma_wait3A_142 = tpu.memref_slice %arg11[%mul3A_2, %dma_wait3A_141] : memref<10240x64xf32, #tpu.memory_space<vmem_shared>> -> memref<320x64xf32, #tpu.memory_space<vmem_shared>>
      tpu.wait_dma2 semaphore(%run_scoped3A : memref<!tpu.dma_semaphore, #tpu.memory_space<semaphore_mem>>) src(%arg10 : memref<320x64xf32, #tpu.memory_space<vmem>>) dst(%dma_wait3A_142 : memref<320x64xf32, #tpu.memory_space<vmem_shared>>)
      tpu.yield
    }) : () -> ()
    %mul3A_3 = arith.constant 640 : i32
    %mul3A_4 = arith.muli %arg1, %mul3A_3 : i32
    %add3A_5 = arith.constant 320 : i32
    %add3A_6 = arith.addi %mul3A_4, %add3A_5 : i32
    "tpu.region"() ({
      %run_scoped3A = tpu.sem_alloc : memref<!tpu.dma_semaphore, #tpu.memory_space<semaphore_mem>>
      %dma_start3A_135 = arith.constant 0 : i32
      %dma_start3A_136 = tpu.memref_slice %arg11[%add3A_6, %dma_start3A_135] : memref<10240x64xf32, #tpu.memory_space<vmem_shared>> -> memref<320x64xf32, #tpu.memory_space<vmem_shared>>
      %dma_start3A_137 = arith.constant 0 : i32
      %dma_start3A_138 = tpu.memref_slice %arg11[%add3A_6, %dma_start3A_137] : memref<10240x64xf32, #tpu.memory_space<vmem_shared>> -> memref<320x64xf32, #tpu.memory_space<vmem_shared>>
      tpu.enqueue_dma source(%arg10 : memref<320x64xf32, #tpu.memory_space<vmem>>) target(%dma_start3A_138 : memref<320x64xf32, #tpu.memory_space<vmem_shared>>) target_semaphore(%run_scoped3A : memref<!tpu.dma_semaphore, #tpu.memory_space<semaphore_mem>>)
      %dma_wait3A_139 = arith.constant 0 : i32
      %dma_wait3A_140 = tpu.memref_slice %arg11[%add3A_6, %dma_wait3A_139] : memref<10240x64xf32, #tpu.memory_space<vmem_shared>> -> memref<320x64xf32, #tpu.memory_space<vmem_shared>>
      %dma_wait3A_141 = arith.constant 0 : i32
      %dma_wait3A_142 = tpu.memref_slice %arg11[%add3A_6, %dma_wait3A_141] : memref<10240x64xf32, #tpu.memory_space<vmem_shared>> -> memref<320x64xf32, #tpu.memory_space<vmem_shared>>
      tpu.wait_dma2 semaphore(%run_scoped3A : memref<!tpu.dma_semaphore, #tpu.memory_space<semaphore_mem>>) src(%arg10 : memref<320x64xf32, #tpu.memory_space<vmem>>) dst(%dma_wait3A_142 : memref<320x64xf32, #tpu.memory_space<vmem_shared>>)
      tpu.yield
    }) : () -> ()
    %barrier3A = arith.constant 0 : index
    tpu.barrier barrier_id(%barrier3A)
    %dma_start3A = arith.constant 0 : i32
    %dma_start3A_7 = arith.constant 0 : i32
    %dma_start3A_8 = arith.constant 0 : i32
    %dma_start3A_9 = arith.constant 0 : i32
    %dma_start3A_10 = tpu.memref_slice %arg9[%dma_start3A_7, %dma_start3A_8, %dma_start3A_9] : memref<5x128x64xf32, #tpu.memory_space<vmem>> -> memref<1x128x64xf32, #tpu.memory_space<vmem>>
    %dma_start3A_11 = tpu.memref_squeeze %dma_start3A_10 : memref<1x128x64xf32, #tpu.memory_space<vmem>> -> memref<128x64xf32, #tpu.memory_space<vmem>>
    %dma_start3A_12 = arith.constant 0 : i32
    %dma_start3A_13 = tpu.memref_slice %arg7[%dma_start3A, %dma_start3A_12] : memref<88x128xi32, #tpu.memory_space<vmem>> -> memref<1x128xi32, #tpu.memory_space<vmem>>
    %dma_start3A_14 = tpu.memref_squeeze %dma_start3A_13 : memref<1x128xi32, #tpu.memory_space<vmem>> -> memref<128xi32, #tpu.memory_space<vmem>>
    %dma_start3A_15 = arith.constant 0 : i32
    %dma_start3A_16 = arith.constant 0 : i32
    %dma_start3A_17 = tpu.memref_slice %arg2[%dma_start3A_15, %dma_start3A_16] : memref<10240x64xf32, #tpu.memory_space<hbm>> -> memref<10240x64xf32, #tpu.memory_space<hbm>>
    tpu.enqueue_indirect_dma source(%dma_start3A_17 : memref<10240x64xf32, #tpu.memory_space<hbm>>) target(%dma_start3A_11 : memref<128x64xf32, #tpu.memory_space<vmem>>) offsets(%dma_start3A_14 : memref<128xi32, #tpu.memory_space<vmem>>) semaphore(%arg12 : memref<!tpu.dma_semaphore, #tpu.memory_space<semaphore_mem>>)
    %dma_start3A_18 = arith.constant 1 : i32
    %dma_start3A_19 = arith.constant 1 : i32
    %dma_start3A_20 = arith.constant 0 : i32
    %dma_start3A_21 = arith.constant 0 : i32
    %dma_start3A_22 = tpu.memref_slice %arg9[%dma_start3A_19, %dma_start3A_20, %dma_start3A_21] : memref<5x128x64xf32, #tpu.memory_space<vmem>> -> memref<1x128x64xf32, #tpu.memory_space<vmem>>
    %dma_start3A_23 = tpu.memref_squeeze %dma_start3A_22 : memref<1x128x64xf32, #tpu.memory_space<vmem>> -> memref<128x64xf32, #tpu.memory_space<vmem>>
    %dma_start3A_24 = arith.constant 0 : i32
    %dma_start3A_25 = tpu.memref_slice %arg7[%dma_start3A_18, %dma_start3A_24] : memref<88x128xi32, #tpu.memory_space<vmem>> -> memref<1x128xi32, #tpu.memory_space<vmem>>
    %dma_start3A_26 = tpu.memref_squeeze %dma_start3A_25 : memref<1x128xi32, #tpu.memory_space<vmem>> -> memref<128xi32, #tpu.memory_space<vmem>>
    %dma_start3A_27 = arith.constant 0 : i32
    %dma_start3A_28 = arith.constant 0 : i32
    %dma_start3A_29 = tpu.memref_slice %arg2[%dma_start3A_27, %dma_start3A_28] : memref<10240x64xf32, #tpu.memory_space<hbm>> -> memref<10240x64xf32, #tpu.memory_space<hbm>>
    tpu.enqueue_indirect_dma source(%dma_start3A_29 : memref<10240x64xf32, #tpu.memory_space<hbm>>) target(%dma_start3A_23 : memref<128x64xf32, #tpu.memory_space<vmem>>) offsets(%dma_start3A_26 : memref<128xi32, #tpu.memory_space<vmem>>) semaphore(%arg12 : memref<!tpu.dma_semaphore, #tpu.memory_space<semaphore_mem>>)
    %dma_start3A_30 = arith.constant 2 : i32
    %dma_start3A_31 = arith.constant 2 : i32
    %dma_start3A_32 = arith.constant 0 : i32
    %dma_start3A_33 = arith.constant 0 : i32
    %dma_start3A_34 = tpu.memref_slice %arg9[%dma_start3A_31, %dma_start3A_32, %dma_start3A_33] : memref<5x128x64xf32, #tpu.memory_space<vmem>> -> memref<1x128x64xf32, #tpu.memory_space<vmem>>
    %dma_start3A_35 = tpu.memref_squeeze %dma_start3A_34 : memref<1x128x64xf32, #tpu.memory_space<vmem>> -> memref<128x64xf32, #tpu.memory_space<vmem>>
    %dma_start3A_36 = arith.constant 0 : i32
    %dma_start3A_37 = tpu.memref_slice %arg7[%dma_start3A_30, %dma_start3A_36] : memref<88x128xi32, #tpu.memory_space<vmem>> -> memref<1x128xi32, #tpu.memory_space<vmem>>
    %dma_start3A_38 = tpu.memref_squeeze %dma_start3A_37 : memref<1x128xi32, #tpu.memory_space<vmem>> -> memref<128xi32, #tpu.memory_space<vmem>>
    %dma_start3A_39 = arith.constant 0 : i32
    %dma_start3A_40 = arith.constant 0 : i32
    %dma_start3A_41 = tpu.memref_slice %arg2[%dma_start3A_39, %dma_start3A_40] : memref<10240x64xf32, #tpu.memory_space<hbm>> -> memref<10240x64xf32, #tpu.memory_space<hbm>>
    tpu.enqueue_indirect_dma source(%dma_start3A_41 : memref<10240x64xf32, #tpu.memory_space<hbm>>) target(%dma_start3A_35 : memref<128x64xf32, #tpu.memory_space<vmem>>) offsets(%dma_start3A_38 : memref<128xi32, #tpu.memory_space<vmem>>) semaphore(%arg12 : memref<!tpu.dma_semaphore, #tpu.memory_space<semaphore_mem>>)
    %dma_start3A_42 = arith.constant 80 : i32
    %dma_start3A_43 = arith.constant 0 : i32
    %dma_start3A_44 = arith.constant 0 : i32
    %dma_start3A_45 = tpu.memref_slice %arg10[%dma_start3A_43, %dma_start3A_44] : memref<320x64xf32, #tpu.memory_space<vmem>> -> memref<128x64xf32, #tpu.memory_space<vmem>>
    %dma_start3A_46 = arith.constant 0 : i32
    %dma_start3A_47 = tpu.memref_slice %arg8[%dma_start3A_42, %dma_start3A_46] : memref<81x128xi32, #tpu.memory_space<vmem>> -> memref<1x128xi32, #tpu.memory_space<vmem>>
    %dma_start3A_48 = tpu.memref_squeeze %dma_start3A_47 : memref<1x128xi32, #tpu.memory_space<vmem>> -> memref<128xi32, #tpu.memory_space<vmem>>
    %dma_start3A_49 = arith.constant 0 : i32
    %dma_start3A_50 = arith.constant 0 : i32
    %dma_start3A_51 = tpu.memref_slice %arg11[%dma_start3A_49, %dma_start3A_50] : memref<10240x64xf32, #tpu.memory_space<vmem_shared>> -> memref<10240x64xf32, #tpu.memory_space<vmem_shared>>
    tpu.enqueue_indirect_dma source(%dma_start3A_45 : memref<128x64xf32, #tpu.memory_space<vmem>>) target(%dma_start3A_51 : memref<10240x64xf32, #tpu.memory_space<vmem_shared>>) offsets(%dma_start3A_48 : memref<128xi32, #tpu.memory_space<vmem>>) semaphore(%arg13 : memref<!tpu.dma_semaphore, #tpu.memory_space<semaphore_mem>>) {add = true}
    %dma_start3A_52 = arith.constant 80 : i32
    %dma_start3A_53 = arith.constant 0 : i32
    %dma_start3A_54 = arith.constant 0 : i32
    %dma_start3A_55 = tpu.memref_slice %arg10[%dma_start3A_53, %dma_start3A_54] : memref<320x64xf32, #tpu.memory_space<vmem>> -> memref<128x64xf32, #tpu.memory_space<vmem>>
    %dma_start3A_56 = arith.constant 0 : i32
    %dma_start3A_57 = tpu.memref_slice %arg8[%dma_start3A_52, %dma_start3A_56] : memref<81x128xi32, #tpu.memory_space<vmem>> -> memref<1x128xi32, #tpu.memory_space<vmem>>
    %dma_start3A_58 = tpu.memref_squeeze %dma_start3A_57 : memref<1x128xi32, #tpu.memory_space<vmem>> -> memref<128xi32, #tpu.memory_space<vmem>>
    %dma_start3A_59 = arith.constant 0 : i32
    %dma_start3A_60 = arith.constant 0 : i32
    %dma_start3A_61 = tpu.memref_slice %arg11[%dma_start3A_59, %dma_start3A_60] : memref<10240x64xf32, #tpu.memory_space<vmem_shared>> -> memref<10240x64xf32, #tpu.memory_space<vmem_shared>>
    tpu.enqueue_indirect_dma source(%dma_start3A_55 : memref<128x64xf32, #tpu.memory_space<vmem>>) target(%dma_start3A_61 : memref<10240x64xf32, #tpu.memory_space<vmem_shared>>) offsets(%dma_start3A_58 : memref<128xi32, #tpu.memory_space<vmem>>) semaphore(%arg13 : memref<!tpu.dma_semaphore, #tpu.memory_space<semaphore_mem>>) {add = true}
    %scan3A = arith.constant 0 : i32
    %scan3A_62 = arith.constant 0 : i32
    %scan3A_63 = arith.constant 16 : i32
    %scan3A_64 = arith.addi %scan3A_62, %scan3A_63 : i32
    %scan3A_65 = arith.constant 1 : i32
    scf.for %scan3A_135 = %scan3A_62 to %scan3A_64 step %scan3A_65  : i32 {
      %mul3A_136 = arith.constant 5 : i32
      %mul3A_137 = arith.muli %scan3A_135, %mul3A_136 : i32
      %add3A_138 = arith.constant 0 : i32
      %add3A_139 = arith.addi %mul3A_137, %add3A_138 : i32
      %dma_wait3A_140 = arith.constant 0 : i32
      %dma_wait3A_141 = arith.constant 0 : i32
      %dma_wait3A_142 = arith.constant 0 : i32
      %dma_wait3A_143 = tpu.memref_slice %arg9[%dma_wait3A_140, %dma_wait3A_141, %dma_wait3A_142] : memref<5x128x64xf32, #tpu.memory_space<vmem>> -> memref<1x128x64xf32, #tpu.memory_space<vmem>>
      %dma_wait3A_144 = tpu.memref_squeeze %dma_wait3A_143 : memref<1x128x64xf32, #tpu.memory_space<vmem>> -> memref<128x64xf32, #tpu.memory_space<vmem>>
      %dma_wait3A_145 = arith.constant 0 : i32
      %dma_wait3A_146 = tpu.memref_slice %arg7[%add3A_139, %dma_wait3A_145] : memref<88x128xi32, #tpu.memory_space<vmem>> -> memref<1x128xi32, #tpu.memory_space<vmem>>
      %dma_wait3A_147 = tpu.memref_squeeze %dma_wait3A_146 : memref<1x128xi32, #tpu.memory_space<vmem>> -> memref<128xi32, #tpu.memory_space<vmem>>
      %dma_wait3A_148 = arith.constant 0 : i32
      %dma_wait3A_149 = arith.constant 0 : i32
      %dma_wait3A_150 = tpu.memref_slice %arg2[%dma_wait3A_148, %dma_wait3A_149] : memref<10240x64xf32, #tpu.memory_space<hbm>> -> memref<10240x64xf32, #tpu.memory_space<hbm>>
      tpu.wait_indirect_dma semaphore(%arg12 : memref<!tpu.dma_semaphore, #tpu.memory_space<semaphore_mem>>) src(%dma_wait3A_150 : memref<10240x64xf32, #tpu.memory_space<hbm>>) dst(%dma_wait3A_144 : memref<128x64xf32, #tpu.memory_space<vmem>>)
      %dma_start3A_151 = arith.constant 0 : i32
      %dma_start3A_152 = arith.constant 0 : i32
      %dma_start3A_153 = arith.constant 0 : i32
      %dma_start3A_154 = tpu.memref_slice %arg9[%dma_start3A_151, %dma_start3A_152, %dma_start3A_153] : memref<5x128x64xf32, #tpu.memory_space<vmem>> -> memref<1x128x64xf32, #tpu.memory_space<vmem>>
      %dma_start3A_155 = tpu.memref_squeeze %dma_start3A_154 : memref<1x128x64xf32, #tpu.memory_space<vmem>> -> memref<128x64xf32, #tpu.memory_space<vmem>>
      %dma_start3A_156 = arith.constant 0 : i32
      %dma_start3A_157 = tpu.memref_slice %arg8[%add3A_139, %dma_start3A_156] : memref<81x128xi32, #tpu.memory_space<vmem>> -> memref<1x128xi32, #tpu.memory_space<vmem>>
      %dma_start3A_158 = tpu.memref_squeeze %dma_start3A_157 : memref<1x128xi32, #tpu.memory_space<vmem>> -> memref<128xi32, #tpu.memory_space<vmem>>
      %dma_start3A_159 = arith.constant 0 : i32
      %dma_start3A_160 = arith.constant 0 : i32
      %dma_start3A_161 = tpu.memref_slice %arg11[%dma_start3A_159, %dma_start3A_160] : memref<10240x64xf32, #tpu.memory_space<vmem_shared>> -> memref<10240x64xf32, #tpu.memory_space<vmem_shared>>
      tpu.enqueue_indirect_dma source(%dma_start3A_155 : memref<128x64xf32, #tpu.memory_space<vmem>>) target(%dma_start3A_161 : memref<10240x64xf32, #tpu.memory_space<vmem_shared>>) offsets(%dma_start3A_158 : memref<128xi32, #tpu.memory_space<vmem>>) semaphore(%arg13 : memref<!tpu.dma_semaphore, #tpu.memory_space<semaphore_mem>>) {add = true}
      %dma_wait3A_162 = arith.constant 80 : i32
      %dma_wait3A_163 = arith.constant 0 : i32
      %dma_wait3A_164 = arith.constant 0 : i32
      %dma_wait3A_165 = tpu.memref_slice %arg10[%dma_wait3A_163, %dma_wait3A_164] : memref<320x64xf32, #tpu.memory_space<vmem>> -> memref<128x64xf32, #tpu.memory_space<vmem>>
      %dma_wait3A_166 = arith.constant 0 : i32
      %dma_wait3A_167 = tpu.memref_slice %arg8[%dma_wait3A_162, %dma_wait3A_166] : memref<81x128xi32, #tpu.memory_space<vmem>> -> memref<1x128xi32, #tpu.memory_space<vmem>>
      %dma_wait3A_168 = tpu.memref_squeeze %dma_wait3A_167 : memref<1x128xi32, #tpu.memory_space<vmem>> -> memref<128xi32, #tpu.memory_space<vmem>>
      %dma_wait3A_169 = arith.constant 0 : i32
      %dma_wait3A_170 = arith.constant 0 : i32
      %dma_wait3A_171 = tpu.memref_slice %arg11[%dma_wait3A_169, %dma_wait3A_170] : memref<10240x64xf32, #tpu.memory_space<vmem_shared>> -> memref<10240x64xf32, #tpu.memory_space<vmem_shared>>
      tpu.wait_indirect_dma semaphore(%arg13 : memref<!tpu.dma_semaphore, #tpu.memory_space<semaphore_mem>>) src(%dma_wait3A_165 : memref<128x64xf32, #tpu.memory_space<vmem>>) dst(%dma_wait3A_171 : memref<10240x64xf32, #tpu.memory_space<vmem_shared>>)
      %add3A_172 = arith.constant 3 : i32
      %add3A_173 = arith.addi %add3A_139, %add3A_172 : i32
      %dma_start3A_174 = arith.constant 3 : i32
      %dma_start3A_175 = arith.constant 0 : i32
      %dma_start3A_176 = arith.constant 0 : i32
      %dma_start3A_177 = tpu.memref_slice %arg9[%dma_start3A_174, %dma_start3A_175, %dma_start3A_176] : memref<5x128x64xf32, #tpu.memory_space<vmem>> -> memref<1x128x64xf32, #tpu.memory_space<vmem>>
      %dma_start3A_178 = tpu.memref_squeeze %dma_start3A_177 : memref<1x128x64xf32, #tpu.memory_space<vmem>> -> memref<128x64xf32, #tpu.memory_space<vmem>>
      %dma_start3A_179 = arith.constant 0 : i32
      %dma_start3A_180 = tpu.memref_slice %arg7[%add3A_173, %dma_start3A_179] : memref<88x128xi32, #tpu.memory_space<vmem>> -> memref<1x128xi32, #tpu.memory_space<vmem>>
      %dma_start3A_181 = tpu.memref_squeeze %dma_start3A_180 : memref<1x128xi32, #tpu.memory_space<vmem>> -> memref<128xi32, #tpu.memory_space<vmem>>
      %dma_start3A_182 = arith.constant 0 : i32
      %dma_start3A_183 = arith.constant 0 : i32
      %dma_start3A_184 = tpu.memref_slice %arg2[%dma_start3A_182, %dma_start3A_183] : memref<10240x64xf32, #tpu.memory_space<hbm>> -> memref<10240x64xf32, #tpu.memory_space<hbm>>
      tpu.enqueue_indirect_dma source(%dma_start3A_184 : memref<10240x64xf32, #tpu.memory_space<hbm>>) target(%dma_start3A_178 : memref<128x64xf32, #tpu.memory_space<vmem>>) offsets(%dma_start3A_181 : memref<128xi32, #tpu.memory_space<vmem>>) semaphore(%arg12 : memref<!tpu.dma_semaphore, #tpu.memory_space<semaphore_mem>>)
      %mul3A_185 = arith.constant 5 : i32
      %mul3A_186 = arith.muli %scan3A_135, %mul3A_185 : i32
      %add3A_187 = arith.constant 1 : i32
      %add3A_188 = arith.addi %mul3A_186, %add3A_187 : i32
      %dma_wait3A_189 = arith.constant 1 : i32
      %dma_wait3A_190 = arith.constant 0 : i32
      %dma_wait3A_191 = arith.constant 0 : i32
      %dma_wait3A_192 = tpu.memref_slice %arg9[%dma_wait3A_189, %dma_wait3A_190, %dma_wait3A_191] : memref<5x128x64xf32, #tpu.memory_space<vmem>> -> memref<1x128x64xf32, #tpu.memory_space<vmem>>
      %dma_wait3A_193 = tpu.memref_squeeze %dma_wait3A_192 : memref<1x128x64xf32, #tpu.memory_space<vmem>> -> memref<128x64xf32, #tpu.memory_space<vmem>>
      %dma_wait3A_194 = arith.constant 0 : i32
      %dma_wait3A_195 = tpu.memref_slice %arg7[%add3A_188, %dma_wait3A_194] : memref<88x128xi32, #tpu.memory_space<vmem>> -> memref<1x128xi32, #tpu.memory_space<vmem>>
      %dma_wait3A_196 = tpu.memref_squeeze %dma_wait3A_195 : memref<1x128xi32, #tpu.memory_space<vmem>> -> memref<128xi32, #tpu.memory_space<vmem>>
      %dma_wait3A_197 = arith.constant 0 : i32
      %dma_wait3A_198 = arith.constant 0 : i32
      %dma_wait3A_199 = tpu.memref_slice %arg2[%dma_wait3A_197, %dma_wait3A_198] : memref<10240x64xf32, #tpu.memory_space<hbm>> -> memref<10240x64xf32, #tpu.memory_space<hbm>>
      tpu.wait_indirect_dma semaphore(%arg12 : memref<!tpu.dma_semaphore, #tpu.memory_space<semaphore_mem>>) src(%dma_wait3A_199 : memref<10240x64xf32, #tpu.memory_space<hbm>>) dst(%dma_wait3A_193 : memref<128x64xf32, #tpu.memory_space<vmem>>)
      %dma_start3A_200 = arith.constant 1 : i32
      %dma_start3A_201 = arith.constant 0 : i32
      %dma_start3A_202 = arith.constant 0 : i32
      %dma_start3A_203 = tpu.memref_slice %arg9[%dma_start3A_200, %dma_start3A_201, %dma_start3A_202] : memref<5x128x64xf32, #tpu.memory_space<vmem>> -> memref<1x128x64xf32, #tpu.memory_space<vmem>>
      %dma_start3A_204 = tpu.memref_squeeze %dma_start3A_203 : memref<1x128x64xf32, #tpu.memory_space<vmem>> -> memref<128x64xf32, #tpu.memory_space<vmem>>
      %dma_start3A_205 = arith.constant 0 : i32
      %dma_start3A_206 = tpu.memref_slice %arg8[%add3A_188, %dma_start3A_205] : memref<81x128xi32, #tpu.memory_space<vmem>> -> memref<1x128xi32, #tpu.memory_space<vmem>>
      %dma_start3A_207 = tpu.memref_squeeze %dma_start3A_206 : memref<1x128xi32, #tpu.memory_space<vmem>> -> memref<128xi32, #tpu.memory_space<vmem>>
      %dma_start3A_208 = arith.constant 0 : i32
      %dma_start3A_209 = arith.constant 0 : i32
      %dma_start3A_210 = tpu.memref_slice %arg11[%dma_start3A_208, %dma_start3A_209] : memref<10240x64xf32, #tpu.memory_space<vmem_shared>> -> memref<10240x64xf32, #tpu.memory_space<vmem_shared>>
      tpu.enqueue_indirect_dma source(%dma_start3A_204 : memref<128x64xf32, #tpu.memory_space<vmem>>) target(%dma_start3A_210 : memref<10240x64xf32, #tpu.memory_space<vmem_shared>>) offsets(%dma_start3A_207 : memref<128xi32, #tpu.memory_space<vmem>>) semaphore(%arg13 : memref<!tpu.dma_semaphore, #tpu.memory_space<semaphore_mem>>) {add = true}
      %dma_wait3A_211 = arith.constant 80 : i32
      %dma_wait3A_212 = arith.constant 0 : i32
      %dma_wait3A_213 = arith.constant 0 : i32
      %dma_wait3A_214 = tpu.memref_slice %arg10[%dma_wait3A_212, %dma_wait3A_213] : memref<320x64xf32, #tpu.memory_space<vmem>> -> memref<128x64xf32, #tpu.memory_space<vmem>>
      %dma_wait3A_215 = arith.constant 0 : i32
      %dma_wait3A_216 = tpu.memref_slice %arg8[%dma_wait3A_211, %dma_wait3A_215] : memref<81x128xi32, #tpu.memory_space<vmem>> -> memref<1x128xi32, #tpu.memory_space<vmem>>
      %dma_wait3A_217 = tpu.memref_squeeze %dma_wait3A_216 : memref<1x128xi32, #tpu.memory_space<vmem>> -> memref<128xi32, #tpu.memory_space<vmem>>
      %dma_wait3A_218 = arith.constant 0 : i32
      %dma_wait3A_219 = arith.constant 0 : i32
      %dma_wait3A_220 = tpu.memref_slice %arg11[%dma_wait3A_218, %dma_wait3A_219] : memref<10240x64xf32, #tpu.memory_space<vmem_shared>> -> memref<10240x64xf32, #tpu.memory_space<vmem_shared>>
      tpu.wait_indirect_dma semaphore(%arg13 : memref<!tpu.dma_semaphore, #tpu.memory_space<semaphore_mem>>) src(%dma_wait3A_214 : memref<128x64xf32, #tpu.memory_space<vmem>>) dst(%dma_wait3A_220 : memref<10240x64xf32, #tpu.memory_space<vmem_shared>>)
      %add3A_221 = arith.constant 3 : i32
      %add3A_222 = arith.addi %add3A_188, %add3A_221 : i32
      %dma_start3A_223 = arith.constant 4 : i32
      %dma_start3A_224 = arith.constant 0 : i32
      %dma_start3A_225 = arith.constant 0 : i32
      %dma_start3A_226 = tpu.memref_slice %arg9[%dma_start3A_223, %dma_start3A_224, %dma_start3A_225] : memref<5x128x64xf32, #tpu.memory_space<vmem>> -> memref<1x128x64xf32, #tpu.memory_space<vmem>>
      %dma_start3A_227 = tpu.memref_squeeze %dma_start3A_226 : memref<1x128x64xf32, #tpu.memory_space<vmem>> -> memref<128x64xf32, #tpu.memory_space<vmem>>
      %dma_start3A_228 = arith.constant 0 : i32
      %dma_start3A_229 = tpu.memref_slice %arg7[%add3A_222, %dma_start3A_228] : memref<88x128xi32, #tpu.memory_space<vmem>> -> memref<1x128xi32, #tpu.memory_space<vmem>>
      %dma_start3A_230 = tpu.memref_squeeze %dma_start3A_229 : memref<1x128xi32, #tpu.memory_space<vmem>> -> memref<128xi32, #tpu.memory_space<vmem>>
      %dma_start3A_231 = arith.constant 0 : i32
      %dma_start3A_232 = arith.constant 0 : i32
      %dma_start3A_233 = tpu.memref_slice %arg2[%dma_start3A_231, %dma_start3A_232] : memref<10240x64xf32, #tpu.memory_space<hbm>> -> memref<10240x64xf32, #tpu.memory_space<hbm>>
      tpu.enqueue_indirect_dma source(%dma_start3A_233 : memref<10240x64xf32, #tpu.memory_space<hbm>>) target(%dma_start3A_227 : memref<128x64xf32, #tpu.memory_space<vmem>>) offsets(%dma_start3A_230 : memref<128xi32, #tpu.memory_space<vmem>>) semaphore(%arg12 : memref<!tpu.dma_semaphore, #tpu.memory_space<semaphore_mem>>)
      %mul3A_234 = arith.constant 5 : i32
      %mul3A_235 = arith.muli %scan3A_135, %mul3A_234 : i32
      %add3A_236 = arith.constant 2 : i32
      %add3A_237 = arith.addi %mul3A_235, %add3A_236 : i32
      %dma_wait3A_238 = arith.constant 2 : i32
      %dma_wait3A_239 = arith.constant 0 : i32
      %dma_wait3A_240 = arith.constant 0 : i32
      %dma_wait3A_241 = tpu.memref_slice %arg9[%dma_wait3A_238, %dma_wait3A_239, %dma_wait3A_240] : memref<5x128x64xf32, #tpu.memory_space<vmem>> -> memref<1x128x64xf32, #tpu.memory_space<vmem>>
      %dma_wait3A_242 = tpu.memref_squeeze %dma_wait3A_241 : memref<1x128x64xf32, #tpu.memory_space<vmem>> -> memref<128x64xf32, #tpu.memory_space<vmem>>
      %dma_wait3A_243 = arith.constant 0 : i32
      %dma_wait3A_244 = tpu.memref_slice %arg7[%add3A_237, %dma_wait3A_243] : memref<88x128xi32, #tpu.memory_space<vmem>> -> memref<1x128xi32, #tpu.memory_space<vmem>>
      %dma_wait3A_245 = tpu.memref_squeeze %dma_wait3A_244 : memref<1x128xi32, #tpu.memory_space<vmem>> -> memref<128xi32, #tpu.memory_space<vmem>>
      %dma_wait3A_246 = arith.constant 0 : i32
      %dma_wait3A_247 = arith.constant 0 : i32
      %dma_wait3A_248 = tpu.memref_slice %arg2[%dma_wait3A_246, %dma_wait3A_247] : memref<10240x64xf32, #tpu.memory_space<hbm>> -> memref<10240x64xf32, #tpu.memory_space<hbm>>
      tpu.wait_indirect_dma semaphore(%arg12 : memref<!tpu.dma_semaphore, #tpu.memory_space<semaphore_mem>>) src(%dma_wait3A_248 : memref<10240x64xf32, #tpu.memory_space<hbm>>) dst(%dma_wait3A_242 : memref<128x64xf32, #tpu.memory_space<vmem>>)
      %dma_start3A_249 = arith.constant 2 : i32
      %dma_start3A_250 = arith.constant 0 : i32
      %dma_start3A_251 = arith.constant 0 : i32
      %dma_start3A_252 = tpu.memref_slice %arg9[%dma_start3A_249, %dma_start3A_250, %dma_start3A_251] : memref<5x128x64xf32, #tpu.memory_space<vmem>> -> memref<1x128x64xf32, #tpu.memory_space<vmem>>
      %dma_start3A_253 = tpu.memref_squeeze %dma_start3A_252 : memref<1x128x64xf32, #tpu.memory_space<vmem>> -> memref<128x64xf32, #tpu.memory_space<vmem>>
      %dma_start3A_254 = arith.constant 0 : i32
      %dma_start3A_255 = tpu.memref_slice %arg8[%add3A_237, %dma_start3A_254] : memref<81x128xi32, #tpu.memory_space<vmem>> -> memref<1x128xi32, #tpu.memory_space<vmem>>
      %dma_start3A_256 = tpu.memref_squeeze %dma_start3A_255 : memref<1x128xi32, #tpu.memory_space<vmem>> -> memref<128xi32, #tpu.memory_space<vmem>>
      %dma_start3A_257 = arith.constant 0 : i32
      %dma_start3A_258 = arith.constant 0 : i32
      %dma_start3A_259 = tpu.memref_slice %arg11[%dma_start3A_257, %dma_start3A_258] : memref<10240x64xf32, #tpu.memory_space<vmem_shared>> -> memref<10240x64xf32, #tpu.memory_space<vmem_shared>>
      tpu.enqueue_indirect_dma source(%dma_start3A_253 : memref<128x64xf32, #tpu.memory_space<vmem>>) target(%dma_start3A_259 : memref<10240x64xf32, #tpu.memory_space<vmem_shared>>) offsets(%dma_start3A_256 : memref<128xi32, #tpu.memory_space<vmem>>) semaphore(%arg13 : memref<!tpu.dma_semaphore, #tpu.memory_space<semaphore_mem>>) {add = true}
      %dma_wait3A_260 = arith.constant 80 : i32
      %dma_wait3A_261 = arith.constant 0 : i32
      %dma_wait3A_262 = arith.constant 0 : i32
      %dma_wait3A_263 = tpu.memref_slice %arg10[%dma_wait3A_261, %dma_wait3A_262] : memref<320x64xf32, #tpu.memory_space<vmem>> -> memref<128x64xf32, #tpu.memory_space<vmem>>
      %dma_wait3A_264 = arith.constant 0 : i32
      %dma_wait3A_265 = tpu.memref_slice %arg8[%dma_wait3A_260, %dma_wait3A_264] : memref<81x128xi32, #tpu.memory_space<vmem>> -> memref<1x128xi32, #tpu.memory_space<vmem>>
      %dma_wait3A_266 = tpu.memref_squeeze %dma_wait3A_265 : memref<1x128xi32, #tpu.memory_space<vmem>> -> memref<128xi32, #tpu.memory_space<vmem>>
      %dma_wait3A_267 = arith.constant 0 : i32
      %dma_wait3A_268 = arith.constant 0 : i32
      %dma_wait3A_269 = tpu.memref_slice %arg11[%dma_wait3A_267, %dma_wait3A_268] : memref<10240x64xf32, #tpu.memory_space<vmem_shared>> -> memref<10240x64xf32, #tpu.memory_space<vmem_shared>>
      tpu.wait_indirect_dma semaphore(%arg13 : memref<!tpu.dma_semaphore, #tpu.memory_space<semaphore_mem>>) src(%dma_wait3A_263 : memref<128x64xf32, #tpu.memory_space<vmem>>) dst(%dma_wait3A_269 : memref<10240x64xf32, #tpu.memory_space<vmem_shared>>)
      %add3A_270 = arith.constant 3 : i32
      %add3A_271 = arith.addi %add3A_237, %add3A_270 : i32
      %dma_start3A_272 = arith.constant 0 : i32
      %dma_start3A_273 = arith.constant 0 : i32
      %dma_start3A_274 = arith.constant 0 : i32
      %dma_start3A_275 = tpu.memref_slice %arg9[%dma_start3A_272, %dma_start3A_273, %dma_start3A_274] : memref<5x128x64xf32, #tpu.memory_space<vmem>> -> memref<1x128x64xf32, #tpu.memory_space<vmem>>
      %dma_start3A_276 = tpu.memref_squeeze %dma_start3A_275 : memref<1x128x64xf32, #tpu.memory_space<vmem>> -> memref<128x64xf32, #tpu.memory_space<vmem>>
      %dma_start3A_277 = arith.constant 0 : i32
      %dma_start3A_278 = tpu.memref_slice %arg7[%add3A_271, %dma_start3A_277] : memref<88x128xi32, #tpu.memory_space<vmem>> -> memref<1x128xi32, #tpu.memory_space<vmem>>
      %dma_start3A_279 = tpu.memref_squeeze %dma_start3A_278 : memref<1x128xi32, #tpu.memory_space<vmem>> -> memref<128xi32, #tpu.memory_space<vmem>>
      %dma_start3A_280 = arith.constant 0 : i32
      %dma_start3A_281 = arith.constant 0 : i32
      %dma_start3A_282 = tpu.memref_slice %arg2[%dma_start3A_280, %dma_start3A_281] : memref<10240x64xf32, #tpu.memory_space<hbm>> -> memref<10240x64xf32, #tpu.memory_space<hbm>>
      tpu.enqueue_indirect_dma source(%dma_start3A_282 : memref<10240x64xf32, #tpu.memory_space<hbm>>) target(%dma_start3A_276 : memref<128x64xf32, #tpu.memory_space<vmem>>) offsets(%dma_start3A_279 : memref<128xi32, #tpu.memory_space<vmem>>) semaphore(%arg12 : memref<!tpu.dma_semaphore, #tpu.memory_space<semaphore_mem>>)
      %mul3A_283 = arith.constant 5 : i32
      %mul3A_284 = arith.muli %scan3A_135, %mul3A_283 : i32
      %add3A_285 = arith.constant 3 : i32
      %add3A_286 = arith.addi %mul3A_284, %add3A_285 : i32
      %dma_wait3A_287 = arith.constant 3 : i32
      %dma_wait3A_288 = arith.constant 0 : i32
      %dma_wait3A_289 = arith.constant 0 : i32
      %dma_wait3A_290 = tpu.memref_slice %arg9[%dma_wait3A_287, %dma_wait3A_288, %dma_wait3A_289] : memref<5x128x64xf32, #tpu.memory_space<vmem>> -> memref<1x128x64xf32, #tpu.memory_space<vmem>>
      %dma_wait3A_291 = tpu.memref_squeeze %dma_wait3A_290 : memref<1x128x64xf32, #tpu.memory_space<vmem>> -> memref<128x64xf32, #tpu.memory_space<vmem>>
      %dma_wait3A_292 = arith.constant 0 : i32
      %dma_wait3A_293 = tpu.memref_slice %arg7[%add3A_286, %dma_wait3A_292] : memref<88x128xi32, #tpu.memory_space<vmem>> -> memref<1x128xi32, #tpu.memory_space<vmem>>
      %dma_wait3A_294 = tpu.memref_squeeze %dma_wait3A_293 : memref<1x128xi32, #tpu.memory_space<vmem>> -> memref<128xi32, #tpu.memory_space<vmem>>
      %dma_wait3A_295 = arith.constant 0 : i32
      %dma_wait3A_296 = arith.constant 0 : i32
      %dma_wait3A_297 = tpu.memref_slice %arg2[%dma_wait3A_295, %dma_wait3A_296] : memref<10240x64xf32, #tpu.memory_space<hbm>> -> memref<10240x64xf32, #tpu.memory_space<hbm>>
      tpu.wait_indirect_dma semaphore(%arg12 : memref<!tpu.dma_semaphore, #tpu.memory_space<semaphore_mem>>) src(%dma_wait3A_297 : memref<10240x64xf32, #tpu.memory_space<hbm>>) dst(%dma_wait3A_291 : memref<128x64xf32, #tpu.memory_space<vmem>>)
      %dma_start3A_298 = arith.constant 3 : i32
      %dma_start3A_299 = arith.constant 0 : i32
      %dma_start3A_300 = arith.constant 0 : i32
      %dma_start3A_301 = tpu.memref_slice %arg9[%dma_start3A_298, %dma_start3A_299, %dma_start3A_300] : memref<5x128x64xf32, #tpu.memory_space<vmem>> -> memref<1x128x64xf32, #tpu.memory_space<vmem>>
      %dma_start3A_302 = tpu.memref_squeeze %dma_start3A_301 : memref<1x128x64xf32, #tpu.memory_space<vmem>> -> memref<128x64xf32, #tpu.memory_space<vmem>>
      %dma_start3A_303 = arith.constant 0 : i32
      %dma_start3A_304 = tpu.memref_slice %arg8[%add3A_286, %dma_start3A_303] : memref<81x128xi32, #tpu.memory_space<vmem>> -> memref<1x128xi32, #tpu.memory_space<vmem>>
      %dma_start3A_305 = tpu.memref_squeeze %dma_start3A_304 : memref<1x128xi32, #tpu.memory_space<vmem>> -> memref<128xi32, #tpu.memory_space<vmem>>
      %dma_start3A_306 = arith.constant 0 : i32
      %dma_start3A_307 = arith.constant 0 : i32
      %dma_start3A_308 = tpu.memref_slice %arg11[%dma_start3A_306, %dma_start3A_307] : memref<10240x64xf32, #tpu.memory_space<vmem_shared>> -> memref<10240x64xf32, #tpu.memory_space<vmem_shared>>
      tpu.enqueue_indirect_dma source(%dma_start3A_302 : memref<128x64xf32, #tpu.memory_space<vmem>>) target(%dma_start3A_308 : memref<10240x64xf32, #tpu.memory_space<vmem_shared>>) offsets(%dma_start3A_305 : memref<128xi32, #tpu.memory_space<vmem>>) semaphore(%arg13 : memref<!tpu.dma_semaphore, #tpu.memory_space<semaphore_mem>>) {add = true}
      %dma_wait3A_309 = arith.constant 80 : i32
      %dma_wait3A_310 = arith.constant 0 : i32
      %dma_wait3A_311 = arith.constant 0 : i32
      %dma_wait3A_312 = tpu.memref_slice %arg10[%dma_wait3A_310, %dma_wait3A_311] : memref<320x64xf32, #tpu.memory_space<vmem>> -> memref<128x64xf32, #tpu.memory_space<vmem>>
      %dma_wait3A_313 = arith.constant 0 : i32
      %dma_wait3A_314 = tpu.memref_slice %arg8[%dma_wait3A_309, %dma_wait3A_313] : memref<81x128xi32, #tpu.memory_space<vmem>> -> memref<1x128xi32, #tpu.memory_space<vmem>>
      %dma_wait3A_315 = tpu.memref_squeeze %dma_wait3A_314 : memref<1x128xi32, #tpu.memory_space<vmem>> -> memref<128xi32, #tpu.memory_space<vmem>>
      %dma_wait3A_316 = arith.constant 0 : i32
      %dma_wait3A_317 = arith.constant 0 : i32
      %dma_wait3A_318 = tpu.memref_slice %arg11[%dma_wait3A_316, %dma_wait3A_317] : memref<10240x64xf32, #tpu.memory_space<vmem_shared>> -> memref<10240x64xf32, #tpu.memory_space<vmem_shared>>
      tpu.wait_indirect_dma semaphore(%arg13 : memref<!tpu.dma_semaphore, #tpu.memory_space<semaphore_mem>>) src(%dma_wait3A_312 : memref<128x64xf32, #tpu.memory_space<vmem>>) dst(%dma_wait3A_318 : memref<10240x64xf32, #tpu.memory_space<vmem_shared>>)
      %add3A_319 = arith.constant 3 : i32
      %add3A_320 = arith.addi %add3A_286, %add3A_319 : i32
      %dma_start3A_321 = arith.constant 1 : i32
      %dma_start3A_322 = arith.constant 0 : i32
      %dma_start3A_323 = arith.constant 0 : i32
      %dma_start3A_324 = tpu.memref_slice %arg9[%dma_start3A_321, %dma_start3A_322, %dma_start3A_323] : memref<5x128x64xf32, #tpu.memory_space<vmem>> -> memref<1x128x64xf32, #tpu.memory_space<vmem>>
      %dma_start3A_325 = tpu.memref_squeeze %dma_start3A_324 : memref<1x128x64xf32, #tpu.memory_space<vmem>> -> memref<128x64xf32, #tpu.memory_space<vmem>>
      %dma_start3A_326 = arith.constant 0 : i32
      %dma_start3A_327 = tpu.memref_slice %arg7[%add3A_320, %dma_start3A_326] : memref<88x128xi32, #tpu.memory_space<vmem>> -> memref<1x128xi32, #tpu.memory_space<vmem>>
      %dma_start3A_328 = tpu.memref_squeeze %dma_start3A_327 : memref<1x128xi32, #tpu.memory_space<vmem>> -> memref<128xi32, #tpu.memory_space<vmem>>
      %dma_start3A_329 = arith.constant 0 : i32
      %dma_start3A_330 = arith.constant 0 : i32
      %dma_start3A_331 = tpu.memref_slice %arg2[%dma_start3A_329, %dma_start3A_330] : memref<10240x64xf32, #tpu.memory_space<hbm>> -> memref<10240x64xf32, #tpu.memory_space<hbm>>
      tpu.enqueue_indirect_dma source(%dma_start3A_331 : memref<10240x64xf32, #tpu.memory_space<hbm>>) target(%dma_start3A_325 : memref<128x64xf32, #tpu.memory_space<vmem>>) offsets(%dma_start3A_328 : memref<128xi32, #tpu.memory_space<vmem>>) semaphore(%arg12 : memref<!tpu.dma_semaphore, #tpu.memory_space<semaphore_mem>>)
      %mul3A_332 = arith.constant 5 : i32
      %mul3A_333 = arith.muli %scan3A_135, %mul3A_332 : i32
      %add3A_334 = arith.constant 4 : i32
      %add3A_335 = arith.addi %mul3A_333, %add3A_334 : i32
      %dma_wait3A_336 = arith.constant 4 : i32
      %dma_wait3A_337 = arith.constant 0 : i32
      %dma_wait3A_338 = arith.constant 0 : i32
      %dma_wait3A_339 = tpu.memref_slice %arg9[%dma_wait3A_336, %dma_wait3A_337, %dma_wait3A_338] : memref<5x128x64xf32, #tpu.memory_space<vmem>> -> memref<1x128x64xf32, #tpu.memory_space<vmem>>
      %dma_wait3A_340 = tpu.memref_squeeze %dma_wait3A_339 : memref<1x128x64xf32, #tpu.memory_space<vmem>> -> memref<128x64xf32, #tpu.memory_space<vmem>>
      %dma_wait3A_341 = arith.constant 0 : i32
      %dma_wait3A_342 = tpu.memref_slice %arg7[%add3A_335, %dma_wait3A_341] : memref<88x128xi32, #tpu.memory_space<vmem>> -> memref<1x128xi32, #tpu.memory_space<vmem>>
      %dma_wait3A_343 = tpu.memref_squeeze %dma_wait3A_342 : memref<1x128xi32, #tpu.memory_space<vmem>> -> memref<128xi32, #tpu.memory_space<vmem>>
      %dma_wait3A_344 = arith.constant 0 : i32
      %dma_wait3A_345 = arith.constant 0 : i32
      %dma_wait3A_346 = tpu.memref_slice %arg2[%dma_wait3A_344, %dma_wait3A_345] : memref<10240x64xf32, #tpu.memory_space<hbm>> -> memref<10240x64xf32, #tpu.memory_space<hbm>>
      tpu.wait_indirect_dma semaphore(%arg12 : memref<!tpu.dma_semaphore, #tpu.memory_space<semaphore_mem>>) src(%dma_wait3A_346 : memref<10240x64xf32, #tpu.memory_space<hbm>>) dst(%dma_wait3A_340 : memref<128x64xf32, #tpu.memory_space<vmem>>)
      %dma_start3A_347 = arith.constant 4 : i32
      %dma_start3A_348 = arith.constant 0 : i32
      %dma_start3A_349 = arith.constant 0 : i32
      %dma_start3A_350 = tpu.memref_slice %arg9[%dma_start3A_347, %dma_start3A_348, %dma_start3A_349] : memref<5x128x64xf32, #tpu.memory_space<vmem>> -> memref<1x128x64xf32, #tpu.memory_space<vmem>>
      %dma_start3A_351 = tpu.memref_squeeze %dma_start3A_350 : memref<1x128x64xf32, #tpu.memory_space<vmem>> -> memref<128x64xf32, #tpu.memory_space<vmem>>
      %dma_start3A_352 = arith.constant 0 : i32
      %dma_start3A_353 = tpu.memref_slice %arg8[%add3A_335, %dma_start3A_352] : memref<81x128xi32, #tpu.memory_space<vmem>> -> memref<1x128xi32, #tpu.memory_space<vmem>>
      %dma_start3A_354 = tpu.memref_squeeze %dma_start3A_353 : memref<1x128xi32, #tpu.memory_space<vmem>> -> memref<128xi32, #tpu.memory_space<vmem>>
      %dma_start3A_355 = arith.constant 0 : i32
      %dma_start3A_356 = arith.constant 0 : i32
      %dma_start3A_357 = tpu.memref_slice %arg11[%dma_start3A_355, %dma_start3A_356] : memref<10240x64xf32, #tpu.memory_space<vmem_shared>> -> memref<10240x64xf32, #tpu.memory_space<vmem_shared>>
      tpu.enqueue_indirect_dma source(%dma_start3A_351 : memref<128x64xf32, #tpu.memory_space<vmem>>) target(%dma_start3A_357 : memref<10240x64xf32, #tpu.memory_space<vmem_shared>>) offsets(%dma_start3A_354 : memref<128xi32, #tpu.memory_space<vmem>>) semaphore(%arg13 : memref<!tpu.dma_semaphore, #tpu.memory_space<semaphore_mem>>) {add = true}
      %dma_wait3A_358 = arith.constant 80 : i32
      %dma_wait3A_359 = arith.constant 0 : i32
      %dma_wait3A_360 = arith.constant 0 : i32
      %dma_wait3A_361 = tpu.memref_slice %arg10[%dma_wait3A_359, %dma_wait3A_360] : memref<320x64xf32, #tpu.memory_space<vmem>> -> memref<128x64xf32, #tpu.memory_space<vmem>>
      %dma_wait3A_362 = arith.constant 0 : i32
      %dma_wait3A_363 = tpu.memref_slice %arg8[%dma_wait3A_358, %dma_wait3A_362] : memref<81x128xi32, #tpu.memory_space<vmem>> -> memref<1x128xi32, #tpu.memory_space<vmem>>
      %dma_wait3A_364 = tpu.memref_squeeze %dma_wait3A_363 : memref<1x128xi32, #tpu.memory_space<vmem>> -> memref<128xi32, #tpu.memory_space<vmem>>
      %dma_wait3A_365 = arith.constant 0 : i32
      %dma_wait3A_366 = arith.constant 0 : i32
      %dma_wait3A_367 = tpu.memref_slice %arg11[%dma_wait3A_365, %dma_wait3A_366] : memref<10240x64xf32, #tpu.memory_space<vmem_shared>> -> memref<10240x64xf32, #tpu.memory_space<vmem_shared>>
      tpu.wait_indirect_dma semaphore(%arg13 : memref<!tpu.dma_semaphore, #tpu.memory_space<semaphore_mem>>) src(%dma_wait3A_361 : memref<128x64xf32, #tpu.memory_space<vmem>>) dst(%dma_wait3A_367 : memref<10240x64xf32, #tpu.memory_space<vmem_shared>>)
      %add3A_368 = arith.constant 3 : i32
      %add3A_369 = arith.addi %add3A_335, %add3A_368 : i32
      %dma_start3A_370 = arith.constant 2 : i32
      %dma_start3A_371 = arith.constant 0 : i32
      %dma_start3A_372 = arith.constant 0 : i32
      %dma_start3A_373 = tpu.memref_slice %arg9[%dma_start3A_370, %dma_start3A_371, %dma_start3A_372] : memref<5x128x64xf32, #tpu.memory_space<vmem>> -> memref<1x128x64xf32, #tpu.memory_space<vmem>>
      %dma_start3A_374 = tpu.memref_squeeze %dma_start3A_373 : memref<1x128x64xf32, #tpu.memory_space<vmem>> -> memref<128x64xf32, #tpu.memory_space<vmem>>
      %dma_start3A_375 = arith.constant 0 : i32
      %dma_start3A_376 = tpu.memref_slice %arg7[%add3A_369, %dma_start3A_375] : memref<88x128xi32, #tpu.memory_space<vmem>> -> memref<1x128xi32, #tpu.memory_space<vmem>>
      %dma_start3A_377 = tpu.memref_squeeze %dma_start3A_376 : memref<1x128xi32, #tpu.memory_space<vmem>> -> memref<128xi32, #tpu.memory_space<vmem>>
      %dma_start3A_378 = arith.constant 0 : i32
      %dma_start3A_379 = arith.constant 0 : i32
      %dma_start3A_380 = tpu.memref_slice %arg2[%dma_start3A_378, %dma_start3A_379] : memref<10240x64xf32, #tpu.memory_space<hbm>> -> memref<10240x64xf32, #tpu.memory_space<hbm>>
      tpu.enqueue_indirect_dma source(%dma_start3A_380 : memref<10240x64xf32, #tpu.memory_space<hbm>>) target(%dma_start3A_374 : memref<128x64xf32, #tpu.memory_space<vmem>>) offsets(%dma_start3A_377 : memref<128xi32, #tpu.memory_space<vmem>>) semaphore(%arg12 : memref<!tpu.dma_semaphore, #tpu.memory_space<semaphore_mem>>)
    }
    %scan3A_66 = arith.constant 16 : i32
    %dma_wait3A = arith.constant 80 : i32
    %dma_wait3A_67 = arith.constant 0 : i32
    %dma_wait3A_68 = arith.constant 0 : i32
    %dma_wait3A_69 = arith.constant 0 : i32
    %dma_wait3A_70 = tpu.memref_slice %arg9[%dma_wait3A_67, %dma_wait3A_68, %dma_wait3A_69] : memref<5x128x64xf32, #tpu.memory_space<vmem>> -> memref<1x128x64xf32, #tpu.memory_space<vmem>>
    %dma_wait3A_71 = tpu.memref_squeeze %dma_wait3A_70 : memref<1x128x64xf32, #tpu.memory_space<vmem>> -> memref<128x64xf32, #tpu.memory_space<vmem>>
    %dma_wait3A_72 = arith.constant 0 : i32
    %dma_wait3A_73 = tpu.memref_slice %arg7[%dma_wait3A, %dma_wait3A_72] : memref<88x128xi32, #tpu.memory_space<vmem>> -> memref<1x128xi32, #tpu.memory_space<vmem>>
    %dma_wait3A_74 = tpu.memref_squeeze %dma_wait3A_73 : memref<1x128xi32, #tpu.memory_space<vmem>> -> memref<128xi32, #tpu.memory_space<vmem>>
    %dma_wait3A_75 = arith.constant 0 : i32
    %dma_wait3A_76 = arith.constant 0 : i32
    %dma_wait3A_77 = tpu.memref_slice %arg2[%dma_wait3A_75, %dma_wait3A_76] : memref<10240x64xf32, #tpu.memory_space<hbm>> -> memref<10240x64xf32, #tpu.memory_space<hbm>>
    tpu.wait_indirect_dma semaphore(%arg12 : memref<!tpu.dma_semaphore, #tpu.memory_space<semaphore_mem>>) src(%dma_wait3A_77 : memref<10240x64xf32, #tpu.memory_space<hbm>>) dst(%dma_wait3A_71 : memref<128x64xf32, #tpu.memory_space<vmem>>)
    %dma_wait3A_78 = arith.constant 80 : i32
    %dma_wait3A_79 = arith.constant 1 : i32
    %dma_wait3A_80 = arith.constant 0 : i32
    %dma_wait3A_81 = arith.constant 0 : i32
    %dma_wait3A_82 = tpu.memref_slice %arg9[%dma_wait3A_79, %dma_wait3A_80, %dma_wait3A_81] : memref<5x128x64xf32, #tpu.memory_space<vmem>> -> memref<1x128x64xf32, #tpu.memory_space<vmem>>
    %dma_wait3A_83 = tpu.memref_squeeze %dma_wait3A_82 : memref<1x128x64xf32, #tpu.memory_space<vmem>> -> memref<128x64xf32, #tpu.memory_space<vmem>>
    %dma_wait3A_84 = arith.constant 0 : i32
    %dma_wait3A_85 = tpu.memref_slice %arg7[%dma_wait3A_78, %dma_wait3A_84] : memref<88x128xi32, #tpu.memory_space<vmem>> -> memref<1x128xi32, #tpu.memory_space<vmem>>
    %dma_wait3A_86 = tpu.memref_squeeze %dma_wait3A_85 : memref<1x128xi32, #tpu.memory_space<vmem>> -> memref<128xi32, #tpu.memory_space<vmem>>
    %dma_wait3A_87 = arith.constant 0 : i32
    %dma_wait3A_88 = arith.constant 0 : i32
    %dma_wait3A_89 = tpu.memref_slice %arg2[%dma_wait3A_87, %dma_wait3A_88] : memref<10240x64xf32, #tpu.memory_space<hbm>> -> memref<10240x64xf32, #tpu.memory_space<hbm>>
    tpu.wait_indirect_dma semaphore(%arg12 : memref<!tpu.dma_semaphore, #tpu.memory_space<semaphore_mem>>) src(%dma_wait3A_89 : memref<10240x64xf32, #tpu.memory_space<hbm>>) dst(%dma_wait3A_83 : memref<128x64xf32, #tpu.memory_space<vmem>>)
    %dma_wait3A_90 = arith.constant 80 : i32
    %dma_wait3A_91 = arith.constant 2 : i32
    %dma_wait3A_92 = arith.constant 0 : i32
    %dma_wait3A_93 = arith.constant 0 : i32
    %dma_wait3A_94 = tpu.memref_slice %arg9[%dma_wait3A_91, %dma_wait3A_92, %dma_wait3A_93] : memref<5x128x64xf32, #tpu.memory_space<vmem>> -> memref<1x128x64xf32, #tpu.memory_space<vmem>>
    %dma_wait3A_95 = tpu.memref_squeeze %dma_wait3A_94 : memref<1x128x64xf32, #tpu.memory_space<vmem>> -> memref<128x64xf32, #tpu.memory_space<vmem>>
    %dma_wait3A_96 = arith.constant 0 : i32
    %dma_wait3A_97 = tpu.memref_slice %arg7[%dma_wait3A_90, %dma_wait3A_96] : memref<88x128xi32, #tpu.memory_space<vmem>> -> memref<1x128xi32, #tpu.memory_space<vmem>>
    %dma_wait3A_98 = tpu.memref_squeeze %dma_wait3A_97 : memref<1x128xi32, #tpu.memory_space<vmem>> -> memref<128xi32, #tpu.memory_space<vmem>>
    %dma_wait3A_99 = arith.constant 0 : i32
    %dma_wait3A_100 = arith.constant 0 : i32
    %dma_wait3A_101 = tpu.memref_slice %arg2[%dma_wait3A_99, %dma_wait3A_100] : memref<10240x64xf32, #tpu.memory_space<hbm>> -> memref<10240x64xf32, #tpu.memory_space<hbm>>
    tpu.wait_indirect_dma semaphore(%arg12 : memref<!tpu.dma_semaphore, #tpu.memory_space<semaphore_mem>>) src(%dma_wait3A_101 : memref<10240x64xf32, #tpu.memory_space<hbm>>) dst(%dma_wait3A_95 : memref<128x64xf32, #tpu.memory_space<vmem>>)
    %dma_wait3A_102 = arith.constant 80 : i32
    %dma_wait3A_103 = arith.constant 0 : i32
    %dma_wait3A_104 = arith.constant 0 : i32
    %dma_wait3A_105 = tpu.memref_slice %arg10[%dma_wait3A_103, %dma_wait3A_104] : memref<320x64xf32, #tpu.memory_space<vmem>> -> memref<128x64xf32, #tpu.memory_space<vmem>>
    %dma_wait3A_106 = arith.constant 0 : i32
    %dma_wait3A_107 = tpu.memref_slice %arg8[%dma_wait3A_102, %dma_wait3A_106] : memref<81x128xi32, #tpu.memory_space<vmem>> -> memref<1x128xi32, #tpu.memory_space<vmem>>
    %dma_wait3A_108 = tpu.memref_squeeze %dma_wait3A_107 : memref<1x128xi32, #tpu.memory_space<vmem>> -> memref<128xi32, #tpu.memory_space<vmem>>
    %dma_wait3A_109 = arith.constant 0 : i32
    %dma_wait3A_110 = arith.constant 0 : i32
    %dma_wait3A_111 = tpu.memref_slice %arg11[%dma_wait3A_109, %dma_wait3A_110] : memref<10240x64xf32, #tpu.memory_space<vmem_shared>> -> memref<10240x64xf32, #tpu.memory_space<vmem_shared>>
    tpu.wait_indirect_dma semaphore(%arg13 : memref<!tpu.dma_semaphore, #tpu.memory_space<semaphore_mem>>) src(%dma_wait3A_105 : memref<128x64xf32, #tpu.memory_space<vmem>>) dst(%dma_wait3A_111 : memref<10240x64xf32, #tpu.memory_space<vmem_shared>>)
    %dma_wait3A_112 = arith.constant 80 : i32
    %dma_wait3A_113 = arith.constant 0 : i32
    %dma_wait3A_114 = arith.constant 0 : i32
    %dma_wait3A_115 = tpu.memref_slice %arg10[%dma_wait3A_113, %dma_wait3A_114] : memref<320x64xf32, #tpu.memory_space<vmem>> -> memref<128x64xf32, #tpu.memory_space<vmem>>
    %dma_wait3A_116 = arith.constant 0 : i32
    %dma_wait3A_117 = tpu.memref_slice %arg8[%dma_wait3A_112, %dma_wait3A_116] : memref<81x128xi32, #tpu.memory_space<vmem>> -> memref<1x128xi32, #tpu.memory_space<vmem>>
    %dma_wait3A_118 = tpu.memref_squeeze %dma_wait3A_117 : memref<1x128xi32, #tpu.memory_space<vmem>> -> memref<128xi32, #tpu.memory_space<vmem>>
    %dma_wait3A_119 = arith.constant 0 : i32
    %dma_wait3A_120 = arith.constant 0 : i32
    %dma_wait3A_121 = tpu.memref_slice %arg11[%dma_wait3A_119, %dma_wait3A_120] : memref<10240x64xf32, #tpu.memory_space<vmem_shared>> -> memref<10240x64xf32, #tpu.memory_space<vmem_shared>>
    tpu.wait_indirect_dma semaphore(%arg13 : memref<!tpu.dma_semaphore, #tpu.memory_space<semaphore_mem>>) src(%dma_wait3A_115 : memref<128x64xf32, #tpu.memory_space<vmem>>) dst(%dma_wait3A_121 : memref<10240x64xf32, #tpu.memory_space<vmem_shared>>)
    %barrier3A_122 = arith.constant 0 : index
    tpu.barrier barrier_id(%barrier3A_122)
    %mul3A_123 = arith.constant 640 : i32
    %mul3A_124 = arith.muli %arg1, %mul3A_123 : i32
    "tpu.region"() ({
      %run_scoped3A = tpu.sem_alloc : memref<!tpu.dma_semaphore, #tpu.memory_space<semaphore_mem>>
      %dma_start3A_135 = arith.constant 0 : i32
      %dma_start3A_136 = tpu.memref_slice %arg11[%mul3A_124, %dma_start3A_135] : memref<10240x64xf32, #tpu.memory_space<vmem_shared>> -> memref<320x64xf32, #tpu.memory_space<vmem_shared>>
      %dma_start3A_137 = arith.constant 0 : i32
      %dma_start3A_138 = tpu.memref_slice %arg11[%mul3A_124, %dma_start3A_137] : memref<10240x64xf32, #tpu.memory_space<vmem_shared>> -> memref<320x64xf32, #tpu.memory_space<vmem_shared>>
      tpu.enqueue_dma source(%dma_start3A_138 : memref<320x64xf32, #tpu.memory_space<vmem_shared>>) target(%arg10 : memref<320x64xf32, #tpu.memory_space<vmem>>) target_semaphore(%run_scoped3A : memref<!tpu.dma_semaphore, #tpu.memory_space<semaphore_mem>>)
      %dma_wait3A_139 = arith.constant 0 : i32
      %dma_wait3A_140 = tpu.memref_slice %arg11[%mul3A_124, %dma_wait3A_139] : memref<10240x64xf32, #tpu.memory_space<vmem_shared>> -> memref<320x64xf32, #tpu.memory_space<vmem_shared>>
      %dma_wait3A_141 = arith.constant 0 : i32
      %dma_wait3A_142 = tpu.memref_slice %arg11[%mul3A_124, %dma_wait3A_141] : memref<10240x64xf32, #tpu.memory_space<vmem_shared>> -> memref<320x64xf32, #tpu.memory_space<vmem_shared>>
      tpu.wait_dma2 semaphore(%run_scoped3A : memref<!tpu.dma_semaphore, #tpu.memory_space<semaphore_mem>>) src(%dma_wait3A_142 : memref<320x64xf32, #tpu.memory_space<vmem_shared>>) dst(%arg10 : memref<320x64xf32, #tpu.memory_space<vmem>>)
      tpu.yield
    }) : () -> ()
    %mul3A_125 = arith.constant 640 : i32
    %mul3A_126 = arith.muli %arg1, %mul3A_125 : i32
    "tpu.region"() ({
      %run_scoped3A = tpu.sem_alloc : memref<!tpu.dma_semaphore, #tpu.memory_space<semaphore_mem>>
      %dma_start3A_135 = arith.constant 0 : i32
      %dma_start3A_136 = tpu.memref_slice %arg6[%arg0, %mul3A_126, %dma_start3A_135] : memref<2x10240x64xf32, #tpu.memory_space<hbm>> -> memref<1x320x64xf32, #tpu.memory_space<hbm>>
      %dma_start3A_137 = tpu.memref_squeeze %dma_start3A_136 : memref<1x320x64xf32, #tpu.memory_space<hbm>> -> memref<320x64xf32, #tpu.memory_space<hbm>>
      %dma_start3A_138 = arith.constant 0 : i32
      %dma_start3A_139 = tpu.memref_slice %arg6[%arg0, %mul3A_126, %dma_start3A_138] : memref<2x10240x64xf32, #tpu.memory_space<hbm>> -> memref<1x320x64xf32, #tpu.memory_space<hbm>>
      %dma_start3A_140 = tpu.memref_squeeze %dma_start3A_139 : memref<1x320x64xf32, #tpu.memory_space<hbm>> -> memref<320x64xf32, #tpu.memory_space<hbm>>
      tpu.enqueue_dma source(%arg10 : memref<320x64xf32, #tpu.memory_space<vmem>>) target(%dma_start3A_140 : memref<320x64xf32, #tpu.memory_space<hbm>>) target_semaphore(%run_scoped3A : memref<!tpu.dma_semaphore, #tpu.memory_space<semaphore_mem>>)
      %dma_wait3A_141 = arith.constant 0 : i32
      %dma_wait3A_142 = tpu.memref_slice %arg6[%arg0, %mul3A_126, %dma_wait3A_141] : memref<2x10240x64xf32, #tpu.memory_space<hbm>> -> memref<1x320x64xf32, #tpu.memory_space<hbm>>
      %dma_wait3A_143 = tpu.memref_squeeze %dma_wait3A_142 : memref<1x320x64xf32, #tpu.memory_space<hbm>> -> memref<320x64xf32, #tpu.memory_space<hbm>>
      %dma_wait3A_144 = arith.constant 0 : i32
      %dma_wait3A_145 = tpu.memref_slice %arg6[%arg0, %mul3A_126, %dma_wait3A_144] : memref<2x10240x64xf32, #tpu.memory_space<hbm>> -> memref<1x320x64xf32, #tpu.memory_space<hbm>>
      %dma_wait3A_146 = tpu.memref_squeeze %dma_wait3A_145 : memref<1x320x64xf32, #tpu.memory_space<hbm>> -> memref<320x64xf32, #tpu.memory_space<hbm>>
      tpu.wait_dma2 semaphore(%run_scoped3A : memref<!tpu.dma_semaphore, #tpu.memory_space<semaphore_mem>>) src(%arg10 : memref<320x64xf32, #tpu.memory_space<vmem>>) dst(%dma_wait3A_146 : memref<320x64xf32, #tpu.memory_space<hbm>>)
      tpu.yield
    }) : () -> ()
    %mul3A_127 = arith.constant 640 : i32
    %mul3A_128 = arith.muli %arg1, %mul3A_127 : i32
    %add3A_129 = arith.constant 320 : i32
    %add3A_130 = arith.addi %mul3A_128, %add3A_129 : i32
    "tpu.region"() ({
      %run_scoped3A = tpu.sem_alloc : memref<!tpu.dma_semaphore, #tpu.memory_space<semaphore_mem>>
      %dma_start3A_135 = arith.constant 0 : i32
      %dma_start3A_136 = tpu.memref_slice %arg11[%add3A_130, %dma_start3A_135] : memref<10240x64xf32, #tpu.memory_space<vmem_shared>> -> memref<320x64xf32, #tpu.memory_space<vmem_shared>>
      %dma_start3A_137 = arith.constant 0 : i32
      %dma_start3A_138 = tpu.memref_slice %arg11[%add3A_130, %dma_start3A_137] : memref<10240x64xf32, #tpu.memory_space<vmem_shared>> -> memref<320x64xf32, #tpu.memory_space<vmem_shared>>
      tpu.enqueue_dma source(%dma_start3A_138 : memref<320x64xf32, #tpu.memory_space<vmem_shared>>) target(%arg10 : memref<320x64xf32, #tpu.memory_space<vmem>>) target_semaphore(%run_scoped3A : memref<!tpu.dma_semaphore, #tpu.memory_space<semaphore_mem>>)
      %dma_wait3A_139 = arith.constant 0 : i32
      %dma_wait3A_140 = tpu.memref_slice %arg11[%add3A_130, %dma_wait3A_139] : memref<10240x64xf32, #tpu.memory_space<vmem_shared>> -> memref<320x64xf32, #tpu.memory_space<vmem_shared>>
      %dma_wait3A_141 = arith.constant 0 : i32
      %dma_wait3A_142 = tpu.memref_slice %arg11[%add3A_130, %dma_wait3A_141] : memref<10240x64xf32, #tpu.memory_space<vmem_shared>> -> memref<320x64xf32, #tpu.memory_space<vmem_shared>>
      tpu.wait_dma2 semaphore(%run_scoped3A : memref<!tpu.dma_semaphore, #tpu.memory_space<semaphore_mem>>) src(%dma_wait3A_142 : memref<320x64xf32, #tpu.memory_space<vmem_shared>>) dst(%arg10 : memref<320x64xf32, #tpu.memory_space<vmem>>)
      tpu.yield
    }) : () -> ()
    %mul3A_131 = arith.constant 640 : i32
    %mul3A_132 = arith.muli %arg1, %mul3A_131 : i32
    %add3A_133 = arith.constant 320 : i32
    %add3A_134 = arith.addi %mul3A_132, %add3A_133 : i32
    "tpu.region"() ({
      %run_scoped3A = tpu.sem_alloc : memref<!tpu.dma_semaphore, #tpu.memory_space<semaphore_mem>>
      %dma_start3A_135 = arith.constant 0 : i32
      %dma_start3A_136 = tpu.memref_slice %arg6[%arg0, %add3A_134, %dma_start3A_135] : memref<2x10240x64xf32, #tpu.memory_space<hbm>> -> memref<1x320x64xf32, #tpu.memory_space<hbm>>
      %dma_start3A_137 = tpu.memref_squeeze %dma_start3A_136 : memref<1x320x64xf32, #tpu.memory_space<hbm>> -> memref<320x64xf32, #tpu.memory_space<hbm>>
      %dma_start3A_138 = arith.constant 0 : i32
      %dma_start3A_139 = tpu.memref_slice %arg6[%arg0, %add3A_134, %dma_start3A_138] : memref<2x10240x64xf32, #tpu.memory_space<hbm>> -> memref<1x320x64xf32, #tpu.memory_space<hbm>>
      %dma_start3A_140 = tpu.memref_squeeze %dma_start3A_139 : memref<1x320x64xf32, #tpu.memory_space<hbm>> -> memref<320x64xf32, #tpu.memory_space<hbm>>
      tpu.enqueue_dma source(%arg10 : memref<320x64xf32, #tpu.memory_space<vmem>>) target(%dma_start3A_140 : memref<320x64xf32, #tpu.memory_space<hbm>>) target_semaphore(%run_scoped3A : memref<!tpu.dma_semaphore, #tpu.memory_space<semaphore_mem>>)
      %dma_wait3A_141 = arith.constant 0 : i32
      %dma_wait3A_142 = tpu.memref_slice %arg6[%arg0, %add3A_134, %dma_wait3A_141] : memref<2x10240x64xf32, #tpu.memory_space<hbm>> -> memref<1x320x64xf32, #tpu.memory_space<hbm>>
      %dma_wait3A_143 = tpu.memref_squeeze %dma_wait3A_142 : memref<1x320x64xf32, #tpu.memory_space<hbm>> -> memref<320x64xf32, #tpu.memory_space<hbm>>
      %dma_wait3A_144 = arith.constant 0 : i32
      %dma_wait3A_145 = tpu.memref_slice %arg6[%arg0, %add3A_134, %dma_wait3A_144] : memref<2x10240x64xf32, #tpu.memory_space<hbm>> -> memref<1x320x64xf32, #tpu.memory_space<hbm>>
      %dma_wait3A_146 = tpu.memref_squeeze %dma_wait3A_145 : memref<1x320x64xf32, #tpu.memory_space<hbm>> -> memref<320x64xf32, #tpu.memory_space<hbm>>
      tpu.wait_dma2 semaphore(%run_scoped3A : memref<!tpu.dma_semaphore, #tpu.memory_space<semaphore_mem>>) src(%arg10 : memref<320x64xf32, #tpu.memory_space<vmem>>) dst(%dma_wait3A_146 : memref<320x64xf32, #tpu.memory_space<hbm>>)
      tpu.yield
    }) : () -> ()
    return
  }
}

module attributes {stable_mosaic.version = 14 : i64} {
  func.func @_tc_a_body(%arg0: i32, %arg1: memref<2048x128xf32, #tpu.memory_space<vmem>>, %arg2: memref<128x64xf32, #tpu.memory_space<vmem>>, %arg3: memref<2048x2xf32, #tpu.memory_space<vmem>>, %arg4: memref<2048x64xf32, #tpu.memory_space<vmem>>, %arg5: memref<2048x1xf32, #tpu.memory_space<vmem>>) attributes {dimension_semantics = [#tpu.dimension_semantics<arbitrary>], iteration_bounds = array<i64: 5>, scalar_prefetch = 0 : i64, scratch_operands = 0 : i64, tpu.core_type = #tpu.core_type<tc>, window_params = [{transform_indices = @transform_0, window_bounds = array<i64: 2048, 128>}, {pipeline_mode = #tpu.pipeline_mode<synchronous>, transform_indices = @transform_1, window_bounds = array<i64: 128, 64>}, {transform_indices = @transform_2, window_bounds = array<i64: 2048, 2>}, {transform_indices = @transform_3, window_bounds = array<i64: 2048, 64>}, {transform_indices = @transform_4, window_bounds = array<i64: 2048, 1>}]} {
    %get3A = arith.constant 0 : index
    %get3A_0 = arith.constant 0 : index
    %get3A_1 = vector.load %arg3[%get3A, %get3A_0] : memref<2048x2xf32, #tpu.memory_space<vmem>>, vector<2048x1xf32>
    %get3A_2 = arith.constant 0 : index
    %get3A_3 = arith.constant 1 : index
    %get3A_4 = vector.load %arg3[%get3A_2, %get3A_3] : memref<2048x2xf32, #tpu.memory_space<vmem>>, vector<2048x1xf32>
    %add3A = arith.addf %get3A_1, %get3A_4 : vector<2048x1xf32>
    %add3A_5 = arith.constant 1.000000e+00 : f32
    %add3A_6 = vector.broadcast %add3A_5 : f32 to vector<2048x1xf32>
    %add3A_7 = arith.addf %add3A, %add3A_6 : vector<2048x1xf32>
    %rsqrt3A = math.rsqrt %add3A_7 : vector<2048x1xf32>
    %get3A_8 = arith.constant 0 : index
    %get3A_9 = arith.constant 0 : index
    %get3A_10 = vector.load %arg1[%get3A_8, %get3A_9] : memref<2048x128xf32, #tpu.memory_space<vmem>>, vector<2048x128xf32>
    %get3A_11 = arith.constant 0 : index
    %get3A_12 = arith.constant 0 : index
    %get3A_13 = vector.load %arg2[%get3A_11, %get3A_12] : memref<128x64xf32, #tpu.memory_space<vmem>>, vector<128x64xf32>
    %dot_general3A = arith.constant dense<0.000000e+00> : vector<2048x64xf32>
    %dot_general3A_14 = tpu.matmul %get3A_10, %get3A_13, %dot_general3A {dimension_numbers = #tpu.dot_dimension_numbers<[1], [0], [0], [1], [0, 0, 1, 1], [], []>, transpose_lhs_hint = false} : vector<2048x128xf32>, vector<128x64xf32>, vector<2048x64xf32> -> vector<2048x64xf32>
    %mul3A = vector.broadcast %rsqrt3A : vector<2048x1xf32> to vector<2048x64xf32>
    %mul3A_15 = arith.mulf %dot_general3A_14, %mul3A : vector<2048x64xf32>
    %swap3A = arith.constant 0 : index
    %swap3A_16 = arith.constant 0 : index
    %swap3A_17 = vector.load %arg4[%swap3A, %swap3A_16] : memref<2048x64xf32, #tpu.memory_space<vmem>>, vector<2048x64xf32>
    tpu.vector_store %arg4[%swap3A, %swap3A_16], %mul3A_15 {strides = array<i32>} : memref<2048x64xf32, #tpu.memory_space<vmem>>, vector<2048x64xf32>,
    %swap3A_18 = arith.constant 0 : index
    %swap3A_19 = arith.constant 0 : index
    %swap3A_20 = vector.load %arg5[%swap3A_18, %swap3A_19] : memref<2048x1xf32, #tpu.memory_space<vmem>>, vector<2048x1xf32>
    tpu.vector_store %arg5[%swap3A_18, %swap3A_19], %rsqrt3A {strides = array<i32>} : memref<2048x1xf32, #tpu.memory_space<vmem>>, vector<2048x1xf32>,
    return
  }
  func.func @transform_0(%arg0: i32) -> (i32, i32) {
    %c0_i32 = arith.constant 0 : i32
    %c0_i32_0 = arith.constant 0 : i32
    return %arg0, %c0_i32 : i32, i32
  }
  func.func @transform_1(%arg0: i32) -> (i32, i32) {
    %c0_i32 = arith.constant 0 : i32
    %c0_i32_0 = arith.constant 0 : i32
    %c0_i32_1 = arith.constant 0 : i32
    return %c0_i32, %c0_i32_0 : i32, i32
  }
  func.func @transform_2(%arg0: i32) -> (i32, i32) {
    %c0_i32 = arith.constant 0 : i32
    %c0_i32_0 = arith.constant 0 : i32
    return %arg0, %c0_i32 : i32, i32
  }
  func.func @transform_3(%arg0: i32) -> (i32, i32) {
    %c0_i32 = arith.constant 0 : i32
    %c0_i32_0 = arith.constant 0 : i32
    return %arg0, %c0_i32 : i32, i32
  }
  func.func @transform_4(%arg0: i32) -> (i32, i32) {
    %c0_i32 = arith.constant 0 : i32
    %c0_i32_0 = arith.constant 0 : i32
    return %arg0, %c0_i32 : i32, i32
  }
}

module attributes {stable_mosaic.version = 14 : i64} {
  func.func @_tc_b_body(%arg0: i32, %arg1: memref<2x2048x64xf32, #tpu.memory_space<vmem>>, %arg2: memref<2048x64xf32, #tpu.memory_space<vmem>>, %arg3: memref<2048x1xf32, #tpu.memory_space<vmem>>, %arg4: memref<64x1xf32, #tpu.memory_space<vmem>>, %arg5: memref<1x64xf32, #tpu.memory_space<vmem>>, %arg6: memref<2048x1xf32, #tpu.memory_space<vmem>>) attributes {dimension_semantics = [#tpu.dimension_semantics<arbitrary>], iteration_bounds = array<i64: 5>, scalar_prefetch = 0 : i64, scratch_operands = 0 : i64, tpu.core_type = #tpu.core_type<tc>, window_params = [{transform_indices = @transform_0, window_bounds = array<i64: 2, 2048, 64>}, {transform_indices = @transform_1, window_bounds = array<i64: 2048, 64>}, {transform_indices = @transform_2, window_bounds = array<i64: 2048, 1>}, {pipeline_mode = #tpu.pipeline_mode<synchronous>, transform_indices = @transform_3, window_bounds = array<i64: 64, 1>}, {pipeline_mode = #tpu.pipeline_mode<synchronous>, transform_indices = @transform_4, window_bounds = array<i64: 1, 64>}, {transform_indices = @transform_5, window_bounds = array<i64: 2048, 1>}]} {
    %get3A = arith.constant 0 : index
    %get3A_0 = arith.constant 0 : index
    %get3A_1 = arith.constant 0 : index
    %get3A_2 = vector.load %arg1[%get3A, %get3A_0, %get3A_1] : memref<2x2048x64xf32, #tpu.memory_space<vmem>>, vector<1x2048x64xf32>
    %get3A_3 = vector.shape_cast %get3A_2 : vector<1x2048x64xf32> to vector<2048x64xf32>
    %get3A_4 = arith.constant 1 : index
    %get3A_5 = arith.constant 0 : index
    %get3A_6 = arith.constant 0 : index
    %get3A_7 = vector.load %arg1[%get3A_4, %get3A_5, %get3A_6] : memref<2x2048x64xf32, #tpu.memory_space<vmem>>, vector<1x2048x64xf32>
    %get3A_8 = vector.shape_cast %get3A_7 : vector<1x2048x64xf32> to vector<2048x64xf32>
    %add3A = arith.addf %get3A_3, %get3A_8 : vector<2048x64xf32>
    %get3A_9 = arith.constant 0 : index
    %get3A_10 = arith.constant 0 : index
    %get3A_11 = vector.load %arg2[%get3A_9, %get3A_10] : memref<2048x64xf32, #tpu.memory_space<vmem>>, vector<2048x64xf32>
    %add3A_12 = arith.addf %add3A, %get3A_11 : vector<2048x64xf32>
    %get3A_13 = arith.constant 0 : index
    %get3A_14 = arith.constant 0 : index
    %get3A_15 = vector.load %arg3[%get3A_13, %get3A_14] : memref<2048x1xf32, #tpu.memory_space<vmem>>, vector<2048x1xf32>
    %mul3A = vector.broadcast %get3A_15 : vector<2048x1xf32> to vector<2048x64xf32>
    %mul3A_16 = arith.mulf %mul3A, %add3A_12 : vector<2048x64xf32>
    %get3A_17 = arith.constant 0 : index
    %get3A_18 = arith.constant 0 : index
    %get3A_19 = vector.load %arg5[%get3A_17, %get3A_18] : memref<1x64xf32, #tpu.memory_space<vmem>>, vector<1x64xf32>
    %add3A_20 = vector.broadcast %get3A_19 : vector<1x64xf32> to vector<2048x64xf32>
    %add3A_21 = arith.addf %mul3A_16, %add3A_20 : vector<2048x64xf32>
    %max3A = arith.constant 0.000000e+00 : f32
    %max3A_22 = vector.broadcast %max3A : f32 to vector<2048x64xf32>
    %max3A_23 = arith.maximumf %add3A_21, %max3A_22 : vector<2048x64xf32>
    %get3A_24 = arith.constant 0 : index
    %get3A_25 = arith.constant 0 : index
    %get3A_26 = vector.load %arg4[%get3A_24, %get3A_25] : memref<64x1xf32, #tpu.memory_space<vmem>>, vector<64x1xf32>
    %dot_general3A = arith.constant dense<0.000000e+00> : vector<2048x1xf32>
    %dot_general3A_27 = tpu.matmul %max3A_23, %get3A_26, %dot_general3A {dimension_numbers = #tpu.dot_dimension_numbers<[1], [0], [0], [1], [0, 0, 1, 1], [], []>, transpose_lhs_hint = false} : vector<2048x64xf32>, vector<64x1xf32>, vector<2048x1xf32> -> vector<2048x1xf32>
    %mul3A_28 = arith.mulf %get3A_15, %dot_general3A_27 : vector<2048x1xf32>
    %swap3A = arith.constant 0 : index
    %swap3A_29 = arith.constant 0 : index
    %swap3A_30 = vector.load %arg6[%swap3A, %swap3A_29] : memref<2048x1xf32, #tpu.memory_space<vmem>>, vector<2048x1xf32>
    tpu.vector_store %arg6[%swap3A, %swap3A_29], %mul3A_28 {strides = array<i32>} : memref<2048x1xf32, #tpu.memory_space<vmem>>, vector<2048x1xf32>,
    return
  }
  func.func @transform_0(%arg0: i32) -> (i32, i32, i32) {
    %c0_i32 = arith.constant 0 : i32
    %c0_i32_0 = arith.constant 0 : i32
    %c0_i32_1 = arith.constant 0 : i32
    return %c0_i32, %arg0, %c0_i32_0 : i32, i32, i32
  }
  func.func @transform_1(%arg0: i32) -> (i32, i32) {
    %c0_i32 = arith.constant 0 : i32
    %c0_i32_0 = arith.constant 0 : i32
    return %arg0, %c0_i32 : i32, i32
  }
  func.func @transform_2(%arg0: i32) -> (i32, i32) {
    %c0_i32 = arith.constant 0 : i32
    %c0_i32_0 = arith.constant 0 : i32
    return %arg0, %c0_i32 : i32, i32
  }
  func.func @transform_3(%arg0: i32) -> (i32, i32) {
    %c0_i32 = arith.constant 0 : i32
    %c0_i32_0 = arith.constant 0 : i32
    %c0_i32_1 = arith.constant 0 : i32
    return %c0_i32, %c0_i32_0 : i32, i32
  }
  func.func @transform_4(%arg0: i32) -> (i32, i32) {
    %c0_i32 = arith.constant 0 : i32
    %c0_i32_0 = arith.constant 0 : i32
    %c0_i32_1 = arith.constant 0 : i32
    return %c0_i32, %c0_i32_0 : i32, i32
  }
  func.func @transform_5(%arg0: i32) -> (i32, i32) {
    %c0_i32 = arith.constant 0 : i32
    %c0_i32_0 = arith.constant 0 : i32
    return %arg0, %c0_i32 : i32, i32
  }
}

module attributes {stable_mosaic.version = 14 : i64} {
  func.func @_tc_c_body(%arg0: i32, %arg1: memref<2048x2xf32, #tpu.memory_space<vmem>>, %arg2: memref<2048x1xf32, #tpu.memory_space<vmem>>, %arg3: memref<2048x1xf32, #tpu.memory_space<vmem>>, %arg4: memref<1x1xf32, #tpu.memory_space<vmem>>, %arg5: memref<2048x1xf32, #tpu.memory_space<vmem>>) attributes {dimension_semantics = [#tpu.dimension_semantics<arbitrary>], iteration_bounds = array<i64: 5>, scalar_prefetch = 0 : i64, scratch_operands = 0 : i64, tpu.core_type = #tpu.core_type<tc>, window_params = [{transform_indices = @transform_0, window_bounds = array<i64: 2048, 2>}, {transform_indices = @transform_1, window_bounds = array<i64: 2048, 1>}, {transform_indices = @transform_2, window_bounds = array<i64: 2048, 1>}, {pipeline_mode = #tpu.pipeline_mode<synchronous>, transform_indices = @transform_3, window_bounds = array<i64: 1, 1>}, {transform_indices = @transform_4, window_bounds = array<i64: 2048, 1>}]} {
    %get3A = arith.constant 0 : index
    %get3A_0 = arith.constant 0 : index
    %get3A_1 = vector.load %arg1[%get3A, %get3A_0] : memref<2048x2xf32, #tpu.memory_space<vmem>>, vector<2048x1xf32>
    %get3A_2 = arith.constant 0 : index
    %get3A_3 = arith.constant 1 : index
    %get3A_4 = vector.load %arg1[%get3A_2, %get3A_3] : memref<2048x2xf32, #tpu.memory_space<vmem>>, vector<2048x1xf32>
    %add3A = arith.addf %get3A_1, %get3A_4 : vector<2048x1xf32>
    %get3A_5 = arith.constant 0 : index
    %get3A_6 = arith.constant 0 : index
    %get3A_7 = vector.load %arg2[%get3A_5, %get3A_6] : memref<2048x1xf32, #tpu.memory_space<vmem>>, vector<2048x1xf32>
    %add3A_8 = arith.addf %add3A, %get3A_7 : vector<2048x1xf32>
    %get3A_9 = arith.constant 0 : index
    %get3A_10 = arith.constant 0 : index
    %get3A_11 = vector.load %arg3[%get3A_9, %get3A_10] : memref<2048x1xf32, #tpu.memory_space<vmem>>, vector<2048x1xf32>
    %mul3A = arith.mulf %get3A_11, %add3A_8 : vector<2048x1xf32>
    %get3A_12 = arith.constant 0 : index
    %get3A_13 = arith.constant 0 : index
    %get3A_14 = vector.load %arg4[%get3A_12, %get3A_13] : memref<1x1xf32, #tpu.memory_space<vmem>>, vector<1x1xf32>
    %add3A_15 = vector.broadcast %get3A_14 : vector<1x1xf32> to vector<2048x1xf32>
    %add3A_16 = arith.addf %mul3A, %add3A_15 : vector<2048x1xf32>
    %swap3A = arith.constant 0 : index
    %swap3A_17 = arith.constant 0 : index
    %swap3A_18 = vector.load %arg5[%swap3A, %swap3A_17] : memref<2048x1xf32, #tpu.memory_space<vmem>>, vector<2048x1xf32>
    tpu.vector_store %arg5[%swap3A, %swap3A_17], %add3A_16 {strides = array<i32>} : memref<2048x1xf32, #tpu.memory_space<vmem>>, vector<2048x1xf32>,
    return
  }
  func.func @transform_0(%arg0: i32) -> (i32, i32) {
    %c0_i32 = arith.constant 0 : i32
    %c0_i32_0 = arith.constant 0 : i32
    return %arg0, %c0_i32 : i32, i32
  }
  func.func @transform_1(%arg0: i32) -> (i32, i32) {
    %c0_i32 = arith.constant 0 : i32
    %c0_i32_0 = arith.constant 0 : i32
    return %arg0, %c0_i32 : i32, i32
  }
  func.func @transform_2(%arg0: i32) -> (i32, i32) {
    %c0_i32 = arith.constant 0 : i32
    %c0_i32_0 = arith.constant 0 : i32
    return %arg0, %c0_i32 : i32, i32
  }
  func.func @transform_3(%arg0: i32) -> (i32, i32) {
    %c0_i32 = arith.constant 0 : i32
    %c0_i32_0 = arith.constant 0 : i32
    %c0_i32_1 = arith.constant 0 : i32
    return %c0_i32, %c0_i32_0 : i32, i32
  }
  func.func @transform_4(%arg0: i32) -> (i32, i32) {
    %c0_i32 = arith.constant 0 : i32
    %c0_i32_0 = arith.constant 0 : i32
    return %arg0, %c0_i32 : i32, i32
  }
}

</mosaic_0001>

<sc_bundles>
// kernel: kernel.11.cloned.1.call-start
scs
__scs_entry_jumppad:
0x0: {  	(pc) =	sbr.rel $0x88, $3  }
0x1: {  	(tag) =	ssettag $0x0;
	lr =	simm.s32 $0x1  }
0x2: {  	[smem:$0x3F9B] =	sst lr;
	_ =	strace $0xD0000000  }
0x3: {  	_ = 	snop  }
0x4: {  	_ = 	snop  }
0x5: {  	_ = 	snop  }
0x6: {  	_ = 	snop  }
0x7: {  	_ = 	snop  }
__scs_overlays_trampoline_lowered:
0x8: {  	[smem:$0x3FAA] =	sst s0  }
0x9: {  	[smem:$0x3FAB] =	sst s1  }
0xa: {  	[smem:$0x3FAC] =	sst s2  }
0xb: {  	[smem:$0x3FAD] =	sst s3  }
0xc: {  	[smem:$0x3FAE] =	sst s4  }
0xd: {  	[smem:$0x3FAF] =	sst s5  }
0xe: {  	[smem:$0x3FB0] =	sst s6  }
0xf: {  	[smem:$0x3FB1] =	sst s7  }
0x10: {  	[smem:$0x3FB2] =	sst s8  }
0x11: {  	[smem:$0x3FB3] =	sst s9;
	s0 =	simm.s32 @!p0 $0x0  }
0x12: {  	s1 =	sld [smem:$0x3F99];
	s0 =	simm.s32 @p0 $0x1  }
0x13: {  	[smem:$0x3FB4] =	sst s0;
	s0 =	simm.s32 @!p1 $0x0  }
0x14: {  	s2 =	sld [smem:$0x3F98];
	s0 =	simm.s32 @p1 $0x1  }
0x15: {  	[smem:$0x3FB5] =	sst s0;
	s0 =	simm.s32 @!p2 $0x0  }
0x16: {  	s3 =	sld [smem:$0x3FDB];
	s0 =	simm.s32 @p2 $0x1  }
0x17: {  	s4 =	simm.s32 $0x1BF5;
	[smem:$0x3FB7] =	sst s0  }
0x18: {  	s0 =	sld [smem:$0x3F9A];
	_ =	swait.ge [sflag:s4], $0x0  }
0x19: {  	s7 =	sld [smem:$0x3F9B]  }
0x1a: {  	s8 =	sadd.s32 $0xFFFFE003, lr  }
0x1b: {  	s9 =	sadd.s32 $0xFFFFFEF7, lr;
	s5 =	simm.s32 $0xFFFFFFFF;
	p2 =	slt.u32 s8, $0xFFFFF086  }
0x1c: {  	p1 =	slt.u32 s9, $0xF7A;
	s5 =	simm.s32 @!p2 $0x0  }
0x1d: {  	s5 =	simm.s32 @p1 $0x1;
	p0 =	seq.s32 s7, s2  }
0x1e: {  	s7 =	smul.u32 @!p0 $0xF7A, s2;
	p2 =	seq.s32 @!p0 s5, $0x0  }
0x1f: {  	s9 =	smul.u32 $0xF7A, s1;
	s8 =	simm.s32 @!p0 $0x1BF5;
	p2 =	por !p2, p0  }
0x20: {  	[sflag:s8] =	ssyncset.s32 @!p0 $0xFFFFF086;
	s6 =	sadd.s32 @!p0 s3, s7;
	s7 =	simm.s32 @!p0 $0x108  }
0x21: {  	s3 =	sadd.s32 s3, s9;
	s6 =	sadd.s32 @!p0 $0x88, s6;
	s7 =	simm.s32 @p2 $0x1082  }
0x22: {  	[simem:s7], [sflag:s8] =	dma.local @!p0 [hbm:s6], $0xF7A  }
0x23: {  	s9 =	sor.u32 $0xD0000000, s2;
	s6 =	simm.s32 $0x108;
	_ =	swait.ge @!p0 [sflag:s8], $0x0  }
0x24: {  	s3 =	sadd.s32 $0x88, s3;
	s6 =	simm.s32 @!p1 $0x1082;
	[sflag:s4] =	ssyncset.s32 $0xFFFFF086  }
0x25: {  	[simem:s6], [sflag:s4] =	dma.local [hbm:s3], $0xF7A  }
0x26: {  	[smem:$0x3F9B] =	sst s1;
	(tag) =	ssettag s2;
	_ =	strace s9  }
0x27: {  	s1 =	sld [smem:$0x3FAB]  }
0x28: {  	s2 =	sld [smem:$0x3FAC]  }
0x29: {  	s4 =	sld [smem:$0x3FAE]  }
0x2a: {  	p0 =	seq.s32 s5, $0x0;
	s5 =	sld [smem:$0x3FAF]  }
0x2b: {  	s6 =	sld [smem:$0x3FB0]  }
0x2c: {  	s7 =	sld [smem:$0x3FB1]  }
0x2d: {  	s3 =	simm.s32 $0x108;
	s8 =	sld [smem:$0x3FB2]  }
0x2e: {  	s3 =	simm.s32 @!p0 $0x1082;
	s9 =	sld [smem:$0x3FB3]  }
0x2f: {  	lr =	sadd.s32 s0, s3;
	s0 =	sld [smem:$0x3FAA]  }
0x30: {  	s3 =	sld [smem:$0x3FAD]  }
0x31: {  	[smem:$0x3FB6] =	sst s10  }
0x32: {  	s10 =	sld [smem:$0x3FB4];
	_ =	sdelay $0x3  }
0x33: {  	p0 =	seq.s32 s10, $0x1;
	s10 =	sld [smem:$0x3FB6];
	_ =	sdelay $0x3  }
0x34: {  	[smem:$0x3FB6] =	sst s10  }
0x35: {  	s10 =	sld [smem:$0x3FB5];
	_ =	sdelay $0x3  }
0x36: {  	p1 =	seq.s32 s10, $0x1;
	s10 =	sld [smem:$0x3FB6];
	_ =	sdelay $0x3  }
0x37: {  	[smem:$0x3FB6] =	sst s10  }
0x38: {  	s10 =	sld [smem:$0x3FB7]  }
0x39: {  	_ = 	snop;
	(pc) =	sbr.ind lr, $3  }
0x3a: {  	_ = 	snop  }
0x3b: {  	_ = 	snop  }
0x3c: {  	p2 =	seq.s32 s10, $0x1;
	s10 =	sld [smem:$0x3FB6]  }
0x3d: {  	_ =	shalt  }
0x3e: {  	_ =	shalt  }
0x3f: {  	_ =	shalt  }
0x40: {  	_ =	shalt  }
0x41: {  	_ =	shalt  }
0x42: {  	_ =	shalt  }
0x43: {  	_ =	shalt  }
0x44: {  	_ =	shalt  }
0x45: {  	_ =	shalt  }
0x46: {  	_ =	shalt  }
0x47: {  	_ =	shalt  }
0x48: {  	_ =	shalt  }
0x49: {  	_ =	shalt  }
0x4a: {  	_ =	shalt  }
0x4b: {  	_ =	shalt  }
0x4c: {  	_ =	shalt  }
0x4d: {  	_ =	shalt  }
0x4e: {  	_ =	shalt  }
0x4f: {  	_ =	shalt  }
0x50: {  	_ =	shalt  }
0x51: {  	_ =	shalt  }
0x52: {  	_ =	shalt  }
0x53: {  	_ =	shalt  }
0x54: {  	_ =	shalt  }
0x55: {  	_ =	shalt  }
0x56: {  	_ =	shalt  }
0x57: {  	_ =	shalt  }
0x58: {  	_ =	shalt  }
0x59: {  	_ =	shalt  }
0x5a: {  	_ =	shalt  }
0x5b: {  	_ =	shalt  }
0x5c: {  	_ =	shalt  }
0x5d: {  	_ =	shalt  }
0x5e: {  	_ =	shalt  }
0x5f: {  	_ =	shalt  }
0x60: {  	_ =	shalt  }
0x61: {  	_ =	shalt  }
0x62: {  	_ =	shalt  }
0x63: {  	_ =	shalt  }
0x64: {  	_ =	shalt  }
0x65: {  	_ =	shalt  }
0x66: {  	_ =	shalt  }
0x67: {  	_ =	shalt  }
0x68: {  	_ =	shalt  }
0x69: {  	_ =	shalt  }
0x6a: {  	_ =	shalt  }
0x6b: {  	_ =	shalt  }
0x6c: {  	_ =	shalt  }
0x6d: {  	_ =	shalt  }
0x6e: {  	_ =	shalt  }
0x6f: {  	_ =	shalt  }
0x70: {  	_ =	shalt  }
0x71: {  	_ =	shalt  }
0x72: {  	_ =	shalt  }
0x73: {  	_ =	shalt  }
0x74: {  	_ =	shalt  }
0x75: {  	_ =	shalt  }
0x76: {  	_ =	shalt  }
0x77: {  	_ =	shalt  }
0x78: {  	_ =	shalt  }
0x79: {  	_ =	shalt  }
0x7a: {  	_ =	shalt  }
0x7b: {  	_ =	shalt  }
0x7c: {  	_ =	shalt  }
0x7d: {  	_ =	shalt  }
0x7e: {  	_ =	shalt  }
0x7f: {  	_ =	shalt  }
0x80: {  	_ =	shalt  }
0x81: {  	_ =	shalt  }
0x82: {  	_ =	shalt  }
0x83: {  	_ =	shalt  }
0x84: {  	_ =	shalt  }
0x85: {  	_ =	shalt  }
0x86: {  	_ =	shalt  }
0x87: {  	_ =	shalt  }
.Lfunc_end0:
.L_simem_size_0:
called_computation.1_lowered:
.L_overlay_start_0:
0x88: {  	s2 =	sld [smem:$0x3FD9]  }
0x89: {  	s3 =	sld [smem:$0x3FFE];
	_ =	sdelay $0x1  }
0x8a: {  	s1 =	srdreg.scid  }
0x8b: {  	s0 =	sand.u32 $0x1, s1  }
0x8c: {  	s16 =	sshll.u32 s0, $0xA;
	s2 =	sadd.s32 s3, s2  }
0x8d: {  	s2 =	sadd.s32 s2, s16  }
0x8e: {  	[smem:$0x3FC2] =	sst s2  }
0x8f: {  	_ = 	snop  }
0x90: {  	(tm) =	ssettm $0x1  }
0x91: {  	s17 =	sld [smem:$0x3FFB];
	_ =	sdelay $0x3  }
0x92: {  	_ =	strace s17  }
0x93: {  	s2 =	sld [smem:$0x3FFC];
	_ =	sdelay $0x3  }
0x94: {  	_ =	strace s2  }
0x95: {  	s2 =	sld [smem:$0x3FFD];
	_ =	sdelay $0x3  }
0x96: {  	_ =	strace s2  }
0x97: {  	_ =	strace $0x8FFFFFFF  }
0x98: {  	s18 =	sld [smem:$0x3FDB];
	_ =	sdelay $0x1  }
0x99: {  	s19 =	simm.s32 $_scs_section_size  }
0x9a: {  	s4 =	simm.s32 $_size__tile_overlayer_lowered;
	s5 =	simm.s32 $_tile_overlayer_lowered  }
0x9b: {  	s22 =	simm.s32 $0x1BFF;
	s21 =	sshll.u32 s5, $0x1;
	s2 =	sadd.s32 s19, s18  }
0x9c: {  	s6 =	simm.s32 $0x0;
	s20 =	sshll.u32 s4, $0x1;
	s4 =	sadd.s32 s21, s2  }
0x9d: {  	[timem:s6], [sflag:s22] =	dma.local [hbm:s4], s20  }
0x9e: {  	_ =	swait.ge [sflag:s22], s20  }
0x9f: {  	s3 =	ssub.s32 $0x0, s20;
	[sflag:s22] =	ssyncset.done $0x0  }
0xa0: {  	[sflag:s22] =	ssyncadd.s32 s3;
	_ =	sdelay $0x1  }
0xa1: {  	s23 =	simm.s32 $0x1B8B  }
0xa2: {  	_ =	swait.ge [sflag:s23], $0x1  }
0xa3: {  	[sflag:s23] =	ssyncset.done $0x0  }
0xa4: {  	s25 =	simm.s32 $0x1B8E;
	s24 =	sld [smem:$0x3FFE];
	[sflag:s23] =	ssyncadd.s32 $0xFFFFFFFF  }
0xa5: {  	s26 =	simm.s32 $execute0_lowered;
	[smem:$0x3FD2] =	sst s25  }
0xa6: {  	s4 =	sshll.u32 s26, $0x1;
	_ =	strace $0x80000049;
	[dreg:$0x1] =	wrdreg $0xFFFFFFFF  }
0xa7: {  	s28 =	simm.s32 $_size_execute0_lowered;
	s2 =	sadd.s32 s2, s4;
	[dreg:$0x0] =	wrdreg $0x0  }
0xa8: {  	s4 =	sshll.u32 s28, $0x1;
	[dreg:$0x2] =	wrdreg s2  }
0xa9: {  	[dreg:$0x3] =	wrdreg s4  }
0xaa: {  	[dreg:$0x4] =	wrdreg $0xC0  }
0xab: {  	_ =	task [dreg:s6], $0x5FFFF  }
0xac: {  	[dreg:$0x1] =	wrdreg $0xFFFFFFFF  }
0xad: {  	[dreg:$0x0] =	wrdreg $0x60  }
0xae: {  	[dreg:$0x2] =	wrdreg s24  }
0xaf: {  	[dreg:$0x3] =	wrdreg $0x144800  }
0xb0: {  	[dreg:$0x4] =	wrdreg $0x9  }
0xb1: {  	_ =	task.clear_ibuf [dreg:s6], $0x5FFFF;
	_ =	strace $0x90000049  }
0xb2: {  	s29 =	simm.s32 $0x9;
	_ =	strace $0x8000004B  }
0xb3: {  	_ =	swait.ge [sflag:s29], $0x1  }
0xb4: {  	[sflag:s29] =	ssyncadd.s32 $0xFFFFFFFF  }
0xb5: {  	_ =	strace $0x9000004B  }
0xb6: {  	_ =	sfence  }
0xb7: {  	s30 =	sld [smem:$0x0];
	_ =	sdelay $0x2  }
0xb8: {  	s31 =	sshll.u32 s1, $0xD;
	s1 =	sshrl.u32 s1, $0x2  }
0xb9: {  	s3 =	sand.u32 $0x4000, s31;
	s1 =	sadd.s32 s1, s30  }
0xba: {  	s0 =	sor.u32 s3, s0;
	s1 =	sshll.u32 s1, $0x11  }
0xbb: {  	s0 =	sor.u32 s1, s0  }
0xbc: {  	s0 =	sadd.s32 $0x8F2B, s0  }
0xbd: {  	[sflag:s0] =	ssyncadd.remote.s32 $0x1  }
0xbe: {  	_ =	sfence.sel $0xFFFF  }
0xbf: {  	[dreg:$0x0] =	wrdreg $0xFFFFFFFF;
	(pc) =	sbr.abs _section_cstart, $3  }
0xc0: {  	[dreg:$0x1] =	wrdreg $0xFFFFFFFF  }
0xc1: {  	_ =	task.clear_ibuf [dreg:s6], $0x2FFFF;
	_ =	strace $0x9FFFFFFF  }
0xc2: {  	(tm) =	ssettm $0x7FFFFFFF  }
0xc3: {  	_ =	shalt  }
tec
execute0_lowered:
.L_overlay_start_1:
0x0: {  	(tag) =	ssettag $0x1  }
0x1: {  	s7 =	rddreg [dreg:$0x0]  }
0x2: {  	s0 =	srdreg.scid;
	s2 =	rddreg [dreg:$0x1];
	s3 =	simm.s32 $0x0  }
0x3: {  	s15 =	simm.s32 $0xF480;
	s16 =	simm.s32 $0x80;
	s17 =	simm.s32 $0x5480  }
0x4: {  	s18 =	simm.s32 $0x7480;
	s19 =	simm.s32 $0x100;
	s20 =	simm.s32 $0x9480  }
0x5: {  	s21 =	simm.s32 $0x5400;
	s22 =	simm.s32 $0x1;
	s23 =	simm.s32 $0x2  }
0x6: {  	s24 =	simm.s32 $0xB480;
	s25 =	simm.s32 $0xD480;
	s26 =	simm.s32 $0x0  }
0x7: {  	s6 =	sand.u32 $0x1, s0;
	s0 =	stileid.u32;
	[smem:$0x7FF] =	sst s3  }
0x8: {  	s12 =	sadd.s32 $0x2AE00, s7;
	s1 =	sshll.u32 s6, $0x4;
	s11 =	smul.u32 $0xA000, s0  }
0x9: {  	s10 =	ssub.s32 $0x2, s6;
	s13 =	smul.u32 $0xA0000, s6;
	s4 =	sor.u32 s0, s1  }
0xa: {  	s1 =	rddreg [dreg:$0x2];
	_ =	strace $0x8000004A;
	s5 =	smul.u32 $0x580, s4  }
0xb: {  	s28 =	sshrl.u32 s10, $0x1;
	s8 =	smul.u32 $0x510, s4;
	s4 =	sadd.s32 $0x16E00, s7  }
0xc: {  	s14 =	ssub.s32 s10, s28;
	s29 =	sadd.s32 $0x5000, s11;
	s30 =	sadd.s32 s11, s13  }
0xd: {  	s13 =	sadd.s32 s13, s29;
	s10 =	sshrl.u32 s30, $0x3;
	s9 =	sadd.s32 s5, s7  }
0xe: {  	s8 =	sadd.s32 s8, s7;
	s5 =	sadd.s32 $0xB200, s7;
	s31 =	sshrl.u32 s13, $0x3  }
0xf: {  	s10 =	sadd.s32 s12, s10;
	s13 =	simm.s32 $0x3;
	s6 =	sadd.s32 $0xBE00, s9  }
0x10: {  	s7 =	sadd.s32 $0x1000, s8;
	s8 =	sadd.s32 s11, s2;
	s9 =	sadd.s32 s29, s2  }
0x11: {  	s11 =	sadd.s32 s12, s31;
	s12 =	smax.u32 s14, $0x1;
	s14 =	simm.s32 $0x2C00  }
.LBB2_1:
0x12: {  	[tilespmem:s3], [sflag:$0x3] =	stream.linear.gather [hbm4b:s6+s3], $0x2C00, $0x38;
	[tilespmem:$0x1E480] =	vst v63  }
0x13: {  	_ =	swait.ge [sflag:s13], $0x2C00  }
0x14: {  	[sflag:s13] =	ssyncset.done $0x0  }
0x15: {  	[sflag:s13] =	ssyncadd.s32 $0xFFFFD400  }
0x16: {  	[tilespmem:s14], [sflag:$0x3] =	stream.linear.gather [hbm4b:s7+s3], $0x2880, $0x38;
	[tilespmem:$0x1E480] =	vst v63  }
0x17: {  	_ =	swait.ge [sflag:s13], $0x2880  }
0x18: {  	[sflag:s13] =	ssyncset.done $0x0  }
0x19: {  	[sflag:s13] =	ssyncadd.s32 $0xFFFFD780  }
0x1a: {  	[tilespmem:s15], [sflag:$0x3] =	stream.linear.gather [hbm4b:s5+s3], $0x5000, $0x38;
	[tilespmem:$0x1E480] =	vst v63  }
0x1b: {  	_ =	swait.ge [sflag:s13], $0x5000  }
0x1c: {  	[sflag:s13] =	ssyncset.done $0x0  }
0x1d: {  	[sflag:s13] =	ssyncadd.s32 $0xFFFFB000  }
0x1e: {  	[spmem:s8] =	stream.linear.scatter [tilespmem:s15], [sflag:$0x3], $0x5000, $0x38;
	[tilespmem:$0x1E480] =	vst v63  }
0x1f: {  	_ =	swait.ge [sflag:s13], $0x5000  }
0x20: {  	[sflag:s13] =	ssyncset.done $0x0  }
0x21: {  	[sflag:s13] =	ssyncadd.s32 $0xFFFFB000  }
0x22: {  	[spmem:s9] =	stream.linear.scatter [tilespmem:s15], [sflag:$0x3], $0x5000, $0x38;
	[tilespmem:$0x1E480] =	vst v63  }
0x23: {  	_ =	swait.ge [sflag:s13], $0x5000  }
0x24: {  	[sflag:s13] =	ssyncset.done $0x0  }
0x25: {  	[sflag:s13] =	ssyncadd.s32 $0xFFFFB000  }
0x26: {  	[bflag:$0x0] =	sbarrier.arrive $0xFFFF  }
0x27: {  	[tilespmem:s17], [sflag:$0x1] =	stream.indirect.gather [hbm4b:s4+s16], $0x40, s3, s16, $0xb8;
	[tilespmem:$0x1E480] =	vst v63  }
0x28: {  	_ = 	snop  }
0x29: {  	[tilespmem:s18], [sflag:$0x1] =	stream.indirect.gather [hbm4b:s4+s16], $0x40, s16, s16, $0xb8;
	[tilespmem:$0x1E480] =	vst v63  }
0x2a: {  	_ = 	snop  }
0x2b: {  	[tilespmem:s20], [sflag:$0x1] =	stream.indirect.gather [hbm4b:s4+s16], $0x40, s19, s16, $0xb8;
	[tilespmem:$0x1E480] =	vst v63  }
0x2c: {  	_ = 	snop  }
0x2d: {  	[spmem:s2] =	stream.indirect.scatter.add.f32 [tilespmem:s15], [sflag:$0x2], $0x40, s21, s16, $0xb8;
	[tilespmem:$0x1E480] =	vst v63  }
0x2e: {  	_ = 	snop  }
0x2f: {  	[spmem:s2] =	stream.indirect.scatter.add.f32 [tilespmem:s15], [sflag:$0x2], $0x40, s21, s16, $0xb8;
	[tilespmem:$0x1E480] =	vst v63  }
0x30: {  	_ =	swait.ge [sflag:s22], $0x2000  }
0x31: {  	[sflag:s22] =	ssyncset.done $0x0  }
0x32: {  	s28 =	simm.s32 $0x2C00;
	[sflag:s22] =	ssyncadd.s32 $0xFFFFE000  }
0x33: {  	[spmem:s2] =	stream.indirect.scatter.add.f32 [tilespmem:s17], [sflag:$0x2], $0x40, s28, s16, $0xb8;
	[tilespmem:$0x1E480] =	vst v63  }
0x34: {  	_ =	swait.ge [sflag:s23], $0x2000  }
0x35: {  	[sflag:s23] =	ssyncset.done $0x0  }
0x36: {  	s28 =	simm.s32 $0x180;
	[sflag:s23] =	ssyncadd.s32 $0xFFFFE000  }
0x37: {  	[tilespmem:s24], [sflag:$0x1] =	stream.indirect.gather [hbm4b:s4+s16], $0x40, s28, s16, $0xb8;
	[tilespmem:$0x1E480] =	vst v63  }
0x38: {  	_ =	swait.ge [sflag:s22], $0x2000  }
0x39: {  	[sflag:s22] =	ssyncset.done $0x0  }
0x3a: {  	s28 =	simm.s32 $0x2C80;
	[sflag:s22] =	ssyncadd.s32 $0xFFFFE000  }
0x3b: {  	[spmem:s2] =	stream.indirect.scatter.add.f32 [tilespmem:s18], [sflag:$0x2], $0x40, s28, s16, $0xb8;
	[tilespmem:$0x1E480] =	vst v63  }
0x3c: {  	_ =	swait.ge [sflag:s23], $0x2000  }
0x3d: {  	[sflag:s23] =	ssyncset.done $0x0  }
0x3e: {  	s28 =	simm.s32 $0x200;
	[sflag:s23] =	ssyncadd.s32 $0xFFFFE000  }
0x3f: {  	[tilespmem:s25], [sflag:$0x1] =	stream.indirect.gather [hbm4b:s4+s16], $0x40, s28, s16, $0xb8;
	[tilespmem:$0x1E480] =	vst v63  }
0x40: {  	_ =	swait.ge [sflag:s22], $0x2000  }
0x41: {  	[sflag:s22] =	ssyncset.done $0x0  }
0x42: {  	s28 =	simm.s32 $0x2D00;
	[sflag:s22] =	ssyncadd.s32 $0xFFFFE000  }
0x43: {  	[spmem:s2] =	stream.indirect.scatter.add.f32 [tilespmem:s20], [sflag:$0x2], $0x40, s28, s16, $0xb8;
	[tilespmem:$0x1E480] =	vst v63  }
0x44: {  	_ =	swait.ge [sflag:s23], $0x2000  }
0x45: {  	[sflag:s23] =	ssyncset.done $0x0  }
0x46: {  	s28 =	simm.s32 $0x280;
	[sflag:s23] =	ssyncadd.s32 $0xFFFFE000  }
0x47: {  	[tilespmem:s17], [sflag:$0x1] =	stream.indirect.gather [hbm4b:s4+s16], $0x40, s28, s16, $0xb8;
	[tilespmem:$0x1E480] =	vst v63  }
0x48: {  	_ =	swait.ge [sflag:s22], $0x2000  }
0x49: {  	[sflag:s22] =	ssyncset.done $0x0  }
0x4a: {  	s28 =	simm.s32 $0x2D80;
	[sflag:s22] =	ssyncadd.s32 $0xFFFFE000  }
0x4b: {  	[spmem:s2] =	stream.indirect.scatter.add.f32 [tilespmem:s24], [sflag:$0x2], $0x40, s28, s16, $0xb8;
	[tilespmem:$0x1E480] =	vst v63  }
0x4c: {  	_ =	swait.ge [sflag:s23], $0x2000  }
0x4d: {  	[sflag:s23] =	ssyncset.done $0x0  }
0x4e: {  	s28 =	simm.s32 $0x300;
	[sflag:s23] =	ssyncadd.s32 $0xFFFFE000  }
0x4f: {  	[tilespmem:s18], [sflag:$0x1] =	stream.indirect.gather [hbm4b:s4+s16], $0x40, s28, s16, $0xb8;
	[tilespmem:$0x1E480] =	vst v63  }
0x50: {  	_ =	swait.ge [sflag:s22], $0x2000  }
0x51: {  	[sflag:s22] =	ssyncset.done $0x0  }
0x52: {  	s28 =	simm.s32 $0x2E00;
	[sflag:s22] =	ssyncadd.s32 $0xFFFFE000  }
0x53: {  	[spmem:s2] =	stream.indirect.scatter.add.f32 [tilespmem:s25], [sflag:$0x2], $0x40, s28, s16, $0xb8;
	[tilespmem:$0x1E480] =	vst v63  }
0x54: {  	_ =	swait.ge [sflag:s23], $0x2000  }
0x55: {  	[sflag:s23] =	ssyncset.done $0x0  }
0x56: {  	s29 =	simm.s32 $0x380;
	s28 =	simm.s32 $0xA00;
	[sflag:s23] =	ssyncadd.s32 $0xFFFFE000  }
.LBB2_2:
0x57: {  	[tilespmem:s20], [sflag:$0x1] =	stream.indirect.gather [hbm4b:s4+s16], $0x40, s29, s16, $0xb8;
	[tilespmem:$0x1E480] =	vst v63  }
0x58: {  	s29 =	smov.u32 s28  }
0x59: {  	p0 =	sne.s32 s28, $0x9600;
	s28 =	sadd.s32 $0xA00, s28;
	_ =	swait.ge [sflag:s22], $0x2000  }
0x5a: {  	s29 =	sshra.s32 s29, $0x2;
	[sflag:s22] =	ssyncset.done $0x0  }
0x5b: {  	s30 =	sadd.s32 $0x2C00, s29;
	[sflag:s22] =	ssyncadd.s32 $0xFFFFE000  }
0x5c: {  	[spmem:s2] =	stream.indirect.scatter.add.f32 [tilespmem:s17], [sflag:$0x2], $0x40, s30, s16, $0xb8;
	[tilespmem:$0x1E480] =	vst v63  }
0x5d: {  	_ =	swait.ge [sflag:s23], $0x2000  }
0x5e: {  	[sflag:s23] =	ssyncset.done $0x0  }
0x5f: {  	s30 =	sadd.s32 $0x180, s29;
	[sflag:s23] =	ssyncadd.s32 $0xFFFFE000  }
0x60: {  	[tilespmem:s24], [sflag:$0x1] =	stream.indirect.gather [hbm4b:s4+s16], $0x40, s30, s16, $0xb8;
	[tilespmem:$0x1E480] =	vst v63  }
0x61: {  	_ =	swait.ge [sflag:s22], $0x2000  }
0x62: {  	[sflag:s22] =	ssyncset.done $0x0  }
0x63: {  	s30 =	sadd.s32 $0x2C80, s29;
	[sflag:s22] =	ssyncadd.s32 $0xFFFFE000  }
0x64: {  	[spmem:s2] =	stream.indirect.scatter.add.f32 [tilespmem:s18], [sflag:$0x2], $0x40, s30, s16, $0xb8;
	[tilespmem:$0x1E480] =	vst v63  }
0x65: {  	_ =	swait.ge [sflag:s23], $0x2000  }
0x66: {  	[sflag:s23] =	ssyncset.done $0x0  }
0x67: {  	s30 =	sadd.s32 $0x200, s29;
	[sflag:s23] =	ssyncadd.s32 $0xFFFFE000  }
0x68: {  	[tilespmem:s25], [sflag:$0x1] =	stream.indirect.gather [hbm4b:s4+s16], $0x40, s30, s16, $0xb8;
	[tilespmem:$0x1E480] =	vst v63  }
0x69: {  	_ =	swait.ge [sflag:s22], $0x2000  }
0x6a: {  	[sflag:s22] =	ssyncset.done $0x0  }
0x6b: {  	s30 =	sadd.s32 $0x2D00, s29;
	[sflag:s22] =	ssyncadd.s32 $0xFFFFE000  }
0x6c: {  	[spmem:s2] =	stream.indirect.scatter.add.f32 [tilespmem:s20], [sflag:$0x2], $0x40, s30, s16, $0xb8;
	[tilespmem:$0x1E480] =	vst v63  }
0x6d: {  	_ =	swait.ge [sflag:s23], $0x2000  }
0x6e: {  	[sflag:s23] =	ssyncset.done $0x0  }
0x6f: {  	s30 =	sadd.s32 $0x280, s29;
	[sflag:s23] =	ssyncadd.s32 $0xFFFFE000  }
0x70: {  	[tilespmem:s17], [sflag:$0x1] =	stream.indirect.gather [hbm4b:s4+s16], $0x40, s30, s16, $0xb8;
	[tilespmem:$0x1E480] =	vst v63  }
0x71: {  	_ =	swait.ge [sflag:s22], $0x2000  }
0x72: {  	[sflag:s22] =	ssyncset.done $0x0  }
0x73: {  	s30 =	sadd.s32 $0x2D80, s29;
	[sflag:s22] =	ssyncadd.s32 $0xFFFFE000  }
0x74: {  	[spmem:s2] =	stream.indirect.scatter.add.f32 [tilespmem:s24], [sflag:$0x2], $0x40, s30, s16, $0xb8;
	[tilespmem:$0x1E480] =	vst v63  }
0x75: {  	_ =	swait.ge [sflag:s23], $0x2000  }
0x76: {  	[sflag:s23] =	ssyncset.done $0x0  }
0x77: {  	s30 =	sadd.s32 $0x300, s29;
	[sflag:s23] =	ssyncadd.s32 $0xFFFFE000  }
0x78: {  	[tilespmem:s18], [sflag:$0x1] =	stream.indirect.gather [hbm4b:s4+s16], $0x40, s30, s16, $0xb8;
	[tilespmem:$0x1E480] =	vst v63  }
0x79: {  	_ =	swait.ge [sflag:s22], $0x2000  }
0x7a: {  	[sflag:s22] =	ssyncset.done $0x0  }
.Ltmp0:
0x7b: {  	s30 =	sadd.s32 $0x2E00, s29;
	[sflag:s22] =	ssyncadd.s32 $0xFFFFE000;
	(pc) =	sbr.rel @p0 .LBB2_2-.Ltmp0, $4  }
0x7c: {  	[spmem:s2] =	stream.indirect.scatter.add.f32 [tilespmem:s25], [sflag:$0x2], $0x40, s30, s16, $0xb8;
	[tilespmem:$0x1E480] =	vst v63  }
0x7d: {  	_ =	swait.ge [sflag:s23], $0x2000  }
0x7e: {  	[sflag:s23] =	ssyncset.done $0x0  }
0x7f: {  	s29 =	sadd.s32 $0x380, s29;
	[sflag:s23] =	ssyncadd.s32 $0xFFFFE000  }
0x80: {  	[tilespmem:s20], [sflag:$0x1] =	stream.indirect.gather [hbm4b:s4+s16], $0x40, s29, s16, $0xb8;
	[tilespmem:$0x1E480] =	vst v63  }
0x81: {  	_ =	swait.ge [sflag:s22], $0x2000  }
0x82: {  	[sflag:s22] =	ssyncset.done $0x0  }
0x83: {  	[sflag:s22] =	ssyncadd.s32 $0xFFFFE000  }
0x84: {  	_ =	swait.ge [sflag:s22], $0x2000  }
0x85: {  	[sflag:s22] =	ssyncset.done $0x0  }
0x86: {  	[sflag:s22] =	ssyncadd.s32 $0xFFFFE000  }
0x87: {  	_ =	swait.ge [sflag:s22], $0x2000  }
0x88: {  	[sflag:s22] =	ssyncset.done $0x0  }
0x89: {  	[sflag:s22] =	ssyncadd.s32 $0xFFFFE000  }
0x8a: {  	_ =	swait.ge [sflag:s23], $0x2000  }
0x8b: {  	[sflag:s23] =	ssyncset.done $0x0  }
0x8c: {  	[sflag:s23] =	ssyncadd.s32 $0xFFFFE000  }
0x8d: {  	_ =	swait.ge [sflag:s23], $0x2000  }
0x8e: {  	[sflag:s23] =	ssyncset.done $0x0  }
0x8f: {  	[sflag:s23] =	ssyncadd.s32 $0xFFFFE000  }
0x90: {  	[bflag:$0x0] =	sbarrier.arrive $0xFFFF  }
0x91: {  	[tilespmem:s15], [sflag:$0x3] =	stream.linear.gather [spmem:s8], $0x5000, $0x38;
	[tilespmem:$0x1E480] =	vst v63  }
0x92: {  	_ =	swait.ge [sflag:s13], $0x5000  }
0x93: {  	[sflag:s13] =	ssyncset.done $0x0  }
0x94: {  	[sflag:s13] =	ssyncadd.s32 $0xFFFFB000  }
0x95: {  	[hbm4b:s10+s3] =	stream.linear.scatter [tilespmem:s15], [sflag:$0x3], $0x5000, $0x38;
	[tilespmem:$0x1E480] =	vst v63  }
0x96: {  	_ =	swait.ge [sflag:s13], $0x5000  }
0x97: {  	[sflag:s13] =	ssyncset.done $0x0  }
0x98: {  	[sflag:s13] =	ssyncadd.s32 $0xFFFFB000  }
0x99: {  	[tilespmem:s15], [sflag:$0x3] =	stream.linear.gather [spmem:s9], $0x5000, $0x38;
	[tilespmem:$0x1E480] =	vst v63  }
0x9a: {  	s26 =	sadd.s32 $0x1, s26;
	_ =	swait.ge [sflag:s13], $0x5000  }
0x9b: {  	p0 =	sne.s32 s26, s12;
	[sflag:s13] =	ssyncset.done $0x0  }
.Ltmp1:
0x9c: {  	[sflag:s13] =	ssyncadd.s32 $0xFFFFB000;
	(pc) =	sbr.rel @p0 .LBB2_1-.Ltmp1, $4  }
0x9d: {  	[hbm4b:s11+s3] =	stream.linear.scatter [tilespmem:s15], [sflag:$0x3], $0x5000, $0x38;
	[tilespmem:$0x1E480] =	vst v63  }
0x9e: {  	_ =	swait.ge [sflag:s13], $0x5000  }
0x9f: {  	[sflag:s13] =	ssyncset.done $0x0  }
0xa0: {  	[sflag:s13] =	ssyncadd.s32 $0xFFFFB000  }
0xa1: {  	_ =	sfence.sel $0x180000  }
0xa2: {  	[bflag:$0x0] =	sbarrier.arrive $0xFFFF  }
0xa3: {  	p0 =	sne.s32 s0, $0x0;
	_ =	strace $0x9000004A  }
0xa4: {  	s0 =	sadd.s32 @!p0 $0x100000, s1;
	[bflag:$0x2] =	sbarrier.arrive $0xFFFF  }
0xa5: {  	[sflag:s0] =	ssyncadd.tile.s32 @!p0 $0x1;
	_ =	shalt  }
.Lfunc_end2:
_tile_overlayer_lowered:
.L_overlay_start_2:
0xa6: {  	(tag) =	ssettag $0x2  }
0xa7: {  	s0 =	rddreg [dreg:$0x0];
	s2 =	stileid.u32  }
0xa8: {  	s1 =	rddreg [dreg:$0x1];
	p0 =	sne.s32 s2, $0x0  }
0xa9: {  	s3 =	rddreg [dreg:$0x2];
	[bflag:$0x3] =	sbarrier.arrive $0xFFFF;
	s2 =	simm.s32 @!p0 $0x1C03  }
0xaa: {  	[timem:s3], [sflag:s2] =	dma.local @!p0 [hbm:s0], s1  }
0xab: {  	s0 =	simm.s32 @!p0 $0x3  }
0xac: {  	_ =	swait.ge @!p0 [sflag:s0], s1  }
0xad: {  	s1 =	ssub.s32 @!p0 $0x0, s1;
	[sflag:s0] =	ssyncset.done @!p0 $0x0  }
0xae: {  	[sflag:s0] =	ssyncadd.s32 @!p0 s1  }
0xaf: {  	[bflag:$0x3] =	sbarrier.arrive $0xFFFF  }
0xb0: {  	_ =	shalt  }

// kernel: kernel.14.cloned.1.call-start
scs
__scs_entry_jumppad:
0x0: {  	(pc) =	sbr.rel $0x88, $3  }
0x1: {  	(tag) =	ssettag $0x0;
	lr =	simm.s32 $0x1  }
0x2: {  	[smem:$0x3F9B] =	sst lr;
	_ =	strace $0xD0000000  }
0x3: {  	_ = 	snop  }
0x4: {  	_ = 	snop  }
0x5: {  	_ = 	snop  }
0x6: {  	_ = 	snop  }
0x7: {  	_ = 	snop  }
__scs_overlays_trampoline_lowered:
0x8: {  	[smem:$0x3FAA] =	sst s0  }
0x9: {  	[smem:$0x3FAB] =	sst s1  }
0xa: {  	[smem:$0x3FAC] =	sst s2  }
0xb: {  	[smem:$0x3FAD] =	sst s3  }
0xc: {  	[smem:$0x3FAE] =	sst s4  }
0xd: {  	[smem:$0x3FAF] =	sst s5  }
0xe: {  	[smem:$0x3FB0] =	sst s6  }
0xf: {  	[smem:$0x3FB1] =	sst s7  }
0x10: {  	[smem:$0x3FB2] =	sst s8  }
0x11: {  	[smem:$0x3FB3] =	sst s9;
	s0 =	simm.s32 @!p0 $0x0  }
0x12: {  	s1 =	sld [smem:$0x3F99];
	s0 =	simm.s32 @p0 $0x1  }
0x13: {  	[smem:$0x3FB4] =	sst s0;
	s0 =	simm.s32 @!p1 $0x0  }
0x14: {  	s2 =	sld [smem:$0x3F98];
	s0 =	simm.s32 @p1 $0x1  }
0x15: {  	[smem:$0x3FB5] =	sst s0;
	s0 =	simm.s32 @!p2 $0x0  }
0x16: {  	s3 =	sld [smem:$0x3FDB];
	s0 =	simm.s32 @p2 $0x1  }
0x17: {  	s4 =	simm.s32 $0x1BF5;
	[smem:$0x3FB7] =	sst s0  }
0x18: {  	s0 =	sld [smem:$0x3F9A];
	_ =	swait.ge [sflag:s4], $0x0  }
0x19: {  	s7 =	sld [smem:$0x3F9B]  }
0x1a: {  	s8 =	sadd.s32 $0xFFFFE003, lr  }
0x1b: {  	s9 =	sadd.s32 $0xFFFFFEF7, lr;
	s5 =	simm.s32 $0xFFFFFFFF;
	p2 =	slt.u32 s8, $0xFFFFF086  }
0x1c: {  	p1 =	slt.u32 s9, $0xF7A;
	s5 =	simm.s32 @!p2 $0x0  }
0x1d: {  	s5 =	simm.s32 @p1 $0x1;
	p0 =	seq.s32 s7, s2  }
0x1e: {  	s7 =	smul.u32 @!p0 $0xF7A, s2;
	p2 =	seq.s32 @!p0 s5, $0x0  }
0x1f: {  	s9 =	smul.u32 $0xF7A, s1;
	s8 =	simm.s32 @!p0 $0x1BF5;
	p2 =	por !p2, p0  }
0x20: {  	[sflag:s8] =	ssyncset.s32 @!p0 $0xFFFFF086;
	s6 =	sadd.s32 @!p0 s3, s7;
	s7 =	simm.s32 @!p0 $0x108  }
0x21: {  	s3 =	sadd.s32 s3, s9;
	s6 =	sadd.s32 @!p0 $0x88, s6;
	s7 =	simm.s32 @p2 $0x1082  }
0x22: {  	[simem:s7], [sflag:s8] =	dma.local @!p0 [hbm:s6], $0xF7A  }
0x23: {  	s9 =	sor.u32 $0xD0000000, s2;
	s6 =	simm.s32 $0x108;
	_ =	swait.ge @!p0 [sflag:s8], $0x0  }
0x24: {  	s3 =	sadd.s32 $0x88, s3;
	s6 =	simm.s32 @!p1 $0x1082;
	[sflag:s4] =	ssyncset.s32 $0xFFFFF086  }
0x25: {  	[simem:s6], [sflag:s4] =	dma.local [hbm:s3], $0xF7A  }
0x26: {  	[smem:$0x3F9B] =	sst s1;
	(tag) =	ssettag s2;
	_ =	strace s9  }
0x27: {  	s1 =	sld [smem:$0x3FAB]  }
0x28: {  	s2 =	sld [smem:$0x3FAC]  }
0x29: {  	s4 =	sld [smem:$0x3FAE]  }
0x2a: {  	p0 =	seq.s32 s5, $0x0;
	s5 =	sld [smem:$0x3FAF]  }
0x2b: {  	s6 =	sld [smem:$0x3FB0]  }
0x2c: {  	s7 =	sld [smem:$0x3FB1]  }
0x2d: {  	s3 =	simm.s32 $0x108;
	s8 =	sld [smem:$0x3FB2]  }
0x2e: {  	s3 =	simm.s32 @!p0 $0x1082;
	s9 =	sld [smem:$0x3FB3]  }
0x2f: {  	lr =	sadd.s32 s0, s3;
	s0 =	sld [smem:$0x3FAA]  }
0x30: {  	s3 =	sld [smem:$0x3FAD]  }
0x31: {  	[smem:$0x3FB6] =	sst s10  }
0x32: {  	s10 =	sld [smem:$0x3FB4];
	_ =	sdelay $0x3  }
0x33: {  	p0 =	seq.s32 s10, $0x1;
	s10 =	sld [smem:$0x3FB6];
	_ =	sdelay $0x3  }
0x34: {  	[smem:$0x3FB6] =	sst s10  }
0x35: {  	s10 =	sld [smem:$0x3FB5];
	_ =	sdelay $0x3  }
0x36: {  	p1 =	seq.s32 s10, $0x1;
	s10 =	sld [smem:$0x3FB6];
	_ =	sdelay $0x3  }
0x37: {  	[smem:$0x3FB6] =	sst s10  }
0x38: {  	s10 =	sld [smem:$0x3FB7]  }
0x39: {  	_ = 	snop;
	(pc) =	sbr.ind lr, $3  }
0x3a: {  	_ = 	snop  }
0x3b: {  	_ = 	snop  }
0x3c: {  	p2 =	seq.s32 s10, $0x1;
	s10 =	sld [smem:$0x3FB6]  }
0x3d: {  	_ =	shalt  }
0x3e: {  	_ =	shalt  }
0x3f: {  	_ =	shalt  }
0x40: {  	_ =	shalt  }
0x41: {  	_ =	shalt  }
0x42: {  	_ =	shalt  }
0x43: {  	_ =	shalt  }
0x44: {  	_ =	shalt  }
0x45: {  	_ =	shalt  }
0x46: {  	_ =	shalt  }
0x47: {  	_ =	shalt  }
0x48: {  	_ =	shalt  }
0x49: {  	_ =	shalt  }
0x4a: {  	_ =	shalt  }
0x4b: {  	_ =	shalt  }
0x4c: {  	_ =	shalt  }
0x4d: {  	_ =	shalt  }
0x4e: {  	_ =	shalt  }
0x4f: {  	_ =	shalt  }
0x50: {  	_ =	shalt  }
0x51: {  	_ =	shalt  }
0x52: {  	_ =	shalt  }
0x53: {  	_ =	shalt  }
0x54: {  	_ =	shalt  }
0x55: {  	_ =	shalt  }
0x56: {  	_ =	shalt  }
0x57: {  	_ =	shalt  }
0x58: {  	_ =	shalt  }
0x59: {  	_ =	shalt  }
0x5a: {  	_ =	shalt  }
0x5b: {  	_ =	shalt  }
0x5c: {  	_ =	shalt  }
0x5d: {  	_ =	shalt  }
0x5e: {  	_ =	shalt  }
0x5f: {  	_ =	shalt  }
0x60: {  	_ =	shalt  }
0x61: {  	_ =	shalt  }
0x62: {  	_ =	shalt  }
0x63: {  	_ =	shalt  }
0x64: {  	_ =	shalt  }
0x65: {  	_ =	shalt  }
0x66: {  	_ =	shalt  }
0x67: {  	_ =	shalt  }
0x68: {  	_ =	shalt  }
0x69: {  	_ =	shalt  }
0x6a: {  	_ =	shalt  }
0x6b: {  	_ =	shalt  }
0x6c: {  	_ =	shalt  }
0x6d: {  	_ =	shalt  }
0x6e: {  	_ =	shalt  }
0x6f: {  	_ =	shalt  }
0x70: {  	_ =	shalt  }
0x71: {  	_ =	shalt  }
0x72: {  	_ =	shalt  }
0x73: {  	_ =	shalt  }
0x74: {  	_ =	shalt  }
0x75: {  	_ =	shalt  }
0x76: {  	_ =	shalt  }
0x77: {  	_ =	shalt  }
0x78: {  	_ =	shalt  }
0x79: {  	_ =	shalt  }
0x7a: {  	_ =	shalt  }
0x7b: {  	_ =	shalt  }
0x7c: {  	_ =	shalt  }
0x7d: {  	_ =	shalt  }
0x7e: {  	_ =	shalt  }
0x7f: {  	_ =	shalt  }
0x80: {  	_ =	shalt  }
0x81: {  	_ =	shalt  }
0x82: {  	_ =	shalt  }
0x83: {  	_ =	shalt  }
0x84: {  	_ =	shalt  }
0x85: {  	_ =	shalt  }
0x86: {  	_ =	shalt  }
0x87: {  	_ =	shalt  }
.Lfunc_end0:
.L_simem_size_0:
called_computation.2_lowered:
.L_overlay_start_0:
0x88: {  	s2 =	sld [smem:$0x3FD9]  }
0x89: {  	s3 =	sld [smem:$0x3FFE];
	_ =	sdelay $0x1  }
0x8a: {  	s1 =	srdreg.scid  }
0x8b: {  	s0 =	sand.u32 $0x1, s1  }
0x8c: {  	s17 =	sshll.u32 s0, $0xA;
	s2 =	sadd.s32 s3, s2  }
0x8d: {  	s2 =	sadd.s32 s2, s17  }
0x8e: {  	[smem:$0x3FC2] =	sst s2  }
0x8f: {  	_ = 	snop  }
0x90: {  	s2 =	sld [smem:$0x3FD0];
	(tm) =	ssettm $0x1  }
0x91: {  	s18 =	sld [smem:$0x3FFB];
	_ =	sdelay $0x3  }
0x92: {  	_ =	strace s18  }
0x93: {  	s3 =	sld [smem:$0x3FFC];
	_ =	sdelay $0x3  }
0x94: {  	_ =	strace s3  }
0x95: {  	s3 =	sld [smem:$0x3FFD];
	_ =	sdelay $0x3  }
0x96: {  	_ =	strace s3  }
0x97: {  	_ =	strace $0x8FFFFFFF  }
0x98: {  	s19 =	sld [smem:$0x3FDB];
	_ =	sdelay $0x1  }
0x99: {  	s4 =	simm.s32 $_scs_section_size  }
0x9a: {  	s5 =	simm.s32 $_size__tile_overlayer_lowered;
	s6 =	simm.s32 $_tile_overlayer_lowered  }
0x9b: {  	s22 =	simm.s32 $0x1BFF;
	s21 =	sshll.u32 s6, $0x1;
	s3 =	sadd.s32 s4, s19  }
0x9c: {  	s7 =	simm.s32 $0x0;
	s20 =	sshll.u32 s5, $0x1;
	s5 =	sadd.s32 s21, s3  }
0x9d: {  	[timem:s7], [sflag:s22] =	dma.local [hbm:s5], s20  }
0x9e: {  	_ =	swait.ge [sflag:s22], s20  }
0x9f: {  	s4 =	ssub.s32 $0x0, s20;
	[sflag:s22] =	ssyncset.done $0x0  }
0xa0: {  	[sflag:s22] =	ssyncadd.s32 s4;
	_ =	sdelay $0x1  }
0xa1: {  	s23 =	simm.s32 $0x1B8B  }
0xa2: {  	_ =	swait.ge [sflag:s23], $0x1  }
0xa3: {  	[sflag:s23] =	ssyncset.done $0x0  }
0xa4: {  	s25 =	simm.s32 $0x1B8E;
	s24 =	sld [smem:$0x3FFE];
	[sflag:s23] =	ssyncadd.s32 $0xFFFFFFFF  }
0xa5: {  	s26 =	simm.s32 $execute0_lowered;
	[smem:$0x3FD2] =	sst s25  }
0xa6: {  	s5 =	sshll.u32 s26, $0x1;
	_ =	strace $0x8000004C;
	[dreg:$0x1] =	wrdreg $0xFFFFFFFF  }
0xa7: {  	s28 =	simm.s32 $_size_execute0_lowered;
	s3 =	sadd.s32 s3, s5;
	[dreg:$0x0] =	wrdreg $0x0  }
0xa8: {  	s5 =	sshll.u32 s28, $0x1;
	[dreg:$0x2] =	wrdreg s3  }
0xa9: {  	[dreg:$0x3] =	wrdreg s5  }
0xaa: {  	[dreg:$0x4] =	wrdreg $0xC0  }
0xab: {  	_ =	task [dreg:s7], $0x5FFFF  }
0xac: {  	[dreg:$0x1] =	wrdreg $0xFFFFFFFF  }
0xad: {  	[dreg:$0x0] =	wrdreg $0x60  }
0xae: {  	[dreg:$0x2] =	wrdreg s24  }
0xaf: {  	[dreg:$0x3] =	wrdreg s2  }
0xb0: {  	[dreg:$0x4] =	wrdreg $0x5F000  }
0xb1: {  	[dreg:$0x5] =	wrdreg $0x9  }
0xb2: {  	_ =	task.clear_ibuf [dreg:s7], $0x6FFFF;
	_ =	strace $0x9000004C  }
0xb3: {  	s29 =	simm.s32 $0x9;
	_ =	strace $0x8000004E  }
0xb4: {  	_ =	swait.ge [sflag:s29], $0x1  }
0xb5: {  	[sflag:s29] =	ssyncadd.s32 $0xFFFFFFFF  }
0xb6: {  	_ =	strace $0x9000004E  }
0xb7: {  	_ =	sfence  }
0xb8: {  	s30 =	sld [smem:$0x0];
	_ =	sdelay $0x2  }
0xb9: {  	s31 =	sshll.u32 s1, $0xD;
	s1 =	sshrl.u32 s1, $0x2  }
0xba: {  	s3 =	sand.u32 $0x4000, s31;
	s1 =	sadd.s32 s1, s30  }
0xbb: {  	s0 =	sor.u32 s3, s0;
	s1 =	sshll.u32 s1, $0x11  }
0xbc: {  	s0 =	sor.u32 s1, s0  }
0xbd: {  	s0 =	sadd.s32 $0x8F2B, s0  }
0xbe: {  	[sflag:s0] =	ssyncadd.remote.s32 $0x1  }
0xbf: {  	_ =	sfence.sel $0xFFFF  }
0xc0: {  	[dreg:$0x0] =	wrdreg $0xFFFFFFFF;
	(pc) =	sbr.abs _section_cstart, $3  }
0xc1: {  	[dreg:$0x1] =	wrdreg $0xFFFFFFFF  }
0xc2: {  	_ =	task.clear_ibuf [dreg:s7], $0x2FFFF;
	_ =	strace $0x9FFFFFFF  }
0xc3: {  	(tm) =	ssettm $0x7FFFFFFF  }
tec
execute0_lowered:
.L_overlay_start_1:
0x0: {  	(tag) =	ssettag $0x1  }
0x1: {  	s0 =	rddreg [dreg:$0x0]  }
0x2: {  	s3 =	rddreg [dreg:$0x2];
	s1 =	srdreg.scid  }
0x3: {  	s5 =	stileid.u32;
	s4 =	simm.s32 $0x0;
	s11 =	simm.s32 $0x3  }
0x4: {  	s13 =	simm.s32 $0x5C80;
	s14 =	simm.s32 $0x80;
	s15 =	simm.s32 $0x5480  }
0x5: {  	s16 =	simm.s32 $0x5500;
	s18 =	simm.s32 $0x5580;
	s20 =	simm.s32 $0x5600  }
0x6: {  	s22 =	simm.s32 $0x5680;
	s24 =	simm.s32 $0x5700;
	s29 =	simm.s32 $0x5800  }
0x7: {  	s30 =	simm.s32 $0x5400;
	s31 =	simm.s32 $0x1;
	s12 =	simm.s32 $0x5980  }
0x8: {  	s17 =	simm.s32 $0x5A00;
	s19 =	simm.s32 $0x5A80;
	s21 =	simm.s32 $0x5B00  }
0x9: {  	s23 =	simm.s32 $0x5B80;
	s28 =	simm.s32 $0x0;
	s1 =	sand.u32 $0x1, s1  }
0xa: {  	s6 =	smul.u32 $0x280, s5;
	[smem:$0x7FF] =	sst s4;
	s2 =	sshll.u32 s1, $0x4  }
0xb: {  	s7 =	smul.u32 $0x2800, s1;
	_ =	strace $0x8000004D;
	s2 =	sor.u32 s5, s2  }
0xc: {  	s1 =	ssub.s32 $0x2, s1;
	s5 =	sadd.s32 $0xB200, s0;
	s8 =	smul.u32 $0x580, s2  }
0xd: {  	s25 =	sshrl.u32 s1, $0x1;
	s2 =	smul.u32 $0x510, s2;
	s7 =	sadd.s32 s6, s7  }
0xe: {  	s1 =	ssub.s32 s1, s25;
	s25 =	simm.s32 $0x5C00;
	s8 =	sadd.s32 s8, s0  }
0xf: {  	s7 =	sshrl.u32 s7, $0x3;
	s2 =	sadd.s32 s2, s0;
	s26 =	sadd.s32 $0xBE00, s8  }
0x10: {  	s0 =	sadd.s32 s7, s0;
	s2 =	sadd.s32 $0x1000, s2;
	[dreg:$0x4] =	wrdreg s26  }
0x11: {  	s10 =	smax.u32 s1, $0x1;
	s0 =	sadd.s32 $0x16E00, s0;
	[dreg:$0x5] =	wrdreg s2  }
0x12: {  	s1 =	simm.s32 $0x5880;
	s8 =	sadd.s32 s6, s3;
	[dreg:$0x6] =	wrdreg s0  }
0x13: {  	s26 =	simm.s32 $0x5780;
	s0 =	simm.s32 $0x2;
	s2 =	simm.s32 $0x5900  }
.LBB2_1:
0x14: {  	s6 =	rddreg [dreg:$0x4]  }
0x15: {  	[tilespmem:s4], [sflag:$0x3] =	stream.linear.gather [hbm4b:s6+s4], $0x2C00, $0x38;
	[tilespmem:$0x6180] =	vst v63  }
0x16: {  	_ =	swait.ge [sflag:s11], $0x2C00  }
0x17: {  	[sflag:s11] =	ssyncset.done $0x0  }
0x18: {  	s7 =	simm.s32 $0x2C00;
	s9 =	rddreg [dreg:$0x5];
	[sflag:s11] =	ssyncadd.s32 $0xFFFFD400  }
0x19: {  	[tilespmem:s7], [sflag:$0x3] =	stream.linear.gather [hbm4b:s9+s4], $0x2880, $0x38;
	[tilespmem:$0x6180] =	vst v63  }
0x1a: {  	_ =	swait.ge [sflag:s11], $0x2880  }
0x1b: {  	[sflag:s11] =	ssyncset.done $0x0  }
0x1c: {  	[sflag:s11] =	ssyncadd.s32 $0xFFFFD780  }
0x1d: {  	s7 =	rddreg [dreg:$0x1]  }
0x1e: {  	[tilespmem:s13], [sflag:$0x3] =	stream.linear.gather [hbm4b:s7+s4], $0x280, $0x38;
	[tilespmem:$0x6180] =	vst v63  }
0x1f: {  	_ =	swait.ge [sflag:s11], $0x280  }
0x20: {  	[sflag:s11] =	ssyncset.done $0x0  }
0x21: {  	[sflag:s11] =	ssyncadd.s32 $0xFFFFFD80  }
0x22: {  	[spmem:s8] =	stream.linear.scatter [tilespmem:s13], [sflag:$0x3], $0x280, $0x38;
	[tilespmem:$0x6180] =	vst v63  }
0x23: {  	_ =	swait.ge [sflag:s11], $0x280  }
0x24: {  	[sflag:s11] =	ssyncset.done $0x0  }
0x25: {  	[sflag:s11] =	ssyncadd.s32 $0xFFFFFD80  }
0x26: {  	[bflag:$0x0] =	sbarrier.arrive $0xFFFF  }
0x27: {  	[tilespmem:s15], [sflag:$0x1] =	stream.indirect.gather [hbm4b:s5+s14], $0x1, s4, s14, $0xb8;
	[tilespmem:$0x6180] =	vst v63  }
0x28: {  	_ = 	snop  }
0x29: {  	[tilespmem:s16], [sflag:$0x1] =	stream.indirect.gather [hbm4b:s5+s14], $0x1, s14, s14, $0xb8;
	[tilespmem:$0x6180] =	vst v63  }
0x2a: {  	s9 =	simm.s32 $0x100  }
0x2b: {  	[tilespmem:s18], [sflag:$0x1] =	stream.indirect.gather [hbm4b:s5+s14], $0x1, s9, s14, $0xb8;
	[tilespmem:$0x6180] =	vst v63  }
0x2c: {  	s7 =	simm.s32 $0x180  }
0x2d: {  	[tilespmem:s20], [sflag:$0x1] =	stream.indirect.gather [hbm4b:s5+s14], $0x1, s7, s14, $0xb8;
	[tilespmem:$0x6180] =	vst v63  }
0x2e: {  	s9 =	simm.s32 $0x200  }
0x2f: {  	[tilespmem:s22], [sflag:$0x1] =	stream.indirect.gather [hbm4b:s5+s14], $0x1, s9, s14, $0xb8;
	[tilespmem:$0x6180] =	vst v63  }
0x30: {  	s7 =	simm.s32 $0x280  }
0x31: {  	[tilespmem:s24], [sflag:$0x1] =	stream.indirect.gather [hbm4b:s5+s14], $0x1, s7, s14, $0xb8;
	[tilespmem:$0x6180] =	vst v63  }
0x32: {  	s9 =	simm.s32 $0x300  }
0x33: {  	[tilespmem:s26], [sflag:$0x1] =	stream.indirect.gather [hbm4b:s5+s14], $0x1, s9, s14, $0xb8;
	[tilespmem:$0x6180] =	vst v63  }
0x34: {  	s7 =	simm.s32 $0x380  }
0x35: {  	[tilespmem:s29], [sflag:$0x1] =	stream.indirect.gather [hbm4b:s5+s14], $0x1, s7, s14, $0xb8;
	[tilespmem:$0x6180] =	vst v63  }
0x36: {  	_ = 	snop  }
0x37: {  	[spmem:s3] =	stream.indirect.scatter.add.f32 [tilespmem:s13], [sflag:$0x2], $0x1, s30, s14, $0xb8;
	[tilespmem:$0x6180] =	vst v63  }
0x38: {  	_ = 	snop  }
0x39: {  	[spmem:s3] =	stream.indirect.scatter.add.f32 [tilespmem:s13], [sflag:$0x2], $0x1, s30, s14, $0xb8;
	[tilespmem:$0x6180] =	vst v63  }
0x3a: {  	_ = 	snop  }
0x3b: {  	[spmem:s3] =	stream.indirect.scatter.add.f32 [tilespmem:s13], [sflag:$0x2], $0x1, s30, s14, $0xb8;
	[tilespmem:$0x6180] =	vst v63  }
0x3c: {  	_ = 	snop  }
0x3d: {  	[spmem:s3] =	stream.indirect.scatter.add.f32 [tilespmem:s13], [sflag:$0x2], $0x1, s30, s14, $0xb8;
	[tilespmem:$0x6180] =	vst v63  }
0x3e: {  	_ = 	snop  }
0x3f: {  	[spmem:s3] =	stream.indirect.scatter.add.f32 [tilespmem:s13], [sflag:$0x2], $0x1, s30, s14, $0xb8;
	[tilespmem:$0x6180] =	vst v63  }
0x40: {  	_ = 	snop  }
0x41: {  	[spmem:s3] =	stream.indirect.scatter.add.f32 [tilespmem:s13], [sflag:$0x2], $0x1, s30, s14, $0xb8;
	[tilespmem:$0x6180] =	vst v63  }
0x42: {  	_ = 	snop  }
0x43: {  	[spmem:s3] =	stream.indirect.scatter.add.f32 [tilespmem:s13], [sflag:$0x2], $0x1, s30, s14, $0xb8;
	[tilespmem:$0x6180] =	vst v63  }
0x44: {  	_ = 	snop  }
0x45: {  	[spmem:s3] =	stream.indirect.scatter.add.f32 [tilespmem:s13], [sflag:$0x2], $0x1, s30, s14, $0xb8;
	[tilespmem:$0x6180] =	vst v63  }
0x46: {  	_ =	swait.ge [sflag:s31], $0x80  }
0x47: {  	[sflag:s31] =	ssyncset.done $0x0  }
0x48: {  	s9 =	simm.s32 $0x2C00;
	[sflag:s31] =	ssyncadd.s32 $0xFFFFFF80  }
0x49: {  	[spmem:s3] =	stream.indirect.scatter.add.f32 [tilespmem:s15], [sflag:$0x2], $0x1, s9, s14, $0xb8;
	[tilespmem:$0x6180] =	vst v63  }
0x4a: {  	_ =	swait.ge [sflag:s0], $0x80  }
0x4b: {  	[sflag:s0] =	ssyncset.done $0x0  }
0x4c: {  	s7 =	simm.s32 $0x400;
	[sflag:s0] =	ssyncadd.s32 $0xFFFFFF80  }
0x4d: {  	[tilespmem:s1], [sflag:$0x1] =	stream.indirect.gather [hbm4b:s5+s14], $0x1, s7, s14, $0xb8;
	[tilespmem:$0x6180] =	vst v63  }
0x4e: {  	_ =	swait.ge [sflag:s31], $0x80  }
0x4f: {  	[sflag:s31] =	ssyncset.done $0x0  }
0x50: {  	s9 =	simm.s32 $0x2C80;
	[sflag:s31] =	ssyncadd.s32 $0xFFFFFF80  }
0x51: {  	[spmem:s3] =	stream.indirect.scatter.add.f32 [tilespmem:s16], [sflag:$0x2], $0x1, s9, s14, $0xb8;
	[tilespmem:$0x6180] =	vst v63  }
0x52: {  	_ =	swait.ge [sflag:s0], $0x80  }
0x53: {  	[sflag:s0] =	ssyncset.done $0x0  }
0x54: {  	s7 =	simm.s32 $0x480;
	[sflag:s0] =	ssyncadd.s32 $0xFFFFFF80  }
0x55: {  	[tilespmem:s2], [sflag:$0x1] =	stream.indirect.gather [hbm4b:s5+s14], $0x1, s7, s14, $0xb8;
	[tilespmem:$0x6180] =	vst v63  }
0x56: {  	_ =	swait.ge [sflag:s31], $0x80  }
0x57: {  	[sflag:s31] =	ssyncset.done $0x0  }
0x58: {  	s9 =	simm.s32 $0x2D00;
	[sflag:s31] =	ssyncadd.s32 $0xFFFFFF80  }
0x59: {  	[spmem:s3] =	stream.indirect.scatter.add.f32 [tilespmem:s18], [sflag:$0x2], $0x1, s9, s14, $0xb8;
	[tilespmem:$0x6180] =	vst v63  }
0x5a: {  	_ =	swait.ge [sflag:s0], $0x80  }
0x5b: {  	[sflag:s0] =	ssyncset.done $0x0  }
0x5c: {  	s7 =	simm.s32 $0x500;
	[sflag:s0] =	ssyncadd.s32 $0xFFFFFF80  }
0x5d: {  	[tilespmem:s12], [sflag:$0x1] =	stream.indirect.gather [hbm4b:s5+s14], $0x1, s7, s14, $0xb8;
	[tilespmem:$0x6180] =	vst v63  }
0x5e: {  	_ =	swait.ge [sflag:s31], $0x80  }
0x5f: {  	[sflag:s31] =	ssyncset.done $0x0  }
0x60: {  	s9 =	simm.s32 $0x2D80;
	[sflag:s31] =	ssyncadd.s32 $0xFFFFFF80  }
0x61: {  	[spmem:s3] =	stream.indirect.scatter.add.f32 [tilespmem:s20], [sflag:$0x2], $0x1, s9, s14, $0xb8;
	[tilespmem:$0x6180] =	vst v63  }
0x62: {  	_ =	swait.ge [sflag:s0], $0x80  }
0x63: {  	[sflag:s0] =	ssyncset.done $0x0  }
0x64: {  	s7 =	simm.s32 $0x580;
	[sflag:s0] =	ssyncadd.s32 $0xFFFFFF80  }
0x65: {  	[tilespmem:s17], [sflag:$0x1] =	stream.indirect.gather [hbm4b:s5+s14], $0x1, s7, s14, $0xb8;
	[tilespmem:$0x6180] =	vst v63  }
0x66: {  	_ =	swait.ge [sflag:s31], $0x80  }
0x67: {  	[sflag:s31] =	ssyncset.done $0x0  }
0x68: {  	s9 =	simm.s32 $0x2E00;
	[sflag:s31] =	ssyncadd.s32 $0xFFFFFF80  }
0x69: {  	[spmem:s3] =	stream.indirect.scatter.add.f32 [tilespmem:s22], [sflag:$0x2], $0x1, s9, s14, $0xb8;
	[tilespmem:$0x6180] =	vst v63  }
0x6a: {  	_ =	swait.ge [sflag:s0], $0x80  }
0x6b: {  	[sflag:s0] =	ssyncset.done $0x0  }
0x6c: {  	s7 =	simm.s32 $0x600;
	[sflag:s0] =	ssyncadd.s32 $0xFFFFFF80  }
0x6d: {  	[tilespmem:s19], [sflag:$0x1] =	stream.indirect.gather [hbm4b:s5+s14], $0x1, s7, s14, $0xb8;
	[tilespmem:$0x6180] =	vst v63  }
0x6e: {  	_ =	swait.ge [sflag:s31], $0x80  }
0x6f: {  	[sflag:s31] =	ssyncset.done $0x0  }
0x70: {  	s9 =	simm.s32 $0x2E80;
	[sflag:s31] =	ssyncadd.s32 $0xFFFFFF80  }
0x71: {  	[spmem:s3] =	stream.indirect.scatter.add.f32 [tilespmem:s24], [sflag:$0x2], $0x1, s9, s14, $0xb8;
	[tilespmem:$0x6180] =	vst v63  }
0x72: {  	_ =	swait.ge [sflag:s0], $0x80  }
0x73: {  	[sflag:s0] =	ssyncset.done $0x0  }
0x74: {  	s7 =	simm.s32 $0x680;
	[sflag:s0] =	ssyncadd.s32 $0xFFFFFF80  }
0x75: {  	[tilespmem:s21], [sflag:$0x1] =	stream.indirect.gather [hbm4b:s5+s14], $0x1, s7, s14, $0xb8;
	[tilespmem:$0x6180] =	vst v63  }
0x76: {  	_ =	swait.ge [sflag:s31], $0x80  }
0x77: {  	[sflag:s31] =	ssyncset.done $0x0  }
0x78: {  	s9 =	simm.s32 $0x2F00;
	[sflag:s31] =	ssyncadd.s32 $0xFFFFFF80  }
0x79: {  	[spmem:s3] =	stream.indirect.scatter.add.f32 [tilespmem:s26], [sflag:$0x2], $0x1, s9, s14, $0xb8;
	[tilespmem:$0x6180] =	vst v63  }
0x7a: {  	_ =	swait.ge [sflag:s0], $0x80  }
0x7b: {  	[sflag:s0] =	ssyncset.done $0x0  }
0x7c: {  	s7 =	simm.s32 $0x700;
	[sflag:s0] =	ssyncadd.s32 $0xFFFFFF80  }
0x7d: {  	[tilespmem:s23], [sflag:$0x1] =	stream.indirect.gather [hbm4b:s5+s14], $0x1, s7, s14, $0xb8;
	[tilespmem:$0x6180] =	vst v63  }
0x7e: {  	_ =	swait.ge [sflag:s31], $0x80  }
0x7f: {  	[sflag:s31] =	ssyncset.done $0x0  }
0x80: {  	s9 =	simm.s32 $0x2F80;
	[sflag:s31] =	ssyncadd.s32 $0xFFFFFF80  }
0x81: {  	[spmem:s3] =	stream.indirect.scatter.add.f32 [tilespmem:s29], [sflag:$0x2], $0x1, s9, s14, $0xb8;
	[tilespmem:$0x6180] =	vst v63  }
0x82: {  	_ =	swait.ge [sflag:s0], $0x80  }
0x83: {  	[sflag:s0] =	ssyncset.done $0x0  }
0x84: {  	s7 =	simm.s32 $0x780;
	[sflag:s0] =	ssyncadd.s32 $0xFFFFFF80  }
0x85: {  	[tilespmem:s25], [sflag:$0x1] =	stream.indirect.gather [hbm4b:s5+s14], $0x1, s7, s14, $0xb8;
	[tilespmem:$0x6180] =	vst v63  }
0x86: {  	_ =	swait.ge [sflag:s31], $0x80  }
0x87: {  	[sflag:s31] =	ssyncset.done $0x0  }
0x88: {  	s9 =	simm.s32 $0x3000;
	[sflag:s31] =	ssyncadd.s32 $0xFFFFFF80  }
0x89: {  	[spmem:s3] =	stream.indirect.scatter.add.f32 [tilespmem:s1], [sflag:$0x2], $0x1, s9, s14, $0xb8;
	[tilespmem:$0x6180] =	vst v63  }
0x8a: {  	_ =	swait.ge [sflag:s0], $0x80  }
0x8b: {  	[sflag:s0] =	ssyncset.done $0x0  }
0x8c: {  	s7 =	simm.s32 $0x800;
	[sflag:s0] =	ssyncadd.s32 $0xFFFFFF80  }
0x8d: {  	[tilespmem:s15], [sflag:$0x1] =	stream.indirect.gather [hbm4b:s5+s14], $0x1, s7, s14, $0xb8;
	[tilespmem:$0x6180] =	vst v63  }
0x8e: {  	_ =	swait.ge [sflag:s31], $0x80  }
0x8f: {  	[sflag:s31] =	ssyncset.done $0x0  }
0x90: {  	s9 =	simm.s32 $0x3080;
	[sflag:s31] =	ssyncadd.s32 $0xFFFFFF80  }
0x91: {  	[spmem:s3] =	stream.indirect.scatter.add.f32 [tilespmem:s2], [sflag:$0x2], $0x1, s9, s14, $0xb8;
	[tilespmem:$0x6180] =	vst v63  }
0x92: {  	_ =	swait.ge [sflag:s0], $0x80  }
0x93: {  	[sflag:s0] =	ssyncset.done $0x0  }
0x94: {  	s7 =	simm.s32 $0x880;
	[sflag:s0] =	ssyncadd.s32 $0xFFFFFF80  }
0x95: {  	[tilespmem:s16], [sflag:$0x1] =	stream.indirect.gather [hbm4b:s5+s14], $0x1, s7, s14, $0xb8;
	[tilespmem:$0x6180] =	vst v63  }
0x96: {  	_ =	swait.ge [sflag:s31], $0x80  }
0x97: {  	[sflag:s31] =	ssyncset.done $0x0  }
0x98: {  	s9 =	simm.s32 $0x3100;
	[sflag:s31] =	ssyncadd.s32 $0xFFFFFF80  }
0x99: {  	[spmem:s3] =	stream.indirect.scatter.add.f32 [tilespmem:s12], [sflag:$0x2], $0x1, s9, s14, $0xb8;
	[tilespmem:$0x6180] =	vst v63  }
0x9a: {  	_ =	swait.ge [sflag:s0], $0x80  }
0x9b: {  	[sflag:s0] =	ssyncset.done $0x0  }
0x9c: {  	s7 =	simm.s32 $0x900;
	[sflag:s0] =	ssyncadd.s32 $0xFFFFFF80  }
0x9d: {  	[tilespmem:s18], [sflag:$0x1] =	stream.indirect.gather [hbm4b:s5+s14], $0x1, s7, s14, $0xb8;
	[tilespmem:$0x6180] =	vst v63  }
0x9e: {  	_ =	swait.ge [sflag:s31], $0x80  }
0x9f: {  	[sflag:s31] =	ssyncset.done $0x0  }
0xa0: {  	s9 =	simm.s32 $0x3180;
	[sflag:s31] =	ssyncadd.s32 $0xFFFFFF80  }
0xa1: {  	[spmem:s3] =	stream.indirect.scatter.add.f32 [tilespmem:s17], [sflag:$0x2], $0x1, s9, s14, $0xb8;
	[tilespmem:$0x6180] =	vst v63  }
0xa2: {  	_ =	swait.ge [sflag:s0], $0x80  }
0xa3: {  	[sflag:s0] =	ssyncset.done $0x0  }
0xa4: {  	s7 =	simm.s32 $0x980;
	[sflag:s0] =	ssyncadd.s32 $0xFFFFFF80  }
0xa5: {  	[tilespmem:s20], [sflag:$0x1] =	stream.indirect.gather [hbm4b:s5+s14], $0x1, s7, s14, $0xb8;
	[tilespmem:$0x6180] =	vst v63  }
0xa6: {  	_ =	swait.ge [sflag:s31], $0x80  }
0xa7: {  	[sflag:s31] =	ssyncset.done $0x0  }
0xa8: {  	s9 =	simm.s32 $0x3200;
	[sflag:s31] =	ssyncadd.s32 $0xFFFFFF80  }
0xa9: {  	[spmem:s3] =	stream.indirect.scatter.add.f32 [tilespmem:s19], [sflag:$0x2], $0x1, s9, s14, $0xb8;
	[tilespmem:$0x6180] =	vst v63  }
0xaa: {  	_ =	swait.ge [sflag:s0], $0x80  }
0xab: {  	[sflag:s0] =	ssyncset.done $0x0  }
0xac: {  	s7 =	simm.s32 $0xA00;
	[sflag:s0] =	ssyncadd.s32 $0xFFFFFF80  }
0xad: {  	[tilespmem:s22], [sflag:$0x1] =	stream.indirect.gather [hbm4b:s5+s14], $0x1, s7, s14, $0xb8;
	[tilespmem:$0x6180] =	vst v63  }
0xae: {  	_ =	swait.ge [sflag:s31], $0x80  }
0xaf: {  	[sflag:s31] =	ssyncset.done $0x0  }
0xb0: {  	s9 =	simm.s32 $0x3280;
	[sflag:s31] =	ssyncadd.s32 $0xFFFFFF80  }
0xb1: {  	[spmem:s3] =	stream.indirect.scatter.add.f32 [tilespmem:s21], [sflag:$0x2], $0x1, s9, s14, $0xb8;
	[tilespmem:$0x6180] =	vst v63  }
0xb2: {  	_ =	swait.ge [sflag:s0], $0x80  }
0xb3: {  	[sflag:s0] =	ssyncset.done $0x0  }
0xb4: {  	s7 =	simm.s32 $0xA80;
	[sflag:s0] =	ssyncadd.s32 $0xFFFFFF80  }
0xb5: {  	[tilespmem:s24], [sflag:$0x1] =	stream.indirect.gather [hbm4b:s5+s14], $0x1, s7, s14, $0xb8;
	[tilespmem:$0x6180] =	vst v63  }
0xb6: {  	_ =	swait.ge [sflag:s31], $0x80  }
0xb7: {  	[sflag:s31] =	ssyncset.done $0x0  }
0xb8: {  	s9 =	simm.s32 $0x3300;
	[sflag:s31] =	ssyncadd.s32 $0xFFFFFF80  }
0xb9: {  	[spmem:s3] =	stream.indirect.scatter.add.f32 [tilespmem:s23], [sflag:$0x2], $0x1, s9, s14, $0xb8;
	[tilespmem:$0x6180] =	vst v63  }
0xba: {  	_ =	swait.ge [sflag:s0], $0x80  }
0xbb: {  	[sflag:s0] =	ssyncset.done $0x0  }
0xbc: {  	s7 =	simm.s32 $0xB00;
	[sflag:s0] =	ssyncadd.s32 $0xFFFFFF80  }
0xbd: {  	[tilespmem:s26], [sflag:$0x1] =	stream.indirect.gather [hbm4b:s5+s14], $0x1, s7, s14, $0xb8;
	[tilespmem:$0x6180] =	vst v63  }
0xbe: {  	_ =	swait.ge [sflag:s31], $0x80  }
0xbf: {  	[sflag:s31] =	ssyncset.done $0x0  }
0xc0: {  	s9 =	simm.s32 $0x3380;
	[sflag:s31] =	ssyncadd.s32 $0xFFFFFF80  }
0xc1: {  	[spmem:s3] =	stream.indirect.scatter.add.f32 [tilespmem:s25], [sflag:$0x2], $0x1, s9, s14, $0xb8;
	[tilespmem:$0x6180] =	vst v63  }
0xc2: {  	_ =	swait.ge [sflag:s0], $0x80  }
0xc3: {  	[sflag:s0] =	ssyncset.done $0x0  }
0xc4: {  	s6 =	simm.s32 $0x2000;
	s7 =	simm.s32 $0xB80;
	[sflag:s0] =	ssyncadd.s32 $0xFFFFFF80  }
.LBB2_2:
0xc5: {  	[tilespmem:s29], [sflag:$0x1] =	stream.indirect.gather [hbm4b:s5+s14], $0x1, s7, s14, $0xb8;
	[tilespmem:$0x6180] =	vst v63  }
0xc6: {  	s7 =	smov.u32 s6  }
0xc7: {  	p0 =	sne.s32 s6, $0x8000;
	s6 =	sadd.s32 $0x2000, s6;
	_ =	swait.ge [sflag:s31], $0x80  }
0xc8: {  	s7 =	sshra.s32 s7, $0x2;
	[sflag:s31] =	ssyncset.done $0x0  }
0xc9: {  	s9 =	sadd.s32 $0x2C00, s7;
	[sflag:s31] =	ssyncadd.s32 $0xFFFFFF80  }
0xca: {  	[spmem:s3] =	stream.indirect.scatter.add.f32 [tilespmem:s15], [sflag:$0x2], $0x1, s9, s14, $0xb8;
	[tilespmem:$0x6180] =	vst v63  }
0xcb: {  	_ =	swait.ge [sflag:s0], $0x80  }
0xcc: {  	[sflag:s0] =	ssyncset.done $0x0  }
0xcd: {  	s9 =	sadd.s32 $0x400, s7;
	[sflag:s0] =	ssyncadd.s32 $0xFFFFFF80  }
0xce: {  	[tilespmem:s1], [sflag:$0x1] =	stream.indirect.gather [hbm4b:s5+s14], $0x1, s9, s14, $0xb8;
	[tilespmem:$0x6180] =	vst v63  }
0xcf: {  	_ =	swait.ge [sflag:s31], $0x80  }
0xd0: {  	[sflag:s31] =	ssyncset.done $0x0  }
0xd1: {  	s9 =	sadd.s32 $0x2C80, s7;
	[sflag:s31] =	ssyncadd.s32 $0xFFFFFF80  }
0xd2: {  	[spmem:s3] =	stream.indirect.scatter.add.f32 [tilespmem:s16], [sflag:$0x2], $0x1, s9, s14, $0xb8;
	[tilespmem:$0x6180] =	vst v63  }
0xd3: {  	_ =	swait.ge [sflag:s0], $0x80  }
0xd4: {  	[sflag:s0] =	ssyncset.done $0x0  }
0xd5: {  	s9 =	sadd.s32 $0x480, s7;
	[sflag:s0] =	ssyncadd.s32 $0xFFFFFF80  }
0xd6: {  	[tilespmem:s2], [sflag:$0x1] =	stream.indirect.gather [hbm4b:s5+s14], $0x1, s9, s14, $0xb8;
	[tilespmem:$0x6180] =	vst v63  }
0xd7: {  	_ =	swait.ge [sflag:s31], $0x80  }
0xd8: {  	[sflag:s31] =	ssyncset.done $0x0  }
0xd9: {  	s9 =	sadd.s32 $0x2D00, s7;
	[sflag:s31] =	ssyncadd.s32 $0xFFFFFF80  }
0xda: {  	[spmem:s3] =	stream.indirect.scatter.add.f32 [tilespmem:s18], [sflag:$0x2], $0x1, s9, s14, $0xb8;
	[tilespmem:$0x6180] =	vst v63  }
0xdb: {  	_ =	swait.ge [sflag:s0], $0x80  }
0xdc: {  	[sflag:s0] =	ssyncset.done $0x0  }
0xdd: {  	s9 =	sadd.s32 $0x500, s7;
	[sflag:s0] =	ssyncadd.s32 $0xFFFFFF80  }
0xde: {  	[tilespmem:s12], [sflag:$0x1] =	stream.indirect.gather [hbm4b:s5+s14], $0x1, s9, s14, $0xb8;
	[tilespmem:$0x6180] =	vst v63  }
0xdf: {  	_ =	swait.ge [sflag:s31], $0x80  }
0xe0: {  	[sflag:s31] =	ssyncset.done $0x0  }
0xe1: {  	s9 =	sadd.s32 $0x2D80, s7;
	[sflag:s31] =	ssyncadd.s32 $0xFFFFFF80  }
0xe2: {  	[spmem:s3] =	stream.indirect.scatter.add.f32 [tilespmem:s20], [sflag:$0x2], $0x1, s9, s14, $0xb8;
	[tilespmem:$0x6180] =	vst v63  }
0xe3: {  	_ =	swait.ge [sflag:s0], $0x80  }
0xe4: {  	[sflag:s0] =	ssyncset.done $0x0  }
0xe5: {  	s9 =	sadd.s32 $0x580, s7;
	[sflag:s0] =	ssyncadd.s32 $0xFFFFFF80  }
0xe6: {  	[tilespmem:s17], [sflag:$0x1] =	stream.indirect.gather [hbm4b:s5+s14], $0x1, s9, s14, $0xb8;
	[tilespmem:$0x6180] =	vst v63  }
0xe7: {  	_ =	swait.ge [sflag:s31], $0x80  }
0xe8: {  	[sflag:s31] =	ssyncset.done $0x0  }
0xe9: {  	s9 =	sadd.s32 $0x2E00, s7;
	[sflag:s31] =	ssyncadd.s32 $0xFFFFFF80  }
0xea: {  	[spmem:s3] =	stream.indirect.scatter.add.f32 [tilespmem:s22], [sflag:$0x2], $0x1, s9, s14, $0xb8;
	[tilespmem:$0x6180] =	vst v63  }
0xeb: {  	_ =	swait.ge [sflag:s0], $0x80  }
0xec: {  	[sflag:s0] =	ssyncset.done $0x0  }
0xed: {  	s9 =	sadd.s32 $0x600, s7;
	[sflag:s0] =	ssyncadd.s32 $0xFFFFFF80  }
0xee: {  	[tilespmem:s19], [sflag:$0x1] =	stream.indirect.gather [hbm4b:s5+s14], $0x1, s9, s14, $0xb8;
	[tilespmem:$0x6180] =	vst v63  }
0xef: {  	_ =	swait.ge [sflag:s31], $0x80  }
0xf0: {  	[sflag:s31] =	ssyncset.done $0x0  }
0xf1: {  	s9 =	sadd.s32 $0x2E80, s7;
	[sflag:s31] =	ssyncadd.s32 $0xFFFFFF80  }
0xf2: {  	[spmem:s3] =	stream.indirect.scatter.add.f32 [tilespmem:s24], [sflag:$0x2], $0x1, s9, s14, $0xb8;
	[tilespmem:$0x6180] =	vst v63  }
0xf3: {  	_ =	swait.ge [sflag:s0], $0x80  }
0xf4: {  	[sflag:s0] =	ssyncset.done $0x0  }
0xf5: {  	s9 =	sadd.s32 $0x680, s7;
	[sflag:s0] =	ssyncadd.s32 $0xFFFFFF80  }
0xf6: {  	[tilespmem:s21], [sflag:$0x1] =	stream.indirect.gather [hbm4b:s5+s14], $0x1, s9, s14, $0xb8;
	[tilespmem:$0x6180] =	vst v63  }
0xf7: {  	_ =	swait.ge [sflag:s31], $0x80  }
0xf8: {  	[sflag:s31] =	ssyncset.done $0x0  }
0xf9: {  	s9 =	sadd.s32 $0x2F00, s7;
	[sflag:s31] =	ssyncadd.s32 $0xFFFFFF80  }
0xfa: {  	[spmem:s3] =	stream.indirect.scatter.add.f32 [tilespmem:s26], [sflag:$0x2], $0x1, s9, s14, $0xb8;
	[tilespmem:$0x6180] =	vst v63  }
0xfb: {  	_ =	swait.ge [sflag:s0], $0x80  }
0xfc: {  	[sflag:s0] =	ssyncset.done $0x0  }
0xfd: {  	s9 =	sadd.s32 $0x700, s7;
	[sflag:s0] =	ssyncadd.s32 $0xFFFFFF80  }
0xfe: {  	[tilespmem:s23], [sflag:$0x1] =	stream.indirect.gather [hbm4b:s5+s14], $0x1, s9, s14, $0xb8;
	[tilespmem:$0x6180] =	vst v63  }
0xff: {  	_ =	swait.ge [sflag:s31], $0x80  }
0x100: {  	[sflag:s31] =	ssyncset.done $0x0  }
0x101: {  	s9 =	sadd.s32 $0x2F80, s7;
	[sflag:s31] =	ssyncadd.s32 $0xFFFFFF80  }
0x102: {  	[spmem:s3] =	stream.indirect.scatter.add.f32 [tilespmem:s29], [sflag:$0x2], $0x1, s9, s14, $0xb8;
	[tilespmem:$0x6180] =	vst v63  }
0x103: {  	_ =	swait.ge [sflag:s0], $0x80  }
0x104: {  	[sflag:s0] =	ssyncset.done $0x0  }
0x105: {  	s9 =	sadd.s32 $0x780, s7;
	[sflag:s0] =	ssyncadd.s32 $0xFFFFFF80  }
0x106: {  	[tilespmem:s25], [sflag:$0x1] =	stream.indirect.gather [hbm4b:s5+s14], $0x1, s9, s14, $0xb8;
	[tilespmem:$0x6180] =	vst v63  }
0x107: {  	_ =	swait.ge [sflag:s31], $0x80  }
0x108: {  	[sflag:s31] =	ssyncset.done $0x0  }
0x109: {  	s9 =	sadd.s32 $0x3000, s7;
	[sflag:s31] =	ssyncadd.s32 $0xFFFFFF80  }
0x10a: {  	[spmem:s3] =	stream.indirect.scatter.add.f32 [tilespmem:s1], [sflag:$0x2], $0x1, s9, s14, $0xb8;
	[tilespmem:$0x6180] =	vst v63  }
0x10b: {  	_ =	swait.ge [sflag:s0], $0x80  }
0x10c: {  	[sflag:s0] =	ssyncset.done $0x0  }
0x10d: {  	s9 =	sadd.s32 $0x800, s7;
	[sflag:s0] =	ssyncadd.s32 $0xFFFFFF80  }
0x10e: {  	[tilespmem:s15], [sflag:$0x1] =	stream.indirect.gather [hbm4b:s5+s14], $0x1, s9, s14, $0xb8;
	[tilespmem:$0x6180] =	vst v63  }
0x10f: {  	_ =	swait.ge [sflag:s31], $0x80  }
0x110: {  	[sflag:s31] =	ssyncset.done $0x0  }
0x111: {  	s9 =	sadd.s32 $0x3080, s7;
	[sflag:s31] =	ssyncadd.s32 $0xFFFFFF80  }
0x112: {  	[spmem:s3] =	stream.indirect.scatter.add.f32 [tilespmem:s2], [sflag:$0x2], $0x1, s9, s14, $0xb8;
	[tilespmem:$0x6180] =	vst v63  }
0x113: {  	_ =	swait.ge [sflag:s0], $0x80  }
0x114: {  	[sflag:s0] =	ssyncset.done $0x0  }
0x115: {  	s9 =	sadd.s32 $0x880, s7;
	[sflag:s0] =	ssyncadd.s32 $0xFFFFFF80  }
0x116: {  	[tilespmem:s16], [sflag:$0x1] =	stream.indirect.gather [hbm4b:s5+s14], $0x1, s9, s14, $0xb8;
	[tilespmem:$0x6180] =	vst v63  }
0x117: {  	_ =	swait.ge [sflag:s31], $0x80  }
0x118: {  	[sflag:s31] =	ssyncset.done $0x0  }
0x119: {  	s9 =	sadd.s32 $0x3100, s7;
	[sflag:s31] =	ssyncadd.s32 $0xFFFFFF80  }
0x11a: {  	[spmem:s3] =	stream.indirect.scatter.add.f32 [tilespmem:s12], [sflag:$0x2], $0x1, s9, s14, $0xb8;
	[tilespmem:$0x6180] =	vst v63  }
0x11b: {  	_ =	swait.ge [sflag:s0], $0x80  }
0x11c: {  	[sflag:s0] =	ssyncset.done $0x0  }
0x11d: {  	s9 =	sadd.s32 $0x900, s7;
	[sflag:s0] =	ssyncadd.s32 $0xFFFFFF80  }
0x11e: {  	[tilespmem:s18], [sflag:$0x1] =	stream.indirect.gather [hbm4b:s5+s14], $0x1, s9, s14, $0xb8;
	[tilespmem:$0x6180] =	vst v63  }
0x11f: {  	_ =	swait.ge [sflag:s31], $0x80  }
0x120: {  	[sflag:s31] =	ssyncset.done $0x0  }
0x121: {  	s9 =	sadd.s32 $0x3180, s7;
	[sflag:s31] =	ssyncadd.s32 $0xFFFFFF80  }
0x122: {  	[spmem:s3] =	stream.indirect.scatter.add.f32 [tilespmem:s17], [sflag:$0x2], $0x1, s9, s14, $0xb8;
	[tilespmem:$0x6180] =	vst v63  }
0x123: {  	_ =	swait.ge [sflag:s0], $0x80  }
0x124: {  	[sflag:s0] =	ssyncset.done $0x0  }
0x125: {  	s9 =	sadd.s32 $0x980, s7;
	[sflag:s0] =	ssyncadd.s32 $0xFFFFFF80  }
0x126: {  	[tilespmem:s20], [sflag:$0x1] =	stream.indirect.gather [hbm4b:s5+s14], $0x1, s9, s14, $0xb8;
	[tilespmem:$0x6180] =	vst v63  }
0x127: {  	_ =	swait.ge [sflag:s31], $0x80  }
0x128: {  	[sflag:s31] =	ssyncset.done $0x0  }
0x129: {  	s9 =	sadd.s32 $0x3200, s7;
	[sflag:s31] =	ssyncadd.s32 $0xFFFFFF80  }
0x12a: {  	[spmem:s3] =	stream.indirect.scatter.add.f32 [tilespmem:s19], [sflag:$0x2], $0x1, s9, s14, $0xb8;
	[tilespmem:$0x6180] =	vst v63  }
0x12b: {  	_ =	swait.ge [sflag:s0], $0x80  }
0x12c: {  	[sflag:s0] =	ssyncset.done $0x0  }
0x12d: {  	s9 =	sadd.s32 $0xA00, s7;
	[sflag:s0] =	ssyncadd.s32 $0xFFFFFF80  }
0x12e: {  	[tilespmem:s22], [sflag:$0x1] =	stream.indirect.gather [hbm4b:s5+s14], $0x1, s9, s14, $0xb8;
	[tilespmem:$0x6180] =	vst v63  }
0x12f: {  	_ =	swait.ge [sflag:s31], $0x80  }
0x130: {  	[sflag:s31] =	ssyncset.done $0x0  }
0x131: {  	s9 =	sadd.s32 $0x3280, s7;
	[sflag:s31] =	ssyncadd.s32 $0xFFFFFF80  }
0x132: {  	[spmem:s3] =	stream.indirect.scatter.add.f32 [tilespmem:s21], [sflag:$0x2], $0x1, s9, s14, $0xb8;
	[tilespmem:$0x6180] =	vst v63  }
0x133: {  	_ =	swait.ge [sflag:s0], $0x80  }
0x134: {  	[sflag:s0] =	ssyncset.done $0x0  }
0x135: {  	s9 =	sadd.s32 $0xA80, s7;
	[sflag:s0] =	ssyncadd.s32 $0xFFFFFF80  }
0x136: {  	[tilespmem:s24], [sflag:$0x1] =	stream.indirect.gather [hbm4b:s5+s14], $0x1, s9, s14, $0xb8;
	[tilespmem:$0x6180] =	vst v63  }
0x137: {  	_ =	swait.ge [sflag:s31], $0x80  }
0x138: {  	[sflag:s31] =	ssyncset.done $0x0  }
0x139: {  	s9 =	sadd.s32 $0x3300, s7;
	[sflag:s31] =	ssyncadd.s32 $0xFFFFFF80  }
0x13a: {  	[spmem:s3] =	stream.indirect.scatter.add.f32 [tilespmem:s23], [sflag:$0x2], $0x1, s9, s14, $0xb8;
	[tilespmem:$0x6180] =	vst v63  }
0x13b: {  	_ =	swait.ge [sflag:s0], $0x80  }
0x13c: {  	[sflag:s0] =	ssyncset.done $0x0  }
0x13d: {  	s9 =	sadd.s32 $0xB00, s7;
	[sflag:s0] =	ssyncadd.s32 $0xFFFFFF80  }
0x13e: {  	[tilespmem:s26], [sflag:$0x1] =	stream.indirect.gather [hbm4b:s5+s14], $0x1, s9, s14, $0xb8;
	[tilespmem:$0x6180] =	vst v63  }
0x13f: {  	_ =	swait.ge [sflag:s31], $0x80  }
0x140: {  	[sflag:s31] =	ssyncset.done $0x0  }
.Ltmp0:
0x141: {  	s9 =	sadd.s32 $0x3380, s7;
	[sflag:s31] =	ssyncadd.s32 $0xFFFFFF80;
	(pc) =	sbr.rel @p0 .LBB2_2-.Ltmp0, $4  }
0x142: {  	[spmem:s3] =	stream.indirect.scatter.add.f32 [tilespmem:s25], [sflag:$0x2], $0x1, s9, s14, $0xb8;
	[tilespmem:$0x6180] =	vst v63  }
0x143: {  	_ =	swait.ge [sflag:s0], $0x80  }
0x144: {  	[sflag:s0] =	ssyncset.done $0x0  }
0x145: {  	s7 =	sadd.s32 $0xB80, s7;
	[sflag:s0] =	ssyncadd.s32 $0xFFFFFF80  }
0x146: {  	[tilespmem:s29], [sflag:$0x1] =	stream.indirect.gather [hbm4b:s5+s14], $0x1, s7, s14, $0xb8;
	[tilespmem:$0x6180] =	vst v63  }
0x147: {  	_ =	swait.ge [sflag:s31], $0x80  }
0x148: {  	[sflag:s31] =	ssyncset.done $0x0  }
0x149: {  	[sflag:s31] =	ssyncadd.s32 $0xFFFFFF80  }
0x14a: {  	_ =	swait.ge [sflag:s31], $0x80  }
0x14b: {  	[sflag:s31] =	ssyncset.done $0x0  }
0x14c: {  	[sflag:s31] =	ssyncadd.s32 $0xFFFFFF80  }
0x14d: {  	_ =	swait.ge [sflag:s31], $0x80  }
0x14e: {  	[sflag:s31] =	ssyncset.done $0x0  }
0x14f: {  	[sflag:s31] =	ssyncadd.s32 $0xFFFFFF80  }
0x150: {  	_ =	swait.ge [sflag:s31], $0x80  }
0x151: {  	[sflag:s31] =	ssyncset.done $0x0  }
0x152: {  	[sflag:s31] =	ssyncadd.s32 $0xFFFFFF80  }
0x153: {  	_ =	swait.ge [sflag:s31], $0x80  }
0x154: {  	[sflag:s31] =	ssyncset.done $0x0  }
0x155: {  	[sflag:s31] =	ssyncadd.s32 $0xFFFFFF80  }
0x156: {  	_ =	swait.ge [sflag:s31], $0x80  }
0x157: {  	[sflag:s31] =	ssyncset.done $0x0  }
0x158: {  	[sflag:s31] =	ssyncadd.s32 $0xFFFFFF80  }
0x159: {  	_ =	swait.ge [sflag:s31], $0x80  }
0x15a: {  	[sflag:s31] =	ssyncset.done $0x0  }
0x15b: {  	[sflag:s31] =	ssyncadd.s32 $0xFFFFFF80  }
0x15c: {  	_ =	swait.ge [sflag:s31], $0x80  }
0x15d: {  	[sflag:s31] =	ssyncset.done $0x0  }
0x15e: {  	[sflag:s31] =	ssyncadd.s32 $0xFFFFFF80  }
0x15f: {  	_ =	swait.ge [sflag:s0], $0x80  }
0x160: {  	[sflag:s0] =	ssyncset.done $0x0  }
0x161: {  	[sflag:s0] =	ssyncadd.s32 $0xFFFFFF80  }
0x162: {  	_ =	swait.ge [sflag:s0], $0x80  }
0x163: {  	[sflag:s0] =	ssyncset.done $0x0  }
0x164: {  	[sflag:s0] =	ssyncadd.s32 $0xFFFFFF80  }
0x165: {  	_ =	swait.ge [sflag:s0], $0x80  }
0x166: {  	[sflag:s0] =	ssyncset.done $0x0  }
0x167: {  	[sflag:s0] =	ssyncadd.s32 $0xFFFFFF80  }
0x168: {  	_ =	swait.ge [sflag:s0], $0x80  }
0x169: {  	[sflag:s0] =	ssyncset.done $0x0  }
0x16a: {  	[sflag:s0] =	ssyncadd.s32 $0xFFFFFF80  }
0x16b: {  	_ =	swait.ge [sflag:s0], $0x80  }
0x16c: {  	[sflag:s0] =	ssyncset.done $0x0  }
0x16d: {  	[sflag:s0] =	ssyncadd.s32 $0xFFFFFF80  }
0x16e: {  	_ =	swait.ge [sflag:s0], $0x80  }
0x16f: {  	[sflag:s0] =	ssyncset.done $0x0  }
0x170: {  	[sflag:s0] =	ssyncadd.s32 $0xFFFFFF80  }
0x171: {  	_ =	swait.ge [sflag:s0], $0x80  }
0x172: {  	[sflag:s0] =	ssyncset.done $0x0  }
0x173: {  	[sflag:s0] =	ssyncadd.s32 $0xFFFFFF80  }
0x174: {  	_ =	swait.ge [sflag:s0], $0x80  }
0x175: {  	[sflag:s0] =	ssyncset.done $0x0  }
0x176: {  	[sflag:s0] =	ssyncadd.s32 $0xFFFFFF80  }
0x177: {  	[bflag:$0x0] =	sbarrier.arrive $0xFFFF  }
0x178: {  	[tilespmem:s13], [sflag:$0x3] =	stream.linear.gather [spmem:s8], $0x280, $0x38;
	[tilespmem:$0x6180] =	vst v63  }
0x179: {  	s28 =	sadd.s32 $0x1, s28;
	_ =	swait.ge [sflag:s11], $0x280  }
0x17a: {  	p0 =	sne.s32 s28, s10;
	[sflag:s11] =	ssyncset.done $0x0  }
.Ltmp1:
0x17b: {  	s6 =	rddreg [dreg:$0x6];
	[sflag:s11] =	ssyncadd.s32 $0xFFFFFD80;
	(pc) =	sbr.rel @p0 .LBB2_1-.Ltmp1, $4  }
0x17c: {  	[hbm4b:s6+s4] =	stream.linear.scatter [tilespmem:s13], [sflag:$0x3], $0x280, $0x38;
	[tilespmem:$0x6180] =	vst v63  }
0x17d: {  	_ =	swait.ge [sflag:s11], $0x280  }
0x17e: {  	[sflag:s11] =	ssyncset.done $0x0  }
0x17f: {  	[sflag:s11] =	ssyncadd.s32 $0xFFFFFD80  }
0x180: {  	_ =	sfence.sel $0x180000  }
0x181: {  	[bflag:$0x0] =	sbarrier.arrive $0xFFFF  }
0x182: {  	_ =	strace $0x9000004D  }
0x183: {  	s0 =	stileid.u32;
	[bflag:$0x2] =	sbarrier.arrive $0xFFFF  }
0x184: {  	p0 =	sne.s32 s0, $0x0;
	s0 =	rddreg [dreg:$0x3]  }
0x185: {  	s0 =	sadd.s32 @!p0 $0x100000, s0  }
0x186: {  	[sflag:s0] =	ssyncadd.tile.s32 @!p0 $0x1;
	_ =	shalt  }
.Lfunc_end2:
_tile_overlayer_lowered:
.L_overlay_start_2:
0x187: {  	(tag) =	ssettag $0x2  }
0x188: {  	s0 =	rddreg [dreg:$0x0];
	s2 =	stileid.u32  }
0x189: {  	s1 =	rddreg [dreg:$0x1];
	p0 =	sne.s32 s2, $0x0  }
0x18a: {  	s3 =	rddreg [dreg:$0x2];
	[bflag:$0x3] =	sbarrier.arrive $0xFFFF;
	s2 =	simm.s32 @!p0 $0x1C03  }
0x18b: {  	[timem:s3], [sflag:s2] =	dma.local @!p0 [hbm:s0], s1  }
0x18c: {  	s0 =	simm.s32 @!p0 $0x3  }
0x18d: {  	_ =	swait.ge @!p0 [sflag:s0], s1  }
0x18e: {  	s1 =	ssub.s32 @!p0 $0x0, s1;
	[sflag:s0] =	ssyncset.done @!p0 $0x0  }
0x18f: {  	[sflag:s0] =	ssyncadd.s32 @!p0 s1  }
0x190: {  	[bflag:$0x3] =	sbarrier.arrive $0xFFFF  }
0x191: {  	_ =	shalt  }

// kernel: kernel.8.cloned.1.call-start
scs
__scs_entry_jumppad:
0x0: {  	(pc) =	sbr.rel $0x88, $3  }
0x1: {  	(tag) =	ssettag $0x0;
	lr =	simm.s32 $0x1  }
0x2: {  	[smem:$0x3F9B] =	sst lr;
	_ =	strace $0xD0000000  }
0x3: {  	_ = 	snop  }
0x4: {  	_ = 	snop  }
0x5: {  	_ = 	snop  }
0x6: {  	_ = 	snop  }
0x7: {  	_ = 	snop  }
__scs_overlays_trampoline_lowered:
0x8: {  	[smem:$0x3FAA] =	sst s0  }
0x9: {  	[smem:$0x3FAB] =	sst s1  }
0xa: {  	[smem:$0x3FAC] =	sst s2  }
0xb: {  	[smem:$0x3FAD] =	sst s3  }
0xc: {  	[smem:$0x3FAE] =	sst s4  }
0xd: {  	[smem:$0x3FAF] =	sst s5  }
0xe: {  	[smem:$0x3FB0] =	sst s6  }
0xf: {  	[smem:$0x3FB1] =	sst s7  }
0x10: {  	[smem:$0x3FB2] =	sst s8  }
0x11: {  	[smem:$0x3FB3] =	sst s9;
	s0 =	simm.s32 @!p0 $0x0  }
0x12: {  	s1 =	sld [smem:$0x3F99];
	s0 =	simm.s32 @p0 $0x1  }
0x13: {  	[smem:$0x3FB4] =	sst s0;
	s0 =	simm.s32 @!p1 $0x0  }
0x14: {  	s2 =	sld [smem:$0x3F98];
	s0 =	simm.s32 @p1 $0x1  }
0x15: {  	[smem:$0x3FB5] =	sst s0;
	s0 =	simm.s32 @!p2 $0x0  }
0x16: {  	s3 =	sld [smem:$0x3FDB];
	s0 =	simm.s32 @p2 $0x1  }
0x17: {  	s4 =	simm.s32 $0x1BF5;
	[smem:$0x3FB7] =	sst s0  }
0x18: {  	s0 =	sld [smem:$0x3F9A];
	_ =	swait.ge [sflag:s4], $0x0  }
0x19: {  	s7 =	sld [smem:$0x3F9B]  }
0x1a: {  	s8 =	sadd.s32 $0xFFFFE003, lr  }
0x1b: {  	s9 =	sadd.s32 $0xFFFFFEF7, lr;
	s5 =	simm.s32 $0xFFFFFFFF;
	p2 =	slt.u32 s8, $0xFFFFF086  }
0x1c: {  	p1 =	slt.u32 s9, $0xF7A;
	s5 =	simm.s32 @!p2 $0x0  }
0x1d: {  	s5 =	simm.s32 @p1 $0x1;
	p0 =	seq.s32 s7, s2  }
0x1e: {  	s7 =	smul.u32 @!p0 $0xF7A, s2;
	p2 =	seq.s32 @!p0 s5, $0x0  }
0x1f: {  	s9 =	smul.u32 $0xF7A, s1;
	s8 =	simm.s32 @!p0 $0x1BF5;
	p2 =	por !p2, p0  }
0x20: {  	[sflag:s8] =	ssyncset.s32 @!p0 $0xFFFFF086;
	s6 =	sadd.s32 @!p0 s3, s7;
	s7 =	simm.s32 @!p0 $0x108  }
0x21: {  	s3 =	sadd.s32 s3, s9;
	s6 =	sadd.s32 @!p0 $0x88, s6;
	s7 =	simm.s32 @p2 $0x1082  }
0x22: {  	[simem:s7], [sflag:s8] =	dma.local @!p0 [hbm:s6], $0xF7A  }
0x23: {  	s9 =	sor.u32 $0xD0000000, s2;
	s6 =	simm.s32 $0x108;
	_ =	swait.ge @!p0 [sflag:s8], $0x0  }
0x24: {  	s3 =	sadd.s32 $0x88, s3;
	s6 =	simm.s32 @!p1 $0x1082;
	[sflag:s4] =	ssyncset.s32 $0xFFFFF086  }
0x25: {  	[simem:s6], [sflag:s4] =	dma.local [hbm:s3], $0xF7A  }
0x26: {  	[smem:$0x3F9B] =	sst s1;
	(tag) =	ssettag s2;
	_ =	strace s9  }
0x27: {  	s1 =	sld [smem:$0x3FAB]  }
0x28: {  	s2 =	sld [smem:$0x3FAC]  }
0x29: {  	s4 =	sld [smem:$0x3FAE]  }
0x2a: {  	p0 =	seq.s32 s5, $0x0;
	s5 =	sld [smem:$0x3FAF]  }
0x2b: {  	s6 =	sld [smem:$0x3FB0]  }
0x2c: {  	s7 =	sld [smem:$0x3FB1]  }
0x2d: {  	s3 =	simm.s32 $0x108;
	s8 =	sld [smem:$0x3FB2]  }
0x2e: {  	s3 =	simm.s32 @!p0 $0x1082;
	s9 =	sld [smem:$0x3FB3]  }
0x2f: {  	lr =	sadd.s32 s0, s3;
	s0 =	sld [smem:$0x3FAA]  }
0x30: {  	s3 =	sld [smem:$0x3FAD]  }
0x31: {  	[smem:$0x3FB6] =	sst s10  }
0x32: {  	s10 =	sld [smem:$0x3FB4];
	_ =	sdelay $0x3  }
0x33: {  	p0 =	seq.s32 s10, $0x1;
	s10 =	sld [smem:$0x3FB6];
	_ =	sdelay $0x3  }
0x34: {  	[smem:$0x3FB6] =	sst s10  }
0x35: {  	s10 =	sld [smem:$0x3FB5];
	_ =	sdelay $0x3  }
0x36: {  	p1 =	seq.s32 s10, $0x1;
	s10 =	sld [smem:$0x3FB6];
	_ =	sdelay $0x3  }
0x37: {  	[smem:$0x3FB6] =	sst s10  }
0x38: {  	s10 =	sld [smem:$0x3FB7]  }
0x39: {  	_ = 	snop;
	(pc) =	sbr.ind lr, $3  }
0x3a: {  	_ = 	snop  }
0x3b: {  	_ = 	snop  }
0x3c: {  	p2 =	seq.s32 s10, $0x1;
	s10 =	sld [smem:$0x3FB6]  }
0x3d: {  	_ =	shalt  }
0x3e: {  	_ =	shalt  }
0x3f: {  	_ =	shalt  }
0x40: {  	_ =	shalt  }
0x41: {  	_ =	shalt  }
0x42: {  	_ =	shalt  }
0x43: {  	_ =	shalt  }
0x44: {  	_ =	shalt  }
0x45: {  	_ =	shalt  }
0x46: {  	_ =	shalt  }
0x47: {  	_ =	shalt  }
0x48: {  	_ =	shalt  }
0x49: {  	_ =	shalt  }
0x4a: {  	_ =	shalt  }
0x4b: {  	_ =	shalt  }
0x4c: {  	_ =	shalt  }
0x4d: {  	_ =	shalt  }
0x4e: {  	_ =	shalt  }
0x4f: {  	_ =	shalt  }
0x50: {  	_ =	shalt  }
0x51: {  	_ =	shalt  }
0x52: {  	_ =	shalt  }
0x53: {  	_ =	shalt  }
0x54: {  	_ =	shalt  }
0x55: {  	_ =	shalt  }
0x56: {  	_ =	shalt  }
0x57: {  	_ =	shalt  }
0x58: {  	_ =	shalt  }
0x59: {  	_ =	shalt  }
0x5a: {  	_ =	shalt  }
0x5b: {  	_ =	shalt  }
0x5c: {  	_ =	shalt  }
0x5d: {  	_ =	shalt  }
0x5e: {  	_ =	shalt  }
0x5f: {  	_ =	shalt  }
0x60: {  	_ =	shalt  }
0x61: {  	_ =	shalt  }
0x62: {  	_ =	shalt  }
0x63: {  	_ =	shalt  }
0x64: {  	_ =	shalt  }
0x65: {  	_ =	shalt  }
0x66: {  	_ =	shalt  }
0x67: {  	_ =	shalt  }
0x68: {  	_ =	shalt  }
0x69: {  	_ =	shalt  }
0x6a: {  	_ =	shalt  }
0x6b: {  	_ =	shalt  }
0x6c: {  	_ =	shalt  }
0x6d: {  	_ =	shalt  }
0x6e: {  	_ =	shalt  }
0x6f: {  	_ =	shalt  }
0x70: {  	_ =	shalt  }
0x71: {  	_ =	shalt  }
0x72: {  	_ =	shalt  }
0x73: {  	_ =	shalt  }
0x74: {  	_ =	shalt  }
0x75: {  	_ =	shalt  }
0x76: {  	_ =	shalt  }
0x77: {  	_ =	shalt  }
0x78: {  	_ =	shalt  }
0x79: {  	_ =	shalt  }
0x7a: {  	_ =	shalt  }
0x7b: {  	_ =	shalt  }
0x7c: {  	_ =	shalt  }
0x7d: {  	_ =	shalt  }
0x7e: {  	_ =	shalt  }
0x7f: {  	_ =	shalt  }
0x80: {  	_ =	shalt  }
0x81: {  	_ =	shalt  }
0x82: {  	_ =	shalt  }
0x83: {  	_ =	shalt  }
0x84: {  	_ =	shalt  }
0x85: {  	_ =	shalt  }
0x86: {  	_ =	shalt  }
0x87: {  	_ =	shalt  }
.Lfunc_end0:
.L_simem_size_0:
called_computation_lowered:
.L_overlay_start_0:
0x88: {  	s2 =	sld [smem:$0x3FD9]  }
0x89: {  	s3 =	sld [smem:$0x3FFE];
	_ =	sdelay $0x1  }
0x8a: {  	s1 =	srdreg.scid  }
0x8b: {  	s0 =	sand.u32 $0x1, s1  }
0x8c: {  	s17 =	sshll.u32 s0, $0xA;
	s2 =	sadd.s32 s3, s2  }
0x8d: {  	s2 =	sadd.s32 s2, s17  }
0x8e: {  	[smem:$0x3FC2] =	sst s2  }
0x8f: {  	_ = 	snop  }
0x90: {  	s2 =	sld [smem:$0x3FD0];
	(tm) =	ssettm $0x1  }
0x91: {  	s18 =	sld [smem:$0x3FFB];
	_ =	sdelay $0x3  }
0x92: {  	_ =	strace s18  }
0x93: {  	s3 =	sld [smem:$0x3FFC];
	_ =	sdelay $0x3  }
0x94: {  	_ =	strace s3  }
0x95: {  	s3 =	sld [smem:$0x3FFD];
	_ =	sdelay $0x3  }
0x96: {  	_ =	strace s3  }
0x97: {  	_ =	strace $0x8FFFFFFF  }
0x98: {  	s19 =	sld [smem:$0x3FDB];
	_ =	sdelay $0x1  }
0x99: {  	s4 =	simm.s32 $_scs_section_size  }
0x9a: {  	s5 =	simm.s32 $_size__tile_overlayer_lowered;
	s6 =	simm.s32 $_tile_overlayer_lowered  }
0x9b: {  	s22 =	simm.s32 $0x1BFF;
	s21 =	sshll.u32 s6, $0x1;
	s3 =	sadd.s32 s4, s19  }
0x9c: {  	s7 =	simm.s32 $0x0;
	s20 =	sshll.u32 s5, $0x1;
	s5 =	sadd.s32 s21, s3  }
0x9d: {  	[timem:s7], [sflag:s22] =	dma.local [hbm:s5], s20  }
0x9e: {  	_ =	swait.ge [sflag:s22], s20  }
0x9f: {  	s4 =	ssub.s32 $0x0, s20;
	[sflag:s22] =	ssyncset.done $0x0  }
0xa0: {  	[sflag:s22] =	ssyncadd.s32 s4;
	_ =	sdelay $0x1  }
0xa1: {  	s23 =	simm.s32 $0x1B8B  }
0xa2: {  	_ =	swait.ge [sflag:s23], $0x1  }
0xa3: {  	[sflag:s23] =	ssyncset.done $0x0  }
0xa4: {  	s25 =	simm.s32 $0x1B8E;
	s24 =	sld [smem:$0x3FFE];
	[sflag:s23] =	ssyncadd.s32 $0xFFFFFFFF  }
0xa5: {  	s26 =	simm.s32 $execute0_lowered;
	[smem:$0x3FD2] =	sst s25  }
0xa6: {  	s5 =	sshll.u32 s26, $0x1;
	_ =	strace $0x80000046;
	[dreg:$0x1] =	wrdreg $0xFFFFFFFF  }
0xa7: {  	s28 =	simm.s32 $_size_execute0_lowered;
	s3 =	sadd.s32 s3, s5;
	[dreg:$0x0] =	wrdreg $0x0  }
0xa8: {  	s5 =	sshll.u32 s28, $0x1;
	[dreg:$0x2] =	wrdreg s3  }
0xa9: {  	[dreg:$0x3] =	wrdreg s5  }
0xaa: {  	[dreg:$0x4] =	wrdreg $0xC0  }
0xab: {  	_ =	task [dreg:s7], $0x5FFFF  }
0xac: {  	[dreg:$0x1] =	wrdreg $0xFFFFFFFF  }
0xad: {  	[dreg:$0x0] =	wrdreg $0x60  }
0xae: {  	[dreg:$0x2] =	wrdreg s24  }
0xaf: {  	[dreg:$0x3] =	wrdreg s2  }
0xb0: {  	[dreg:$0x4] =	wrdreg $0x2B800  }
0xb1: {  	[dreg:$0x5] =	wrdreg $0x9  }
0xb2: {  	_ =	task.clear_ibuf [dreg:s7], $0x6FFFF;
	_ =	strace $0x90000046  }
0xb3: {  	s29 =	simm.s32 $0x9;
	_ =	strace $0x80000048  }
0xb4: {  	_ =	swait.ge [sflag:s29], $0x1  }
0xb5: {  	[sflag:s29] =	ssyncadd.s32 $0xFFFFFFFF  }
0xb6: {  	_ =	strace $0x90000048  }
0xb7: {  	_ =	sfence  }
0xb8: {  	s30 =	sld [smem:$0x0];
	_ =	sdelay $0x2  }
0xb9: {  	s31 =	sshll.u32 s1, $0xD;
	s1 =	sshrl.u32 s1, $0x2  }
0xba: {  	s3 =	sand.u32 $0x4000, s31;
	s1 =	sadd.s32 s1, s30  }
0xbb: {  	s0 =	sor.u32 s3, s0;
	s1 =	sshll.u32 s1, $0x11  }
0xbc: {  	s0 =	sor.u32 s1, s0  }
0xbd: {  	s0 =	sadd.s32 $0x8F2B, s0  }
0xbe: {  	[sflag:s0] =	ssyncadd.remote.s32 $0x1  }
0xbf: {  	_ =	sfence.sel $0xFFFF  }
0xc0: {  	[dreg:$0x0] =	wrdreg $0xFFFFFFFF;
	(pc) =	sbr.abs _section_cstart, $3  }
0xc1: {  	[dreg:$0x1] =	wrdreg $0xFFFFFFFF  }
0xc2: {  	_ =	task.clear_ibuf [dreg:s7], $0x2FFFF;
	_ =	strace $0x9FFFFFFF  }
0xc3: {  	(tm) =	ssettm $0x7FFFFFFF  }
tec
execute0_lowered:
.L_overlay_start_1:
0x0: {  	(tag) =	ssettag $0x1  }
0x1: {  	s6 =	rddreg [dreg:$0x0]  }
0x2: {  	s0 =	srdreg.scid;
	s2 =	rddreg [dreg:$0x1]  }
0x3: {  	s3 =	rddreg [dreg:$0x2];
	s4 =	simm.s32 $0x0;
	s12 =	simm.s32 $0x2900  }
0x4: {  	s13 =	simm.s32 $0x80;
	s5 =	sand.u32 $0x1, s0;
	s0 =	stileid.u32  }
0x5: {  	s14 =	simm.s32 $0x1;
	s15 =	simm.s32 $0x0;
	s8 =	smul.u32 $0x280, s0  }
0x6: {  	[smem:$0x7FF] =	sst s4;
	s1 =	sshll.u32 s5, $0x4;
	s9 =	smul.u32 $0x2800, s5  }
0x7: {  	s10 =	ssub.s32 $0x2, s5;
	s5 =	sadd.s32 $0xB200, s6;
	s1 =	sor.u32 s0, s1  }
0x8: {  	s11 =	sshrl.u32 s10, $0x1;
	s7 =	smul.u32 $0x510, s1;
	s1 =	rddreg [dreg:$0x3]  }
0x9: {  	_ =	strace $0x80000047;
	s9 =	sadd.s32 s8, s9;
	s10 =	ssub.s32 s10, s11  }
0xa: {  	s11 =	simm.s32 $0x2880;
	s9 =	sshrl.u32 s9, $0x3;
	s7 =	sadd.s32 s7, s6  }
0xb: {  	s9 =	sadd.s32 s9, s6;
	s6 =	sadd.s32 $0x1000, s7;
	s7 =	sadd.s32 s8, s3  }
0xc: {  	s8 =	sadd.s32 $0xB400, s9;
	s9 =	smax.u32 s10, $0x1;
	s10 =	simm.s32 $0x2  }
.LBB2_1:
0xd: {  	[tilespmem:s4], [sflag:$0x2] =	stream.linear.gather [hbm4b:s6+s4], $0x2880, $0x38;
	[tilespmem:$0x2E00] =	vst v63  }
0xe: {  	_ =	swait.ge [sflag:s10], $0x2880  }
0xf: {  	[sflag:s10] =	ssyncset.done $0x0  }
0x10: {  	[sflag:s10] =	ssyncadd.s32 $0xFFFFD780  }
0x11: {  	[tilespmem:s11], [sflag:$0x2] =	stream.linear.gather [hbm4b:s5+s4], $0x80, $0x38;
	[tilespmem:$0x2E00] =	vst v63  }
0x12: {  	_ =	swait.ge [sflag:s10], $0x80  }
0x13: {  	[sflag:s10] =	ssyncset.done $0x0  }
0x14: {  	[sflag:s10] =	ssyncadd.s32 $0xFFFFFF80  }
0x15: {  	[tilespmem:s12], [sflag:$0x2] =	stream.linear.gather [hbm4b:s2+s4], $0x280, $0x38;
	[tilespmem:$0x2E00] =	vst v63  }
0x16: {  	_ =	swait.ge [sflag:s10], $0x280  }
0x17: {  	[sflag:s10] =	ssyncset.done $0x0  }
0x18: {  	[sflag:s10] =	ssyncadd.s32 $0xFFFFFD80  }
0x19: {  	[spmem:s7] =	stream.linear.scatter [tilespmem:s12], [sflag:$0x2], $0x280, $0x38;
	[tilespmem:$0x2E00] =	vst v63  }
0x1a: {  	_ =	swait.ge [sflag:s10], $0x280  }
0x1b: {  	[sflag:s10] =	ssyncset.done $0x0  }
0x1c: {  	[sflag:s10] =	ssyncadd.s32 $0xFFFFFD80  }
0x1d: {  	[bflag:$0x0] =	sbarrier.arrive $0xFFFF  }
0x1e: {  	[spmem:s3] =	stream.indirect.scatter.add.f32 [tilespmem:s12], [sflag:$0x1], $0x1, s4, s13, $0xb8;
	[tilespmem:$0x2E00] =	vst v63  }
0x1f: {  	_ = 	snop  }
0x20: {  	[spmem:s3] =	stream.indirect.scatter.add.f32 [tilespmem:s12], [sflag:$0x1], $0x1, s4, s13, $0xb8;
	[tilespmem:$0x2E00] =	vst v63  }
0x21: {  	_ = 	snop  }
0x22: {  	[spmem:s3] =	stream.indirect.scatter.add.f32 [tilespmem:s12], [sflag:$0x1], $0x1, s4, s13, $0xb8;
	[tilespmem:$0x2E00] =	vst v63  }
0x23: {  	_ = 	snop  }
0x24: {  	[spmem:s3] =	stream.indirect.scatter.add.f32 [tilespmem:s12], [sflag:$0x1], $0x1, s4, s13, $0xb8;
	[tilespmem:$0x2E00] =	vst v63  }
0x25: {  	_ = 	snop  }
0x26: {  	[spmem:s3] =	stream.indirect.scatter.add.f32 [tilespmem:s12], [sflag:$0x1], $0x1, s4, s13, $0xb8;
	[tilespmem:$0x2E00] =	vst v63  }
0x27: {  	_ = 	snop  }
0x28: {  	[spmem:s3] =	stream.indirect.scatter.add.f32 [tilespmem:s12], [sflag:$0x1], $0x1, s4, s13, $0xb8;
	[tilespmem:$0x2E00] =	vst v63  }
0x29: {  	_ = 	snop  }
0x2a: {  	[spmem:s3] =	stream.indirect.scatter.add.f32 [tilespmem:s12], [sflag:$0x1], $0x1, s4, s13, $0xb8;
	[tilespmem:$0x2E00] =	vst v63  }
0x2b: {  	_ = 	snop  }
0x2c: {  	[spmem:s3] =	stream.indirect.scatter.add.f32 [tilespmem:s12], [sflag:$0x1], $0x1, s4, s13, $0xb8;
	[tilespmem:$0x2E00] =	vst v63  }
0x2d: {  	s16 =	simm.s32 $0x0  }
0x2e: {  	[spmem:s3] =	stream.indirect.scatter.add.f32 [tilespmem:s11], [sflag:$0x1], $0x1, s16, s13, $0xb8;
	[tilespmem:$0x2E00] =	vst v63  }
0x2f: {  	_ =	swait.ge [sflag:s14], $0x80  }
0x30: {  	s16 =	simm.s32 $0x200;
	[sflag:s14] =	ssyncset.done $0x0  }
.LBB2_2:
0x31: {  	s17 =	sshra.s32 s16, $0x2;
	[sflag:s14] =	ssyncadd.s32 $0xFFFFFF80;
	p0 =	sne.s32 s16, $0x9E00  }
0x32: {  	[spmem:s3] =	stream.indirect.scatter.add.f32 [tilespmem:s11], [sflag:$0x1], $0x1, s17, s13, $0xb8;
	[tilespmem:$0x2E00] =	vst v63  }
.Ltmp0:
0x33: {  	_ = 	snop;
	(pc) =	sbr.rel @p0 .LBB2_2-.Ltmp0, $4  }
0x34: {  	_ = 	snop  }
0x35: {  	s16 =	sadd.s32 $0x200, s16  }
0x36: {  	_ =	swait.ge [sflag:s14], $0x80  }
0x37: {  	[sflag:s14] =	ssyncset.done $0x0  }
0x38: {  	[sflag:s14] =	ssyncadd.s32 $0xFFFFFF80  }
0x39: {  	_ =	swait.ge [sflag:s14], $0x80  }
0x3a: {  	[sflag:s14] =	ssyncset.done $0x0  }
0x3b: {  	[sflag:s14] =	ssyncadd.s32 $0xFFFFFF80  }
0x3c: {  	_ =	swait.ge [sflag:s14], $0x80  }
0x3d: {  	[sflag:s14] =	ssyncset.done $0x0  }
0x3e: {  	[sflag:s14] =	ssyncadd.s32 $0xFFFFFF80  }
0x3f: {  	_ =	swait.ge [sflag:s14], $0x80  }
0x40: {  	[sflag:s14] =	ssyncset.done $0x0  }
0x41: {  	[sflag:s14] =	ssyncadd.s32 $0xFFFFFF80  }
0x42: {  	_ =	swait.ge [sflag:s14], $0x80  }
0x43: {  	[sflag:s14] =	ssyncset.done $0x0  }
0x44: {  	[sflag:s14] =	ssyncadd.s32 $0xFFFFFF80  }
0x45: {  	_ =	swait.ge [sflag:s14], $0x80  }
0x46: {  	[sflag:s14] =	ssyncset.done $0x0  }
0x47: {  	[sflag:s14] =	ssyncadd.s32 $0xFFFFFF80  }
0x48: {  	_ =	swait.ge [sflag:s14], $0x80  }
0x49: {  	[sflag:s14] =	ssyncset.done $0x0  }
0x4a: {  	[sflag:s14] =	ssyncadd.s32 $0xFFFFFF80  }
0x4b: {  	_ =	swait.ge [sflag:s14], $0x80  }
0x4c: {  	[sflag:s14] =	ssyncset.done $0x0  }
0x4d: {  	[sflag:s14] =	ssyncadd.s32 $0xFFFFFF80  }
0x4e: {  	_ =	swait.ge [sflag:s14], $0x80  }
0x4f: {  	[sflag:s14] =	ssyncset.done $0x0  }
0x50: {  	[sflag:s14] =	ssyncadd.s32 $0xFFFFFF80  }
0x51: {  	[bflag:$0x0] =	sbarrier.arrive $0xFFFF  }
0x52: {  	[tilespmem:s12], [sflag:$0x2] =	stream.linear.gather [spmem:s7], $0x280, $0x38;
	[tilespmem:$0x2E00] =	vst v63  }
0x53: {  	s15 =	sadd.s32 $0x1, s15;
	_ =	swait.ge [sflag:s10], $0x280  }
0x54: {  	p0 =	sne.s32 s15, s9;
	[sflag:s10] =	ssyncset.done $0x0  }
.Ltmp1:
0x55: {  	[sflag:s10] =	ssyncadd.s32 $0xFFFFFD80;
	(pc) =	sbr.rel @p0 .LBB2_1-.Ltmp1, $4  }
0x56: {  	[hbm4b:s8+s4] =	stream.linear.scatter [tilespmem:s12], [sflag:$0x2], $0x280, $0x38;
	[tilespmem:$0x2E00] =	vst v63  }
0x57: {  	_ =	swait.ge [sflag:s10], $0x280  }
0x58: {  	[sflag:s10] =	ssyncset.done $0x0  }
0x59: {  	[sflag:s10] =	ssyncadd.s32 $0xFFFFFD80  }
0x5a: {  	_ =	sfence.sel $0x180000  }
0x5b: {  	[bflag:$0x0] =	sbarrier.arrive $0xFFFF  }
0x5c: {  	p0 =	sne.s32 s0, $0x0;
	_ =	strace $0x90000047  }
0x5d: {  	s0 =	sadd.s32 @!p0 $0x100000, s1;
	[bflag:$0x2] =	sbarrier.arrive $0xFFFF  }
0x5e: {  	[sflag:s0] =	ssyncadd.tile.s32 @!p0 $0x1;
	_ =	shalt  }
.Lfunc_end2:
_tile_overlayer_lowered:
.L_overlay_start_2:
0x5f: {  	(tag) =	ssettag $0x2  }
0x60: {  	s0 =	rddreg [dreg:$0x0];
	s2 =	stileid.u32  }
0x61: {  	s1 =	rddreg [dreg:$0x1];
	p0 =	sne.s32 s2, $0x0  }
0x62: {  	s3 =	rddreg [dreg:$0x2];
	[bflag:$0x3] =	sbarrier.arrive $0xFFFF;
	s2 =	simm.s32 @!p0 $0x1C02  }
0x63: {  	[timem:s3], [sflag:s2] =	dma.local @!p0 [hbm:s0], s1  }
0x64: {  	s0 =	simm.s32 @!p0 $0x2  }
0x65: {  	_ =	swait.ge @!p0 [sflag:s0], s1  }
0x66: {  	s1 =	ssub.s32 @!p0 $0x0, s1;
	[sflag:s0] =	ssyncset.done @!p0 $0x0  }
0x67: {  	[sflag:s0] =	ssyncadd.s32 @!p0 s1  }
0x68: {  	[bflag:$0x3] =	sbarrier.arrive $0xFFFF  }
0x69: {  	_ =	shalt  }

</sc_bundles>
